<compile_context>
chip_gen: v7x
topology: tpu7x:2x2x1
jax: 0.10.2.dev20260603
libtpu: 0.0.44.dev20260713+nightly
codegen_flags: <defaults>
</compile_context>

<pallas_src>
import functools

import jax
import jax.numpy as jnp
from jax import lax
from jax.experimental import pallas as pl
from jax.experimental.pallas import tpu as pltpu
from jax.experimental.pallas import tpu_sc as plsc

N = 10000
E = 320000
C = 128
NC = 2
NS = 16
NW = NC * NS

NPAD = 10240
RW = NPAD // NS
CHUNK = 32
EPAD = 327680
EW = EPAD // NW
NCHUNK = EW // CHUNK
NBUF = 5
K0 = 320
K1 = 320
KMAX = max(K0, K1)

_sc_mesh = plsc.VectorSubcoreMesh(
    core_axis_name="c", subcore_axis_name="s", num_cores=NC, num_subcores=NS
)


@functools.partial(
    pl.kernel,
    out_type=jax.ShapeDtypeStruct((NC, NPAD, C), jnp.float32),
    mesh=_sc_mesh,
    scratch_types=[
        pltpu.VMEM((NCHUNK, CHUNK), jnp.int32),
        pltpu.VMEM((CHUNK, C), jnp.float32),
        pltpu.VMEM_SHARED((NPAD, C), jnp.float32),
    ],
)
def _sc_degree(dst_hbm, ones_hbm, zrows_hbm, out_hbm, didx_all, ones_v, acc):
    cid = lax.axis_index("c")
    sid = lax.axis_index("s")
    wid = sid * NC + cid
    pltpu.sync_copy(ones_hbm, ones_v)
    pltpu.sync_copy(dst_hbm.at[wid], didx_all)
    pltpu.sync_copy(zrows_hbm, acc.at[pl.ds(sid * RW, RW)])
    plsc.subcore_barrier()

    @pl.loop(0, NCHUNK)
    def _(i):
        pltpu.sync_copy(ones_v, acc.at[didx_all.at[i]], add=True)

    plsc.subcore_barrier()
    pltpu.sync_copy(acc.at[pl.ds(sid * RW, RW)], out_hbm.at[cid, pl.ds(sid * RW, RW)])


SB = 2 * NBUF


@functools.partial(
    pl.kernel,
    out_type=jax.ShapeDtypeStruct((NC, NPAD, C), jnp.float32),
    mesh=_sc_mesh,
    scratch_types=[
        pltpu.VMEM_SHARED((NPAD, C), jnp.float32),
        [pltpu.VMEM((CHUNK,), jnp.int32)] * SB,
        [pltpu.VMEM((CHUNK,), jnp.int32)] * SB,
        [pltpu.VMEM((CHUNK, C), jnp.float32)] * NBUF,
        [pltpu.SemaphoreType.DMA] * NBUF,
        [pltpu.SemaphoreType.DMA] * SB,
        [pltpu.SemaphoreType.DMA] * SB,
    ],
)
def _sc_scatter_rows(u_hbm, src_hbm, dst_hbm, zrows_hbm, out_hbm,
                     acc, sbuf, dbuf, rows, gsem, ssem, dsem):
    cid = lax.axis_index("c")
    sid = lax.axis_index("s")
    kc = jnp.where(cid == 0, K0, K1)
    pltpu.sync_copy(zrows_hbm, acc.at[pl.ds(sid * RW, RW)])
    plsc.subcore_barrier()

    for k in range(SB):
        pltpu.async_copy(src_hbm.at[cid, sid, k], sbuf[k], ssem[k])
        pltpu.async_copy(dst_hbm.at[cid, sid, k], dbuf[k], dsem[k])
    for b in range(NBUF):
        pltpu.make_async_copy(src_hbm.at[cid, sid, 0], sbuf[b], ssem[b]).wait()
        pltpu.async_copy(u_hbm.at[sbuf[b]], rows[b], gsem[b])

    @pl.loop(0, kc // SB)
    def _(o):
        for bb in range(SB):
            i = o * SB + bb
            b = bb % NBUF
            pltpu.make_async_copy(u_hbm.at[sbuf[b]], rows[b], gsem[b]).wait()
            pltpu.make_async_copy(dst_hbm.at[cid, sid, 0], dbuf[bb], dsem[bb]).wait()
            pltpu.sync_copy(rows[b], acc.at[dbuf[bb]], add=True)
            j = i + NBUF

            @pl.when(j < kc)
            def _():
                sb = (bb + NBUF) % SB
                pltpu.make_async_copy(src_hbm.at[cid, sid, 0], sbuf[sb], ssem[sb]).wait()
                pltpu.async_copy(u_hbm.at[sbuf[sb]], rows[b], gsem[b])

            j2 = i + SB

            @pl.when(j2 < kc)
            def _():
                pltpu.async_copy(src_hbm.at[cid, sid, j2], sbuf[bb], ssem[bb])
                pltpu.async_copy(dst_hbm.at[cid, sid, j2], dbuf[bb], dsem[bb])

    plsc.subcore_barrier()
    pltpu.sync_copy(acc.at[pl.ds(sid * RW, RW)], out_hbm.at[cid, pl.ds(sid * RW, RW)])


def _tc_scale_in_body(degp_ref, x_ref, u1_ref):
    deg = degp_ref[0, : N, 0:1] + degp_ref[1, : N, 0:1] + 1.0
    u1_ref[...] = x_ref[...] * lax.rsqrt(deg)


def _tc_scale_in(degp, x):
    return pl.pallas_call(
        _tc_scale_in_body,
        out_shape=jax.ShapeDtypeStruct((N, C), jnp.float32),
    )(degp, x)


BM = 2000


def _tc_mid_body(degp_ref, p_ref, u1_ref, W1_ref, b1_ref, W2_ref, u2_ref):
    degb = degp_ref[0, :, 0:1] + degp_ref[1, :, 0:1] + 1.0
    dis = lax.rsqrt(degb)
    agg1 = (p_ref[0] + p_ref[1] + u1_ref[...]) * dis
    h1 = jnp.maximum(
        jnp.dot(agg1, W1_ref[...], preferred_element_type=jnp.float32)
        + b1_ref[...],
        0.0,
    )
    u2_ref[...] = jnp.dot(h1, W2_ref[...], preferred_element_type=jnp.float32) * dis


def _tc_mid(degp, part1, u1, W1, b1, W2):
    grid = (N // BM,)
    return pl.pallas_call(
        _tc_mid_body,
        grid=grid,
        in_specs=[
            pl.BlockSpec((2, BM, C), lambda i: (0, i, 0)),
            pl.BlockSpec((2, BM, C), lambda i: (0, i, 0)),
            pl.BlockSpec((BM, C), lambda i: (i, 0)),
            pl.BlockSpec((C, 2 * C), lambda i: (0, 0)),
            pl.BlockSpec((1, 2 * C), lambda i: (0, 0)),
            pl.BlockSpec((2 * C, C), lambda i: (0, 0)),
        ],
        out_specs=pl.BlockSpec((BM, C), lambda i: (i, 0)),
        out_shape=jax.ShapeDtypeStruct((N, C), jnp.float32),
    )(degp, part1, u1, W1, b1, W2)


def _tc_out_body(degp_ref, p_ref, u2_ref, b2_ref, out_ref):
    degb = degp_ref[0, :, 0:1] + degp_ref[1, :, 0:1] + 1.0
    dis = lax.rsqrt(degb)
    out_ref[...] = jnp.maximum(
        (p_ref[0] + p_ref[1] + u2_ref[...]) * dis + b2_ref[...], 0.0
    )


def _tc_out(degp, part2, u2, b2):
    grid = (N // BM,)
    return pl.pallas_call(
        _tc_out_body,
        grid=grid,
        in_specs=[
            pl.BlockSpec((2, BM, C), lambda i: (0, i, 0)),
            pl.BlockSpec((2, BM, C), lambda i: (0, i, 0)),
            pl.BlockSpec((BM, C), lambda i: (i, 0)),
            pl.BlockSpec((1, C), lambda i: (0, 0)),
        ],
        out_specs=pl.BlockSpec((BM, C), lambda i: (i, 0)),
        out_shape=jax.ShapeDtypeStruct((N, C), jnp.float32),
    )(degp, part2, u2, b2)


def kernel(x, edge_index, W1, b1, W2, b2):
    src = edge_index[0].astype(jnp.int32)
    dst = edge_index[1].astype(jnp.int32)
    npad = EPAD - E
    src_p = jnp.concatenate([src, jnp.zeros((npad,), jnp.int32)])
    dst_p = jnp.concatenate(
        [dst, N + (jnp.arange(npad, dtype=jnp.int32) % (NPAD - N - 8))]
    )
    def strips(a):
        e0 = NS * K0 * CHUNK
        p0 = a[:e0].reshape(NS, K0, CHUNK)
        p1 = a[e0:].reshape(NS, K1, CHUNK)
        p0 = jnp.pad(p0, ((0, 0), (0, KMAX - K0), (0, 0)))
        p1 = jnp.pad(p1, ((0, 0), (0, KMAX - K1), (0, 0)))
        return jnp.stack([p0, p1])

    src4 = strips(src_p)
    dst4 = strips(dst_p)
    ones_rows = jnp.ones((CHUNK, C), jnp.float32)
    zrows = jnp.zeros((RW, C), jnp.float32)

    dst3d = dst_p.reshape(NW, NCHUNK, CHUNK)
    degp = _sc_degree(dst3d, ones_rows, zrows)
    u1 = _tc_scale_in(degp, x)
    part1 = _sc_scatter_rows(u1, src4, dst4, zrows)
    u2 = _tc_mid(degp, part1, u1, W1, b1.reshape(1, -1), W2)
    part2 = _sc_scatter_rows(u2, src4, dst4, zrows)
    out = _tc_out(degp, part2, u2, b2.reshape(1, -1))
    return out

# --- scband reference (transcript-rebuilt; emitter-appended) ---
"""Pipeline reference for scband-encoder-773094114154 (READ-ONLY COPY).

The authoritative reference and input builder live on the scoring server;
editing this copy changes nothing except your own understanding.
"""

import jax, jax.numpy as jnp
import numpy as np

N_NODES = 10000
N_EDGES = 320000
IN_CH = 128
OUT_CH = 128
HID = 2 * OUT_CH


def setup_inputs(seed: int = 0) -> dict:
    key = jax.random.key(seed)
    k1, k2, k3, k4, k5, k6 = jax.random.split(key, 6)
    x = jax.random.normal(k1, (N_NODES, IN_CH), dtype=jnp.float32)
    edge_index = jax.random.randint(k2, (2, N_EDGES), 0, N_NODES, dtype=jnp.int64)
    # GCNConv layer 1: in_channels -> 2*out_channels
    W1 = jax.random.normal(k3, (IN_CH, HID), dtype=jnp.float32) / np.sqrt(IN_CH)
    b1 = jnp.zeros((HID,), dtype=jnp.float32)
    # GCNConv layer 2: 2*out_channels -> out_channels
    W2 = jax.random.normal(k4, (HID, OUT_CH), dtype=jnp.float32) / np.sqrt(HID)
    b2 = jnp.zeros((OUT_CH,), dtype=jnp.float32)
    return {"x": x, "edge_index": edge_index, "W1": W1, "b1": b1, "W2": W2, "b2": b2}


def _gcn_conv(x, src, dst, W, b, num_nodes):
    # PyG GCNConv: add self-loops, symmetric normalization D^-1/2 (A+I) D^-1/2,
    # linear transform then propagate (sum aggregation), then bias.
    loops = jnp.arange(num_nodes, dtype=src.dtype)
    s = jnp.concatenate([src, loops])
    d = jnp.concatenate([dst, loops])
    ones = jnp.ones(s.shape[0], dtype=x.dtype)
    deg = jnp.zeros((num_nodes,), dtype=x.dtype).at[d].add(ones)
    deg_inv_sqrt = jnp.where(deg > 0, jax.lax.rsqrt(jnp.maximum(deg, 1e-12)), 0.0)
    norm = deg_inv_sqrt[s] * deg_inv_sqrt[d]
    h = x @ W
    msg = jnp.take(h, s, axis=0) * norm[:, None]
    out = jax.ops.segment_sum(msg, d, num_segments=num_nodes)
    return out + b


def reference(x, edge_index, W1, b1, W2, b2):
    src = edge_index[0]
    dst = edge_index[1]
    n = x.shape[0]
    h = _gcn_conv(x, src, dst, W1, b1, n)
    h = jax.nn.relu(h)
    h = _gcn_conv(h, src, dst, W2, b2, n)
    h = jax.nn.relu(h)
    return h

if __name__ == "__main__":
    import jax
    _d = setup_inputs()
    print(jax.jit(kernel)(*tuple(_d.values())))

</pallas_src>

<mosaic_0001>
#map = affine_map<(d0, d1) -> (0, 0, 0)>
#map1 = affine_map<(d0, d1) -> (0, 0)>
module attributes {stable_mosaic.version = 14 : i64} {
  func.func @_sc_degree(%arg0: i32, %arg1: i32, %arg2: memref<32x320x32xi32, #tpu.memory_space<hbm>>, %arg3: memref<32x128xf32, #tpu.memory_space<hbm>>, %arg4: memref<640x128xf32, #tpu.memory_space<hbm>>, %arg5: memref<2x10240x128xf32, #tpu.memory_space<hbm>>, %arg6: memref<320x32xi32, #tpu.memory_space<vmem>>, %arg7: memref<32x128xf32, #tpu.memory_space<vmem>>, %arg8: memref<10240x128xf32, #tpu.memory_space<vmem_shared>>) attributes {dimension_semantics = [#tpu.dimension_semantics<core_parallel>, #tpu.dimension_semantics<subcore_parallel>], iteration_bounds = array<i64: 2, 16>, scalar_prefetch = 0 : i64, scratch_operands = 3 : i64, tpu.core_type = #tpu.core_type<sc_vector_subcore>, window_params = [{transform_indices = #map}, {transform_indices = #map1}, {transform_indices = #map1}, {transform_indices = #map}]} {
    %mul3A = arith.constant 2 : i32
    %mul3A_0 = arith.muli %arg1, %mul3A : i32
    %add3A = arith.addi %mul3A_0, %arg0 : i32
    "tpu.region"() ({
      %run_scoped3A = tpu.sem_alloc : memref<!tpu.dma_semaphore, #tpu.memory_space<semaphore_mem>>
      tpu.enqueue_dma source(%arg3 : memref<32x128xf32, #tpu.memory_space<hbm>>) target(%arg7 : memref<32x128xf32, #tpu.memory_space<vmem>>) target_semaphore(%run_scoped3A : memref<!tpu.dma_semaphore, #tpu.memory_space<semaphore_mem>>)
      tpu.wait_dma2 semaphore(%run_scoped3A : memref<!tpu.dma_semaphore, #tpu.memory_space<semaphore_mem>>) src(%arg3 : memref<32x128xf32, #tpu.memory_space<hbm>>) dst(%arg7 : memref<32x128xf32, #tpu.memory_space<vmem>>)
      tpu.yield
    }) : () -> ()
    "tpu.region"() ({
      %run_scoped3A = tpu.sem_alloc : memref<!tpu.dma_semaphore, #tpu.memory_space<semaphore_mem>>
      %dma_start3A = arith.constant 0 : i32
      %dma_start3A_12 = arith.constant 0 : i32
      %dma_start3A_13 = tpu.memref_slice %arg2[%add3A, %dma_start3A, %dma_start3A_12] : memref<32x320x32xi32, #tpu.memory_space<hbm>> -> memref<1x320x32xi32, #tpu.memory_space<hbm>>
      %dma_start3A_14 = tpu.memref_squeeze %dma_start3A_13 : memref<1x320x32xi32, #tpu.memory_space<hbm>> -> memref<320x32xi32, #tpu.memory_space<hbm>>
      %dma_start3A_15 = arith.constant 0 : i32
      %dma_start3A_16 = arith.constant 0 : i32
      %dma_start3A_17 = tpu.memref_slice %arg2[%add3A, %dma_start3A_15, %dma_start3A_16] : memref<32x320x32xi32, #tpu.memory_space<hbm>> -> memref<1x320x32xi32, #tpu.memory_space<hbm>>
      %dma_start3A_18 = tpu.memref_squeeze %dma_start3A_17 : memref<1x320x32xi32, #tpu.memory_space<hbm>> -> memref<320x32xi32, #tpu.memory_space<hbm>>
      tpu.enqueue_dma source(%dma_start3A_18 : memref<320x32xi32, #tpu.memory_space<hbm>>) target(%arg6 : memref<320x32xi32, #tpu.memory_space<vmem>>) target_semaphore(%run_scoped3A : memref<!tpu.dma_semaphore, #tpu.memory_space<semaphore_mem>>)
      %dma_wait3A = arith.constant 0 : i32
      %dma_wait3A_19 = arith.constant 0 : i32
      %dma_wait3A_20 = tpu.memref_slice %arg2[%add3A, %dma_wait3A, %dma_wait3A_19] : memref<32x320x32xi32, #tpu.memory_space<hbm>> -> memref<1x320x32xi32, #tpu.memory_space<hbm>>
      %dma_wait3A_21 = tpu.memref_squeeze %dma_wait3A_20 : memref<1x320x32xi32, #tpu.memory_space<hbm>> -> memref<320x32xi32, #tpu.memory_space<hbm>>
      %dma_wait3A_22 = arith.constant 0 : i32
      %dma_wait3A_23 = arith.constant 0 : i32
      %dma_wait3A_24 = tpu.memref_slice %arg2[%add3A, %dma_wait3A_22, %dma_wait3A_23] : memref<32x320x32xi32, #tpu.memory_space<hbm>> -> memref<1x320x32xi32, #tpu.memory_space<hbm>>
      %dma_wait3A_25 = tpu.memref_squeeze %dma_wait3A_24 : memref<1x320x32xi32, #tpu.memory_space<hbm>> -> memref<320x32xi32, #tpu.memory_space<hbm>>
      tpu.wait_dma2 semaphore(%run_scoped3A : memref<!tpu.dma_semaphore, #tpu.memory_space<semaphore_mem>>) src(%dma_wait3A_25 : memref<320x32xi32, #tpu.memory_space<hbm>>) dst(%arg6 : memref<320x32xi32, #tpu.memory_space<vmem>>)
      tpu.yield
    }) : () -> ()
    %mul3A_1 = arith.constant 640 : i32
    %mul3A_2 = arith.muli %arg1, %mul3A_1 : i32
    "tpu.region"() ({
      %run_scoped3A = tpu.sem_alloc : memref<!tpu.dma_semaphore, #tpu.memory_space<semaphore_mem>>
      %dma_start3A = arith.constant 0 : i32
      %dma_start3A_12 = tpu.memref_slice %arg8[%mul3A_2, %dma_start3A] : memref<10240x128xf32, #tpu.memory_space<vmem_shared>> -> memref<640x128xf32, #tpu.memory_space<vmem_shared>>
      tpu.enqueue_dma source(%arg4 : memref<640x128xf32, #tpu.memory_space<hbm>>) target(%dma_start3A_12 : memref<640x128xf32, #tpu.memory_space<vmem_shared>>) target_semaphore(%run_scoped3A : memref<!tpu.dma_semaphore, #tpu.memory_space<semaphore_mem>>)
      %dma_wait3A = arith.constant 0 : i32
      %dma_wait3A_13 = tpu.memref_slice %arg8[%mul3A_2, %dma_wait3A] : memref<10240x128xf32, #tpu.memory_space<vmem_shared>> -> memref<640x128xf32, #tpu.memory_space<vmem_shared>>
      tpu.wait_dma2 semaphore(%run_scoped3A : memref<!tpu.dma_semaphore, #tpu.memory_space<semaphore_mem>>) src(%arg4 : memref<640x128xf32, #tpu.memory_space<hbm>>) dst(%dma_wait3A_13 : memref<640x128xf32, #tpu.memory_space<vmem_shared>>)
      tpu.yield
    }) : () -> ()
    %barrier3A = arith.constant 0 : index
    tpu.barrier barrier_id(%barrier3A)
    %scan3A = arith.constant 0 : i32
    %scan3A_3 = arith.constant 320 : i32
    %scan3A_4 = arith.addi %scan3A, %scan3A_3 : i32
    %scan3A_5 = arith.constant 1 : i32
    scf.for %scan3A_12 = %scan3A to %scan3A_4 step %scan3A_5  : i32 {
      %mul3A_13 = arith.constant 1 : i32
      %mul3A_14 = arith.muli %scan3A_12, %mul3A_13 : i32
      %add3A_15 = arith.constant 0 : i32
      %add3A_16 = arith.addi %add3A_15, %mul3A_14 : i32
      "tpu.region"() ({
        %run_scoped3A = tpu.sem_alloc : memref<!tpu.dma_semaphore, #tpu.memory_space<semaphore_mem>>
        %dma_start3A = arith.constant 0 : i32
        %dma_start3A_17 = tpu.memref_slice %arg6[%add3A_16, %dma_start3A] : memref<320x32xi32, #tpu.memory_space<vmem>> -> memref<1x32xi32, #tpu.memory_space<vmem>>
        %dma_start3A_18 = tpu.memref_squeeze %dma_start3A_17 : memref<1x32xi32, #tpu.memory_space<vmem>> -> memref<32xi32, #tpu.memory_space<vmem>>
        %dma_start3A_19 = arith.constant 0 : i32
        %dma_start3A_20 = arith.constant 0 : i32
        %dma_start3A_21 = tpu.memref_slice %arg8[%dma_start3A_19, %dma_start3A_20] : memref<10240x128xf32, #tpu.memory_space<vmem_shared>> -> memref<10240x128xf32, #tpu.memory_space<vmem_shared>>
        tpu.enqueue_indirect_dma source(%arg7 : memref<32x128xf32, #tpu.memory_space<vmem>>) target(%dma_start3A_21 : memref<10240x128xf32, #tpu.memory_space<vmem_shared>>) offsets(%dma_start3A_18 : memref<32xi32, #tpu.memory_space<vmem>>) semaphore(%run_scoped3A : memref<!tpu.dma_semaphore, #tpu.memory_space<semaphore_mem>>) {add = true}
        %dma_wait3A = arith.constant 0 : i32
        %dma_wait3A_22 = tpu.memref_slice %arg6[%add3A_16, %dma_wait3A] : memref<320x32xi32, #tpu.memory_space<vmem>> -> memref<1x32xi32, #tpu.memory_space<vmem>>
        %dma_wait3A_23 = tpu.memref_squeeze %dma_wait3A_22 : memref<1x32xi32, #tpu.memory_space<vmem>> -> memref<32xi32, #tpu.memory_space<vmem>>
        %dma_wait3A_24 = arith.constant 0 : i32
        %dma_wait3A_25 = arith.constant 0 : i32
        %dma_wait3A_26 = tpu.memref_slice %arg8[%dma_wait3A_24, %dma_wait3A_25] : memref<10240x128xf32, #tpu.memory_space<vmem_shared>> -> memref<10240x128xf32, #tpu.memory_space<vmem_shared>>
        tpu.wait_indirect_dma semaphore(%run_scoped3A : memref<!tpu.dma_semaphore, #tpu.memory_space<semaphore_mem>>) src(%arg7 : memref<32x128xf32, #tpu.memory_space<vmem>>) dst(%dma_wait3A_26 : memref<10240x128xf32, #tpu.memory_space<vmem_shared>>)
        tpu.yield
      }) : () -> ()
    }
    %scan3A_6 = arith.constant 320 : i32
    %barrier3A_7 = arith.constant 0 : index
    tpu.barrier barrier_id(%barrier3A_7)
    %mul3A_8 = arith.constant 640 : i32
    %mul3A_9 = arith.muli %arg1, %mul3A_8 : i32
    %mul3A_10 = arith.constant 640 : i32
    %mul3A_11 = arith.muli %arg1, %mul3A_10 : i32
    "tpu.region"() ({
      %run_scoped3A = tpu.sem_alloc : memref<!tpu.dma_semaphore, #tpu.memory_space<semaphore_mem>>
      %dma_start3A = arith.constant 0 : i32
      %dma_start3A_12 = tpu.memref_slice %arg5[%arg0, %mul3A_11, %dma_start3A] : memref<2x10240x128xf32, #tpu.memory_space<hbm>> -> memref<1x640x128xf32, #tpu.memory_space<hbm>>
      %dma_start3A_13 = tpu.memref_squeeze %dma_start3A_12 : memref<1x640x128xf32, #tpu.memory_space<hbm>> -> memref<640x128xf32, #tpu.memory_space<hbm>>
      %dma_start3A_14 = arith.constant 0 : i32
      %dma_start3A_15 = tpu.memref_slice %arg8[%mul3A_9, %dma_start3A_14] : memref<10240x128xf32, #tpu.memory_space<vmem_shared>> -> memref<640x128xf32, #tpu.memory_space<vmem_shared>>
      tpu.enqueue_dma source(%dma_start3A_15 : memref<640x128xf32, #tpu.memory_space<vmem_shared>>) target(%dma_start3A_13 : memref<640x128xf32, #tpu.memory_space<hbm>>) target_semaphore(%run_scoped3A : memref<!tpu.dma_semaphore, #tpu.memory_space<semaphore_mem>>)
      %dma_wait3A = arith.constant 0 : i32
      %dma_wait3A_16 = tpu.memref_slice %arg5[%arg0, %mul3A_11, %dma_wait3A] : memref<2x10240x128xf32, #tpu.memory_space<hbm>> -> memref<1x640x128xf32, #tpu.memory_space<hbm>>
      %dma_wait3A_17 = tpu.memref_squeeze %dma_wait3A_16 : memref<1x640x128xf32, #tpu.memory_space<hbm>> -> memref<640x128xf32, #tpu.memory_space<hbm>>
      %dma_wait3A_18 = arith.constant 0 : i32
      %dma_wait3A_19 = tpu.memref_slice %arg8[%mul3A_9, %dma_wait3A_18] : memref<10240x128xf32, #tpu.memory_space<vmem_shared>> -> memref<640x128xf32, #tpu.memory_space<vmem_shared>>
      tpu.wait_dma2 semaphore(%run_scoped3A : memref<!tpu.dma_semaphore, #tpu.memory_space<semaphore_mem>>) src(%dma_wait3A_19 : memref<640x128xf32, #tpu.memory_space<vmem_shared>>) dst(%dma_wait3A_17 : memref<640x128xf32, #tpu.memory_space<hbm>>)
      tpu.yield
    }) : () -> ()
    return
  }
}

#map = affine_map<(d0, d1) -> (0, 0)>
#map1 = affine_map<(d0, d1) -> (0, 0, 0, 0)>
#map2 = affine_map<(d0, d1) -> (0, 0, 0)>
module attributes {stable_mosaic.version = 14 : i64} {
  func.func @_sc_scatter_rows(%arg0: i32, %arg1: i32, %arg2: memref<10000x128xf32, #tpu.memory_space<hbm>>, %arg3: memref<2x16x320x32xi32, #tpu.memory_space<hbm>>, %arg4: memref<2x16x320x32xi32, #tpu.memory_space<hbm>>, %arg5: memref<640x128xf32, #tpu.memory_space<hbm>>, %arg6: memref<2x10240x128xf32, #tpu.memory_space<hbm>>, %arg7: memref<10240x128xf32, #tpu.memory_space<vmem_shared>>, %arg8: memref<32xi32, #tpu.memory_space<vmem>>, %arg9: memref<32xi32, #tpu.memory_space<vmem>>, %arg10: memref<32xi32, #tpu.memory_space<vmem>>, %arg11: memref<32xi32, #tpu.memory_space<vmem>>, %arg12: memref<32xi32, #tpu.memory_space<vmem>>, %arg13: memref<32xi32, #tpu.memory_space<vmem>>, %arg14: memref<32xi32, #tpu.memory_space<vmem>>, %arg15: memref<32xi32, #tpu.memory_space<vmem>>, %arg16: memref<32xi32, #tpu.memory_space<vmem>>, %arg17: memref<32xi32, #tpu.memory_space<vmem>>, %arg18: memref<32xi32, #tpu.memory_space<vmem>>, %arg19: memref<32xi32, #tpu.memory_space<vmem>>, %arg20: memref<32xi32, #tpu.memory_space<vmem>>, %arg21: memref<32xi32, #tpu.memory_space<vmem>>, %arg22: memref<32xi32, #tpu.memory_space<vmem>>, %arg23: memref<32xi32, #tpu.memory_space<vmem>>, %arg24: memref<32xi32, #tpu.memory_space<vmem>>, %arg25: memref<32xi32, #tpu.memory_space<vmem>>, %arg26: memref<32xi32, #tpu.memory_space<vmem>>, %arg27: memref<32xi32, #tpu.memory_space<vmem>>, %arg28: memref<32x128xf32, #tpu.memory_space<vmem>>, %arg29: memref<32x128xf32, #tpu.memory_space<vmem>>, %arg30: memref<32x128xf32, #tpu.memory_space<vmem>>, %arg31: memref<32x128xf32, #tpu.memory_space<vmem>>, %arg32: memref<32x128xf32, #tpu.memory_space<vmem>>, %arg33: memref<!tpu.dma_semaphore, #tpu.memory_space<semaphore_mem>>, %arg34: memref<!tpu.dma_semaphore, #tpu.memory_space<semaphore_mem>>, %arg35: memref<!tpu.dma_semaphore, #tpu.memory_space<semaphore_mem>>, %arg36: memref<!tpu.dma_semaphore, #tpu.memory_space<semaphore_mem>>, %arg37: memref<!tpu.dma_semaphore, #tpu.memory_space<semaphore_mem>>, %arg38: memref<!tpu.dma_semaphore, #tpu.memory_space<semaphore_mem>>, %arg39: memref<!tpu.dma_semaphore, #tpu.memory_space<semaphore_mem>>, %arg40: memref<!tpu.dma_semaphore, #tpu.memory_space<semaphore_mem>>, %arg41: memref<!tpu.dma_semaphore, #tpu.memory_space<semaphore_mem>>, %arg42: memref<!tpu.dma_semaphore, #tpu.memory_space<semaphore_mem>>, %arg43: memref<!tpu.dma_semaphore, #tpu.memory_space<semaphore_mem>>, %arg44: memref<!tpu.dma_semaphore, #tpu.memory_space<semaphore_mem>>, %arg45: memref<!tpu.dma_semaphore, #tpu.memory_space<semaphore_mem>>, %arg46: memref<!tpu.dma_semaphore, #tpu.memory_space<semaphore_mem>>, %arg47: memref<!tpu.dma_semaphore, #tpu.memory_space<semaphore_mem>>, %arg48: memref<!tpu.dma_semaphore, #tpu.memory_space<semaphore_mem>>, %arg49: memref<!tpu.dma_semaphore, #tpu.memory_space<semaphore_mem>>, %arg50: memref<!tpu.dma_semaphore, #tpu.memory_space<semaphore_mem>>, %arg51: memref<!tpu.dma_semaphore, #tpu.memory_space<semaphore_mem>>, %arg52: memref<!tpu.dma_semaphore, #tpu.memory_space<semaphore_mem>>, %arg53: memref<!tpu.dma_semaphore, #tpu.memory_space<semaphore_mem>>, %arg54: memref<!tpu.dma_semaphore, #tpu.memory_space<semaphore_mem>>, %arg55: memref<!tpu.dma_semaphore, #tpu.memory_space<semaphore_mem>>, %arg56: memref<!tpu.dma_semaphore, #tpu.memory_space<semaphore_mem>>, %arg57: memref<!tpu.dma_semaphore, #tpu.memory_space<semaphore_mem>>) attributes {dimension_semantics = [#tpu.dimension_semantics<core_parallel>, #tpu.dimension_semantics<subcore_parallel>], iteration_bounds = array<i64: 2, 16>, scalar_prefetch = 0 : i64, scratch_operands = 51 : i64, tpu.core_type = #tpu.core_type<sc_vector_subcore>, window_params = [{transform_indices = #map}, {transform_indices = #map1}, {transform_indices = #map1}, {transform_indices = #map}, {transform_indices = #map2}]} {
    %eq3A = arith.constant 0 : i32
    %eq3A_0 = arith.cmpi eq, %arg0, %eq3A : i32
    %jit3A = arith.constant 320 : i32
    %jit3A_1 = arith.constant 320 : i32
    %select_n3A = arith.select %eq3A_0, %jit3A, %jit3A_1 : i32
    %mul3A = arith.constant 640 : i32
    %mul3A_2 = arith.muli %arg1, %mul3A : i32
    "tpu.region"() ({
      %run_scoped3A = tpu.sem_alloc : memref<!tpu.dma_semaphore, #tpu.memory_space<semaphore_mem>>
      %dma_start3A_231 = arith.constant 0 : i32
      %dma_start3A_232 = tpu.memref_slice %arg7[%mul3A_2, %dma_start3A_231] : memref<10240x128xf32, #tpu.memory_space<vmem_shared>> -> memref<640x128xf32, #tpu.memory_space<vmem_shared>>
      tpu.enqueue_dma source(%arg5 : memref<640x128xf32, #tpu.memory_space<hbm>>) target(%dma_start3A_232 : memref<640x128xf32, #tpu.memory_space<vmem_shared>>) target_semaphore(%run_scoped3A : memref<!tpu.dma_semaphore, #tpu.memory_space<semaphore_mem>>)
      %dma_wait3A_233 = arith.constant 0 : i32
      %dma_wait3A_234 = tpu.memref_slice %arg7[%mul3A_2, %dma_wait3A_233] : memref<10240x128xf32, #tpu.memory_space<vmem_shared>> -> memref<640x128xf32, #tpu.memory_space<vmem_shared>>
      tpu.wait_dma2 semaphore(%run_scoped3A : memref<!tpu.dma_semaphore, #tpu.memory_space<semaphore_mem>>) src(%arg5 : memref<640x128xf32, #tpu.memory_space<hbm>>) dst(%dma_wait3A_234 : memref<640x128xf32, #tpu.memory_space<vmem_shared>>)
      tpu.yield
    }) : () -> ()
    %barrier3A = arith.constant 0 : index
    tpu.barrier barrier_id(%barrier3A)
    %dma_start3A = arith.constant 0 : i32
    %dma_start3A_3 = arith.constant 0 : i32
    %dma_start3A_4 = tpu.memref_slice %arg3[%arg0, %arg1, %dma_start3A, %dma_start3A_3] : memref<2x16x320x32xi32, #tpu.memory_space<hbm>> -> memref<1x1x1x32xi32, #tpu.memory_space<hbm>>
    %dma_start3A_5 = tpu.memref_squeeze %dma_start3A_4 : memref<1x1x1x32xi32, #tpu.memory_space<hbm>> -> memref<32xi32, #tpu.memory_space<hbm>>
    %dma_start3A_6 = arith.constant 0 : i32
    %dma_start3A_7 = tpu.memref_slice %arg3[%arg0, %arg1, %dma_start3A, %dma_start3A_6] : memref<2x16x320x32xi32, #tpu.memory_space<hbm>> -> memref<1x1x1x32xi32, #tpu.memory_space<hbm>>
    %dma_start3A_8 = tpu.memref_squeeze %dma_start3A_7 : memref<1x1x1x32xi32, #tpu.memory_space<hbm>> -> memref<32xi32, #tpu.memory_space<hbm>>
    tpu.enqueue_dma source(%dma_start3A_8 : memref<32xi32, #tpu.memory_space<hbm>>) target(%arg8 : memref<32xi32, #tpu.memory_space<vmem>>) target_semaphore(%arg38 : memref<!tpu.dma_semaphore, #tpu.memory_space<semaphore_mem>>)
    %dma_start3A_9 = arith.constant 0 : i32
    %dma_start3A_10 = arith.constant 0 : i32
    %dma_start3A_11 = tpu.memref_slice %arg4[%arg0, %arg1, %dma_start3A_9, %dma_start3A_10] : memref<2x16x320x32xi32, #tpu.memory_space<hbm>> -> memref<1x1x1x32xi32, #tpu.memory_space<hbm>>
    %dma_start3A_12 = tpu.memref_squeeze %dma_start3A_11 : memref<1x1x1x32xi32, #tpu.memory_space<hbm>> -> memref<32xi32, #tpu.memory_space<hbm>>
    %dma_start3A_13 = arith.constant 0 : i32
    %dma_start3A_14 = tpu.memref_slice %arg4[%arg0, %arg1, %dma_start3A_9, %dma_start3A_13] : memref<2x16x320x32xi32, #tpu.memory_space<hbm>> -> memref<1x1x1x32xi32, #tpu.memory_space<hbm>>
    %dma_start3A_15 = tpu.memref_squeeze %dma_start3A_14 : memref<1x1x1x32xi32, #tpu.memory_space<hbm>> -> memref<32xi32, #tpu.memory_space<hbm>>
    tpu.enqueue_dma source(%dma_start3A_15 : memref<32xi32, #tpu.memory_space<hbm>>) target(%arg18 : memref<32xi32, #tpu.memory_space<vmem>>) target_semaphore(%arg48 : memref<!tpu.dma_semaphore, #tpu.memory_space<semaphore_mem>>)
    %dma_start3A_16 = arith.constant 1 : i32
    %dma_start3A_17 = arith.constant 0 : i32
    %dma_start3A_18 = tpu.memref_slice %arg3[%arg0, %arg1, %dma_start3A_16, %dma_start3A_17] : memref<2x16x320x32xi32, #tpu.memory_space<hbm>> -> memref<1x1x1x32xi32, #tpu.memory_space<hbm>>
    %dma_start3A_19 = tpu.memref_squeeze %dma_start3A_18 : memref<1x1x1x32xi32, #tpu.memory_space<hbm>> -> memref<32xi32, #tpu.memory_space<hbm>>
    %dma_start3A_20 = arith.constant 0 : i32
    %dma_start3A_21 = tpu.memref_slice %arg3[%arg0, %arg1, %dma_start3A_16, %dma_start3A_20] : memref<2x16x320x32xi32, #tpu.memory_space<hbm>> -> memref<1x1x1x32xi32, #tpu.memory_space<hbm>>
    %dma_start3A_22 = tpu.memref_squeeze %dma_start3A_21 : memref<1x1x1x32xi32, #tpu.memory_space<hbm>> -> memref<32xi32, #tpu.memory_space<hbm>>
    tpu.enqueue_dma source(%dma_start3A_22 : memref<32xi32, #tpu.memory_space<hbm>>) target(%arg9 : memref<32xi32, #tpu.memory_space<vmem>>) target_semaphore(%arg39 : memref<!tpu.dma_semaphore, #tpu.memory_space<semaphore_mem>>)
    %dma_start3A_23 = arith.constant 1 : i32
    %dma_start3A_24 = arith.constant 0 : i32
    %dma_start3A_25 = tpu.memref_slice %arg4[%arg0, %arg1, %dma_start3A_23, %dma_start3A_24] : memref<2x16x320x32xi32, #tpu.memory_space<hbm>> -> memref<1x1x1x32xi32, #tpu.memory_space<hbm>>
    %dma_start3A_26 = tpu.memref_squeeze %dma_start3A_25 : memref<1x1x1x32xi32, #tpu.memory_space<hbm>> -> memref<32xi32, #tpu.memory_space<hbm>>
    %dma_start3A_27 = arith.constant 0 : i32
    %dma_start3A_28 = tpu.memref_slice %arg4[%arg0, %arg1, %dma_start3A_23, %dma_start3A_27] : memref<2x16x320x32xi32, #tpu.memory_space<hbm>> -> memref<1x1x1x32xi32, #tpu.memory_space<hbm>>
    %dma_start3A_29 = tpu.memref_squeeze %dma_start3A_28 : memref<1x1x1x32xi32, #tpu.memory_space<hbm>> -> memref<32xi32, #tpu.memory_space<hbm>>
    tpu.enqueue_dma source(%dma_start3A_29 : memref<32xi32, #tpu.memory_space<hbm>>) target(%arg19 : memref<32xi32, #tpu.memory_space<vmem>>) target_semaphore(%arg49 : memref<!tpu.dma_semaphore, #tpu.memory_space<semaphore_mem>>)
    %dma_start3A_30 = arith.constant 2 : i32
    %dma_start3A_31 = arith.constant 0 : i32
    %dma_start3A_32 = tpu.memref_slice %arg3[%arg0, %arg1, %dma_start3A_30, %dma_start3A_31] : memref<2x16x320x32xi32, #tpu.memory_space<hbm>> -> memref<1x1x1x32xi32, #tpu.memory_space<hbm>>
    %dma_start3A_33 = tpu.memref_squeeze %dma_start3A_32 : memref<1x1x1x32xi32, #tpu.memory_space<hbm>> -> memref<32xi32, #tpu.memory_space<hbm>>
    %dma_start3A_34 = arith.constant 0 : i32
    %dma_start3A_35 = tpu.memref_slice %arg3[%arg0, %arg1, %dma_start3A_30, %dma_start3A_34] : memref<2x16x320x32xi32, #tpu.memory_space<hbm>> -> memref<1x1x1x32xi32, #tpu.memory_space<hbm>>
    %dma_start3A_36 = tpu.memref_squeeze %dma_start3A_35 : memref<1x1x1x32xi32, #tpu.memory_space<hbm>> -> memref<32xi32, #tpu.memory_space<hbm>>
    tpu.enqueue_dma source(%dma_start3A_36 : memref<32xi32, #tpu.memory_space<hbm>>) target(%arg10 : memref<32xi32, #tpu.memory_space<vmem>>) target_semaphore(%arg40 : memref<!tpu.dma_semaphore, #tpu.memory_space<semaphore_mem>>)
    %dma_start3A_37 = arith.constant 2 : i32
    %dma_start3A_38 = arith.constant 0 : i32
    %dma_start3A_39 = tpu.memref_slice %arg4[%arg0, %arg1, %dma_start3A_37, %dma_start3A_38] : memref<2x16x320x32xi32, #tpu.memory_space<hbm>> -> memref<1x1x1x32xi32, #tpu.memory_space<hbm>>
    %dma_start3A_40 = tpu.memref_squeeze %dma_start3A_39 : memref<1x1x1x32xi32, #tpu.memory_space<hbm>> -> memref<32xi32, #tpu.memory_space<hbm>>
    %dma_start3A_41 = arith.constant 0 : i32
    %dma_start3A_42 = tpu.memref_slice %arg4[%arg0, %arg1, %dma_start3A_37, %dma_start3A_41] : memref<2x16x320x32xi32, #tpu.memory_space<hbm>> -> memref<1x1x1x32xi32, #tpu.memory_space<hbm>>
    %dma_start3A_43 = tpu.memref_squeeze %dma_start3A_42 : memref<1x1x1x32xi32, #tpu.memory_space<hbm>> -> memref<32xi32, #tpu.memory_space<hbm>>
    tpu.enqueue_dma source(%dma_start3A_43 : memref<32xi32, #tpu.memory_space<hbm>>) target(%arg20 : memref<32xi32, #tpu.memory_space<vmem>>) target_semaphore(%arg50 : memref<!tpu.dma_semaphore, #tpu.memory_space<semaphore_mem>>)
    %dma_start3A_44 = arith.constant 3 : i32
    %dma_start3A_45 = arith.constant 0 : i32
    %dma_start3A_46 = tpu.memref_slice %arg3[%arg0, %arg1, %dma_start3A_44, %dma_start3A_45] : memref<2x16x320x32xi32, #tpu.memory_space<hbm>> -> memref<1x1x1x32xi32, #tpu.memory_space<hbm>>
    %dma_start3A_47 = tpu.memref_squeeze %dma_start3A_46 : memref<1x1x1x32xi32, #tpu.memory_space<hbm>> -> memref<32xi32, #tpu.memory_space<hbm>>
    %dma_start3A_48 = arith.constant 0 : i32
    %dma_start3A_49 = tpu.memref_slice %arg3[%arg0, %arg1, %dma_start3A_44, %dma_start3A_48] : memref<2x16x320x32xi32, #tpu.memory_space<hbm>> -> memref<1x1x1x32xi32, #tpu.memory_space<hbm>>
    %dma_start3A_50 = tpu.memref_squeeze %dma_start3A_49 : memref<1x1x1x32xi32, #tpu.memory_space<hbm>> -> memref<32xi32, #tpu.memory_space<hbm>>
    tpu.enqueue_dma source(%dma_start3A_50 : memref<32xi32, #tpu.memory_space<hbm>>) target(%arg11 : memref<32xi32, #tpu.memory_space<vmem>>) target_semaphore(%arg41 : memref<!tpu.dma_semaphore, #tpu.memory_space<semaphore_mem>>)
    %dma_start3A_51 = arith.constant 3 : i32
    %dma_start3A_52 = arith.constant 0 : i32
    %dma_start3A_53 = tpu.memref_slice %arg4[%arg0, %arg1, %dma_start3A_51, %dma_start3A_52] : memref<2x16x320x32xi32, #tpu.memory_space<hbm>> -> memref<1x1x1x32xi32, #tpu.memory_space<hbm>>
    %dma_start3A_54 = tpu.memref_squeeze %dma_start3A_53 : memref<1x1x1x32xi32, #tpu.memory_space<hbm>> -> memref<32xi32, #tpu.memory_space<hbm>>
    %dma_start3A_55 = arith.constant 0 : i32
    %dma_start3A_56 = tpu.memref_slice %arg4[%arg0, %arg1, %dma_start3A_51, %dma_start3A_55] : memref<2x16x320x32xi32, #tpu.memory_space<hbm>> -> memref<1x1x1x32xi32, #tpu.memory_space<hbm>>
    %dma_start3A_57 = tpu.memref_squeeze %dma_start3A_56 : memref<1x1x1x32xi32, #tpu.memory_space<hbm>> -> memref<32xi32, #tpu.memory_space<hbm>>
    tpu.enqueue_dma source(%dma_start3A_57 : memref<32xi32, #tpu.memory_space<hbm>>) target(%arg21 : memref<32xi32, #tpu.memory_space<vmem>>) target_semaphore(%arg51 : memref<!tpu.dma_semaphore, #tpu.memory_space<semaphore_mem>>)
    %dma_start3A_58 = arith.constant 4 : i32
    %dma_start3A_59 = arith.constant 0 : i32
    %dma_start3A_60 = tpu.memref_slice %arg3[%arg0, %arg1, %dma_start3A_58, %dma_start3A_59] : memref<2x16x320x32xi32, #tpu.memory_space<hbm>> -> memref<1x1x1x32xi32, #tpu.memory_space<hbm>>
    %dma_start3A_61 = tpu.memref_squeeze %dma_start3A_60 : memref<1x1x1x32xi32, #tpu.memory_space<hbm>> -> memref<32xi32, #tpu.memory_space<hbm>>
    %dma_start3A_62 = arith.constant 0 : i32
    %dma_start3A_63 = tpu.memref_slice %arg3[%arg0, %arg1, %dma_start3A_58, %dma_start3A_62] : memref<2x16x320x32xi32, #tpu.memory_space<hbm>> -> memref<1x1x1x32xi32, #tpu.memory_space<hbm>>
    %dma_start3A_64 = tpu.memref_squeeze %dma_start3A_63 : memref<1x1x1x32xi32, #tpu.memory_space<hbm>> -> memref<32xi32, #tpu.memory_space<hbm>>
    tpu.enqueue_dma source(%dma_start3A_64 : memref<32xi32, #tpu.memory_space<hbm>>) target(%arg12 : memref<32xi32, #tpu.memory_space<vmem>>) target_semaphore(%arg42 : memref<!tpu.dma_semaphore, #tpu.memory_space<semaphore_mem>>)
    %dma_start3A_65 = arith.constant 4 : i32
    %dma_start3A_66 = arith.constant 0 : i32
    %dma_start3A_67 = tpu.memref_slice %arg4[%arg0, %arg1, %dma_start3A_65, %dma_start3A_66] : memref<2x16x320x32xi32, #tpu.memory_space<hbm>> -> memref<1x1x1x32xi32, #tpu.memory_space<hbm>>
    %dma_start3A_68 = tpu.memref_squeeze %dma_start3A_67 : memref<1x1x1x32xi32, #tpu.memory_space<hbm>> -> memref<32xi32, #tpu.memory_space<hbm>>
    %dma_start3A_69 = arith.constant 0 : i32
    %dma_start3A_70 = tpu.memref_slice %arg4[%arg0, %arg1, %dma_start3A_65, %dma_start3A_69] : memref<2x16x320x32xi32, #tpu.memory_space<hbm>> -> memref<1x1x1x32xi32, #tpu.memory_space<hbm>>
    %dma_start3A_71 = tpu.memref_squeeze %dma_start3A_70 : memref<1x1x1x32xi32, #tpu.memory_space<hbm>> -> memref<32xi32, #tpu.memory_space<hbm>>
    tpu.enqueue_dma source(%dma_start3A_71 : memref<32xi32, #tpu.memory_space<hbm>>) target(%arg22 : memref<32xi32, #tpu.memory_space<vmem>>) target_semaphore(%arg52 : memref<!tpu.dma_semaphore, #tpu.memory_space<semaphore_mem>>)
    %dma_start3A_72 = arith.constant 5 : i32
    %dma_start3A_73 = arith.constant 0 : i32
    %dma_start3A_74 = tpu.memref_slice %arg3[%arg0, %arg1, %dma_start3A_72, %dma_start3A_73] : memref<2x16x320x32xi32, #tpu.memory_space<hbm>> -> memref<1x1x1x32xi32, #tpu.memory_space<hbm>>
    %dma_start3A_75 = tpu.memref_squeeze %dma_start3A_74 : memref<1x1x1x32xi32, #tpu.memory_space<hbm>> -> memref<32xi32, #tpu.memory_space<hbm>>
    %dma_start3A_76 = arith.constant 0 : i32
    %dma_start3A_77 = tpu.memref_slice %arg3[%arg0, %arg1, %dma_start3A_72, %dma_start3A_76] : memref<2x16x320x32xi32, #tpu.memory_space<hbm>> -> memref<1x1x1x32xi32, #tpu.memory_space<hbm>>
    %dma_start3A_78 = tpu.memref_squeeze %dma_start3A_77 : memref<1x1x1x32xi32, #tpu.memory_space<hbm>> -> memref<32xi32, #tpu.memory_space<hbm>>
    tpu.enqueue_dma source(%dma_start3A_78 : memref<32xi32, #tpu.memory_space<hbm>>) target(%arg13 : memref<32xi32, #tpu.memory_space<vmem>>) target_semaphore(%arg43 : memref<!tpu.dma_semaphore, #tpu.memory_space<semaphore_mem>>)
    %dma_start3A_79 = arith.constant 5 : i32
    %dma_start3A_80 = arith.constant 0 : i32
    %dma_start3A_81 = tpu.memref_slice %arg4[%arg0, %arg1, %dma_start3A_79, %dma_start3A_80] : memref<2x16x320x32xi32, #tpu.memory_space<hbm>> -> memref<1x1x1x32xi32, #tpu.memory_space<hbm>>
    %dma_start3A_82 = tpu.memref_squeeze %dma_start3A_81 : memref<1x1x1x32xi32, #tpu.memory_space<hbm>> -> memref<32xi32, #tpu.memory_space<hbm>>
    %dma_start3A_83 = arith.constant 0 : i32
    %dma_start3A_84 = tpu.memref_slice %arg4[%arg0, %arg1, %dma_start3A_79, %dma_start3A_83] : memref<2x16x320x32xi32, #tpu.memory_space<hbm>> -> memref<1x1x1x32xi32, #tpu.memory_space<hbm>>
    %dma_start3A_85 = tpu.memref_squeeze %dma_start3A_84 : memref<1x1x1x32xi32, #tpu.memory_space<hbm>> -> memref<32xi32, #tpu.memory_space<hbm>>
    tpu.enqueue_dma source(%dma_start3A_85 : memref<32xi32, #tpu.memory_space<hbm>>) target(%arg23 : memref<32xi32, #tpu.memory_space<vmem>>) target_semaphore(%arg53 : memref<!tpu.dma_semaphore, #tpu.memory_space<semaphore_mem>>)
    %dma_start3A_86 = arith.constant 6 : i32
    %dma_start3A_87 = arith.constant 0 : i32
    %dma_start3A_88 = tpu.memref_slice %arg3[%arg0, %arg1, %dma_start3A_86, %dma_start3A_87] : memref<2x16x320x32xi32, #tpu.memory_space<hbm>> -> memref<1x1x1x32xi32, #tpu.memory_space<hbm>>
    %dma_start3A_89 = tpu.memref_squeeze %dma_start3A_88 : memref<1x1x1x32xi32, #tpu.memory_space<hbm>> -> memref<32xi32, #tpu.memory_space<hbm>>
    %dma_start3A_90 = arith.constant 0 : i32
    %dma_start3A_91 = tpu.memref_slice %arg3[%arg0, %arg1, %dma_start3A_86, %dma_start3A_90] : memref<2x16x320x32xi32, #tpu.memory_space<hbm>> -> memref<1x1x1x32xi32, #tpu.memory_space<hbm>>
    %dma_start3A_92 = tpu.memref_squeeze %dma_start3A_91 : memref<1x1x1x32xi32, #tpu.memory_space<hbm>> -> memref<32xi32, #tpu.memory_space<hbm>>
    tpu.enqueue_dma source(%dma_start3A_92 : memref<32xi32, #tpu.memory_space<hbm>>) target(%arg14 : memref<32xi32, #tpu.memory_space<vmem>>) target_semaphore(%arg44 : memref<!tpu.dma_semaphore, #tpu.memory_space<semaphore_mem>>)
    %dma_start3A_93 = arith.constant 6 : i32
    %dma_start3A_94 = arith.constant 0 : i32
    %dma_start3A_95 = tpu.memref_slice %arg4[%arg0, %arg1, %dma_start3A_93, %dma_start3A_94] : memref<2x16x320x32xi32, #tpu.memory_space<hbm>> -> memref<1x1x1x32xi32, #tpu.memory_space<hbm>>
    %dma_start3A_96 = tpu.memref_squeeze %dma_start3A_95 : memref<1x1x1x32xi32, #tpu.memory_space<hbm>> -> memref<32xi32, #tpu.memory_space<hbm>>
    %dma_start3A_97 = arith.constant 0 : i32
    %dma_start3A_98 = tpu.memref_slice %arg4[%arg0, %arg1, %dma_start3A_93, %dma_start3A_97] : memref<2x16x320x32xi32, #tpu.memory_space<hbm>> -> memref<1x1x1x32xi32, #tpu.memory_space<hbm>>
    %dma_start3A_99 = tpu.memref_squeeze %dma_start3A_98 : memref<1x1x1x32xi32, #tpu.memory_space<hbm>> -> memref<32xi32, #tpu.memory_space<hbm>>
    tpu.enqueue_dma source(%dma_start3A_99 : memref<32xi32, #tpu.memory_space<hbm>>) target(%arg24 : memref<32xi32, #tpu.memory_space<vmem>>) target_semaphore(%arg54 : memref<!tpu.dma_semaphore, #tpu.memory_space<semaphore_mem>>)
    %dma_start3A_100 = arith.constant 7 : i32
    %dma_start3A_101 = arith.constant 0 : i32
    %dma_start3A_102 = tpu.memref_slice %arg3[%arg0, %arg1, %dma_start3A_100, %dma_start3A_101] : memref<2x16x320x32xi32, #tpu.memory_space<hbm>> -> memref<1x1x1x32xi32, #tpu.memory_space<hbm>>
    %dma_start3A_103 = tpu.memref_squeeze %dma_start3A_102 : memref<1x1x1x32xi32, #tpu.memory_space<hbm>> -> memref<32xi32, #tpu.memory_space<hbm>>
    %dma_start3A_104 = arith.constant 0 : i32
    %dma_start3A_105 = tpu.memref_slice %arg3[%arg0, %arg1, %dma_start3A_100, %dma_start3A_104] : memref<2x16x320x32xi32, #tpu.memory_space<hbm>> -> memref<1x1x1x32xi32, #tpu.memory_space<hbm>>
    %dma_start3A_106 = tpu.memref_squeeze %dma_start3A_105 : memref<1x1x1x32xi32, #tpu.memory_space<hbm>> -> memref<32xi32, #tpu.memory_space<hbm>>
    tpu.enqueue_dma source(%dma_start3A_106 : memref<32xi32, #tpu.memory_space<hbm>>) target(%arg15 : memref<32xi32, #tpu.memory_space<vmem>>) target_semaphore(%arg45 : memref<!tpu.dma_semaphore, #tpu.memory_space<semaphore_mem>>)
    %dma_start3A_107 = arith.constant 7 : i32
    %dma_start3A_108 = arith.constant 0 : i32
    %dma_start3A_109 = tpu.memref_slice %arg4[%arg0, %arg1, %dma_start3A_107, %dma_start3A_108] : memref<2x16x320x32xi32, #tpu.memory_space<hbm>> -> memref<1x1x1x32xi32, #tpu.memory_space<hbm>>
    %dma_start3A_110 = tpu.memref_squeeze %dma_start3A_109 : memref<1x1x1x32xi32, #tpu.memory_space<hbm>> -> memref<32xi32, #tpu.memory_space<hbm>>
    %dma_start3A_111 = arith.constant 0 : i32
    %dma_start3A_112 = tpu.memref_slice %arg4[%arg0, %arg1, %dma_start3A_107, %dma_start3A_111] : memref<2x16x320x32xi32, #tpu.memory_space<hbm>> -> memref<1x1x1x32xi32, #tpu.memory_space<hbm>>
    %dma_start3A_113 = tpu.memref_squeeze %dma_start3A_112 : memref<1x1x1x32xi32, #tpu.memory_space<hbm>> -> memref<32xi32, #tpu.memory_space<hbm>>
    tpu.enqueue_dma source(%dma_start3A_113 : memref<32xi32, #tpu.memory_space<hbm>>) target(%arg25 : memref<32xi32, #tpu.memory_space<vmem>>) target_semaphore(%arg55 : memref<!tpu.dma_semaphore, #tpu.memory_space<semaphore_mem>>)
    %dma_start3A_114 = arith.constant 8 : i32
    %dma_start3A_115 = arith.constant 0 : i32
    %dma_start3A_116 = tpu.memref_slice %arg3[%arg0, %arg1, %dma_start3A_114, %dma_start3A_115] : memref<2x16x320x32xi32, #tpu.memory_space<hbm>> -> memref<1x1x1x32xi32, #tpu.memory_space<hbm>>
    %dma_start3A_117 = tpu.memref_squeeze %dma_start3A_116 : memref<1x1x1x32xi32, #tpu.memory_space<hbm>> -> memref<32xi32, #tpu.memory_space<hbm>>
    %dma_start3A_118 = arith.constant 0 : i32
    %dma_start3A_119 = tpu.memref_slice %arg3[%arg0, %arg1, %dma_start3A_114, %dma_start3A_118] : memref<2x16x320x32xi32, #tpu.memory_space<hbm>> -> memref<1x1x1x32xi32, #tpu.memory_space<hbm>>
    %dma_start3A_120 = tpu.memref_squeeze %dma_start3A_119 : memref<1x1x1x32xi32, #tpu.memory_space<hbm>> -> memref<32xi32, #tpu.memory_space<hbm>>
    tpu.enqueue_dma source(%dma_start3A_120 : memref<32xi32, #tpu.memory_space<hbm>>) target(%arg16 : memref<32xi32, #tpu.memory_space<vmem>>) target_semaphore(%arg46 : memref<!tpu.dma_semaphore, #tpu.memory_space<semaphore_mem>>)
    %dma_start3A_121 = arith.constant 8 : i32
    %dma_start3A_122 = arith.constant 0 : i32
    %dma_start3A_123 = tpu.memref_slice %arg4[%arg0, %arg1, %dma_start3A_121, %dma_start3A_122] : memref<2x16x320x32xi32, #tpu.memory_space<hbm>> -> memref<1x1x1x32xi32, #tpu.memory_space<hbm>>
    %dma_start3A_124 = tpu.memref_squeeze %dma_start3A_123 : memref<1x1x1x32xi32, #tpu.memory_space<hbm>> -> memref<32xi32, #tpu.memory_space<hbm>>
    %dma_start3A_125 = arith.constant 0 : i32
    %dma_start3A_126 = tpu.memref_slice %arg4[%arg0, %arg1, %dma_start3A_121, %dma_start3A_125] : memref<2x16x320x32xi32, #tpu.memory_space<hbm>> -> memref<1x1x1x32xi32, #tpu.memory_space<hbm>>
    %dma_start3A_127 = tpu.memref_squeeze %dma_start3A_126 : memref<1x1x1x32xi32, #tpu.memory_space<hbm>> -> memref<32xi32, #tpu.memory_space<hbm>>
    tpu.enqueue_dma source(%dma_start3A_127 : memref<32xi32, #tpu.memory_space<hbm>>) target(%arg26 : memref<32xi32, #tpu.memory_space<vmem>>) target_semaphore(%arg56 : memref<!tpu.dma_semaphore, #tpu.memory_space<semaphore_mem>>)
    %dma_start3A_128 = arith.constant 9 : i32
    %dma_start3A_129 = arith.constant 0 : i32
    %dma_start3A_130 = tpu.memref_slice %arg3[%arg0, %arg1, %dma_start3A_128, %dma_start3A_129] : memref<2x16x320x32xi32, #tpu.memory_space<hbm>> -> memref<1x1x1x32xi32, #tpu.memory_space<hbm>>
    %dma_start3A_131 = tpu.memref_squeeze %dma_start3A_130 : memref<1x1x1x32xi32, #tpu.memory_space<hbm>> -> memref<32xi32, #tpu.memory_space<hbm>>
    %dma_start3A_132 = arith.constant 0 : i32
    %dma_start3A_133 = tpu.memref_slice %arg3[%arg0, %arg1, %dma_start3A_128, %dma_start3A_132] : memref<2x16x320x32xi32, #tpu.memory_space<hbm>> -> memref<1x1x1x32xi32, #tpu.memory_space<hbm>>
    %dma_start3A_134 = tpu.memref_squeeze %dma_start3A_133 : memref<1x1x1x32xi32, #tpu.memory_space<hbm>> -> memref<32xi32, #tpu.memory_space<hbm>>
    tpu.enqueue_dma source(%dma_start3A_134 : memref<32xi32, #tpu.memory_space<hbm>>) target(%arg17 : memref<32xi32, #tpu.memory_space<vmem>>) target_semaphore(%arg47 : memref<!tpu.dma_semaphore, #tpu.memory_space<semaphore_mem>>)
    %dma_start3A_135 = arith.constant 9 : i32
    %dma_start3A_136 = arith.constant 0 : i32
    %dma_start3A_137 = tpu.memref_slice %arg4[%arg0, %arg1, %dma_start3A_135, %dma_start3A_136] : memref<2x16x320x32xi32, #tpu.memory_space<hbm>> -> memref<1x1x1x32xi32, #tpu.memory_space<hbm>>
    %dma_start3A_138 = tpu.memref_squeeze %dma_start3A_137 : memref<1x1x1x32xi32, #tpu.memory_space<hbm>> -> memref<32xi32, #tpu.memory_space<hbm>>
    %dma_start3A_139 = arith.constant 0 : i32
    %dma_start3A_140 = tpu.memref_slice %arg4[%arg0, %arg1, %dma_start3A_135, %dma_start3A_139] : memref<2x16x320x32xi32, #tpu.memory_space<hbm>> -> memref<1x1x1x32xi32, #tpu.memory_space<hbm>>
    %dma_start3A_141 = tpu.memref_squeeze %dma_start3A_140 : memref<1x1x1x32xi32, #tpu.memory_space<hbm>> -> memref<32xi32, #tpu.memory_space<hbm>>
    tpu.enqueue_dma source(%dma_start3A_141 : memref<32xi32, #tpu.memory_space<hbm>>) target(%arg27 : memref<32xi32, #tpu.memory_space<vmem>>) target_semaphore(%arg57 : memref<!tpu.dma_semaphore, #tpu.memory_space<semaphore_mem>>)
    %dma_wait3A = arith.constant 0 : i32
    %dma_wait3A_142 = arith.constant 0 : i32
    %dma_wait3A_143 = tpu.memref_slice %arg3[%arg0, %arg1, %dma_wait3A, %dma_wait3A_142] : memref<2x16x320x32xi32, #tpu.memory_space<hbm>> -> memref<1x1x1x32xi32, #tpu.memory_space<hbm>>
    %dma_wait3A_144 = tpu.memref_squeeze %dma_wait3A_143 : memref<1x1x1x32xi32, #tpu.memory_space<hbm>> -> memref<32xi32, #tpu.memory_space<hbm>>
    %dma_wait3A_145 = arith.constant 0 : i32
    %dma_wait3A_146 = tpu.memref_slice %arg3[%arg0, %arg1, %dma_wait3A, %dma_wait3A_145] : memref<2x16x320x32xi32, #tpu.memory_space<hbm>> -> memref<1x1x1x32xi32, #tpu.memory_space<hbm>>
    %dma_wait3A_147 = tpu.memref_squeeze %dma_wait3A_146 : memref<1x1x1x32xi32, #tpu.memory_space<hbm>> -> memref<32xi32, #tpu.memory_space<hbm>>
    tpu.wait_dma2 semaphore(%arg38 : memref<!tpu.dma_semaphore, #tpu.memory_space<semaphore_mem>>) src(%dma_wait3A_147 : memref<32xi32, #tpu.memory_space<hbm>>) dst(%arg8 : memref<32xi32, #tpu.memory_space<vmem>>)
    %dma_start3A_148 = arith.constant 0 : i32
    %dma_start3A_149 = arith.constant 0 : i32
    %dma_start3A_150 = tpu.memref_slice %arg2[%dma_start3A_148, %dma_start3A_149] : memref<10000x128xf32, #tpu.memory_space<hbm>> -> memref<10000x128xf32, #tpu.memory_space<hbm>>
    tpu.enqueue_indirect_dma source(%dma_start3A_150 : memref<10000x128xf32, #tpu.memory_space<hbm>>) target(%arg28 : memref<32x128xf32, #tpu.memory_space<vmem>>) offsets(%arg8 : memref<32xi32, #tpu.memory_space<vmem>>) semaphore(%arg33 : memref<!tpu.dma_semaphore, #tpu.memory_space<semaphore_mem>>)
    %dma_wait3A_151 = arith.constant 0 : i32
    %dma_wait3A_152 = arith.constant 0 : i32
    %dma_wait3A_153 = tpu.memref_slice %arg3[%arg0, %arg1, %dma_wait3A_151, %dma_wait3A_152] : memref<2x16x320x32xi32, #tpu.memory_space<hbm>> -> memref<1x1x1x32xi32, #tpu.memory_space<hbm>>
    %dma_wait3A_154 = tpu.memref_squeeze %dma_wait3A_153 : memref<1x1x1x32xi32, #tpu.memory_space<hbm>> -> memref<32xi32, #tpu.memory_space<hbm>>
    %dma_wait3A_155 = arith.constant 0 : i32
    %dma_wait3A_156 = tpu.memref_slice %arg3[%arg0, %arg1, %dma_wait3A_151, %dma_wait3A_155] : memref<2x16x320x32xi32, #tpu.memory_space<hbm>> -> memref<1x1x1x32xi32, #tpu.memory_space<hbm>>
    %dma_wait3A_157 = tpu.memref_squeeze %dma_wait3A_156 : memref<1x1x1x32xi32, #tpu.memory_space<hbm>> -> memref<32xi32, #tpu.memory_space<hbm>>
    tpu.wait_dma2 semaphore(%arg39 : memref<!tpu.dma_semaphore, #tpu.memory_space<semaphore_mem>>) src(%dma_wait3A_157 : memref<32xi32, #tpu.memory_space<hbm>>) dst(%arg9 : memref<32xi32, #tpu.memory_space<vmem>>)
    %dma_start3A_158 = arith.constant 0 : i32
    %dma_start3A_159 = arith.constant 0 : i32
    %dma_start3A_160 = tpu.memref_slice %arg2[%dma_start3A_158, %dma_start3A_159] : memref<10000x128xf32, #tpu.memory_space<hbm>> -> memref<10000x128xf32, #tpu.memory_space<hbm>>
    tpu.enqueue_indirect_dma source(%dma_start3A_160 : memref<10000x128xf32, #tpu.memory_space<hbm>>) target(%arg29 : memref<32x128xf32, #tpu.memory_space<vmem>>) offsets(%arg9 : memref<32xi32, #tpu.memory_space<vmem>>) semaphore(%arg34 : memref<!tpu.dma_semaphore, #tpu.memory_space<semaphore_mem>>)
    %dma_wait3A_161 = arith.constant 0 : i32
    %dma_wait3A_162 = arith.constant 0 : i32
    %dma_wait3A_163 = tpu.memref_slice %arg3[%arg0, %arg1, %dma_wait3A_161, %dma_wait3A_162] : memref<2x16x320x32xi32, #tpu.memory_space<hbm>> -> memref<1x1x1x32xi32, #tpu.memory_space<hbm>>
    %dma_wait3A_164 = tpu.memref_squeeze %dma_wait3A_163 : memref<1x1x1x32xi32, #tpu.memory_space<hbm>> -> memref<32xi32, #tpu.memory_space<hbm>>
    %dma_wait3A_165 = arith.constant 0 : i32
    %dma_wait3A_166 = tpu.memref_slice %arg3[%arg0, %arg1, %dma_wait3A_161, %dma_wait3A_165] : memref<2x16x320x32xi32, #tpu.memory_space<hbm>> -> memref<1x1x1x32xi32, #tpu.memory_space<hbm>>
    %dma_wait3A_167 = tpu.memref_squeeze %dma_wait3A_166 : memref<1x1x1x32xi32, #tpu.memory_space<hbm>> -> memref<32xi32, #tpu.memory_space<hbm>>
    tpu.wait_dma2 semaphore(%arg40 : memref<!tpu.dma_semaphore, #tpu.memory_space<semaphore_mem>>) src(%dma_wait3A_167 : memref<32xi32, #tpu.memory_space<hbm>>) dst(%arg10 : memref<32xi32, #tpu.memory_space<vmem>>)
    %dma_start3A_168 = arith.constant 0 : i32
    %dma_start3A_169 = arith.constant 0 : i32
    %dma_start3A_170 = tpu.memref_slice %arg2[%dma_start3A_168, %dma_start3A_169] : memref<10000x128xf32, #tpu.memory_space<hbm>> -> memref<10000x128xf32, #tpu.memory_space<hbm>>
    tpu.enqueue_indirect_dma source(%dma_start3A_170 : memref<10000x128xf32, #tpu.memory_space<hbm>>) target(%arg30 : memref<32x128xf32, #tpu.memory_space<vmem>>) offsets(%arg10 : memref<32xi32, #tpu.memory_space<vmem>>) semaphore(%arg35 : memref<!tpu.dma_semaphore, #tpu.memory_space<semaphore_mem>>)
    %dma_wait3A_171 = arith.constant 0 : i32
    %dma_wait3A_172 = arith.constant 0 : i32
    %dma_wait3A_173 = tpu.memref_slice %arg3[%arg0, %arg1, %dma_wait3A_171, %dma_wait3A_172] : memref<2x16x320x32xi32, #tpu.memory_space<hbm>> -> memref<1x1x1x32xi32, #tpu.memory_space<hbm>>
    %dma_wait3A_174 = tpu.memref_squeeze %dma_wait3A_173 : memref<1x1x1x32xi32, #tpu.memory_space<hbm>> -> memref<32xi32, #tpu.memory_space<hbm>>
    %dma_wait3A_175 = arith.constant 0 : i32
    %dma_wait3A_176 = tpu.memref_slice %arg3[%arg0, %arg1, %dma_wait3A_171, %dma_wait3A_175] : memref<2x16x320x32xi32, #tpu.memory_space<hbm>> -> memref<1x1x1x32xi32, #tpu.memory_space<hbm>>
    %dma_wait3A_177 = tpu.memref_squeeze %dma_wait3A_176 : memref<1x1x1x32xi32, #tpu.memory_space<hbm>> -> memref<32xi32, #tpu.memory_space<hbm>>
    tpu.wait_dma2 semaphore(%arg41 : memref<!tpu.dma_semaphore, #tpu.memory_space<semaphore_mem>>) src(%dma_wait3A_177 : memref<32xi32, #tpu.memory_space<hbm>>) dst(%arg11 : memref<32xi32, #tpu.memory_space<vmem>>)
    %dma_start3A_178 = arith.constant 0 : i32
    %dma_start3A_179 = arith.constant 0 : i32
    %dma_start3A_180 = tpu.memref_slice %arg2[%dma_start3A_178, %dma_start3A_179] : memref<10000x128xf32, #tpu.memory_space<hbm>> -> memref<10000x128xf32, #tpu.memory_space<hbm>>
    tpu.enqueue_indirect_dma source(%dma_start3A_180 : memref<10000x128xf32, #tpu.memory_space<hbm>>) target(%arg31 : memref<32x128xf32, #tpu.memory_space<vmem>>) offsets(%arg11 : memref<32xi32, #tpu.memory_space<vmem>>) semaphore(%arg36 : memref<!tpu.dma_semaphore, #tpu.memory_space<semaphore_mem>>)
    %dma_wait3A_181 = arith.constant 0 : i32
    %dma_wait3A_182 = arith.constant 0 : i32
    %dma_wait3A_183 = tpu.memref_slice %arg3[%arg0, %arg1, %dma_wait3A_181, %dma_wait3A_182] : memref<2x16x320x32xi32, #tpu.memory_space<hbm>> -> memref<1x1x1x32xi32, #tpu.memory_space<hbm>>
    %dma_wait3A_184 = tpu.memref_squeeze %dma_wait3A_183 : memref<1x1x1x32xi32, #tpu.memory_space<hbm>> -> memref<32xi32, #tpu.memory_space<hbm>>
    %dma_wait3A_185 = arith.constant 0 : i32
    %dma_wait3A_186 = tpu.memref_slice %arg3[%arg0, %arg1, %dma_wait3A_181, %dma_wait3A_185] : memref<2x16x320x32xi32, #tpu.memory_space<hbm>> -> memref<1x1x1x32xi32, #tpu.memory_space<hbm>>
    %dma_wait3A_187 = tpu.memref_squeeze %dma_wait3A_186 : memref<1x1x1x32xi32, #tpu.memory_space<hbm>> -> memref<32xi32, #tpu.memory_space<hbm>>
    tpu.wait_dma2 semaphore(%arg42 : memref<!tpu.dma_semaphore, #tpu.memory_space<semaphore_mem>>) src(%dma_wait3A_187 : memref<32xi32, #tpu.memory_space<hbm>>) dst(%arg12 : memref<32xi32, #tpu.memory_space<vmem>>)
    %dma_start3A_188 = arith.constant 0 : i32
    %dma_start3A_189 = arith.constant 0 : i32
    %dma_start3A_190 = tpu.memref_slice %arg2[%dma_start3A_188, %dma_start3A_189] : memref<10000x128xf32, #tpu.memory_space<hbm>> -> memref<10000x128xf32, #tpu.memory_space<hbm>>
    tpu.enqueue_indirect_dma source(%dma_start3A_190 : memref<10000x128xf32, #tpu.memory_space<hbm>>) target(%arg32 : memref<32x128xf32, #tpu.memory_space<vmem>>) offsets(%arg12 : memref<32xi32, #tpu.memory_space<vmem>>) semaphore(%arg37 : memref<!tpu.dma_semaphore, #tpu.memory_space<semaphore_mem>>)
    %jit3A_191 = arith.constant 10 : i32
    %div3A = arith.divsi %select_n3A, %jit3A_191 : i32
    %sign3A = arith.constant 0 : i32
    %sign3A_192 = arith.cmpi sgt, %select_n3A, %sign3A : i32
    %sign3A_193 = arith.extui %sign3A_192 : i1 to i32
    %sign3A_194 = arith.constant 0 : i32
    %sign3A_195 = arith.cmpi slt, %select_n3A, %sign3A_194 : i32
    %sign3A_196 = arith.extui %sign3A_195 : i1 to i32
    %sign3A_197 = arith.subi %sign3A_193, %sign3A_196 : i32
    %sign3A_198 = arith.constant 0 : i32
    %sign3A_199 = arith.cmpi sgt, %jit3A_191, %sign3A_198 : i32
    %sign3A_200 = arith.extui %sign3A_199 : i1 to i32
    %sign3A_201 = arith.constant 0 : i32
    %sign3A_202 = arith.cmpi slt, %jit3A_191, %sign3A_201 : i32
    %sign3A_203 = arith.extui %sign3A_202 : i1 to i32
    %sign3A_204 = arith.subi %sign3A_200, %sign3A_203 : i32
    %ne3A = arith.cmpi ne, %sign3A_197, %sign3A_204 : i32
    %rem3A = arith.remsi %select_n3A, %jit3A_191 : i32
    %ne3A_205 = arith.constant 0 : i32
    %ne3A_206 = arith.cmpi ne, %rem3A, %ne3A_205 : i32
    %and3A = arith.andi %ne3A, %ne3A_206 : i1
    %sub3A = arith.constant 1 : i32
    %sub3A_207 = arith.subi %div3A, %sub3A : i32
    %select_n3A_208 = arith.select %and3A, %sub3A_207, %div3A : i32
    %sub3A_209 = arith.constant 0 : i32
    %sub3A_210 = arith.subi %select_n3A_208, %sub3A_209 : i32
    %sub3A_211 = arith.constant 1 : i32
    %sub3A_212 = arith.constant 1 : i32
    %sub3A_213 = arith.subi %sub3A_211, %sub3A_212 : i32
    %add3A = arith.addi %sub3A_210, %sub3A_213 : i32
    %div3A_214 = arith.constant 1 : i32
    %div3A_215 = arith.divsi %add3A, %div3A_214 : i32
    %while3A = arith.constant 1 : i32
    %while3A_216 = arith.constant 0 : i32
    %while3A_217 = arith.constant 0 : i32
    %while3A_218 = arith.subi %div3A_215, %while3A_217 : i32
    %while3A_219 = arith.addi %while3A_217, %while3A_218 : i32
    %while3A_220 = arith.constant 1 : i32
    %while3A_221 = arith.divsi %while3A_218, %while3A_220 : i32
    %while3A_222 = arith.muli %while3A_221, %while3A_220 : i32
    %while3A_223 = arith.addi %while3A_217, %while3A_222 : i32
    %while3A_224 = arith.constant 1 : i32
    scf.for %while3A_231 = %while3A_217 to %while3A_223 step %while3A_224  : i32 {
      %mul3A_232 = arith.muli %while3A_231, %while3A : i32
      %add3A_233 = arith.addi %while3A_216, %mul3A_232 : i32
      %mul3A_234 = arith.constant 10 : i32
      %mul3A_235 = arith.muli %add3A_233, %mul3A_234 : i32
      %add3A_236 = arith.constant 0 : i32
      %add3A_237 = arith.addi %mul3A_235, %add3A_236 : i32
      %dma_wait3A_238 = arith.constant 0 : i32
      %dma_wait3A_239 = arith.constant 0 : i32
      %dma_wait3A_240 = tpu.memref_slice %arg2[%dma_wait3A_238, %dma_wait3A_239] : memref<10000x128xf32, #tpu.memory_space<hbm>> -> memref<10000x128xf32, #tpu.memory_space<hbm>>
      tpu.wait_indirect_dma semaphore(%arg33 : memref<!tpu.dma_semaphore, #tpu.memory_space<semaphore_mem>>) src(%dma_wait3A_240 : memref<10000x128xf32, #tpu.memory_space<hbm>>) dst(%arg28 : memref<32x128xf32, #tpu.memory_space<vmem>>)
      %dma_wait3A_241 = arith.constant 0 : i32
      %dma_wait3A_242 = arith.constant 0 : i32
      %dma_wait3A_243 = tpu.memref_slice %arg4[%arg0, %arg1, %dma_wait3A_241, %dma_wait3A_242] : memref<2x16x320x32xi32, #tpu.memory_space<hbm>> -> memref<1x1x1x32xi32, #tpu.memory_space<hbm>>
      %dma_wait3A_244 = tpu.memref_squeeze %dma_wait3A_243 : memref<1x1x1x32xi32, #tpu.memory_space<hbm>> -> memref<32xi32, #tpu.memory_space<hbm>>
      %dma_wait3A_245 = arith.constant 0 : i32
      %dma_wait3A_246 = tpu.memref_slice %arg4[%arg0, %arg1, %dma_wait3A_241, %dma_wait3A_245] : memref<2x16x320x32xi32, #tpu.memory_space<hbm>> -> memref<1x1x1x32xi32, #tpu.memory_space<hbm>>
      %dma_wait3A_247 = tpu.memref_squeeze %dma_wait3A_246 : memref<1x1x1x32xi32, #tpu.memory_space<hbm>> -> memref<32xi32, #tpu.memory_space<hbm>>
      tpu.wait_dma2 semaphore(%arg48 : memref<!tpu.dma_semaphore, #tpu.memory_space<semaphore_mem>>) src(%dma_wait3A_247 : memref<32xi32, #tpu.memory_space<hbm>>) dst(%arg18 : memref<32xi32, #tpu.memory_space<vmem>>)
      "tpu.region"() ({
        %run_scoped3A = tpu.sem_alloc : memref<!tpu.dma_semaphore, #tpu.memory_space<semaphore_mem>>
        %dma_start3A_491 = arith.constant 0 : i32
        %dma_start3A_492 = arith.constant 0 : i32
        %dma_start3A_493 = tpu.memref_slice %arg7[%dma_start3A_491, %dma_start3A_492] : memref<10240x128xf32, #tpu.memory_space<vmem_shared>> -> memref<10240x128xf32, #tpu.memory_space<vmem_shared>>
        tpu.enqueue_indirect_dma source(%arg28 : memref<32x128xf32, #tpu.memory_space<vmem>>) target(%dma_start3A_493 : memref<10240x128xf32, #tpu.memory_space<vmem_shared>>) offsets(%arg18 : memref<32xi32, #tpu.memory_space<vmem>>) semaphore(%run_scoped3A : memref<!tpu.dma_semaphore, #tpu.memory_space<semaphore_mem>>) {add = true}
        %dma_wait3A_494 = arith.constant 0 : i32
        %dma_wait3A_495 = arith.constant 0 : i32
        %dma_wait3A_496 = tpu.memref_slice %arg7[%dma_wait3A_494, %dma_wait3A_495] : memref<10240x128xf32, #tpu.memory_space<vmem_shared>> -> memref<10240x128xf32, #tpu.memory_space<vmem_shared>>
        tpu.wait_indirect_dma semaphore(%run_scoped3A : memref<!tpu.dma_semaphore, #tpu.memory_space<semaphore_mem>>) src(%arg28 : memref<32x128xf32, #tpu.memory_space<vmem>>) dst(%dma_wait3A_496 : memref<10240x128xf32, #tpu.memory_space<vmem_shared>>)
        tpu.yield
      }) : () -> ()
      %add3A_248 = arith.constant 5 : i32
      %add3A_249 = arith.addi %add3A_237, %add3A_248 : i32
      %lt3A = arith.cmpi slt, %add3A_249, %select_n3A : i32
      %convert_element_type3A = arith.extui %lt3A : i1 to i32
      %cond3A = arith.constant 0 : i32
      %cond3A_250 = arith.cmpi ne, %convert_element_type3A, %cond3A : i32
      scf.if %cond3A_250 {
        %dma_wait3A_491 = arith.constant 0 : i32
        %dma_wait3A_492 = arith.constant 0 : i32
        %dma_wait3A_493 = tpu.memref_slice %arg3[%arg0, %arg1, %dma_wait3A_491, %dma_wait3A_492] : memref<2x16x320x32xi32, #tpu.memory_space<hbm>> -> memref<1x1x1x32xi32, #tpu.memory_space<hbm>>
        %dma_wait3A_494 = tpu.memref_squeeze %dma_wait3A_493 : memref<1x1x1x32xi32, #tpu.memory_space<hbm>> -> memref<32xi32, #tpu.memory_space<hbm>>
        %dma_wait3A_495 = arith.constant 0 : i32
        %dma_wait3A_496 = tpu.memref_slice %arg3[%arg0, %arg1, %dma_wait3A_491, %dma_wait3A_495] : memref<2x16x320x32xi32, #tpu.memory_space<hbm>> -> memref<1x1x1x32xi32, #tpu.memory_space<hbm>>
        %dma_wait3A_497 = tpu.memref_squeeze %dma_wait3A_496 : memref<1x1x1x32xi32, #tpu.memory_space<hbm>> -> memref<32xi32, #tpu.memory_space<hbm>>
        tpu.wait_dma2 semaphore(%arg43 : memref<!tpu.dma_semaphore, #tpu.memory_space<semaphore_mem>>) src(%dma_wait3A_497 : memref<32xi32, #tpu.memory_space<hbm>>) dst(%arg13 : memref<32xi32, #tpu.memory_space<vmem>>)
        %dma_start3A_498 = arith.constant 0 : i32
        %dma_start3A_499 = arith.constant 0 : i32
        %dma_start3A_500 = tpu.memref_slice %arg2[%dma_start3A_498, %dma_start3A_499] : memref<10000x128xf32, #tpu.memory_space<hbm>> -> memref<10000x128xf32, #tpu.memory_space<hbm>>
        tpu.enqueue_indirect_dma source(%dma_start3A_500 : memref<10000x128xf32, #tpu.memory_space<hbm>>) target(%arg28 : memref<32x128xf32, #tpu.memory_space<vmem>>) offsets(%arg13 : memref<32xi32, #tpu.memory_space<vmem>>) semaphore(%arg33 : memref<!tpu.dma_semaphore, #tpu.memory_space<semaphore_mem>>)
      } else {
      }
      %add3A_251 = arith.constant 10 : i32
      %add3A_252 = arith.addi %add3A_237, %add3A_251 : i32
      %lt3A_253 = arith.cmpi slt, %add3A_252, %select_n3A : i32
      %convert_element_type3A_254 = arith.extui %lt3A_253 : i1 to i32
      %cond3A_255 = arith.constant 0 : i32
      %cond3A_256 = arith.cmpi ne, %convert_element_type3A_254, %cond3A_255 : i32
      scf.if %cond3A_256 {
        %dma_start3A_491 = arith.constant 0 : i32
        %dma_start3A_492 = tpu.memref_slice %arg3[%arg0, %arg1, %add3A_252, %dma_start3A_491] : memref<2x16x320x32xi32, #tpu.memory_space<hbm>> -> memref<1x1x1x32xi32, #tpu.memory_space<hbm>>
        %dma_start3A_493 = tpu.memref_squeeze %dma_start3A_492 : memref<1x1x1x32xi32, #tpu.memory_space<hbm>> -> memref<32xi32, #tpu.memory_space<hbm>>
        %dma_start3A_494 = arith.constant 0 : i32
        %dma_start3A_495 = tpu.memref_slice %arg3[%arg0, %arg1, %add3A_252, %dma_start3A_494] : memref<2x16x320x32xi32, #tpu.memory_space<hbm>> -> memref<1x1x1x32xi32, #tpu.memory_space<hbm>>
        %dma_start3A_496 = tpu.memref_squeeze %dma_start3A_495 : memref<1x1x1x32xi32, #tpu.memory_space<hbm>> -> memref<32xi32, #tpu.memory_space<hbm>>
        tpu.enqueue_dma source(%dma_start3A_496 : memref<32xi32, #tpu.memory_space<hbm>>) target(%arg8 : memref<32xi32, #tpu.memory_space<vmem>>) target_semaphore(%arg38 : memref<!tpu.dma_semaphore, #tpu.memory_space<semaphore_mem>>)
        %dma_start3A_497 = arith.constant 0 : i32
        %dma_start3A_498 = tpu.memref_slice %arg4[%arg0, %arg1, %add3A_252, %dma_start3A_497] : memref<2x16x320x32xi32, #tpu.memory_space<hbm>> -> memref<1x1x1x32xi32, #tpu.memory_space<hbm>>
        %dma_start3A_499 = tpu.memref_squeeze %dma_start3A_498 : memref<1x1x1x32xi32, #tpu.memory_space<hbm>> -> memref<32xi32, #tpu.memory_space<hbm>>
        %dma_start3A_500 = arith.constant 0 : i32
        %dma_start3A_501 = tpu.memref_slice %arg4[%arg0, %arg1, %add3A_252, %dma_start3A_500] : memref<2x16x320x32xi32, #tpu.memory_space<hbm>> -> memref<1x1x1x32xi32, #tpu.memory_space<hbm>>
        %dma_start3A_502 = tpu.memref_squeeze %dma_start3A_501 : memref<1x1x1x32xi32, #tpu.memory_space<hbm>> -> memref<32xi32, #tpu.memory_space<hbm>>
        tpu.enqueue_dma source(%dma_start3A_502 : memref<32xi32, #tpu.memory_space<hbm>>) target(%arg18 : memref<32xi32, #tpu.memory_space<vmem>>) target_semaphore(%arg48 : memref<!tpu.dma_semaphore, #tpu.memory_space<semaphore_mem>>)
      } else {
      }
      %mul3A_257 = arith.constant 10 : i32
      %mul3A_258 = arith.muli %add3A_233, %mul3A_257 : i32
      %add3A_259 = arith.constant 1 : i32
      %add3A_260 = arith.addi %mul3A_258, %add3A_259 : i32
      %dma_wait3A_261 = arith.constant 0 : i32
      %dma_wait3A_262 = arith.constant 0 : i32
      %dma_wait3A_263 = tpu.memref_slice %arg2[%dma_wait3A_261, %dma_wait3A_262] : memref<10000x128xf32, #tpu.memory_space<hbm>> -> memref<10000x128xf32, #tpu.memory_space<hbm>>
      tpu.wait_indirect_dma semaphore(%arg34 : memref<!tpu.dma_semaphore, #tpu.memory_space<semaphore_mem>>) src(%dma_wait3A_263 : memref<10000x128xf32, #tpu.memory_space<hbm>>) dst(%arg29 : memref<32x128xf32, #tpu.memory_space<vmem>>)
      %dma_wait3A_264 = arith.constant 0 : i32
      %dma_wait3A_265 = arith.constant 0 : i32
      %dma_wait3A_266 = tpu.memref_slice %arg4[%arg0, %arg1, %dma_wait3A_264, %dma_wait3A_265] : memref<2x16x320x32xi32, #tpu.memory_space<hbm>> -> memref<1x1x1x32xi32, #tpu.memory_space<hbm>>
      %dma_wait3A_267 = tpu.memref_squeeze %dma_wait3A_266 : memref<1x1x1x32xi32, #tpu.memory_space<hbm>> -> memref<32xi32, #tpu.memory_space<hbm>>
      %dma_wait3A_268 = arith.constant 0 : i32
      %dma_wait3A_269 = tpu.memref_slice %arg4[%arg0, %arg1, %dma_wait3A_264, %dma_wait3A_268] : memref<2x16x320x32xi32, #tpu.memory_space<hbm>> -> memref<1x1x1x32xi32, #tpu.memory_space<hbm>>
      %dma_wait3A_270 = tpu.memref_squeeze %dma_wait3A_269 : memref<1x1x1x32xi32, #tpu.memory_space<hbm>> -> memref<32xi32, #tpu.memory_space<hbm>>
      tpu.wait_dma2 semaphore(%arg49 : memref<!tpu.dma_semaphore, #tpu.memory_space<semaphore_mem>>) src(%dma_wait3A_270 : memref<32xi32, #tpu.memory_space<hbm>>) dst(%arg19 : memref<32xi32, #tpu.memory_space<vmem>>)
      "tpu.region"() ({
        %run_scoped3A = tpu.sem_alloc : memref<!tpu.dma_semaphore, #tpu.memory_space<semaphore_mem>>
        %dma_start3A_491 = arith.constant 0 : i32
        %dma_start3A_492 = arith.constant 0 : i32
        %dma_start3A_493 = tpu.memref_slice %arg7[%dma_start3A_491, %dma_start3A_492] : memref<10240x128xf32, #tpu.memory_space<vmem_shared>> -> memref<10240x128xf32, #tpu.memory_space<vmem_shared>>
        tpu.enqueue_indirect_dma source(%arg29 : memref<32x128xf32, #tpu.memory_space<vmem>>) target(%dma_start3A_493 : memref<10240x128xf32, #tpu.memory_space<vmem_shared>>) offsets(%arg19 : memref<32xi32, #tpu.memory_space<vmem>>) semaphore(%run_scoped3A : memref<!tpu.dma_semaphore, #tpu.memory_space<semaphore_mem>>) {add = true}
        %dma_wait3A_494 = arith.constant 0 : i32
        %dma_wait3A_495 = arith.constant 0 : i32
        %dma_wait3A_496 = tpu.memref_slice %arg7[%dma_wait3A_494, %dma_wait3A_495] : memref<10240x128xf32, #tpu.memory_space<vmem_shared>> -> memref<10240x128xf32, #tpu.memory_space<vmem_shared>>
        tpu.wait_indirect_dma semaphore(%run_scoped3A : memref<!tpu.dma_semaphore, #tpu.memory_space<semaphore_mem>>) src(%arg29 : memref<32x128xf32, #tpu.memory_space<vmem>>) dst(%dma_wait3A_496 : memref<10240x128xf32, #tpu.memory_space<vmem_shared>>)
        tpu.yield
      }) : () -> ()
      %add3A_271 = arith.constant 5 : i32
      %add3A_272 = arith.addi %add3A_260, %add3A_271 : i32
      %lt3A_273 = arith.cmpi slt, %add3A_272, %select_n3A : i32
      %convert_element_type3A_274 = arith.extui %lt3A_273 : i1 to i32
      %cond3A_275 = arith.constant 0 : i32
      %cond3A_276 = arith.cmpi ne, %convert_element_type3A_274, %cond3A_275 : i32
      scf.if %cond3A_276 {
        %dma_wait3A_491 = arith.constant 0 : i32
        %dma_wait3A_492 = arith.constant 0 : i32
        %dma_wait3A_493 = tpu.memref_slice %arg3[%arg0, %arg1, %dma_wait3A_491, %dma_wait3A_492] : memref<2x16x320x32xi32, #tpu.memory_space<hbm>> -> memref<1x1x1x32xi32, #tpu.memory_space<hbm>>
        %dma_wait3A_494 = tpu.memref_squeeze %dma_wait3A_493 : memref<1x1x1x32xi32, #tpu.memory_space<hbm>> -> memref<32xi32, #tpu.memory_space<hbm>>
        %dma_wait3A_495 = arith.constant 0 : i32
        %dma_wait3A_496 = tpu.memref_slice %arg3[%arg0, %arg1, %dma_wait3A_491, %dma_wait3A_495] : memref<2x16x320x32xi32, #tpu.memory_space<hbm>> -> memref<1x1x1x32xi32, #tpu.memory_space<hbm>>
        %dma_wait3A_497 = tpu.memref_squeeze %dma_wait3A_496 : memref<1x1x1x32xi32, #tpu.memory_space<hbm>> -> memref<32xi32, #tpu.memory_space<hbm>>
        tpu.wait_dma2 semaphore(%arg44 : memref<!tpu.dma_semaphore, #tpu.memory_space<semaphore_mem>>) src(%dma_wait3A_497 : memref<32xi32, #tpu.memory_space<hbm>>) dst(%arg14 : memref<32xi32, #tpu.memory_space<vmem>>)
        %dma_start3A_498 = arith.constant 0 : i32
        %dma_start3A_499 = arith.constant 0 : i32
        %dma_start3A_500 = tpu.memref_slice %arg2[%dma_start3A_498, %dma_start3A_499] : memref<10000x128xf32, #tpu.memory_space<hbm>> -> memref<10000x128xf32, #tpu.memory_space<hbm>>
        tpu.enqueue_indirect_dma source(%dma_start3A_500 : memref<10000x128xf32, #tpu.memory_space<hbm>>) target(%arg29 : memref<32x128xf32, #tpu.memory_space<vmem>>) offsets(%arg14 : memref<32xi32, #tpu.memory_space<vmem>>) semaphore(%arg34 : memref<!tpu.dma_semaphore, #tpu.memory_space<semaphore_mem>>)
      } else {
      }
      %add3A_277 = arith.constant 10 : i32
      %add3A_278 = arith.addi %add3A_260, %add3A_277 : i32
      %lt3A_279 = arith.cmpi slt, %add3A_278, %select_n3A : i32
      %convert_element_type3A_280 = arith.extui %lt3A_279 : i1 to i32
      %cond3A_281 = arith.constant 0 : i32
      %cond3A_282 = arith.cmpi ne, %convert_element_type3A_280, %cond3A_281 : i32
      scf.if %cond3A_282 {
        %dma_start3A_491 = arith.constant 0 : i32
        %dma_start3A_492 = tpu.memref_slice %arg3[%arg0, %arg1, %add3A_278, %dma_start3A_491] : memref<2x16x320x32xi32, #tpu.memory_space<hbm>> -> memref<1x1x1x32xi32, #tpu.memory_space<hbm>>
        %dma_start3A_493 = tpu.memref_squeeze %dma_start3A_492 : memref<1x1x1x32xi32, #tpu.memory_space<hbm>> -> memref<32xi32, #tpu.memory_space<hbm>>
        %dma_start3A_494 = arith.constant 0 : i32
        %dma_start3A_495 = tpu.memref_slice %arg3[%arg0, %arg1, %add3A_278, %dma_start3A_494] : memref<2x16x320x32xi32, #tpu.memory_space<hbm>> -> memref<1x1x1x32xi32, #tpu.memory_space<hbm>>
        %dma_start3A_496 = tpu.memref_squeeze %dma_start3A_495 : memref<1x1x1x32xi32, #tpu.memory_space<hbm>> -> memref<32xi32, #tpu.memory_space<hbm>>
        tpu.enqueue_dma source(%dma_start3A_496 : memref<32xi32, #tpu.memory_space<hbm>>) target(%arg9 : memref<32xi32, #tpu.memory_space<vmem>>) target_semaphore(%arg39 : memref<!tpu.dma_semaphore, #tpu.memory_space<semaphore_mem>>)
        %dma_start3A_497 = arith.constant 0 : i32
        %dma_start3A_498 = tpu.memref_slice %arg4[%arg0, %arg1, %add3A_278, %dma_start3A_497] : memref<2x16x320x32xi32, #tpu.memory_space<hbm>> -> memref<1x1x1x32xi32, #tpu.memory_space<hbm>>
        %dma_start3A_499 = tpu.memref_squeeze %dma_start3A_498 : memref<1x1x1x32xi32, #tpu.memory_space<hbm>> -> memref<32xi32, #tpu.memory_space<hbm>>
        %dma_start3A_500 = arith.constant 0 : i32
        %dma_start3A_501 = tpu.memref_slice %arg4[%arg0, %arg1, %add3A_278, %dma_start3A_500] : memref<2x16x320x32xi32, #tpu.memory_space<hbm>> -> memref<1x1x1x32xi32, #tpu.memory_space<hbm>>
        %dma_start3A_502 = tpu.memref_squeeze %dma_start3A_501 : memref<1x1x1x32xi32, #tpu.memory_space<hbm>> -> memref<32xi32, #tpu.memory_space<hbm>>
        tpu.enqueue_dma source(%dma_start3A_502 : memref<32xi32, #tpu.memory_space<hbm>>) target(%arg19 : memref<32xi32, #tpu.memory_space<vmem>>) target_semaphore(%arg49 : memref<!tpu.dma_semaphore, #tpu.memory_space<semaphore_mem>>)
      } else {
      }
      %mul3A_283 = arith.constant 10 : i32
      %mul3A_284 = arith.muli %add3A_233, %mul3A_283 : i32
      %add3A_285 = arith.constant 2 : i32
      %add3A_286 = arith.addi %mul3A_284, %add3A_285 : i32
      %dma_wait3A_287 = arith.constant 0 : i32
      %dma_wait3A_288 = arith.constant 0 : i32
      %dma_wait3A_289 = tpu.memref_slice %arg2[%dma_wait3A_287, %dma_wait3A_288] : memref<10000x128xf32, #tpu.memory_space<hbm>> -> memref<10000x128xf32, #tpu.memory_space<hbm>>
      tpu.wait_indirect_dma semaphore(%arg35 : memref<!tpu.dma_semaphore, #tpu.memory_space<semaphore_mem>>) src(%dma_wait3A_289 : memref<10000x128xf32, #tpu.memory_space<hbm>>) dst(%arg30 : memref<32x128xf32, #tpu.memory_space<vmem>>)
      %dma_wait3A_290 = arith.constant 0 : i32
      %dma_wait3A_291 = arith.constant 0 : i32
      %dma_wait3A_292 = tpu.memref_slice %arg4[%arg0, %arg1, %dma_wait3A_290, %dma_wait3A_291] : memref<2x16x320x32xi32, #tpu.memory_space<hbm>> -> memref<1x1x1x32xi32, #tpu.memory_space<hbm>>
      %dma_wait3A_293 = tpu.memref_squeeze %dma_wait3A_292 : memref<1x1x1x32xi32, #tpu.memory_space<hbm>> -> memref<32xi32, #tpu.memory_space<hbm>>
      %dma_wait3A_294 = arith.constant 0 : i32
      %dma_wait3A_295 = tpu.memref_slice %arg4[%arg0, %arg1, %dma_wait3A_290, %dma_wait3A_294] : memref<2x16x320x32xi32, #tpu.memory_space<hbm>> -> memref<1x1x1x32xi32, #tpu.memory_space<hbm>>
      %dma_wait3A_296 = tpu.memref_squeeze %dma_wait3A_295 : memref<1x1x1x32xi32, #tpu.memory_space<hbm>> -> memref<32xi32, #tpu.memory_space<hbm>>
      tpu.wait_dma2 semaphore(%arg50 : memref<!tpu.dma_semaphore, #tpu.memory_space<semaphore_mem>>) src(%dma_wait3A_296 : memref<32xi32, #tpu.memory_space<hbm>>) dst(%arg20 : memref<32xi32, #tpu.memory_space<vmem>>)
      "tpu.region"() ({
        %run_scoped3A = tpu.sem_alloc : memref<!tpu.dma_semaphore, #tpu.memory_space<semaphore_mem>>
        %dma_start3A_491 = arith.constant 0 : i32
        %dma_start3A_492 = arith.constant 0 : i32
        %dma_start3A_493 = tpu.memref_slice %arg7[%dma_start3A_491, %dma_start3A_492] : memref<10240x128xf32, #tpu.memory_space<vmem_shared>> -> memref<10240x128xf32, #tpu.memory_space<vmem_shared>>
        tpu.enqueue_indirect_dma source(%arg30 : memref<32x128xf32, #tpu.memory_space<vmem>>) target(%dma_start3A_493 : memref<10240x128xf32, #tpu.memory_space<vmem_shared>>) offsets(%arg20 : memref<32xi32, #tpu.memory_space<vmem>>) semaphore(%run_scoped3A : memref<!tpu.dma_semaphore, #tpu.memory_space<semaphore_mem>>) {add = true}
        %dma_wait3A_494 = arith.constant 0 : i32
        %dma_wait3A_495 = arith.constant 0 : i32
        %dma_wait3A_496 = tpu.memref_slice %arg7[%dma_wait3A_494, %dma_wait3A_495] : memref<10240x128xf32, #tpu.memory_space<vmem_shared>> -> memref<10240x128xf32, #tpu.memory_space<vmem_shared>>
        tpu.wait_indirect_dma semaphore(%run_scoped3A : memref<!tpu.dma_semaphore, #tpu.memory_space<semaphore_mem>>) src(%arg30 : memref<32x128xf32, #tpu.memory_space<vmem>>) dst(%dma_wait3A_496 : memref<10240x128xf32, #tpu.memory_space<vmem_shared>>)
        tpu.yield
      }) : () -> ()
      %add3A_297 = arith.constant 5 : i32
      %add3A_298 = arith.addi %add3A_286, %add3A_297 : i32
      %lt3A_299 = arith.cmpi slt, %add3A_298, %select_n3A : i32
      %convert_element_type3A_300 = arith.extui %lt3A_299 : i1 to i32
      %cond3A_301 = arith.constant 0 : i32
      %cond3A_302 = arith.cmpi ne, %convert_element_type3A_300, %cond3A_301 : i32
      scf.if %cond3A_302 {
        %dma_wait3A_491 = arith.constant 0 : i32
        %dma_wait3A_492 = arith.constant 0 : i32
        %dma_wait3A_493 = tpu.memref_slice %arg3[%arg0, %arg1, %dma_wait3A_491, %dma_wait3A_492] : memref<2x16x320x32xi32, #tpu.memory_space<hbm>> -> memref<1x1x1x32xi32, #tpu.memory_space<hbm>>
        %dma_wait3A_494 = tpu.memref_squeeze %dma_wait3A_493 : memref<1x1x1x32xi32, #tpu.memory_space<hbm>> -> memref<32xi32, #tpu.memory_space<hbm>>
        %dma_wait3A_495 = arith.constant 0 : i32
        %dma_wait3A_496 = tpu.memref_slice %arg3[%arg0, %arg1, %dma_wait3A_491, %dma_wait3A_495] : memref<2x16x320x32xi32, #tpu.memory_space<hbm>> -> memref<1x1x1x32xi32, #tpu.memory_space<hbm>>
        %dma_wait3A_497 = tpu.memref_squeeze %dma_wait3A_496 : memref<1x1x1x32xi32, #tpu.memory_space<hbm>> -> memref<32xi32, #tpu.memory_space<hbm>>
        tpu.wait_dma2 semaphore(%arg45 : memref<!tpu.dma_semaphore, #tpu.memory_space<semaphore_mem>>) src(%dma_wait3A_497 : memref<32xi32, #tpu.memory_space<hbm>>) dst(%arg15 : memref<32xi32, #tpu.memory_space<vmem>>)
        %dma_start3A_498 = arith.constant 0 : i32
        %dma_start3A_499 = arith.constant 0 : i32
        %dma_start3A_500 = tpu.memref_slice %arg2[%dma_start3A_498, %dma_start3A_499] : memref<10000x128xf32, #tpu.memory_space<hbm>> -> memref<10000x128xf32, #tpu.memory_space<hbm>>
        tpu.enqueue_indirect_dma source(%dma_start3A_500 : memref<10000x128xf32, #tpu.memory_space<hbm>>) target(%arg30 : memref<32x128xf32, #tpu.memory_space<vmem>>) offsets(%arg15 : memref<32xi32, #tpu.memory_space<vmem>>) semaphore(%arg35 : memref<!tpu.dma_semaphore, #tpu.memory_space<semaphore_mem>>)
      } else {
      }
      %add3A_303 = arith.constant 10 : i32
      %add3A_304 = arith.addi %add3A_286, %add3A_303 : i32
      %lt3A_305 = arith.cmpi slt, %add3A_304, %select_n3A : i32
      %convert_element_type3A_306 = arith.extui %lt3A_305 : i1 to i32
      %cond3A_307 = arith.constant 0 : i32
      %cond3A_308 = arith.cmpi ne, %convert_element_type3A_306, %cond3A_307 : i32
      scf.if %cond3A_308 {
        %dma_start3A_491 = arith.constant 0 : i32
        %dma_start3A_492 = tpu.memref_slice %arg3[%arg0, %arg1, %add3A_304, %dma_start3A_491] : memref<2x16x320x32xi32, #tpu.memory_space<hbm>> -> memref<1x1x1x32xi32, #tpu.memory_space<hbm>>
        %dma_start3A_493 = tpu.memref_squeeze %dma_start3A_492 : memref<1x1x1x32xi32, #tpu.memory_space<hbm>> -> memref<32xi32, #tpu.memory_space<hbm>>
        %dma_start3A_494 = arith.constant 0 : i32
        %dma_start3A_495 = tpu.memref_slice %arg3[%arg0, %arg1, %add3A_304, %dma_start3A_494] : memref<2x16x320x32xi32, #tpu.memory_space<hbm>> -> memref<1x1x1x32xi32, #tpu.memory_space<hbm>>
        %dma_start3A_496 = tpu.memref_squeeze %dma_start3A_495 : memref<1x1x1x32xi32, #tpu.memory_space<hbm>> -> memref<32xi32, #tpu.memory_space<hbm>>
        tpu.enqueue_dma source(%dma_start3A_496 : memref<32xi32, #tpu.memory_space<hbm>>) target(%arg10 : memref<32xi32, #tpu.memory_space<vmem>>) target_semaphore(%arg40 : memref<!tpu.dma_semaphore, #tpu.memory_space<semaphore_mem>>)
        %dma_start3A_497 = arith.constant 0 : i32
        %dma_start3A_498 = tpu.memref_slice %arg4[%arg0, %arg1, %add3A_304, %dma_start3A_497] : memref<2x16x320x32xi32, #tpu.memory_space<hbm>> -> memref<1x1x1x32xi32, #tpu.memory_space<hbm>>
        %dma_start3A_499 = tpu.memref_squeeze %dma_start3A_498 : memref<1x1x1x32xi32, #tpu.memory_space<hbm>> -> memref<32xi32, #tpu.memory_space<hbm>>
        %dma_start3A_500 = arith.constant 0 : i32
        %dma_start3A_501 = tpu.memref_slice %arg4[%arg0, %arg1, %add3A_304, %dma_start3A_500] : memref<2x16x320x32xi32, #tpu.memory_space<hbm>> -> memref<1x1x1x32xi32, #tpu.memory_space<hbm>>
        %dma_start3A_502 = tpu.memref_squeeze %dma_start3A_501 : memref<1x1x1x32xi32, #tpu.memory_space<hbm>> -> memref<32xi32, #tpu.memory_space<hbm>>
        tpu.enqueue_dma source(%dma_start3A_502 : memref<32xi32, #tpu.memory_space<hbm>>) target(%arg20 : memref<32xi32, #tpu.memory_space<vmem>>) target_semaphore(%arg50 : memref<!tpu.dma_semaphore, #tpu.memory_space<semaphore_mem>>)
      } else {
      }
      %mul3A_309 = arith.constant 10 : i32
      %mul3A_310 = arith.muli %add3A_233, %mul3A_309 : i32
      %add3A_311 = arith.constant 3 : i32
      %add3A_312 = arith.addi %mul3A_310, %add3A_311 : i32
      %dma_wait3A_313 = arith.constant 0 : i32
      %dma_wait3A_314 = arith.constant 0 : i32
      %dma_wait3A_315 = tpu.memref_slice %arg2[%dma_wait3A_313, %dma_wait3A_314] : memref<10000x128xf32, #tpu.memory_space<hbm>> -> memref<10000x128xf32, #tpu.memory_space<hbm>>
      tpu.wait_indirect_dma semaphore(%arg36 : memref<!tpu.dma_semaphore, #tpu.memory_space<semaphore_mem>>) src(%dma_wait3A_315 : memref<10000x128xf32, #tpu.memory_space<hbm>>) dst(%arg31 : memref<32x128xf32, #tpu.memory_space<vmem>>)
      %dma_wait3A_316 = arith.constant 0 : i32
      %dma_wait3A_317 = arith.constant 0 : i32
      %dma_wait3A_318 = tpu.memref_slice %arg4[%arg0, %arg1, %dma_wait3A_316, %dma_wait3A_317] : memref<2x16x320x32xi32, #tpu.memory_space<hbm>> -> memref<1x1x1x32xi32, #tpu.memory_space<hbm>>
      %dma_wait3A_319 = tpu.memref_squeeze %dma_wait3A_318 : memref<1x1x1x32xi32, #tpu.memory_space<hbm>> -> memref<32xi32, #tpu.memory_space<hbm>>
      %dma_wait3A_320 = arith.constant 0 : i32
      %dma_wait3A_321 = tpu.memref_slice %arg4[%arg0, %arg1, %dma_wait3A_316, %dma_wait3A_320] : memref<2x16x320x32xi32, #tpu.memory_space<hbm>> -> memref<1x1x1x32xi32, #tpu.memory_space<hbm>>
      %dma_wait3A_322 = tpu.memref_squeeze %dma_wait3A_321 : memref<1x1x1x32xi32, #tpu.memory_space<hbm>> -> memref<32xi32, #tpu.memory_space<hbm>>
      tpu.wait_dma2 semaphore(%arg51 : memref<!tpu.dma_semaphore, #tpu.memory_space<semaphore_mem>>) src(%dma_wait3A_322 : memref<32xi32, #tpu.memory_space<hbm>>) dst(%arg21 : memref<32xi32, #tpu.memory_space<vmem>>)
      "tpu.region"() ({
        %run_scoped3A = tpu.sem_alloc : memref<!tpu.dma_semaphore, #tpu.memory_space<semaphore_mem>>
        %dma_start3A_491 = arith.constant 0 : i32
        %dma_start3A_492 = arith.constant 0 : i32
        %dma_start3A_493 = tpu.memref_slice %arg7[%dma_start3A_491, %dma_start3A_492] : memref<10240x128xf32, #tpu.memory_space<vmem_shared>> -> memref<10240x128xf32, #tpu.memory_space<vmem_shared>>
        tpu.enqueue_indirect_dma source(%arg31 : memref<32x128xf32, #tpu.memory_space<vmem>>) target(%dma_start3A_493 : memref<10240x128xf32, #tpu.memory_space<vmem_shared>>) offsets(%arg21 : memref<32xi32, #tpu.memory_space<vmem>>) semaphore(%run_scoped3A : memref<!tpu.dma_semaphore, #tpu.memory_space<semaphore_mem>>) {add = true}
        %dma_wait3A_494 = arith.constant 0 : i32
        %dma_wait3A_495 = arith.constant 0 : i32
        %dma_wait3A_496 = tpu.memref_slice %arg7[%dma_wait3A_494, %dma_wait3A_495] : memref<10240x128xf32, #tpu.memory_space<vmem_shared>> -> memref<10240x128xf32, #tpu.memory_space<vmem_shared>>
        tpu.wait_indirect_dma semaphore(%run_scoped3A : memref<!tpu.dma_semaphore, #tpu.memory_space<semaphore_mem>>) src(%arg31 : memref<32x128xf32, #tpu.memory_space<vmem>>) dst(%dma_wait3A_496 : memref<10240x128xf32, #tpu.memory_space<vmem_shared>>)
        tpu.yield
      }) : () -> ()
      %add3A_323 = arith.constant 5 : i32
      %add3A_324 = arith.addi %add3A_312, %add3A_323 : i32
      %lt3A_325 = arith.cmpi slt, %add3A_324, %select_n3A : i32
      %convert_element_type3A_326 = arith.extui %lt3A_325 : i1 to i32
      %cond3A_327 = arith.constant 0 : i32
      %cond3A_328 = arith.cmpi ne, %convert_element_type3A_326, %cond3A_327 : i32
      scf.if %cond3A_328 {
        %dma_wait3A_491 = arith.constant 0 : i32
        %dma_wait3A_492 = arith.constant 0 : i32
        %dma_wait3A_493 = tpu.memref_slice %arg3[%arg0, %arg1, %dma_wait3A_491, %dma_wait3A_492] : memref<2x16x320x32xi32, #tpu.memory_space<hbm>> -> memref<1x1x1x32xi32, #tpu.memory_space<hbm>>
        %dma_wait3A_494 = tpu.memref_squeeze %dma_wait3A_493 : memref<1x1x1x32xi32, #tpu.memory_space<hbm>> -> memref<32xi32, #tpu.memory_space<hbm>>
        %dma_wait3A_495 = arith.constant 0 : i32
        %dma_wait3A_496 = tpu.memref_slice %arg3[%arg0, %arg1, %dma_wait3A_491, %dma_wait3A_495] : memref<2x16x320x32xi32, #tpu.memory_space<hbm>> -> memref<1x1x1x32xi32, #tpu.memory_space<hbm>>
        %dma_wait3A_497 = tpu.memref_squeeze %dma_wait3A_496 : memref<1x1x1x32xi32, #tpu.memory_space<hbm>> -> memref<32xi32, #tpu.memory_space<hbm>>
        tpu.wait_dma2 semaphore(%arg46 : memref<!tpu.dma_semaphore, #tpu.memory_space<semaphore_mem>>) src(%dma_wait3A_497 : memref<32xi32, #tpu.memory_space<hbm>>) dst(%arg16 : memref<32xi32, #tpu.memory_space<vmem>>)
        %dma_start3A_498 = arith.constant 0 : i32
        %dma_start3A_499 = arith.constant 0 : i32
        %dma_start3A_500 = tpu.memref_slice %arg2[%dma_start3A_498, %dma_start3A_499] : memref<10000x128xf32, #tpu.memory_space<hbm>> -> memref<10000x128xf32, #tpu.memory_space<hbm>>
        tpu.enqueue_indirect_dma source(%dma_start3A_500 : memref<10000x128xf32, #tpu.memory_space<hbm>>) target(%arg31 : memref<32x128xf32, #tpu.memory_space<vmem>>) offsets(%arg16 : memref<32xi32, #tpu.memory_space<vmem>>) semaphore(%arg36 : memref<!tpu.dma_semaphore, #tpu.memory_space<semaphore_mem>>)
      } else {
      }
      %add3A_329 = arith.constant 10 : i32
      %add3A_330 = arith.addi %add3A_312, %add3A_329 : i32
      %lt3A_331 = arith.cmpi slt, %add3A_330, %select_n3A : i32
      %convert_element_type3A_332 = arith.extui %lt3A_331 : i1 to i32
      %cond3A_333 = arith.constant 0 : i32
      %cond3A_334 = arith.cmpi ne, %convert_element_type3A_332, %cond3A_333 : i32
      scf.if %cond3A_334 {
        %dma_start3A_491 = arith.constant 0 : i32
        %dma_start3A_492 = tpu.memref_slice %arg3[%arg0, %arg1, %add3A_330, %dma_start3A_491] : memref<2x16x320x32xi32, #tpu.memory_space<hbm>> -> memref<1x1x1x32xi32, #tpu.memory_space<hbm>>
        %dma_start3A_493 = tpu.memref_squeeze %dma_start3A_492 : memref<1x1x1x32xi32, #tpu.memory_space<hbm>> -> memref<32xi32, #tpu.memory_space<hbm>>
        %dma_start3A_494 = arith.constant 0 : i32
        %dma_start3A_495 = tpu.memref_slice %arg3[%arg0, %arg1, %add3A_330, %dma_start3A_494] : memref<2x16x320x32xi32, #tpu.memory_space<hbm>> -> memref<1x1x1x32xi32, #tpu.memory_space<hbm>>
        %dma_start3A_496 = tpu.memref_squeeze %dma_start3A_495 : memref<1x1x1x32xi32, #tpu.memory_space<hbm>> -> memref<32xi32, #tpu.memory_space<hbm>>
        tpu.enqueue_dma source(%dma_start3A_496 : memref<32xi32, #tpu.memory_space<hbm>>) target(%arg11 : memref<32xi32, #tpu.memory_space<vmem>>) target_semaphore(%arg41 : memref<!tpu.dma_semaphore, #tpu.memory_space<semaphore_mem>>)
        %dma_start3A_497 = arith.constant 0 : i32
        %dma_start3A_498 = tpu.memref_slice %arg4[%arg0, %arg1, %add3A_330, %dma_start3A_497] : memref<2x16x320x32xi32, #tpu.memory_space<hbm>> -> memref<1x1x1x32xi32, #tpu.memory_space<hbm>>
        %dma_start3A_499 = tpu.memref_squeeze %dma_start3A_498 : memref<1x1x1x32xi32, #tpu.memory_space<hbm>> -> memref<32xi32, #tpu.memory_space<hbm>>
        %dma_start3A_500 = arith.constant 0 : i32
        %dma_start3A_501 = tpu.memref_slice %arg4[%arg0, %arg1, %add3A_330, %dma_start3A_500] : memref<2x16x320x32xi32, #tpu.memory_space<hbm>> -> memref<1x1x1x32xi32, #tpu.memory_space<hbm>>
        %dma_start3A_502 = tpu.memref_squeeze %dma_start3A_501 : memref<1x1x1x32xi32, #tpu.memory_space<hbm>> -> memref<32xi32, #tpu.memory_space<hbm>>
        tpu.enqueue_dma source(%dma_start3A_502 : memref<32xi32, #tpu.memory_space<hbm>>) target(%arg21 : memref<32xi32, #tpu.memory_space<vmem>>) target_semaphore(%arg51 : memref<!tpu.dma_semaphore, #tpu.memory_space<semaphore_mem>>)
      } else {
      }
      %mul3A_335 = arith.constant 10 : i32
      %mul3A_336 = arith.muli %add3A_233, %mul3A_335 : i32
      %add3A_337 = arith.constant 4 : i32
      %add3A_338 = arith.addi %mul3A_336, %add3A_337 : i32
      %dma_wait3A_339 = arith.constant 0 : i32
      %dma_wait3A_340 = arith.constant 0 : i32
      %dma_wait3A_341 = tpu.memref_slice %arg2[%dma_wait3A_339, %dma_wait3A_340] : memref<10000x128xf32, #tpu.memory_space<hbm>> -> memref<10000x128xf32, #tpu.memory_space<hbm>>
      tpu.wait_indirect_dma semaphore(%arg37 : memref<!tpu.dma_semaphore, #tpu.memory_space<semaphore_mem>>) src(%dma_wait3A_341 : memref<10000x128xf32, #tpu.memory_space<hbm>>) dst(%arg32 : memref<32x128xf32, #tpu.memory_space<vmem>>)
      %dma_wait3A_342 = arith.constant 0 : i32
      %dma_wait3A_343 = arith.constant 0 : i32
      %dma_wait3A_344 = tpu.memref_slice %arg4[%arg0, %arg1, %dma_wait3A_342, %dma_wait3A_343] : memref<2x16x320x32xi32, #tpu.memory_space<hbm>> -> memref<1x1x1x32xi32, #tpu.memory_space<hbm>>
      %dma_wait3A_345 = tpu.memref_squeeze %dma_wait3A_344 : memref<1x1x1x32xi32, #tpu.memory_space<hbm>> -> memref<32xi32, #tpu.memory_space<hbm>>
      %dma_wait3A_346 = arith.constant 0 : i32
      %dma_wait3A_347 = tpu.memref_slice %arg4[%arg0, %arg1, %dma_wait3A_342, %dma_wait3A_346] : memref<2x16x320x32xi32, #tpu.memory_space<hbm>> -> memref<1x1x1x32xi32, #tpu.memory_space<hbm>>
      %dma_wait3A_348 = tpu.memref_squeeze %dma_wait3A_347 : memref<1x1x1x32xi32, #tpu.memory_space<hbm>> -> memref<32xi32, #tpu.memory_space<hbm>>
      tpu.wait_dma2 semaphore(%arg52 : memref<!tpu.dma_semaphore, #tpu.memory_space<semaphore_mem>>) src(%dma_wait3A_348 : memref<32xi32, #tpu.memory_space<hbm>>) dst(%arg22 : memref<32xi32, #tpu.memory_space<vmem>>)
      "tpu.region"() ({
        %run_scoped3A = tpu.sem_alloc : memref<!tpu.dma_semaphore, #tpu.memory_space<semaphore_mem>>
        %dma_start3A_491 = arith.constant 0 : i32
        %dma_start3A_492 = arith.constant 0 : i32
        %dma_start3A_493 = tpu.memref_slice %arg7[%dma_start3A_491, %dma_start3A_492] : memref<10240x128xf32, #tpu.memory_space<vmem_shared>> -> memref<10240x128xf32, #tpu.memory_space<vmem_shared>>
        tpu.enqueue_indirect_dma source(%arg32 : memref<32x128xf32, #tpu.memory_space<vmem>>) target(%dma_start3A_493 : memref<10240x128xf32, #tpu.memory_space<vmem_shared>>) offsets(%arg22 : memref<32xi32, #tpu.memory_space<vmem>>) semaphore(%run_scoped3A : memref<!tpu.dma_semaphore, #tpu.memory_space<semaphore_mem>>) {add = true}
        %dma_wait3A_494 = arith.constant 0 : i32
        %dma_wait3A_495 = arith.constant 0 : i32
        %dma_wait3A_496 = tpu.memref_slice %arg7[%dma_wait3A_494, %dma_wait3A_495] : memref<10240x128xf32, #tpu.memory_space<vmem_shared>> -> memref<10240x128xf32, #tpu.memory_space<vmem_shared>>
        tpu.wait_indirect_dma semaphore(%run_scoped3A : memref<!tpu.dma_semaphore, #tpu.memory_space<semaphore_mem>>) src(%arg32 : memref<32x128xf32, #tpu.memory_space<vmem>>) dst(%dma_wait3A_496 : memref<10240x128xf32, #tpu.memory_space<vmem_shared>>)
        tpu.yield
      }) : () -> ()
      %add3A_349 = arith.constant 5 : i32
      %add3A_350 = arith.addi %add3A_338, %add3A_349 : i32
      %lt3A_351 = arith.cmpi slt, %add3A_350, %select_n3A : i32
      %convert_element_type3A_352 = arith.extui %lt3A_351 : i1 to i32
      %cond3A_353 = arith.constant 0 : i32
      %cond3A_354 = arith.cmpi ne, %convert_element_type3A_352, %cond3A_353 : i32
      scf.if %cond3A_354 {
        %dma_wait3A_491 = arith.constant 0 : i32
        %dma_wait3A_492 = arith.constant 0 : i32
        %dma_wait3A_493 = tpu.memref_slice %arg3[%arg0, %arg1, %dma_wait3A_491, %dma_wait3A_492] : memref<2x16x320x32xi32, #tpu.memory_space<hbm>> -> memref<1x1x1x32xi32, #tpu.memory_space<hbm>>
        %dma_wait3A_494 = tpu.memref_squeeze %dma_wait3A_493 : memref<1x1x1x32xi32, #tpu.memory_space<hbm>> -> memref<32xi32, #tpu.memory_space<hbm>>
        %dma_wait3A_495 = arith.constant 0 : i32
        %dma_wait3A_496 = tpu.memref_slice %arg3[%arg0, %arg1, %dma_wait3A_491, %dma_wait3A_495] : memref<2x16x320x32xi32, #tpu.memory_space<hbm>> -> memref<1x1x1x32xi32, #tpu.memory_space<hbm>>
        %dma_wait3A_497 = tpu.memref_squeeze %dma_wait3A_496 : memref<1x1x1x32xi32, #tpu.memory_space<hbm>> -> memref<32xi32, #tpu.memory_space<hbm>>
        tpu.wait_dma2 semaphore(%arg47 : memref<!tpu.dma_semaphore, #tpu.memory_space<semaphore_mem>>) src(%dma_wait3A_497 : memref<32xi32, #tpu.memory_space<hbm>>) dst(%arg17 : memref<32xi32, #tpu.memory_space<vmem>>)
        %dma_start3A_498 = arith.constant 0 : i32
        %dma_start3A_499 = arith.constant 0 : i32
        %dma_start3A_500 = tpu.memref_slice %arg2[%dma_start3A_498, %dma_start3A_499] : memref<10000x128xf32, #tpu.memory_space<hbm>> -> memref<10000x128xf32, #tpu.memory_space<hbm>>
        tpu.enqueue_indirect_dma source(%dma_start3A_500 : memref<10000x128xf32, #tpu.memory_space<hbm>>) target(%arg32 : memref<32x128xf32, #tpu.memory_space<vmem>>) offsets(%arg17 : memref<32xi32, #tpu.memory_space<vmem>>) semaphore(%arg37 : memref<!tpu.dma_semaphore, #tpu.memory_space<semaphore_mem>>)
      } else {
      }
      %add3A_355 = arith.constant 10 : i32
      %add3A_356 = arith.addi %add3A_338, %add3A_355 : i32
      %lt3A_357 = arith.cmpi slt, %add3A_356, %select_n3A : i32
      %convert_element_type3A_358 = arith.extui %lt3A_357 : i1 to i32
      %cond3A_359 = arith.constant 0 : i32
      %cond3A_360 = arith.cmpi ne, %convert_element_type3A_358, %cond3A_359 : i32
      scf.if %cond3A_360 {
        %dma_start3A_491 = arith.constant 0 : i32
        %dma_start3A_492 = tpu.memref_slice %arg3[%arg0, %arg1, %add3A_356, %dma_start3A_491] : memref<2x16x320x32xi32, #tpu.memory_space<hbm>> -> memref<1x1x1x32xi32, #tpu.memory_space<hbm>>
        %dma_start3A_493 = tpu.memref_squeeze %dma_start3A_492 : memref<1x1x1x32xi32, #tpu.memory_space<hbm>> -> memref<32xi32, #tpu.memory_space<hbm>>
        %dma_start3A_494 = arith.constant 0 : i32
        %dma_start3A_495 = tpu.memref_slice %arg3[%arg0, %arg1, %add3A_356, %dma_start3A_494] : memref<2x16x320x32xi32, #tpu.memory_space<hbm>> -> memref<1x1x1x32xi32, #tpu.memory_space<hbm>>
        %dma_start3A_496 = tpu.memref_squeeze %dma_start3A_495 : memref<1x1x1x32xi32, #tpu.memory_space<hbm>> -> memref<32xi32, #tpu.memory_space<hbm>>
        tpu.enqueue_dma source(%dma_start3A_496 : memref<32xi32, #tpu.memory_space<hbm>>) target(%arg12 : memref<32xi32, #tpu.memory_space<vmem>>) target_semaphore(%arg42 : memref<!tpu.dma_semaphore, #tpu.memory_space<semaphore_mem>>)
        %dma_start3A_497 = arith.constant 0 : i32
        %dma_start3A_498 = tpu.memref_slice %arg4[%arg0, %arg1, %add3A_356, %dma_start3A_497] : memref<2x16x320x32xi32, #tpu.memory_space<hbm>> -> memref<1x1x1x32xi32, #tpu.memory_space<hbm>>
        %dma_start3A_499 = tpu.memref_squeeze %dma_start3A_498 : memref<1x1x1x32xi32, #tpu.memory_space<hbm>> -> memref<32xi32, #tpu.memory_space<hbm>>
        %dma_start3A_500 = arith.constant 0 : i32
        %dma_start3A_501 = tpu.memref_slice %arg4[%arg0, %arg1, %add3A_356, %dma_start3A_500] : memref<2x16x320x32xi32, #tpu.memory_space<hbm>> -> memref<1x1x1x32xi32, #tpu.memory_space<hbm>>
        %dma_start3A_502 = tpu.memref_squeeze %dma_start3A_501 : memref<1x1x1x32xi32, #tpu.memory_space<hbm>> -> memref<32xi32, #tpu.memory_space<hbm>>
        tpu.enqueue_dma source(%dma_start3A_502 : memref<32xi32, #tpu.memory_space<hbm>>) target(%arg22 : memref<32xi32, #tpu.memory_space<vmem>>) target_semaphore(%arg52 : memref<!tpu.dma_semaphore, #tpu.memory_space<semaphore_mem>>)
      } else {
      }
      %mul3A_361 = arith.constant 10 : i32
      %mul3A_362 = arith.muli %add3A_233, %mul3A_361 : i32
      %add3A_363 = arith.constant 5 : i32
      %add3A_364 = arith.addi %mul3A_362, %add3A_363 : i32
      %dma_wait3A_365 = arith.constant 0 : i32
      %dma_wait3A_366 = arith.constant 0 : i32
      %dma_wait3A_367 = tpu.memref_slice %arg2[%dma_wait3A_365, %dma_wait3A_366] : memref<10000x128xf32, #tpu.memory_space<hbm>> -> memref<10000x128xf32, #tpu.memory_space<hbm>>
      tpu.wait_indirect_dma semaphore(%arg33 : memref<!tpu.dma_semaphore, #tpu.memory_space<semaphore_mem>>) src(%dma_wait3A_367 : memref<10000x128xf32, #tpu.memory_space<hbm>>) dst(%arg28 : memref<32x128xf32, #tpu.memory_space<vmem>>)
      %dma_wait3A_368 = arith.constant 0 : i32
      %dma_wait3A_369 = arith.constant 0 : i32
      %dma_wait3A_370 = tpu.memref_slice %arg4[%arg0, %arg1, %dma_wait3A_368, %dma_wait3A_369] : memref<2x16x320x32xi32, #tpu.memory_space<hbm>> -> memref<1x1x1x32xi32, #tpu.memory_space<hbm>>
      %dma_wait3A_371 = tpu.memref_squeeze %dma_wait3A_370 : memref<1x1x1x32xi32, #tpu.memory_space<hbm>> -> memref<32xi32, #tpu.memory_space<hbm>>
      %dma_wait3A_372 = arith.constant 0 : i32
      %dma_wait3A_373 = tpu.memref_slice %arg4[%arg0, %arg1, %dma_wait3A_368, %dma_wait3A_372] : memref<2x16x320x32xi32, #tpu.memory_space<hbm>> -> memref<1x1x1x32xi32, #tpu.memory_space<hbm>>
      %dma_wait3A_374 = tpu.memref_squeeze %dma_wait3A_373 : memref<1x1x1x32xi32, #tpu.memory_space<hbm>> -> memref<32xi32, #tpu.memory_space<hbm>>
      tpu.wait_dma2 semaphore(%arg53 : memref<!tpu.dma_semaphore, #tpu.memory_space<semaphore_mem>>) src(%dma_wait3A_374 : memref<32xi32, #tpu.memory_space<hbm>>) dst(%arg23 : memref<32xi32, #tpu.memory_space<vmem>>)
      "tpu.region"() ({
        %run_scoped3A = tpu.sem_alloc : memref<!tpu.dma_semaphore, #tpu.memory_space<semaphore_mem>>
        %dma_start3A_491 = arith.constant 0 : i32
        %dma_start3A_492 = arith.constant 0 : i32
        %dma_start3A_493 = tpu.memref_slice %arg7[%dma_start3A_491, %dma_start3A_492] : memref<10240x128xf32, #tpu.memory_space<vmem_shared>> -> memref<10240x128xf32, #tpu.memory_space<vmem_shared>>
        tpu.enqueue_indirect_dma source(%arg28 : memref<32x128xf32, #tpu.memory_space<vmem>>) target(%dma_start3A_493 : memref<10240x128xf32, #tpu.memory_space<vmem_shared>>) offsets(%arg23 : memref<32xi32, #tpu.memory_space<vmem>>) semaphore(%run_scoped3A : memref<!tpu.dma_semaphore, #tpu.memory_space<semaphore_mem>>) {add = true}
        %dma_wait3A_494 = arith.constant 0 : i32
        %dma_wait3A_495 = arith.constant 0 : i32
        %dma_wait3A_496 = tpu.memref_slice %arg7[%dma_wait3A_494, %dma_wait3A_495] : memref<10240x128xf32, #tpu.memory_space<vmem_shared>> -> memref<10240x128xf32, #tpu.memory_space<vmem_shared>>
        tpu.wait_indirect_dma semaphore(%run_scoped3A : memref<!tpu.dma_semaphore, #tpu.memory_space<semaphore_mem>>) src(%arg28 : memref<32x128xf32, #tpu.memory_space<vmem>>) dst(%dma_wait3A_496 : memref<10240x128xf32, #tpu.memory_space<vmem_shared>>)
        tpu.yield
      }) : () -> ()
      %add3A_375 = arith.constant 5 : i32
      %add3A_376 = arith.addi %add3A_364, %add3A_375 : i32
      %lt3A_377 = arith.cmpi slt, %add3A_376, %select_n3A : i32
      %convert_element_type3A_378 = arith.extui %lt3A_377 : i1 to i32
      %cond3A_379 = arith.constant 0 : i32
      %cond3A_380 = arith.cmpi ne, %convert_element_type3A_378, %cond3A_379 : i32
      scf.if %cond3A_380 {
        %dma_wait3A_491 = arith.constant 0 : i32
        %dma_wait3A_492 = arith.constant 0 : i32
        %dma_wait3A_493 = tpu.memref_slice %arg3[%arg0, %arg1, %dma_wait3A_491, %dma_wait3A_492] : memref<2x16x320x32xi32, #tpu.memory_space<hbm>> -> memref<1x1x1x32xi32, #tpu.memory_space<hbm>>
        %dma_wait3A_494 = tpu.memref_squeeze %dma_wait3A_493 : memref<1x1x1x32xi32, #tpu.memory_space<hbm>> -> memref<32xi32, #tpu.memory_space<hbm>>
        %dma_wait3A_495 = arith.constant 0 : i32
        %dma_wait3A_496 = tpu.memref_slice %arg3[%arg0, %arg1, %dma_wait3A_491, %dma_wait3A_495] : memref<2x16x320x32xi32, #tpu.memory_space<hbm>> -> memref<1x1x1x32xi32, #tpu.memory_space<hbm>>
        %dma_wait3A_497 = tpu.memref_squeeze %dma_wait3A_496 : memref<1x1x1x32xi32, #tpu.memory_space<hbm>> -> memref<32xi32, #tpu.memory_space<hbm>>
        tpu.wait_dma2 semaphore(%arg38 : memref<!tpu.dma_semaphore, #tpu.memory_space<semaphore_mem>>) src(%dma_wait3A_497 : memref<32xi32, #tpu.memory_space<hbm>>) dst(%arg8 : memref<32xi32, #tpu.memory_space<vmem>>)
        %dma_start3A_498 = arith.constant 0 : i32
        %dma_start3A_499 = arith.constant 0 : i32
        %dma_start3A_500 = tpu.memref_slice %arg2[%dma_start3A_498, %dma_start3A_499] : memref<10000x128xf32, #tpu.memory_space<hbm>> -> memref<10000x128xf32, #tpu.memory_space<hbm>>
        tpu.enqueue_indirect_dma source(%dma_start3A_500 : memref<10000x128xf32, #tpu.memory_space<hbm>>) target(%arg28 : memref<32x128xf32, #tpu.memory_space<vmem>>) offsets(%arg8 : memref<32xi32, #tpu.memory_space<vmem>>) semaphore(%arg33 : memref<!tpu.dma_semaphore, #tpu.memory_space<semaphore_mem>>)
      } else {
      }
      %add3A_381 = arith.constant 10 : i32
      %add3A_382 = arith.addi %add3A_364, %add3A_381 : i32
      %lt3A_383 = arith.cmpi slt, %add3A_382, %select_n3A : i32
      %convert_element_type3A_384 = arith.extui %lt3A_383 : i1 to i32
      %cond3A_385 = arith.constant 0 : i32
      %cond3A_386 = arith.cmpi ne, %convert_element_type3A_384, %cond3A_385 : i32
      scf.if %cond3A_386 {
        %dma_start3A_491 = arith.constant 0 : i32
        %dma_start3A_492 = tpu.memref_slice %arg3[%arg0, %arg1, %add3A_382, %dma_start3A_491] : memref<2x16x320x32xi32, #tpu.memory_space<hbm>> -> memref<1x1x1x32xi32, #tpu.memory_space<hbm>>
        %dma_start3A_493 = tpu.memref_squeeze %dma_start3A_492 : memref<1x1x1x32xi32, #tpu.memory_space<hbm>> -> memref<32xi32, #tpu.memory_space<hbm>>
        %dma_start3A_494 = arith.constant 0 : i32
        %dma_start3A_495 = tpu.memref_slice %arg3[%arg0, %arg1, %add3A_382, %dma_start3A_494] : memref<2x16x320x32xi32, #tpu.memory_space<hbm>> -> memref<1x1x1x32xi32, #tpu.memory_space<hbm>>
        %dma_start3A_496 = tpu.memref_squeeze %dma_start3A_495 : memref<1x1x1x32xi32, #tpu.memory_space<hbm>> -> memref<32xi32, #tpu.memory_space<hbm>>
        tpu.enqueue_dma source(%dma_start3A_496 : memref<32xi32, #tpu.memory_space<hbm>>) target(%arg13 : memref<32xi32, #tpu.memory_space<vmem>>) target_semaphore(%arg43 : memref<!tpu.dma_semaphore, #tpu.memory_space<semaphore_mem>>)
        %dma_start3A_497 = arith.constant 0 : i32
        %dma_start3A_498 = tpu.memref_slice %arg4[%arg0, %arg1, %add3A_382, %dma_start3A_497] : memref<2x16x320x32xi32, #tpu.memory_space<hbm>> -> memref<1x1x1x32xi32, #tpu.memory_space<hbm>>
        %dma_start3A_499 = tpu.memref_squeeze %dma_start3A_498 : memref<1x1x1x32xi32, #tpu.memory_space<hbm>> -> memref<32xi32, #tpu.memory_space<hbm>>
        %dma_start3A_500 = arith.constant 0 : i32
        %dma_start3A_501 = tpu.memref_slice %arg4[%arg0, %arg1, %add3A_382, %dma_start3A_500] : memref<2x16x320x32xi32, #tpu.memory_space<hbm>> -> memref<1x1x1x32xi32, #tpu.memory_space<hbm>>
        %dma_start3A_502 = tpu.memref_squeeze %dma_start3A_501 : memref<1x1x1x32xi32, #tpu.memory_space<hbm>> -> memref<32xi32, #tpu.memory_space<hbm>>
        tpu.enqueue_dma source(%dma_start3A_502 : memref<32xi32, #tpu.memory_space<hbm>>) target(%arg23 : memref<32xi32, #tpu.memory_space<vmem>>) target_semaphore(%arg53 : memref<!tpu.dma_semaphore, #tpu.memory_space<semaphore_mem>>)
      } else {
      }
      %mul3A_387 = arith.constant 10 : i32
      %mul3A_388 = arith.muli %add3A_233, %mul3A_387 : i32
      %add3A_389 = arith.constant 6 : i32
      %add3A_390 = arith.addi %mul3A_388, %add3A_389 : i32
      %dma_wait3A_391 = arith.constant 0 : i32
      %dma_wait3A_392 = arith.constant 0 : i32
      %dma_wait3A_393 = tpu.memref_slice %arg2[%dma_wait3A_391, %dma_wait3A_392] : memref<10000x128xf32, #tpu.memory_space<hbm>> -> memref<10000x128xf32, #tpu.memory_space<hbm>>
      tpu.wait_indirect_dma semaphore(%arg34 : memref<!tpu.dma_semaphore, #tpu.memory_space<semaphore_mem>>) src(%dma_wait3A_393 : memref<10000x128xf32, #tpu.memory_space<hbm>>) dst(%arg29 : memref<32x128xf32, #tpu.memory_space<vmem>>)
      %dma_wait3A_394 = arith.constant 0 : i32
      %dma_wait3A_395 = arith.constant 0 : i32
      %dma_wait3A_396 = tpu.memref_slice %arg4[%arg0, %arg1, %dma_wait3A_394, %dma_wait3A_395] : memref<2x16x320x32xi32, #tpu.memory_space<hbm>> -> memref<1x1x1x32xi32, #tpu.memory_space<hbm>>
      %dma_wait3A_397 = tpu.memref_squeeze %dma_wait3A_396 : memref<1x1x1x32xi32, #tpu.memory_space<hbm>> -> memref<32xi32, #tpu.memory_space<hbm>>
      %dma_wait3A_398 = arith.constant 0 : i32
      %dma_wait3A_399 = tpu.memref_slice %arg4[%arg0, %arg1, %dma_wait3A_394, %dma_wait3A_398] : memref<2x16x320x32xi32, #tpu.memory_space<hbm>> -> memref<1x1x1x32xi32, #tpu.memory_space<hbm>>
      %dma_wait3A_400 = tpu.memref_squeeze %dma_wait3A_399 : memref<1x1x1x32xi32, #tpu.memory_space<hbm>> -> memref<32xi32, #tpu.memory_space<hbm>>
      tpu.wait_dma2 semaphore(%arg54 : memref<!tpu.dma_semaphore, #tpu.memory_space<semaphore_mem>>) src(%dma_wait3A_400 : memref<32xi32, #tpu.memory_space<hbm>>) dst(%arg24 : memref<32xi32, #tpu.memory_space<vmem>>)
      "tpu.region"() ({
        %run_scoped3A = tpu.sem_alloc : memref<!tpu.dma_semaphore, #tpu.memory_space<semaphore_mem>>
        %dma_start3A_491 = arith.constant 0 : i32
        %dma_start3A_492 = arith.constant 0 : i32
        %dma_start3A_493 = tpu.memref_slice %arg7[%dma_start3A_491, %dma_start3A_492] : memref<10240x128xf32, #tpu.memory_space<vmem_shared>> -> memref<10240x128xf32, #tpu.memory_space<vmem_shared>>
        tpu.enqueue_indirect_dma source(%arg29 : memref<32x128xf32, #tpu.memory_space<vmem>>) target(%dma_start3A_493 : memref<10240x128xf32, #tpu.memory_space<vmem_shared>>) offsets(%arg24 : memref<32xi32, #tpu.memory_space<vmem>>) semaphore(%run_scoped3A : memref<!tpu.dma_semaphore, #tpu.memory_space<semaphore_mem>>) {add = true}
        %dma_wait3A_494 = arith.constant 0 : i32
        %dma_wait3A_495 = arith.constant 0 : i32
        %dma_wait3A_496 = tpu.memref_slice %arg7[%dma_wait3A_494, %dma_wait3A_495] : memref<10240x128xf32, #tpu.memory_space<vmem_shared>> -> memref<10240x128xf32, #tpu.memory_space<vmem_shared>>
        tpu.wait_indirect_dma semaphore(%run_scoped3A : memref<!tpu.dma_semaphore, #tpu.memory_space<semaphore_mem>>) src(%arg29 : memref<32x128xf32, #tpu.memory_space<vmem>>) dst(%dma_wait3A_496 : memref<10240x128xf32, #tpu.memory_space<vmem_shared>>)
        tpu.yield
      }) : () -> ()
      %add3A_401 = arith.constant 5 : i32
      %add3A_402 = arith.addi %add3A_390, %add3A_401 : i32
      %lt3A_403 = arith.cmpi slt, %add3A_402, %select_n3A : i32
      %convert_element_type3A_404 = arith.extui %lt3A_403 : i1 to i32
      %cond3A_405 = arith.constant 0 : i32
      %cond3A_406 = arith.cmpi ne, %convert_element_type3A_404, %cond3A_405 : i32
      scf.if %cond3A_406 {
        %dma_wait3A_491 = arith.constant 0 : i32
        %dma_wait3A_492 = arith.constant 0 : i32
        %dma_wait3A_493 = tpu.memref_slice %arg3[%arg0, %arg1, %dma_wait3A_491, %dma_wait3A_492] : memref<2x16x320x32xi32, #tpu.memory_space<hbm>> -> memref<1x1x1x32xi32, #tpu.memory_space<hbm>>
        %dma_wait3A_494 = tpu.memref_squeeze %dma_wait3A_493 : memref<1x1x1x32xi32, #tpu.memory_space<hbm>> -> memref<32xi32, #tpu.memory_space<hbm>>
        %dma_wait3A_495 = arith.constant 0 : i32
        %dma_wait3A_496 = tpu.memref_slice %arg3[%arg0, %arg1, %dma_wait3A_491, %dma_wait3A_495] : memref<2x16x320x32xi32, #tpu.memory_space<hbm>> -> memref<1x1x1x32xi32, #tpu.memory_space<hbm>>
        %dma_wait3A_497 = tpu.memref_squeeze %dma_wait3A_496 : memref<1x1x1x32xi32, #tpu.memory_space<hbm>> -> memref<32xi32, #tpu.memory_space<hbm>>
        tpu.wait_dma2 semaphore(%arg39 : memref<!tpu.dma_semaphore, #tpu.memory_space<semaphore_mem>>) src(%dma_wait3A_497 : memref<32xi32, #tpu.memory_space<hbm>>) dst(%arg9 : memref<32xi32, #tpu.memory_space<vmem>>)
        %dma_start3A_498 = arith.constant 0 : i32
        %dma_start3A_499 = arith.constant 0 : i32
        %dma_start3A_500 = tpu.memref_slice %arg2[%dma_start3A_498, %dma_start3A_499] : memref<10000x128xf32, #tpu.memory_space<hbm>> -> memref<10000x128xf32, #tpu.memory_space<hbm>>
        tpu.enqueue_indirect_dma source(%dma_start3A_500 : memref<10000x128xf32, #tpu.memory_space<hbm>>) target(%arg29 : memref<32x128xf32, #tpu.memory_space<vmem>>) offsets(%arg9 : memref<32xi32, #tpu.memory_space<vmem>>) semaphore(%arg34 : memref<!tpu.dma_semaphore, #tpu.memory_space<semaphore_mem>>)
      } else {
      }
      %add3A_407 = arith.constant 10 : i32
      %add3A_408 = arith.addi %add3A_390, %add3A_407 : i32
      %lt3A_409 = arith.cmpi slt, %add3A_408, %select_n3A : i32
      %convert_element_type3A_410 = arith.extui %lt3A_409 : i1 to i32
      %cond3A_411 = arith.constant 0 : i32
      %cond3A_412 = arith.cmpi ne, %convert_element_type3A_410, %cond3A_411 : i32
      scf.if %cond3A_412 {
        %dma_start3A_491 = arith.constant 0 : i32
        %dma_start3A_492 = tpu.memref_slice %arg3[%arg0, %arg1, %add3A_408, %dma_start3A_491] : memref<2x16x320x32xi32, #tpu.memory_space<hbm>> -> memref<1x1x1x32xi32, #tpu.memory_space<hbm>>
        %dma_start3A_493 = tpu.memref_squeeze %dma_start3A_492 : memref<1x1x1x32xi32, #tpu.memory_space<hbm>> -> memref<32xi32, #tpu.memory_space<hbm>>
        %dma_start3A_494 = arith.constant 0 : i32
        %dma_start3A_495 = tpu.memref_slice %arg3[%arg0, %arg1, %add3A_408, %dma_start3A_494] : memref<2x16x320x32xi32, #tpu.memory_space<hbm>> -> memref<1x1x1x32xi32, #tpu.memory_space<hbm>>
        %dma_start3A_496 = tpu.memref_squeeze %dma_start3A_495 : memref<1x1x1x32xi32, #tpu.memory_space<hbm>> -> memref<32xi32, #tpu.memory_space<hbm>>
        tpu.enqueue_dma source(%dma_start3A_496 : memref<32xi32, #tpu.memory_space<hbm>>) target(%arg14 : memref<32xi32, #tpu.memory_space<vmem>>) target_semaphore(%arg44 : memref<!tpu.dma_semaphore, #tpu.memory_space<semaphore_mem>>)
        %dma_start3A_497 = arith.constant 0 : i32
        %dma_start3A_498 = tpu.memref_slice %arg4[%arg0, %arg1, %add3A_408, %dma_start3A_497] : memref<2x16x320x32xi32, #tpu.memory_space<hbm>> -> memref<1x1x1x32xi32, #tpu.memory_space<hbm>>
        %dma_start3A_499 = tpu.memref_squeeze %dma_start3A_498 : memref<1x1x1x32xi32, #tpu.memory_space<hbm>> -> memref<32xi32, #tpu.memory_space<hbm>>
        %dma_start3A_500 = arith.constant 0 : i32
        %dma_start3A_501 = tpu.memref_slice %arg4[%arg0, %arg1, %add3A_408, %dma_start3A_500] : memref<2x16x320x32xi32, #tpu.memory_space<hbm>> -> memref<1x1x1x32xi32, #tpu.memory_space<hbm>>
        %dma_start3A_502 = tpu.memref_squeeze %dma_start3A_501 : memref<1x1x1x32xi32, #tpu.memory_space<hbm>> -> memref<32xi32, #tpu.memory_space<hbm>>
        tpu.enqueue_dma source(%dma_start3A_502 : memref<32xi32, #tpu.memory_space<hbm>>) target(%arg24 : memref<32xi32, #tpu.memory_space<vmem>>) target_semaphore(%arg54 : memref<!tpu.dma_semaphore, #tpu.memory_space<semaphore_mem>>)
      } else {
      }
      %mul3A_413 = arith.constant 10 : i32
      %mul3A_414 = arith.muli %add3A_233, %mul3A_413 : i32
      %add3A_415 = arith.constant 7 : i32
      %add3A_416 = arith.addi %mul3A_414, %add3A_415 : i32
      %dma_wait3A_417 = arith.constant 0 : i32
      %dma_wait3A_418 = arith.constant 0 : i32
      %dma_wait3A_419 = tpu.memref_slice %arg2[%dma_wait3A_417, %dma_wait3A_418] : memref<10000x128xf32, #tpu.memory_space<hbm>> -> memref<10000x128xf32, #tpu.memory_space<hbm>>
      tpu.wait_indirect_dma semaphore(%arg35 : memref<!tpu.dma_semaphore, #tpu.memory_space<semaphore_mem>>) src(%dma_wait3A_419 : memref<10000x128xf32, #tpu.memory_space<hbm>>) dst(%arg30 : memref<32x128xf32, #tpu.memory_space<vmem>>)
      %dma_wait3A_420 = arith.constant 0 : i32
      %dma_wait3A_421 = arith.constant 0 : i32
      %dma_wait3A_422 = tpu.memref_slice %arg4[%arg0, %arg1, %dma_wait3A_420, %dma_wait3A_421] : memref<2x16x320x32xi32, #tpu.memory_space<hbm>> -> memref<1x1x1x32xi32, #tpu.memory_space<hbm>>
      %dma_wait3A_423 = tpu.memref_squeeze %dma_wait3A_422 : memref<1x1x1x32xi32, #tpu.memory_space<hbm>> -> memref<32xi32, #tpu.memory_space<hbm>>
      %dma_wait3A_424 = arith.constant 0 : i32
      %dma_wait3A_425 = tpu.memref_slice %arg4[%arg0, %arg1, %dma_wait3A_420, %dma_wait3A_424] : memref<2x16x320x32xi32, #tpu.memory_space<hbm>> -> memref<1x1x1x32xi32, #tpu.memory_space<hbm>>
      %dma_wait3A_426 = tpu.memref_squeeze %dma_wait3A_425 : memref<1x1x1x32xi32, #tpu.memory_space<hbm>> -> memref<32xi32, #tpu.memory_space<hbm>>
      tpu.wait_dma2 semaphore(%arg55 : memref<!tpu.dma_semaphore, #tpu.memory_space<semaphore_mem>>) src(%dma_wait3A_426 : memref<32xi32, #tpu.memory_space<hbm>>) dst(%arg25 : memref<32xi32, #tpu.memory_space<vmem>>)
      "tpu.region"() ({
        %run_scoped3A = tpu.sem_alloc : memref<!tpu.dma_semaphore, #tpu.memory_space<semaphore_mem>>
        %dma_start3A_491 = arith.constant 0 : i32
        %dma_start3A_492 = arith.constant 0 : i32
        %dma_start3A_493 = tpu.memref_slice %arg7[%dma_start3A_491, %dma_start3A_492] : memref<10240x128xf32, #tpu.memory_space<vmem_shared>> -> memref<10240x128xf32, #tpu.memory_space<vmem_shared>>
        tpu.enqueue_indirect_dma source(%arg30 : memref<32x128xf32, #tpu.memory_space<vmem>>) target(%dma_start3A_493 : memref<10240x128xf32, #tpu.memory_space<vmem_shared>>) offsets(%arg25 : memref<32xi32, #tpu.memory_space<vmem>>) semaphore(%run_scoped3A : memref<!tpu.dma_semaphore, #tpu.memory_space<semaphore_mem>>) {add = true}
        %dma_wait3A_494 = arith.constant 0 : i32
        %dma_wait3A_495 = arith.constant 0 : i32
        %dma_wait3A_496 = tpu.memref_slice %arg7[%dma_wait3A_494, %dma_wait3A_495] : memref<10240x128xf32, #tpu.memory_space<vmem_shared>> -> memref<10240x128xf32, #tpu.memory_space<vmem_shared>>
        tpu.wait_indirect_dma semaphore(%run_scoped3A : memref<!tpu.dma_semaphore, #tpu.memory_space<semaphore_mem>>) src(%arg30 : memref<32x128xf32, #tpu.memory_space<vmem>>) dst(%dma_wait3A_496 : memref<10240x128xf32, #tpu.memory_space<vmem_shared>>)
        tpu.yield
      }) : () -> ()
      %add3A_427 = arith.constant 5 : i32
      %add3A_428 = arith.addi %add3A_416, %add3A_427 : i32
      %lt3A_429 = arith.cmpi slt, %add3A_428, %select_n3A : i32
      %convert_element_type3A_430 = arith.extui %lt3A_429 : i1 to i32
      %cond3A_431 = arith.constant 0 : i32
      %cond3A_432 = arith.cmpi ne, %convert_element_type3A_430, %cond3A_431 : i32
      scf.if %cond3A_432 {
        %dma_wait3A_491 = arith.constant 0 : i32
        %dma_wait3A_492 = arith.constant 0 : i32
        %dma_wait3A_493 = tpu.memref_slice %arg3[%arg0, %arg1, %dma_wait3A_491, %dma_wait3A_492] : memref<2x16x320x32xi32, #tpu.memory_space<hbm>> -> memref<1x1x1x32xi32, #tpu.memory_space<hbm>>
        %dma_wait3A_494 = tpu.memref_squeeze %dma_wait3A_493 : memref<1x1x1x32xi32, #tpu.memory_space<hbm>> -> memref<32xi32, #tpu.memory_space<hbm>>
        %dma_wait3A_495 = arith.constant 0 : i32
        %dma_wait3A_496 = tpu.memref_slice %arg3[%arg0, %arg1, %dma_wait3A_491, %dma_wait3A_495] : memref<2x16x320x32xi32, #tpu.memory_space<hbm>> -> memref<1x1x1x32xi32, #tpu.memory_space<hbm>>
        %dma_wait3A_497 = tpu.memref_squeeze %dma_wait3A_496 : memref<1x1x1x32xi32, #tpu.memory_space<hbm>> -> memref<32xi32, #tpu.memory_space<hbm>>
        tpu.wait_dma2 semaphore(%arg40 : memref<!tpu.dma_semaphore, #tpu.memory_space<semaphore_mem>>) src(%dma_wait3A_497 : memref<32xi32, #tpu.memory_space<hbm>>) dst(%arg10 : memref<32xi32, #tpu.memory_space<vmem>>)
        %dma_start3A_498 = arith.constant 0 : i32
        %dma_start3A_499 = arith.constant 0 : i32
        %dma_start3A_500 = tpu.memref_slice %arg2[%dma_start3A_498, %dma_start3A_499] : memref<10000x128xf32, #tpu.memory_space<hbm>> -> memref<10000x128xf32, #tpu.memory_space<hbm>>
        tpu.enqueue_indirect_dma source(%dma_start3A_500 : memref<10000x128xf32, #tpu.memory_space<hbm>>) target(%arg30 : memref<32x128xf32, #tpu.memory_space<vmem>>) offsets(%arg10 : memref<32xi32, #tpu.memory_space<vmem>>) semaphore(%arg35 : memref<!tpu.dma_semaphore, #tpu.memory_space<semaphore_mem>>)
      } else {
      }
      %add3A_433 = arith.constant 10 : i32
      %add3A_434 = arith.addi %add3A_416, %add3A_433 : i32
      %lt3A_435 = arith.cmpi slt, %add3A_434, %select_n3A : i32
      %convert_element_type3A_436 = arith.extui %lt3A_435 : i1 to i32
      %cond3A_437 = arith.constant 0 : i32
      %cond3A_438 = arith.cmpi ne, %convert_element_type3A_436, %cond3A_437 : i32
      scf.if %cond3A_438 {
        %dma_start3A_491 = arith.constant 0 : i32
        %dma_start3A_492 = tpu.memref_slice %arg3[%arg0, %arg1, %add3A_434, %dma_start3A_491] : memref<2x16x320x32xi32, #tpu.memory_space<hbm>> -> memref<1x1x1x32xi32, #tpu.memory_space<hbm>>
        %dma_start3A_493 = tpu.memref_squeeze %dma_start3A_492 : memref<1x1x1x32xi32, #tpu.memory_space<hbm>> -> memref<32xi32, #tpu.memory_space<hbm>>
        %dma_start3A_494 = arith.constant 0 : i32
        %dma_start3A_495 = tpu.memref_slice %arg3[%arg0, %arg1, %add3A_434, %dma_start3A_494] : memref<2x16x320x32xi32, #tpu.memory_space<hbm>> -> memref<1x1x1x32xi32, #tpu.memory_space<hbm>>
        %dma_start3A_496 = tpu.memref_squeeze %dma_start3A_495 : memref<1x1x1x32xi32, #tpu.memory_space<hbm>> -> memref<32xi32, #tpu.memory_space<hbm>>
        tpu.enqueue_dma source(%dma_start3A_496 : memref<32xi32, #tpu.memory_space<hbm>>) target(%arg15 : memref<32xi32, #tpu.memory_space<vmem>>) target_semaphore(%arg45 : memref<!tpu.dma_semaphore, #tpu.memory_space<semaphore_mem>>)
        %dma_start3A_497 = arith.constant 0 : i32
        %dma_start3A_498 = tpu.memref_slice %arg4[%arg0, %arg1, %add3A_434, %dma_start3A_497] : memref<2x16x320x32xi32, #tpu.memory_space<hbm>> -> memref<1x1x1x32xi32, #tpu.memory_space<hbm>>
        %dma_start3A_499 = tpu.memref_squeeze %dma_start3A_498 : memref<1x1x1x32xi32, #tpu.memory_space<hbm>> -> memref<32xi32, #tpu.memory_space<hbm>>
        %dma_start3A_500 = arith.constant 0 : i32
        %dma_start3A_501 = tpu.memref_slice %arg4[%arg0, %arg1, %add3A_434, %dma_start3A_500] : memref<2x16x320x32xi32, #tpu.memory_space<hbm>> -> memref<1x1x1x32xi32, #tpu.memory_space<hbm>>
        %dma_start3A_502 = tpu.memref_squeeze %dma_start3A_501 : memref<1x1x1x32xi32, #tpu.memory_space<hbm>> -> memref<32xi32, #tpu.memory_space<hbm>>
        tpu.enqueue_dma source(%dma_start3A_502 : memref<32xi32, #tpu.memory_space<hbm>>) target(%arg25 : memref<32xi32, #tpu.memory_space<vmem>>) target_semaphore(%arg55 : memref<!tpu.dma_semaphore, #tpu.memory_space<semaphore_mem>>)
      } else {
      }
      %mul3A_439 = arith.constant 10 : i32
      %mul3A_440 = arith.muli %add3A_233, %mul3A_439 : i32
      %add3A_441 = arith.constant 8 : i32
      %add3A_442 = arith.addi %mul3A_440, %add3A_441 : i32
      %dma_wait3A_443 = arith.constant 0 : i32
      %dma_wait3A_444 = arith.constant 0 : i32
      %dma_wait3A_445 = tpu.memref_slice %arg2[%dma_wait3A_443, %dma_wait3A_444] : memref<10000x128xf32, #tpu.memory_space<hbm>> -> memref<10000x128xf32, #tpu.memory_space<hbm>>
      tpu.wait_indirect_dma semaphore(%arg36 : memref<!tpu.dma_semaphore, #tpu.memory_space<semaphore_mem>>) src(%dma_wait3A_445 : memref<10000x128xf32, #tpu.memory_space<hbm>>) dst(%arg31 : memref<32x128xf32, #tpu.memory_space<vmem>>)
      %dma_wait3A_446 = arith.constant 0 : i32
      %dma_wait3A_447 = arith.constant 0 : i32
      %dma_wait3A_448 = tpu.memref_slice %arg4[%arg0, %arg1, %dma_wait3A_446, %dma_wait3A_447] : memref<2x16x320x32xi32, #tpu.memory_space<hbm>> -> memref<1x1x1x32xi32, #tpu.memory_space<hbm>>
      %dma_wait3A_449 = tpu.memref_squeeze %dma_wait3A_448 : memref<1x1x1x32xi32, #tpu.memory_space<hbm>> -> memref<32xi32, #tpu.memory_space<hbm>>
      %dma_wait3A_450 = arith.constant 0 : i32
      %dma_wait3A_451 = tpu.memref_slice %arg4[%arg0, %arg1, %dma_wait3A_446, %dma_wait3A_450] : memref<2x16x320x32xi32, #tpu.memory_space<hbm>> -> memref<1x1x1x32xi32, #tpu.memory_space<hbm>>
      %dma_wait3A_452 = tpu.memref_squeeze %dma_wait3A_451 : memref<1x1x1x32xi32, #tpu.memory_space<hbm>> -> memref<32xi32, #tpu.memory_space<hbm>>
      tpu.wait_dma2 semaphore(%arg56 : memref<!tpu.dma_semaphore, #tpu.memory_space<semaphore_mem>>) src(%dma_wait3A_452 : memref<32xi32, #tpu.memory_space<hbm>>) dst(%arg26 : memref<32xi32, #tpu.memory_space<vmem>>)
      "tpu.region"() ({
        %run_scoped3A = tpu.sem_alloc : memref<!tpu.dma_semaphore, #tpu.memory_space<semaphore_mem>>
        %dma_start3A_491 = arith.constant 0 : i32
        %dma_start3A_492 = arith.constant 0 : i32
        %dma_start3A_493 = tpu.memref_slice %arg7[%dma_start3A_491, %dma_start3A_492] : memref<10240x128xf32, #tpu.memory_space<vmem_shared>> -> memref<10240x128xf32, #tpu.memory_space<vmem_shared>>
        tpu.enqueue_indirect_dma source(%arg31 : memref<32x128xf32, #tpu.memory_space<vmem>>) target(%dma_start3A_493 : memref<10240x128xf32, #tpu.memory_space<vmem_shared>>) offsets(%arg26 : memref<32xi32, #tpu.memory_space<vmem>>) semaphore(%run_scoped3A : memref<!tpu.dma_semaphore, #tpu.memory_space<semaphore_mem>>) {add = true}
        %dma_wait3A_494 = arith.constant 0 : i32
        %dma_wait3A_495 = arith.constant 0 : i32
        %dma_wait3A_496 = tpu.memref_slice %arg7[%dma_wait3A_494, %dma_wait3A_495] : memref<10240x128xf32, #tpu.memory_space<vmem_shared>> -> memref<10240x128xf32, #tpu.memory_space<vmem_shared>>
        tpu.wait_indirect_dma semaphore(%run_scoped3A : memref<!tpu.dma_semaphore, #tpu.memory_space<semaphore_mem>>) src(%arg31 : memref<32x128xf32, #tpu.memory_space<vmem>>) dst(%dma_wait3A_496 : memref<10240x128xf32, #tpu.memory_space<vmem_shared>>)
        tpu.yield
      }) : () -> ()
      %add3A_453 = arith.constant 5 : i32
      %add3A_454 = arith.addi %add3A_442, %add3A_453 : i32
      %lt3A_455 = arith.cmpi slt, %add3A_454, %select_n3A : i32
      %convert_element_type3A_456 = arith.extui %lt3A_455 : i1 to i32
      %cond3A_457 = arith.constant 0 : i32
      %cond3A_458 = arith.cmpi ne, %convert_element_type3A_456, %cond3A_457 : i32
      scf.if %cond3A_458 {
        %dma_wait3A_491 = arith.constant 0 : i32
        %dma_wait3A_492 = arith.constant 0 : i32
        %dma_wait3A_493 = tpu.memref_slice %arg3[%arg0, %arg1, %dma_wait3A_491, %dma_wait3A_492] : memref<2x16x320x32xi32, #tpu.memory_space<hbm>> -> memref<1x1x1x32xi32, #tpu.memory_space<hbm>>
        %dma_wait3A_494 = tpu.memref_squeeze %dma_wait3A_493 : memref<1x1x1x32xi32, #tpu.memory_space<hbm>> -> memref<32xi32, #tpu.memory_space<hbm>>
        %dma_wait3A_495 = arith.constant 0 : i32
        %dma_wait3A_496 = tpu.memref_slice %arg3[%arg0, %arg1, %dma_wait3A_491, %dma_wait3A_495] : memref<2x16x320x32xi32, #tpu.memory_space<hbm>> -> memref<1x1x1x32xi32, #tpu.memory_space<hbm>>
        %dma_wait3A_497 = tpu.memref_squeeze %dma_wait3A_496 : memref<1x1x1x32xi32, #tpu.memory_space<hbm>> -> memref<32xi32, #tpu.memory_space<hbm>>
        tpu.wait_dma2 semaphore(%arg41 : memref<!tpu.dma_semaphore, #tpu.memory_space<semaphore_mem>>) src(%dma_wait3A_497 : memref<32xi32, #tpu.memory_space<hbm>>) dst(%arg11 : memref<32xi32, #tpu.memory_space<vmem>>)
        %dma_start3A_498 = arith.constant 0 : i32
        %dma_start3A_499 = arith.constant 0 : i32
        %dma_start3A_500 = tpu.memref_slice %arg2[%dma_start3A_498, %dma_start3A_499] : memref<10000x128xf32, #tpu.memory_space<hbm>> -> memref<10000x128xf32, #tpu.memory_space<hbm>>
        tpu.enqueue_indirect_dma source(%dma_start3A_500 : memref<10000x128xf32, #tpu.memory_space<hbm>>) target(%arg31 : memref<32x128xf32, #tpu.memory_space<vmem>>) offsets(%arg11 : memref<32xi32, #tpu.memory_space<vmem>>) semaphore(%arg36 : memref<!tpu.dma_semaphore, #tpu.memory_space<semaphore_mem>>)
      } else {
      }
      %add3A_459 = arith.constant 10 : i32
      %add3A_460 = arith.addi %add3A_442, %add3A_459 : i32
      %lt3A_461 = arith.cmpi slt, %add3A_460, %select_n3A : i32
      %convert_element_type3A_462 = arith.extui %lt3A_461 : i1 to i32
      %cond3A_463 = arith.constant 0 : i32
      %cond3A_464 = arith.cmpi ne, %convert_element_type3A_462, %cond3A_463 : i32
      scf.if %cond3A_464 {
        %dma_start3A_491 = arith.constant 0 : i32
        %dma_start3A_492 = tpu.memref_slice %arg3[%arg0, %arg1, %add3A_460, %dma_start3A_491] : memref<2x16x320x32xi32, #tpu.memory_space<hbm>> -> memref<1x1x1x32xi32, #tpu.memory_space<hbm>>
        %dma_start3A_493 = tpu.memref_squeeze %dma_start3A_492 : memref<1x1x1x32xi32, #tpu.memory_space<hbm>> -> memref<32xi32, #tpu.memory_space<hbm>>
        %dma_start3A_494 = arith.constant 0 : i32
        %dma_start3A_495 = tpu.memref_slice %arg3[%arg0, %arg1, %add3A_460, %dma_start3A_494] : memref<2x16x320x32xi32, #tpu.memory_space<hbm>> -> memref<1x1x1x32xi32, #tpu.memory_space<hbm>>
        %dma_start3A_496 = tpu.memref_squeeze %dma_start3A_495 : memref<1x1x1x32xi32, #tpu.memory_space<hbm>> -> memref<32xi32, #tpu.memory_space<hbm>>
        tpu.enqueue_dma source(%dma_start3A_496 : memref<32xi32, #tpu.memory_space<hbm>>) target(%arg16 : memref<32xi32, #tpu.memory_space<vmem>>) target_semaphore(%arg46 : memref<!tpu.dma_semaphore, #tpu.memory_space<semaphore_mem>>)
        %dma_start3A_497 = arith.constant 0 : i32
        %dma_start3A_498 = tpu.memref_slice %arg4[%arg0, %arg1, %add3A_460, %dma_start3A_497] : memref<2x16x320x32xi32, #tpu.memory_space<hbm>> -> memref<1x1x1x32xi32, #tpu.memory_space<hbm>>
        %dma_start3A_499 = tpu.memref_squeeze %dma_start3A_498 : memref<1x1x1x32xi32, #tpu.memory_space<hbm>> -> memref<32xi32, #tpu.memory_space<hbm>>
        %dma_start3A_500 = arith.constant 0 : i32
        %dma_start3A_501 = tpu.memref_slice %arg4[%arg0, %arg1, %add3A_460, %dma_start3A_500] : memref<2x16x320x32xi32, #tpu.memory_space<hbm>> -> memref<1x1x1x32xi32, #tpu.memory_space<hbm>>
        %dma_start3A_502 = tpu.memref_squeeze %dma_start3A_501 : memref<1x1x1x32xi32, #tpu.memory_space<hbm>> -> memref<32xi32, #tpu.memory_space<hbm>>
        tpu.enqueue_dma source(%dma_start3A_502 : memref<32xi32, #tpu.memory_space<hbm>>) target(%arg26 : memref<32xi32, #tpu.memory_space<vmem>>) target_semaphore(%arg56 : memref<!tpu.dma_semaphore, #tpu.memory_space<semaphore_mem>>)
      } else {
      }
      %mul3A_465 = arith.constant 10 : i32
      %mul3A_466 = arith.muli %add3A_233, %mul3A_465 : i32
      %add3A_467 = arith.constant 9 : i32
      %add3A_468 = arith.addi %mul3A_466, %add3A_467 : i32
      %dma_wait3A_469 = arith.constant 0 : i32
      %dma_wait3A_470 = arith.constant 0 : i32
      %dma_wait3A_471 = tpu.memref_slice %arg2[%dma_wait3A_469, %dma_wait3A_470] : memref<10000x128xf32, #tpu.memory_space<hbm>> -> memref<10000x128xf32, #tpu.memory_space<hbm>>
      tpu.wait_indirect_dma semaphore(%arg37 : memref<!tpu.dma_semaphore, #tpu.memory_space<semaphore_mem>>) src(%dma_wait3A_471 : memref<10000x128xf32, #tpu.memory_space<hbm>>) dst(%arg32 : memref<32x128xf32, #tpu.memory_space<vmem>>)
      %dma_wait3A_472 = arith.constant 0 : i32
      %dma_wait3A_473 = arith.constant 0 : i32
      %dma_wait3A_474 = tpu.memref_slice %arg4[%arg0, %arg1, %dma_wait3A_472, %dma_wait3A_473] : memref<2x16x320x32xi32, #tpu.memory_space<hbm>> -> memref<1x1x1x32xi32, #tpu.memory_space<hbm>>
      %dma_wait3A_475 = tpu.memref_squeeze %dma_wait3A_474 : memref<1x1x1x32xi32, #tpu.memory_space<hbm>> -> memref<32xi32, #tpu.memory_space<hbm>>
      %dma_wait3A_476 = arith.constant 0 : i32
      %dma_wait3A_477 = tpu.memref_slice %arg4[%arg0, %arg1, %dma_wait3A_472, %dma_wait3A_476] : memref<2x16x320x32xi32, #tpu.memory_space<hbm>> -> memref<1x1x1x32xi32, #tpu.memory_space<hbm>>
      %dma_wait3A_478 = tpu.memref_squeeze %dma_wait3A_477 : memref<1x1x1x32xi32, #tpu.memory_space<hbm>> -> memref<32xi32, #tpu.memory_space<hbm>>
      tpu.wait_dma2 semaphore(%arg57 : memref<!tpu.dma_semaphore, #tpu.memory_space<semaphore_mem>>) src(%dma_wait3A_478 : memref<32xi32, #tpu.memory_space<hbm>>) dst(%arg27 : memref<32xi32, #tpu.memory_space<vmem>>)
      "tpu.region"() ({
        %run_scoped3A = tpu.sem_alloc : memref<!tpu.dma_semaphore, #tpu.memory_space<semaphore_mem>>
        %dma_start3A_491 = arith.constant 0 : i32
        %dma_start3A_492 = arith.constant 0 : i32
        %dma_start3A_493 = tpu.memref_slice %arg7[%dma_start3A_491, %dma_start3A_492] : memref<10240x128xf32, #tpu.memory_space<vmem_shared>> -> memref<10240x128xf32, #tpu.memory_space<vmem_shared>>
        tpu.enqueue_indirect_dma source(%arg32 : memref<32x128xf32, #tpu.memory_space<vmem>>) target(%dma_start3A_493 : memref<10240x128xf32, #tpu.memory_space<vmem_shared>>) offsets(%arg27 : memref<32xi32, #tpu.memory_space<vmem>>) semaphore(%run_scoped3A : memref<!tpu.dma_semaphore, #tpu.memory_space<semaphore_mem>>) {add = true}
        %dma_wait3A_494 = arith.constant 0 : i32
        %dma_wait3A_495 = arith.constant 0 : i32
        %dma_wait3A_496 = tpu.memref_slice %arg7[%dma_wait3A_494, %dma_wait3A_495] : memref<10240x128xf32, #tpu.memory_space<vmem_shared>> -> memref<10240x128xf32, #tpu.memory_space<vmem_shared>>
        tpu.wait_indirect_dma semaphore(%run_scoped3A : memref<!tpu.dma_semaphore, #tpu.memory_space<semaphore_mem>>) src(%arg32 : memref<32x128xf32, #tpu.memory_space<vmem>>) dst(%dma_wait3A_496 : memref<10240x128xf32, #tpu.memory_space<vmem_shared>>)
        tpu.yield
      }) : () -> ()
      %add3A_479 = arith.constant 5 : i32
      %add3A_480 = arith.addi %add3A_468, %add3A_479 : i32
      %lt3A_481 = arith.cmpi slt, %add3A_480, %select_n3A : i32
      %convert_element_type3A_482 = arith.extui %lt3A_481 : i1 to i32
      %cond3A_483 = arith.constant 0 : i32
      %cond3A_484 = arith.cmpi ne, %convert_element_type3A_482, %cond3A_483 : i32
      scf.if %cond3A_484 {
        %dma_wait3A_491 = arith.constant 0 : i32
        %dma_wait3A_492 = arith.constant 0 : i32
        %dma_wait3A_493 = tpu.memref_slice %arg3[%arg0, %arg1, %dma_wait3A_491, %dma_wait3A_492] : memref<2x16x320x32xi32, #tpu.memory_space<hbm>> -> memref<1x1x1x32xi32, #tpu.memory_space<hbm>>
        %dma_wait3A_494 = tpu.memref_squeeze %dma_wait3A_493 : memref<1x1x1x32xi32, #tpu.memory_space<hbm>> -> memref<32xi32, #tpu.memory_space<hbm>>
        %dma_wait3A_495 = arith.constant 0 : i32
        %dma_wait3A_496 = tpu.memref_slice %arg3[%arg0, %arg1, %dma_wait3A_491, %dma_wait3A_495] : memref<2x16x320x32xi32, #tpu.memory_space<hbm>> -> memref<1x1x1x32xi32, #tpu.memory_space<hbm>>
        %dma_wait3A_497 = tpu.memref_squeeze %dma_wait3A_496 : memref<1x1x1x32xi32, #tpu.memory_space<hbm>> -> memref<32xi32, #tpu.memory_space<hbm>>
        tpu.wait_dma2 semaphore(%arg42 : memref<!tpu.dma_semaphore, #tpu.memory_space<semaphore_mem>>) src(%dma_wait3A_497 : memref<32xi32, #tpu.memory_space<hbm>>) dst(%arg12 : memref<32xi32, #tpu.memory_space<vmem>>)
        %dma_start3A_498 = arith.constant 0 : i32
        %dma_start3A_499 = arith.constant 0 : i32
        %dma_start3A_500 = tpu.memref_slice %arg2[%dma_start3A_498, %dma_start3A_499] : memref<10000x128xf32, #tpu.memory_space<hbm>> -> memref<10000x128xf32, #tpu.memory_space<hbm>>
        tpu.enqueue_indirect_dma source(%dma_start3A_500 : memref<10000x128xf32, #tpu.memory_space<hbm>>) target(%arg32 : memref<32x128xf32, #tpu.memory_space<vmem>>) offsets(%arg12 : memref<32xi32, #tpu.memory_space<vmem>>) semaphore(%arg37 : memref<!tpu.dma_semaphore, #tpu.memory_space<semaphore_mem>>)
      } else {
      }
      %add3A_485 = arith.constant 10 : i32
      %add3A_486 = arith.addi %add3A_468, %add3A_485 : i32
      %lt3A_487 = arith.cmpi slt, %add3A_486, %select_n3A : i32
      %convert_element_type3A_488 = arith.extui %lt3A_487 : i1 to i32
      %cond3A_489 = arith.constant 0 : i32
      %cond3A_490 = arith.cmpi ne, %convert_element_type3A_488, %cond3A_489 : i32
      scf.if %cond3A_490 {
        %dma_start3A_491 = arith.constant 0 : i32
        %dma_start3A_492 = tpu.memref_slice %arg3[%arg0, %arg1, %add3A_486, %dma_start3A_491] : memref<2x16x320x32xi32, #tpu.memory_space<hbm>> -> memref<1x1x1x32xi32, #tpu.memory_space<hbm>>
        %dma_start3A_493 = tpu.memref_squeeze %dma_start3A_492 : memref<1x1x1x32xi32, #tpu.memory_space<hbm>> -> memref<32xi32, #tpu.memory_space<hbm>>
        %dma_start3A_494 = arith.constant 0 : i32
        %dma_start3A_495 = tpu.memref_slice %arg3[%arg0, %arg1, %add3A_486, %dma_start3A_494] : memref<2x16x320x32xi32, #tpu.memory_space<hbm>> -> memref<1x1x1x32xi32, #tpu.memory_space<hbm>>
        %dma_start3A_496 = tpu.memref_squeeze %dma_start3A_495 : memref<1x1x1x32xi32, #tpu.memory_space<hbm>> -> memref<32xi32, #tpu.memory_space<hbm>>
        tpu.enqueue_dma source(%dma_start3A_496 : memref<32xi32, #tpu.memory_space<hbm>>) target(%arg17 : memref<32xi32, #tpu.memory_space<vmem>>) target_semaphore(%arg47 : memref<!tpu.dma_semaphore, #tpu.memory_space<semaphore_mem>>)
        %dma_start3A_497 = arith.constant 0 : i32
        %dma_start3A_498 = tpu.memref_slice %arg4[%arg0, %arg1, %add3A_486, %dma_start3A_497] : memref<2x16x320x32xi32, #tpu.memory_space<hbm>> -> memref<1x1x1x32xi32, #tpu.memory_space<hbm>>
        %dma_start3A_499 = tpu.memref_squeeze %dma_start3A_498 : memref<1x1x1x32xi32, #tpu.memory_space<hbm>> -> memref<32xi32, #tpu.memory_space<hbm>>
        %dma_start3A_500 = arith.constant 0 : i32
        %dma_start3A_501 = tpu.memref_slice %arg4[%arg0, %arg1, %add3A_486, %dma_start3A_500] : memref<2x16x320x32xi32, #tpu.memory_space<hbm>> -> memref<1x1x1x32xi32, #tpu.memory_space<hbm>>
        %dma_start3A_502 = tpu.memref_squeeze %dma_start3A_501 : memref<1x1x1x32xi32, #tpu.memory_space<hbm>> -> memref<32xi32, #tpu.memory_space<hbm>>
        tpu.enqueue_dma source(%dma_start3A_502 : memref<32xi32, #tpu.memory_space<hbm>>) target(%arg27 : memref<32xi32, #tpu.memory_space<vmem>>) target_semaphore(%arg57 : memref<!tpu.dma_semaphore, #tpu.memory_space<semaphore_mem>>)
      } else {
      }
    }
    %while3A_225 = arith.constant 1 : i32
    scf.for %while3A_231 = %while3A_223 to %while3A_219 step %while3A_225  : i32 {
      %mul3A_232 = arith.muli %while3A_231, %while3A : i32
      %add3A_233 = arith.addi %while3A_216, %mul3A_232 : i32
      %mul3A_234 = arith.constant 10 : i32
      %mul3A_235 = arith.muli %add3A_233, %mul3A_234 : i32
      %add3A_236 = arith.constant 0 : i32
      %add3A_237 = arith.addi %mul3A_235, %add3A_236 : i32
      %dma_wait3A_238 = arith.constant 0 : i32
      %dma_wait3A_239 = arith.constant 0 : i32
      %dma_wait3A_240 = tpu.memref_slice %arg2[%dma_wait3A_238, %dma_wait3A_239] : memref<10000x128xf32, #tpu.memory_space<hbm>> -> memref<10000x128xf32, #tpu.memory_space<hbm>>
      tpu.wait_indirect_dma semaphore(%arg33 : memref<!tpu.dma_semaphore, #tpu.memory_space<semaphore_mem>>) src(%dma_wait3A_240 : memref<10000x128xf32, #tpu.memory_space<hbm>>) dst(%arg28 : memref<32x128xf32, #tpu.memory_space<vmem>>)
      %dma_wait3A_241 = arith.constant 0 : i32
      %dma_wait3A_242 = arith.constant 0 : i32
      %dma_wait3A_243 = tpu.memref_slice %arg4[%arg0, %arg1, %dma_wait3A_241, %dma_wait3A_242] : memref<2x16x320x32xi32, #tpu.memory_space<hbm>> -> memref<1x1x1x32xi32, #tpu.memory_space<hbm>>
      %dma_wait3A_244 = tpu.memref_squeeze %dma_wait3A_243 : memref<1x1x1x32xi32, #tpu.memory_space<hbm>> -> memref<32xi32, #tpu.memory_space<hbm>>
      %dma_wait3A_245 = arith.constant 0 : i32
      %dma_wait3A_246 = tpu.memref_slice %arg4[%arg0, %arg1, %dma_wait3A_241, %dma_wait3A_245] : memref<2x16x320x32xi32, #tpu.memory_space<hbm>> -> memref<1x1x1x32xi32, #tpu.memory_space<hbm>>
      %dma_wait3A_247 = tpu.memref_squeeze %dma_wait3A_246 : memref<1x1x1x32xi32, #tpu.memory_space<hbm>> -> memref<32xi32, #tpu.memory_space<hbm>>
      tpu.wait_dma2 semaphore(%arg48 : memref<!tpu.dma_semaphore, #tpu.memory_space<semaphore_mem>>) src(%dma_wait3A_247 : memref<32xi32, #tpu.memory_space<hbm>>) dst(%arg18 : memref<32xi32, #tpu.memory_space<vmem>>)
      "tpu.region"() ({
        %run_scoped3A = tpu.sem_alloc : memref<!tpu.dma_semaphore, #tpu.memory_space<semaphore_mem>>
        %dma_start3A_491 = arith.constant 0 : i32
        %dma_start3A_492 = arith.constant 0 : i32
        %dma_start3A_493 = tpu.memref_slice %arg7[%dma_start3A_491, %dma_start3A_492] : memref<10240x128xf32, #tpu.memory_space<vmem_shared>> -> memref<10240x128xf32, #tpu.memory_space<vmem_shared>>
        tpu.enqueue_indirect_dma source(%arg28 : memref<32x128xf32, #tpu.memory_space<vmem>>) target(%dma_start3A_493 : memref<10240x128xf32, #tpu.memory_space<vmem_shared>>) offsets(%arg18 : memref<32xi32, #tpu.memory_space<vmem>>) semaphore(%run_scoped3A : memref<!tpu.dma_semaphore, #tpu.memory_space<semaphore_mem>>) {add = true}
        %dma_wait3A_494 = arith.constant 0 : i32
        %dma_wait3A_495 = arith.constant 0 : i32
        %dma_wait3A_496 = tpu.memref_slice %arg7[%dma_wait3A_494, %dma_wait3A_495] : memref<10240x128xf32, #tpu.memory_space<vmem_shared>> -> memref<10240x128xf32, #tpu.memory_space<vmem_shared>>
        tpu.wait_indirect_dma semaphore(%run_scoped3A : memref<!tpu.dma_semaphore, #tpu.memory_space<semaphore_mem>>) src(%arg28 : memref<32x128xf32, #tpu.memory_space<vmem>>) dst(%dma_wait3A_496 : memref<10240x128xf32, #tpu.memory_space<vmem_shared>>)
        tpu.yield
      }) : () -> ()
      %add3A_248 = arith.constant 5 : i32
      %add3A_249 = arith.addi %add3A_237, %add3A_248 : i32
      %lt3A = arith.cmpi slt, %add3A_249, %select_n3A : i32
      %convert_element_type3A = arith.extui %lt3A : i1 to i32
      %cond3A = arith.constant 0 : i32
      %cond3A_250 = arith.cmpi ne, %convert_element_type3A, %cond3A : i32
      scf.if %cond3A_250 {
        %dma_wait3A_491 = arith.constant 0 : i32
        %dma_wait3A_492 = arith.constant 0 : i32
        %dma_wait3A_493 = tpu.memref_slice %arg3[%arg0, %arg1, %dma_wait3A_491, %dma_wait3A_492] : memref<2x16x320x32xi32, #tpu.memory_space<hbm>> -> memref<1x1x1x32xi32, #tpu.memory_space<hbm>>
        %dma_wait3A_494 = tpu.memref_squeeze %dma_wait3A_493 : memref<1x1x1x32xi32, #tpu.memory_space<hbm>> -> memref<32xi32, #tpu.memory_space<hbm>>
        %dma_wait3A_495 = arith.constant 0 : i32
        %dma_wait3A_496 = tpu.memref_slice %arg3[%arg0, %arg1, %dma_wait3A_491, %dma_wait3A_495] : memref<2x16x320x32xi32, #tpu.memory_space<hbm>> -> memref<1x1x1x32xi32, #tpu.memory_space<hbm>>
        %dma_wait3A_497 = tpu.memref_squeeze %dma_wait3A_496 : memref<1x1x1x32xi32, #tpu.memory_space<hbm>> -> memref<32xi32, #tpu.memory_space<hbm>>
        tpu.wait_dma2 semaphore(%arg43 : memref<!tpu.dma_semaphore, #tpu.memory_space<semaphore_mem>>) src(%dma_wait3A_497 : memref<32xi32, #tpu.memory_space<hbm>>) dst(%arg13 : memref<32xi32, #tpu.memory_space<vmem>>)
        %dma_start3A_498 = arith.constant 0 : i32
        %dma_start3A_499 = arith.constant 0 : i32
        %dma_start3A_500 = tpu.memref_slice %arg2[%dma_start3A_498, %dma_start3A_499] : memref<10000x128xf32, #tpu.memory_space<hbm>> -> memref<10000x128xf32, #tpu.memory_space<hbm>>
        tpu.enqueue_indirect_dma source(%dma_start3A_500 : memref<10000x128xf32, #tpu.memory_space<hbm>>) target(%arg28 : memref<32x128xf32, #tpu.memory_space<vmem>>) offsets(%arg13 : memref<32xi32, #tpu.memory_space<vmem>>) semaphore(%arg33 : memref<!tpu.dma_semaphore, #tpu.memory_space<semaphore_mem>>)
      } else {
      }
      %add3A_251 = arith.constant 10 : i32
      %add3A_252 = arith.addi %add3A_237, %add3A_251 : i32
      %lt3A_253 = arith.cmpi slt, %add3A_252, %select_n3A : i32
      %convert_element_type3A_254 = arith.extui %lt3A_253 : i1 to i32
      %cond3A_255 = arith.constant 0 : i32
      %cond3A_256 = arith.cmpi ne, %convert_element_type3A_254, %cond3A_255 : i32
      scf.if %cond3A_256 {
        %dma_start3A_491 = arith.constant 0 : i32
        %dma_start3A_492 = tpu.memref_slice %arg3[%arg0, %arg1, %add3A_252, %dma_start3A_491] : memref<2x16x320x32xi32, #tpu.memory_space<hbm>> -> memref<1x1x1x32xi32, #tpu.memory_space<hbm>>
        %dma_start3A_493 = tpu.memref_squeeze %dma_start3A_492 : memref<1x1x1x32xi32, #tpu.memory_space<hbm>> -> memref<32xi32, #tpu.memory_space<hbm>>
        %dma_start3A_494 = arith.constant 0 : i32
        %dma_start3A_495 = tpu.memref_slice %arg3[%arg0, %arg1, %add3A_252, %dma_start3A_494] : memref<2x16x320x32xi32, #tpu.memory_space<hbm>> -> memref<1x1x1x32xi32, #tpu.memory_space<hbm>>
        %dma_start3A_496 = tpu.memref_squeeze %dma_start3A_495 : memref<1x1x1x32xi32, #tpu.memory_space<hbm>> -> memref<32xi32, #tpu.memory_space<hbm>>
        tpu.enqueue_dma source(%dma_start3A_496 : memref<32xi32, #tpu.memory_space<hbm>>) target(%arg8 : memref<32xi32, #tpu.memory_space<vmem>>) target_semaphore(%arg38 : memref<!tpu.dma_semaphore, #tpu.memory_space<semaphore_mem>>)
        %dma_start3A_497 = arith.constant 0 : i32
        %dma_start3A_498 = tpu.memref_slice %arg4[%arg0, %arg1, %add3A_252, %dma_start3A_497] : memref<2x16x320x32xi32, #tpu.memory_space<hbm>> -> memref<1x1x1x32xi32, #tpu.memory_space<hbm>>
        %dma_start3A_499 = tpu.memref_squeeze %dma_start3A_498 : memref<1x1x1x32xi32, #tpu.memory_space<hbm>> -> memref<32xi32, #tpu.memory_space<hbm>>
        %dma_start3A_500 = arith.constant 0 : i32
        %dma_start3A_501 = tpu.memref_slice %arg4[%arg0, %arg1, %add3A_252, %dma_start3A_500] : memref<2x16x320x32xi32, #tpu.memory_space<hbm>> -> memref<1x1x1x32xi32, #tpu.memory_space<hbm>>
        %dma_start3A_502 = tpu.memref_squeeze %dma_start3A_501 : memref<1x1x1x32xi32, #tpu.memory_space<hbm>> -> memref<32xi32, #tpu.memory_space<hbm>>
        tpu.enqueue_dma source(%dma_start3A_502 : memref<32xi32, #tpu.memory_space<hbm>>) target(%arg18 : memref<32xi32, #tpu.memory_space<vmem>>) target_semaphore(%arg48 : memref<!tpu.dma_semaphore, #tpu.memory_space<semaphore_mem>>)
      } else {
      }
      %mul3A_257 = arith.constant 10 : i32
      %mul3A_258 = arith.muli %add3A_233, %mul3A_257 : i32
      %add3A_259 = arith.constant 1 : i32
      %add3A_260 = arith.addi %mul3A_258, %add3A_259 : i32
      %dma_wait3A_261 = arith.constant 0 : i32
      %dma_wait3A_262 = arith.constant 0 : i32
      %dma_wait3A_263 = tpu.memref_slice %arg2[%dma_wait3A_261, %dma_wait3A_262] : memref<10000x128xf32, #tpu.memory_space<hbm>> -> memref<10000x128xf32, #tpu.memory_space<hbm>>
      tpu.wait_indirect_dma semaphore(%arg34 : memref<!tpu.dma_semaphore, #tpu.memory_space<semaphore_mem>>) src(%dma_wait3A_263 : memref<10000x128xf32, #tpu.memory_space<hbm>>) dst(%arg29 : memref<32x128xf32, #tpu.memory_space<vmem>>)
      %dma_wait3A_264 = arith.constant 0 : i32
      %dma_wait3A_265 = arith.constant 0 : i32
      %dma_wait3A_266 = tpu.memref_slice %arg4[%arg0, %arg1, %dma_wait3A_264, %dma_wait3A_265] : memref<2x16x320x32xi32, #tpu.memory_space<hbm>> -> memref<1x1x1x32xi32, #tpu.memory_space<hbm>>
      %dma_wait3A_267 = tpu.memref_squeeze %dma_wait3A_266 : memref<1x1x1x32xi32, #tpu.memory_space<hbm>> -> memref<32xi32, #tpu.memory_space<hbm>>
      %dma_wait3A_268 = arith.constant 0 : i32
      %dma_wait3A_269 = tpu.memref_slice %arg4[%arg0, %arg1, %dma_wait3A_264, %dma_wait3A_268] : memref<2x16x320x32xi32, #tpu.memory_space<hbm>> -> memref<1x1x1x32xi32, #tpu.memory_space<hbm>>
      %dma_wait3A_270 = tpu.memref_squeeze %dma_wait3A_269 : memref<1x1x1x32xi32, #tpu.memory_space<hbm>> -> memref<32xi32, #tpu.memory_space<hbm>>
      tpu.wait_dma2 semaphore(%arg49 : memref<!tpu.dma_semaphore, #tpu.memory_space<semaphore_mem>>) src(%dma_wait3A_270 : memref<32xi32, #tpu.memory_space<hbm>>) dst(%arg19 : memref<32xi32, #tpu.memory_space<vmem>>)
      "tpu.region"() ({
        %run_scoped3A = tpu.sem_alloc : memref<!tpu.dma_semaphore, #tpu.memory_space<semaphore_mem>>
        %dma_start3A_491 = arith.constant 0 : i32
        %dma_start3A_492 = arith.constant 0 : i32
        %dma_start3A_493 = tpu.memref_slice %arg7[%dma_start3A_491, %dma_start3A_492] : memref<10240x128xf32, #tpu.memory_space<vmem_shared>> -> memref<10240x128xf32, #tpu.memory_space<vmem_shared>>
        tpu.enqueue_indirect_dma source(%arg29 : memref<32x128xf32, #tpu.memory_space<vmem>>) target(%dma_start3A_493 : memref<10240x128xf32, #tpu.memory_space<vmem_shared>>) offsets(%arg19 : memref<32xi32, #tpu.memory_space<vmem>>) semaphore(%run_scoped3A : memref<!tpu.dma_semaphore, #tpu.memory_space<semaphore_mem>>) {add = true}
        %dma_wait3A_494 = arith.constant 0 : i32
        %dma_wait3A_495 = arith.constant 0 : i32
        %dma_wait3A_496 = tpu.memref_slice %arg7[%dma_wait3A_494, %dma_wait3A_495] : memref<10240x128xf32, #tpu.memory_space<vmem_shared>> -> memref<10240x128xf32, #tpu.memory_space<vmem_shared>>
        tpu.wait_indirect_dma semaphore(%run_scoped3A : memref<!tpu.dma_semaphore, #tpu.memory_space<semaphore_mem>>) src(%arg29 : memref<32x128xf32, #tpu.memory_space<vmem>>) dst(%dma_wait3A_496 : memref<10240x128xf32, #tpu.memory_space<vmem_shared>>)
        tpu.yield
      }) : () -> ()
      %add3A_271 = arith.constant 5 : i32
      %add3A_272 = arith.addi %add3A_260, %add3A_271 : i32
      %lt3A_273 = arith.cmpi slt, %add3A_272, %select_n3A : i32
      %convert_element_type3A_274 = arith.extui %lt3A_273 : i1 to i32
      %cond3A_275 = arith.constant 0 : i32
      %cond3A_276 = arith.cmpi ne, %convert_element_type3A_274, %cond3A_275 : i32
      scf.if %cond3A_276 {
        %dma_wait3A_491 = arith.constant 0 : i32
        %dma_wait3A_492 = arith.constant 0 : i32
        %dma_wait3A_493 = tpu.memref_slice %arg3[%arg0, %arg1, %dma_wait3A_491, %dma_wait3A_492] : memref<2x16x320x32xi32, #tpu.memory_space<hbm>> -> memref<1x1x1x32xi32, #tpu.memory_space<hbm>>
        %dma_wait3A_494 = tpu.memref_squeeze %dma_wait3A_493 : memref<1x1x1x32xi32, #tpu.memory_space<hbm>> -> memref<32xi32, #tpu.memory_space<hbm>>
        %dma_wait3A_495 = arith.constant 0 : i32
        %dma_wait3A_496 = tpu.memref_slice %arg3[%arg0, %arg1, %dma_wait3A_491, %dma_wait3A_495] : memref<2x16x320x32xi32, #tpu.memory_space<hbm>> -> memref<1x1x1x32xi32, #tpu.memory_space<hbm>>
        %dma_wait3A_497 = tpu.memref_squeeze %dma_wait3A_496 : memref<1x1x1x32xi32, #tpu.memory_space<hbm>> -> memref<32xi32, #tpu.memory_space<hbm>>
        tpu.wait_dma2 semaphore(%arg44 : memref<!tpu.dma_semaphore, #tpu.memory_space<semaphore_mem>>) src(%dma_wait3A_497 : memref<32xi32, #tpu.memory_space<hbm>>) dst(%arg14 : memref<32xi32, #tpu.memory_space<vmem>>)
        %dma_start3A_498 = arith.constant 0 : i32
        %dma_start3A_499 = arith.constant 0 : i32
        %dma_start3A_500 = tpu.memref_slice %arg2[%dma_start3A_498, %dma_start3A_499] : memref<10000x128xf32, #tpu.memory_space<hbm>> -> memref<10000x128xf32, #tpu.memory_space<hbm>>
        tpu.enqueue_indirect_dma source(%dma_start3A_500 : memref<10000x128xf32, #tpu.memory_space<hbm>>) target(%arg29 : memref<32x128xf32, #tpu.memory_space<vmem>>) offsets(%arg14 : memref<32xi32, #tpu.memory_space<vmem>>) semaphore(%arg34 : memref<!tpu.dma_semaphore, #tpu.memory_space<semaphore_mem>>)
      } else {
      }
      %add3A_277 = arith.constant 10 : i32
      %add3A_278 = arith.addi %add3A_260, %add3A_277 : i32
      %lt3A_279 = arith.cmpi slt, %add3A_278, %select_n3A : i32
      %convert_element_type3A_280 = arith.extui %lt3A_279 : i1 to i32
      %cond3A_281 = arith.constant 0 : i32
      %cond3A_282 = arith.cmpi ne, %convert_element_type3A_280, %cond3A_281 : i32
      scf.if %cond3A_282 {
        %dma_start3A_491 = arith.constant 0 : i32
        %dma_start3A_492 = tpu.memref_slice %arg3[%arg0, %arg1, %add3A_278, %dma_start3A_491] : memref<2x16x320x32xi32, #tpu.memory_space<hbm>> -> memref<1x1x1x32xi32, #tpu.memory_space<hbm>>
        %dma_start3A_493 = tpu.memref_squeeze %dma_start3A_492 : memref<1x1x1x32xi32, #tpu.memory_space<hbm>> -> memref<32xi32, #tpu.memory_space<hbm>>
        %dma_start3A_494 = arith.constant 0 : i32
        %dma_start3A_495 = tpu.memref_slice %arg3[%arg0, %arg1, %add3A_278, %dma_start3A_494] : memref<2x16x320x32xi32, #tpu.memory_space<hbm>> -> memref<1x1x1x32xi32, #tpu.memory_space<hbm>>
        %dma_start3A_496 = tpu.memref_squeeze %dma_start3A_495 : memref<1x1x1x32xi32, #tpu.memory_space<hbm>> -> memref<32xi32, #tpu.memory_space<hbm>>
        tpu.enqueue_dma source(%dma_start3A_496 : memref<32xi32, #tpu.memory_space<hbm>>) target(%arg9 : memref<32xi32, #tpu.memory_space<vmem>>) target_semaphore(%arg39 : memref<!tpu.dma_semaphore, #tpu.memory_space<semaphore_mem>>)
        %dma_start3A_497 = arith.constant 0 : i32
        %dma_start3A_498 = tpu.memref_slice %arg4[%arg0, %arg1, %add3A_278, %dma_start3A_497] : memref<2x16x320x32xi32, #tpu.memory_space<hbm>> -> memref<1x1x1x32xi32, #tpu.memory_space<hbm>>
        %dma_start3A_499 = tpu.memref_squeeze %dma_start3A_498 : memref<1x1x1x32xi32, #tpu.memory_space<hbm>> -> memref<32xi32, #tpu.memory_space<hbm>>
        %dma_start3A_500 = arith.constant 0 : i32
        %dma_start3A_501 = tpu.memref_slice %arg4[%arg0, %arg1, %add3A_278, %dma_start3A_500] : memref<2x16x320x32xi32, #tpu.memory_space<hbm>> -> memref<1x1x1x32xi32, #tpu.memory_space<hbm>>
        %dma_start3A_502 = tpu.memref_squeeze %dma_start3A_501 : memref<1x1x1x32xi32, #tpu.memory_space<hbm>> -> memref<32xi32, #tpu.memory_space<hbm>>
        tpu.enqueue_dma source(%dma_start3A_502 : memref<32xi32, #tpu.memory_space<hbm>>) target(%arg19 : memref<32xi32, #tpu.memory_space<vmem>>) target_semaphore(%arg49 : memref<!tpu.dma_semaphore, #tpu.memory_space<semaphore_mem>>)
      } else {
      }
      %mul3A_283 = arith.constant 10 : i32
      %mul3A_284 = arith.muli %add3A_233, %mul3A_283 : i32
      %add3A_285 = arith.constant 2 : i32
      %add3A_286 = arith.addi %mul3A_284, %add3A_285 : i32
      %dma_wait3A_287 = arith.constant 0 : i32
      %dma_wait3A_288 = arith.constant 0 : i32
      %dma_wait3A_289 = tpu.memref_slice %arg2[%dma_wait3A_287, %dma_wait3A_288] : memref<10000x128xf32, #tpu.memory_space<hbm>> -> memref<10000x128xf32, #tpu.memory_space<hbm>>
      tpu.wait_indirect_dma semaphore(%arg35 : memref<!tpu.dma_semaphore, #tpu.memory_space<semaphore_mem>>) src(%dma_wait3A_289 : memref<10000x128xf32, #tpu.memory_space<hbm>>) dst(%arg30 : memref<32x128xf32, #tpu.memory_space<vmem>>)
      %dma_wait3A_290 = arith.constant 0 : i32
      %dma_wait3A_291 = arith.constant 0 : i32
      %dma_wait3A_292 = tpu.memref_slice %arg4[%arg0, %arg1, %dma_wait3A_290, %dma_wait3A_291] : memref<2x16x320x32xi32, #tpu.memory_space<hbm>> -> memref<1x1x1x32xi32, #tpu.memory_space<hbm>>
      %dma_wait3A_293 = tpu.memref_squeeze %dma_wait3A_292 : memref<1x1x1x32xi32, #tpu.memory_space<hbm>> -> memref<32xi32, #tpu.memory_space<hbm>>
      %dma_wait3A_294 = arith.constant 0 : i32
      %dma_wait3A_295 = tpu.memref_slice %arg4[%arg0, %arg1, %dma_wait3A_290, %dma_wait3A_294] : memref<2x16x320x32xi32, #tpu.memory_space<hbm>> -> memref<1x1x1x32xi32, #tpu.memory_space<hbm>>
      %dma_wait3A_296 = tpu.memref_squeeze %dma_wait3A_295 : memref<1x1x1x32xi32, #tpu.memory_space<hbm>> -> memref<32xi32, #tpu.memory_space<hbm>>
      tpu.wait_dma2 semaphore(%arg50 : memref<!tpu.dma_semaphore, #tpu.memory_space<semaphore_mem>>) src(%dma_wait3A_296 : memref<32xi32, #tpu.memory_space<hbm>>) dst(%arg20 : memref<32xi32, #tpu.memory_space<vmem>>)
      "tpu.region"() ({
        %run_scoped3A = tpu.sem_alloc : memref<!tpu.dma_semaphore, #tpu.memory_space<semaphore_mem>>
        %dma_start3A_491 = arith.constant 0 : i32
        %dma_start3A_492 = arith.constant 0 : i32
        %dma_start3A_493 = tpu.memref_slice %arg7[%dma_start3A_491, %dma_start3A_492] : memref<10240x128xf32, #tpu.memory_space<vmem_shared>> -> memref<10240x128xf32, #tpu.memory_space<vmem_shared>>
        tpu.enqueue_indirect_dma source(%arg30 : memref<32x128xf32, #tpu.memory_space<vmem>>) target(%dma_start3A_493 : memref<10240x128xf32, #tpu.memory_space<vmem_shared>>) offsets(%arg20 : memref<32xi32, #tpu.memory_space<vmem>>) semaphore(%run_scoped3A : memref<!tpu.dma_semaphore, #tpu.memory_space<semaphore_mem>>) {add = true}
        %dma_wait3A_494 = arith.constant 0 : i32
        %dma_wait3A_495 = arith.constant 0 : i32
        %dma_wait3A_496 = tpu.memref_slice %arg7[%dma_wait3A_494, %dma_wait3A_495] : memref<10240x128xf32, #tpu.memory_space<vmem_shared>> -> memref<10240x128xf32, #tpu.memory_space<vmem_shared>>
        tpu.wait_indirect_dma semaphore(%run_scoped3A : memref<!tpu.dma_semaphore, #tpu.memory_space<semaphore_mem>>) src(%arg30 : memref<32x128xf32, #tpu.memory_space<vmem>>) dst(%dma_wait3A_496 : memref<10240x128xf32, #tpu.memory_space<vmem_shared>>)
        tpu.yield
      }) : () -> ()
      %add3A_297 = arith.constant 5 : i32
      %add3A_298 = arith.addi %add3A_286, %add3A_297 : i32
      %lt3A_299 = arith.cmpi slt, %add3A_298, %select_n3A : i32
      %convert_element_type3A_300 = arith.extui %lt3A_299 : i1 to i32
      %cond3A_301 = arith.constant 0 : i32
      %cond3A_302 = arith.cmpi ne, %convert_element_type3A_300, %cond3A_301 : i32
      scf.if %cond3A_302 {
        %dma_wait3A_491 = arith.constant 0 : i32
        %dma_wait3A_492 = arith.constant 0 : i32
        %dma_wait3A_493 = tpu.memref_slice %arg3[%arg0, %arg1, %dma_wait3A_491, %dma_wait3A_492] : memref<2x16x320x32xi32, #tpu.memory_space<hbm>> -> memref<1x1x1x32xi32, #tpu.memory_space<hbm>>
        %dma_wait3A_494 = tpu.memref_squeeze %dma_wait3A_493 : memref<1x1x1x32xi32, #tpu.memory_space<hbm>> -> memref<32xi32, #tpu.memory_space<hbm>>
        %dma_wait3A_495 = arith.constant 0 : i32
        %dma_wait3A_496 = tpu.memref_slice %arg3[%arg0, %arg1, %dma_wait3A_491, %dma_wait3A_495] : memref<2x16x320x32xi32, #tpu.memory_space<hbm>> -> memref<1x1x1x32xi32, #tpu.memory_space<hbm>>
        %dma_wait3A_497 = tpu.memref_squeeze %dma_wait3A_496 : memref<1x1x1x32xi32, #tpu.memory_space<hbm>> -> memref<32xi32, #tpu.memory_space<hbm>>
        tpu.wait_dma2 semaphore(%arg45 : memref<!tpu.dma_semaphore, #tpu.memory_space<semaphore_mem>>) src(%dma_wait3A_497 : memref<32xi32, #tpu.memory_space<hbm>>) dst(%arg15 : memref<32xi32, #tpu.memory_space<vmem>>)
        %dma_start3A_498 = arith.constant 0 : i32
        %dma_start3A_499 = arith.constant 0 : i32
        %dma_start3A_500 = tpu.memref_slice %arg2[%dma_start3A_498, %dma_start3A_499] : memref<10000x128xf32, #tpu.memory_space<hbm>> -> memref<10000x128xf32, #tpu.memory_space<hbm>>
        tpu.enqueue_indirect_dma source(%dma_start3A_500 : memref<10000x128xf32, #tpu.memory_space<hbm>>) target(%arg30 : memref<32x128xf32, #tpu.memory_space<vmem>>) offsets(%arg15 : memref<32xi32, #tpu.memory_space<vmem>>) semaphore(%arg35 : memref<!tpu.dma_semaphore, #tpu.memory_space<semaphore_mem>>)
      } else {
      }
      %add3A_303 = arith.constant 10 : i32
      %add3A_304 = arith.addi %add3A_286, %add3A_303 : i32
      %lt3A_305 = arith.cmpi slt, %add3A_304, %select_n3A : i32
      %convert_element_type3A_306 = arith.extui %lt3A_305 : i1 to i32
      %cond3A_307 = arith.constant 0 : i32
      %cond3A_308 = arith.cmpi ne, %convert_element_type3A_306, %cond3A_307 : i32
      scf.if %cond3A_308 {
        %dma_start3A_491 = arith.constant 0 : i32
        %dma_start3A_492 = tpu.memref_slice %arg3[%arg0, %arg1, %add3A_304, %dma_start3A_491] : memref<2x16x320x32xi32, #tpu.memory_space<hbm>> -> memref<1x1x1x32xi32, #tpu.memory_space<hbm>>
        %dma_start3A_493 = tpu.memref_squeeze %dma_start3A_492 : memref<1x1x1x32xi32, #tpu.memory_space<hbm>> -> memref<32xi32, #tpu.memory_space<hbm>>
        %dma_start3A_494 = arith.constant 0 : i32
        %dma_start3A_495 = tpu.memref_slice %arg3[%arg0, %arg1, %add3A_304, %dma_start3A_494] : memref<2x16x320x32xi32, #tpu.memory_space<hbm>> -> memref<1x1x1x32xi32, #tpu.memory_space<hbm>>
        %dma_start3A_496 = tpu.memref_squeeze %dma_start3A_495 : memref<1x1x1x32xi32, #tpu.memory_space<hbm>> -> memref<32xi32, #tpu.memory_space<hbm>>
        tpu.enqueue_dma source(%dma_start3A_496 : memref<32xi32, #tpu.memory_space<hbm>>) target(%arg10 : memref<32xi32, #tpu.memory_space<vmem>>) target_semaphore(%arg40 : memref<!tpu.dma_semaphore, #tpu.memory_space<semaphore_mem>>)
        %dma_start3A_497 = arith.constant 0 : i32
        %dma_start3A_498 = tpu.memref_slice %arg4[%arg0, %arg1, %add3A_304, %dma_start3A_497] : memref<2x16x320x32xi32, #tpu.memory_space<hbm>> -> memref<1x1x1x32xi32, #tpu.memory_space<hbm>>
        %dma_start3A_499 = tpu.memref_squeeze %dma_start3A_498 : memref<1x1x1x32xi32, #tpu.memory_space<hbm>> -> memref<32xi32, #tpu.memory_space<hbm>>
        %dma_start3A_500 = arith.constant 0 : i32
        %dma_start3A_501 = tpu.memref_slice %arg4[%arg0, %arg1, %add3A_304, %dma_start3A_500] : memref<2x16x320x32xi32, #tpu.memory_space<hbm>> -> memref<1x1x1x32xi32, #tpu.memory_space<hbm>>
        %dma_start3A_502 = tpu.memref_squeeze %dma_start3A_501 : memref<1x1x1x32xi32, #tpu.memory_space<hbm>> -> memref<32xi32, #tpu.memory_space<hbm>>
        tpu.enqueue_dma source(%dma_start3A_502 : memref<32xi32, #tpu.memory_space<hbm>>) target(%arg20 : memref<32xi32, #tpu.memory_space<vmem>>) target_semaphore(%arg50 : memref<!tpu.dma_semaphore, #tpu.memory_space<semaphore_mem>>)
      } else {
      }
      %mul3A_309 = arith.constant 10 : i32
      %mul3A_310 = arith.muli %add3A_233, %mul3A_309 : i32
      %add3A_311 = arith.constant 3 : i32
      %add3A_312 = arith.addi %mul3A_310, %add3A_311 : i32
      %dma_wait3A_313 = arith.constant 0 : i32
      %dma_wait3A_314 = arith.constant 0 : i32
      %dma_wait3A_315 = tpu.memref_slice %arg2[%dma_wait3A_313, %dma_wait3A_314] : memref<10000x128xf32, #tpu.memory_space<hbm>> -> memref<10000x128xf32, #tpu.memory_space<hbm>>
      tpu.wait_indirect_dma semaphore(%arg36 : memref<!tpu.dma_semaphore, #tpu.memory_space<semaphore_mem>>) src(%dma_wait3A_315 : memref<10000x128xf32, #tpu.memory_space<hbm>>) dst(%arg31 : memref<32x128xf32, #tpu.memory_space<vmem>>)
      %dma_wait3A_316 = arith.constant 0 : i32
      %dma_wait3A_317 = arith.constant 0 : i32
      %dma_wait3A_318 = tpu.memref_slice %arg4[%arg0, %arg1, %dma_wait3A_316, %dma_wait3A_317] : memref<2x16x320x32xi32, #tpu.memory_space<hbm>> -> memref<1x1x1x32xi32, #tpu.memory_space<hbm>>
      %dma_wait3A_319 = tpu.memref_squeeze %dma_wait3A_318 : memref<1x1x1x32xi32, #tpu.memory_space<hbm>> -> memref<32xi32, #tpu.memory_space<hbm>>
      %dma_wait3A_320 = arith.constant 0 : i32
      %dma_wait3A_321 = tpu.memref_slice %arg4[%arg0, %arg1, %dma_wait3A_316, %dma_wait3A_320] : memref<2x16x320x32xi32, #tpu.memory_space<hbm>> -> memref<1x1x1x32xi32, #tpu.memory_space<hbm>>
      %dma_wait3A_322 = tpu.memref_squeeze %dma_wait3A_321 : memref<1x1x1x32xi32, #tpu.memory_space<hbm>> -> memref<32xi32, #tpu.memory_space<hbm>>
      tpu.wait_dma2 semaphore(%arg51 : memref<!tpu.dma_semaphore, #tpu.memory_space<semaphore_mem>>) src(%dma_wait3A_322 : memref<32xi32, #tpu.memory_space<hbm>>) dst(%arg21 : memref<32xi32, #tpu.memory_space<vmem>>)
      "tpu.region"() ({
        %run_scoped3A = tpu.sem_alloc : memref<!tpu.dma_semaphore, #tpu.memory_space<semaphore_mem>>
        %dma_start3A_491 = arith.constant 0 : i32
        %dma_start3A_492 = arith.constant 0 : i32
        %dma_start3A_493 = tpu.memref_slice %arg7[%dma_start3A_491, %dma_start3A_492] : memref<10240x128xf32, #tpu.memory_space<vmem_shared>> -> memref<10240x128xf32, #tpu.memory_space<vmem_shared>>
        tpu.enqueue_indirect_dma source(%arg31 : memref<32x128xf32, #tpu.memory_space<vmem>>) target(%dma_start3A_493 : memref<10240x128xf32, #tpu.memory_space<vmem_shared>>) offsets(%arg21 : memref<32xi32, #tpu.memory_space<vmem>>) semaphore(%run_scoped3A : memref<!tpu.dma_semaphore, #tpu.memory_space<semaphore_mem>>) {add = true}
        %dma_wait3A_494 = arith.constant 0 : i32
        %dma_wait3A_495 = arith.constant 0 : i32
        %dma_wait3A_496 = tpu.memref_slice %arg7[%dma_wait3A_494, %dma_wait3A_495] : memref<10240x128xf32, #tpu.memory_space<vmem_shared>> -> memref<10240x128xf32, #tpu.memory_space<vmem_shared>>
        tpu.wait_indirect_dma semaphore(%run_scoped3A : memref<!tpu.dma_semaphore, #tpu.memory_space<semaphore_mem>>) src(%arg31 : memref<32x128xf32, #tpu.memory_space<vmem>>) dst(%dma_wait3A_496 : memref<10240x128xf32, #tpu.memory_space<vmem_shared>>)
        tpu.yield
      }) : () -> ()
      %add3A_323 = arith.constant 5 : i32
      %add3A_324 = arith.addi %add3A_312, %add3A_323 : i32
      %lt3A_325 = arith.cmpi slt, %add3A_324, %select_n3A : i32
      %convert_element_type3A_326 = arith.extui %lt3A_325 : i1 to i32
      %cond3A_327 = arith.constant 0 : i32
      %cond3A_328 = arith.cmpi ne, %convert_element_type3A_326, %cond3A_327 : i32
      scf.if %cond3A_328 {
        %dma_wait3A_491 = arith.constant 0 : i32
        %dma_wait3A_492 = arith.constant 0 : i32
        %dma_wait3A_493 = tpu.memref_slice %arg3[%arg0, %arg1, %dma_wait3A_491, %dma_wait3A_492] : memref<2x16x320x32xi32, #tpu.memory_space<hbm>> -> memref<1x1x1x32xi32, #tpu.memory_space<hbm>>
        %dma_wait3A_494 = tpu.memref_squeeze %dma_wait3A_493 : memref<1x1x1x32xi32, #tpu.memory_space<hbm>> -> memref<32xi32, #tpu.memory_space<hbm>>
        %dma_wait3A_495 = arith.constant 0 : i32
        %dma_wait3A_496 = tpu.memref_slice %arg3[%arg0, %arg1, %dma_wait3A_491, %dma_wait3A_495] : memref<2x16x320x32xi32, #tpu.memory_space<hbm>> -> memref<1x1x1x32xi32, #tpu.memory_space<hbm>>
        %dma_wait3A_497 = tpu.memref_squeeze %dma_wait3A_496 : memref<1x1x1x32xi32, #tpu.memory_space<hbm>> -> memref<32xi32, #tpu.memory_space<hbm>>
        tpu.wait_dma2 semaphore(%arg46 : memref<!tpu.dma_semaphore, #tpu.memory_space<semaphore_mem>>) src(%dma_wait3A_497 : memref<32xi32, #tpu.memory_space<hbm>>) dst(%arg16 : memref<32xi32, #tpu.memory_space<vmem>>)
        %dma_start3A_498 = arith.constant 0 : i32
        %dma_start3A_499 = arith.constant 0 : i32
        %dma_start3A_500 = tpu.memref_slice %arg2[%dma_start3A_498, %dma_start3A_499] : memref<10000x128xf32, #tpu.memory_space<hbm>> -> memref<10000x128xf32, #tpu.memory_space<hbm>>
        tpu.enqueue_indirect_dma source(%dma_start3A_500 : memref<10000x128xf32, #tpu.memory_space<hbm>>) target(%arg31 : memref<32x128xf32, #tpu.memory_space<vmem>>) offsets(%arg16 : memref<32xi32, #tpu.memory_space<vmem>>) semaphore(%arg36 : memref<!tpu.dma_semaphore, #tpu.memory_space<semaphore_mem>>)
      } else {
      }
      %add3A_329 = arith.constant 10 : i32
      %add3A_330 = arith.addi %add3A_312, %add3A_329 : i32
      %lt3A_331 = arith.cmpi slt, %add3A_330, %select_n3A : i32
      %convert_element_type3A_332 = arith.extui %lt3A_331 : i1 to i32
      %cond3A_333 = arith.constant 0 : i32
      %cond3A_334 = arith.cmpi ne, %convert_element_type3A_332, %cond3A_333 : i32
      scf.if %cond3A_334 {
        %dma_start3A_491 = arith.constant 0 : i32
        %dma_start3A_492 = tpu.memref_slice %arg3[%arg0, %arg1, %add3A_330, %dma_start3A_491] : memref<2x16x320x32xi32, #tpu.memory_space<hbm>> -> memref<1x1x1x32xi32, #tpu.memory_space<hbm>>
        %dma_start3A_493 = tpu.memref_squeeze %dma_start3A_492 : memref<1x1x1x32xi32, #tpu.memory_space<hbm>> -> memref<32xi32, #tpu.memory_space<hbm>>
        %dma_start3A_494 = arith.constant 0 : i32
        %dma_start3A_495 = tpu.memref_slice %arg3[%arg0, %arg1, %add3A_330, %dma_start3A_494] : memref<2x16x320x32xi32, #tpu.memory_space<hbm>> -> memref<1x1x1x32xi32, #tpu.memory_space<hbm>>
        %dma_start3A_496 = tpu.memref_squeeze %dma_start3A_495 : memref<1x1x1x32xi32, #tpu.memory_space<hbm>> -> memref<32xi32, #tpu.memory_space<hbm>>
        tpu.enqueue_dma source(%dma_start3A_496 : memref<32xi32, #tpu.memory_space<hbm>>) target(%arg11 : memref<32xi32, #tpu.memory_space<vmem>>) target_semaphore(%arg41 : memref<!tpu.dma_semaphore, #tpu.memory_space<semaphore_mem>>)
        %dma_start3A_497 = arith.constant 0 : i32
        %dma_start3A_498 = tpu.memref_slice %arg4[%arg0, %arg1, %add3A_330, %dma_start3A_497] : memref<2x16x320x32xi32, #tpu.memory_space<hbm>> -> memref<1x1x1x32xi32, #tpu.memory_space<hbm>>
        %dma_start3A_499 = tpu.memref_squeeze %dma_start3A_498 : memref<1x1x1x32xi32, #tpu.memory_space<hbm>> -> memref<32xi32, #tpu.memory_space<hbm>>
        %dma_start3A_500 = arith.constant 0 : i32
        %dma_start3A_501 = tpu.memref_slice %arg4[%arg0, %arg1, %add3A_330, %dma_start3A_500] : memref<2x16x320x32xi32, #tpu.memory_space<hbm>> -> memref<1x1x1x32xi32, #tpu.memory_space<hbm>>
        %dma_start3A_502 = tpu.memref_squeeze %dma_start3A_501 : memref<1x1x1x32xi32, #tpu.memory_space<hbm>> -> memref<32xi32, #tpu.memory_space<hbm>>
        tpu.enqueue_dma source(%dma_start3A_502 : memref<32xi32, #tpu.memory_space<hbm>>) target(%arg21 : memref<32xi32, #tpu.memory_space<vmem>>) target_semaphore(%arg51 : memref<!tpu.dma_semaphore, #tpu.memory_space<semaphore_mem>>)
      } else {
      }
      %mul3A_335 = arith.constant 10 : i32
      %mul3A_336 = arith.muli %add3A_233, %mul3A_335 : i32
      %add3A_337 = arith.constant 4 : i32
      %add3A_338 = arith.addi %mul3A_336, %add3A_337 : i32
      %dma_wait3A_339 = arith.constant 0 : i32
      %dma_wait3A_340 = arith.constant 0 : i32
      %dma_wait3A_341 = tpu.memref_slice %arg2[%dma_wait3A_339, %dma_wait3A_340] : memref<10000x128xf32, #tpu.memory_space<hbm>> -> memref<10000x128xf32, #tpu.memory_space<hbm>>
      tpu.wait_indirect_dma semaphore(%arg37 : memref<!tpu.dma_semaphore, #tpu.memory_space<semaphore_mem>>) src(%dma_wait3A_341 : memref<10000x128xf32, #tpu.memory_space<hbm>>) dst(%arg32 : memref<32x128xf32, #tpu.memory_space<vmem>>)
      %dma_wait3A_342 = arith.constant 0 : i32
      %dma_wait3A_343 = arith.constant 0 : i32
      %dma_wait3A_344 = tpu.memref_slice %arg4[%arg0, %arg1, %dma_wait3A_342, %dma_wait3A_343] : memref<2x16x320x32xi32, #tpu.memory_space<hbm>> -> memref<1x1x1x32xi32, #tpu.memory_space<hbm>>
      %dma_wait3A_345 = tpu.memref_squeeze %dma_wait3A_344 : memref<1x1x1x32xi32, #tpu.memory_space<hbm>> -> memref<32xi32, #tpu.memory_space<hbm>>
      %dma_wait3A_346 = arith.constant 0 : i32
      %dma_wait3A_347 = tpu.memref_slice %arg4[%arg0, %arg1, %dma_wait3A_342, %dma_wait3A_346] : memref<2x16x320x32xi32, #tpu.memory_space<hbm>> -> memref<1x1x1x32xi32, #tpu.memory_space<hbm>>
      %dma_wait3A_348 = tpu.memref_squeeze %dma_wait3A_347 : memref<1x1x1x32xi32, #tpu.memory_space<hbm>> -> memref<32xi32, #tpu.memory_space<hbm>>
      tpu.wait_dma2 semaphore(%arg52 : memref<!tpu.dma_semaphore, #tpu.memory_space<semaphore_mem>>) src(%dma_wait3A_348 : memref<32xi32, #tpu.memory_space<hbm>>) dst(%arg22 : memref<32xi32, #tpu.memory_space<vmem>>)
      "tpu.region"() ({
        %run_scoped3A = tpu.sem_alloc : memref<!tpu.dma_semaphore, #tpu.memory_space<semaphore_mem>>
        %dma_start3A_491 = arith.constant 0 : i32
        %dma_start3A_492 = arith.constant 0 : i32
        %dma_start3A_493 = tpu.memref_slice %arg7[%dma_start3A_491, %dma_start3A_492] : memref<10240x128xf32, #tpu.memory_space<vmem_shared>> -> memref<10240x128xf32, #tpu.memory_space<vmem_shared>>
        tpu.enqueue_indirect_dma source(%arg32 : memref<32x128xf32, #tpu.memory_space<vmem>>) target(%dma_start3A_493 : memref<10240x128xf32, #tpu.memory_space<vmem_shared>>) offsets(%arg22 : memref<32xi32, #tpu.memory_space<vmem>>) semaphore(%run_scoped3A : memref<!tpu.dma_semaphore, #tpu.memory_space<semaphore_mem>>) {add = true}
        %dma_wait3A_494 = arith.constant 0 : i32
        %dma_wait3A_495 = arith.constant 0 : i32
        %dma_wait3A_496 = tpu.memref_slice %arg7[%dma_wait3A_494, %dma_wait3A_495] : memref<10240x128xf32, #tpu.memory_space<vmem_shared>> -> memref<10240x128xf32, #tpu.memory_space<vmem_shared>>
        tpu.wait_indirect_dma semaphore(%run_scoped3A : memref<!tpu.dma_semaphore, #tpu.memory_space<semaphore_mem>>) src(%arg32 : memref<32x128xf32, #tpu.memory_space<vmem>>) dst(%dma_wait3A_496 : memref<10240x128xf32, #tpu.memory_space<vmem_shared>>)
        tpu.yield
      }) : () -> ()
      %add3A_349 = arith.constant 5 : i32
      %add3A_350 = arith.addi %add3A_338, %add3A_349 : i32
      %lt3A_351 = arith.cmpi slt, %add3A_350, %select_n3A : i32
      %convert_element_type3A_352 = arith.extui %lt3A_351 : i1 to i32
      %cond3A_353 = arith.constant 0 : i32
      %cond3A_354 = arith.cmpi ne, %convert_element_type3A_352, %cond3A_353 : i32
      scf.if %cond3A_354 {
        %dma_wait3A_491 = arith.constant 0 : i32
        %dma_wait3A_492 = arith.constant 0 : i32
        %dma_wait3A_493 = tpu.memref_slice %arg3[%arg0, %arg1, %dma_wait3A_491, %dma_wait3A_492] : memref<2x16x320x32xi32, #tpu.memory_space<hbm>> -> memref<1x1x1x32xi32, #tpu.memory_space<hbm>>
        %dma_wait3A_494 = tpu.memref_squeeze %dma_wait3A_493 : memref<1x1x1x32xi32, #tpu.memory_space<hbm>> -> memref<32xi32, #tpu.memory_space<hbm>>
        %dma_wait3A_495 = arith.constant 0 : i32
        %dma_wait3A_496 = tpu.memref_slice %arg3[%arg0, %arg1, %dma_wait3A_491, %dma_wait3A_495] : memref<2x16x320x32xi32, #tpu.memory_space<hbm>> -> memref<1x1x1x32xi32, #tpu.memory_space<hbm>>
        %dma_wait3A_497 = tpu.memref_squeeze %dma_wait3A_496 : memref<1x1x1x32xi32, #tpu.memory_space<hbm>> -> memref<32xi32, #tpu.memory_space<hbm>>
        tpu.wait_dma2 semaphore(%arg47 : memref<!tpu.dma_semaphore, #tpu.memory_space<semaphore_mem>>) src(%dma_wait3A_497 : memref<32xi32, #tpu.memory_space<hbm>>) dst(%arg17 : memref<32xi32, #tpu.memory_space<vmem>>)
        %dma_start3A_498 = arith.constant 0 : i32
        %dma_start3A_499 = arith.constant 0 : i32
        %dma_start3A_500 = tpu.memref_slice %arg2[%dma_start3A_498, %dma_start3A_499] : memref<10000x128xf32, #tpu.memory_space<hbm>> -> memref<10000x128xf32, #tpu.memory_space<hbm>>
        tpu.enqueue_indirect_dma source(%dma_start3A_500 : memref<10000x128xf32, #tpu.memory_space<hbm>>) target(%arg32 : memref<32x128xf32, #tpu.memory_space<vmem>>) offsets(%arg17 : memref<32xi32, #tpu.memory_space<vmem>>) semaphore(%arg37 : memref<!tpu.dma_semaphore, #tpu.memory_space<semaphore_mem>>)
      } else {
      }
      %add3A_355 = arith.constant 10 : i32
      %add3A_356 = arith.addi %add3A_338, %add3A_355 : i32
      %lt3A_357 = arith.cmpi slt, %add3A_356, %select_n3A : i32
      %convert_element_type3A_358 = arith.extui %lt3A_357 : i1 to i32
      %cond3A_359 = arith.constant 0 : i32
      %cond3A_360 = arith.cmpi ne, %convert_element_type3A_358, %cond3A_359 : i32
      scf.if %cond3A_360 {
        %dma_start3A_491 = arith.constant 0 : i32
        %dma_start3A_492 = tpu.memref_slice %arg3[%arg0, %arg1, %add3A_356, %dma_start3A_491] : memref<2x16x320x32xi32, #tpu.memory_space<hbm>> -> memref<1x1x1x32xi32, #tpu.memory_space<hbm>>
        %dma_start3A_493 = tpu.memref_squeeze %dma_start3A_492 : memref<1x1x1x32xi32, #tpu.memory_space<hbm>> -> memref<32xi32, #tpu.memory_space<hbm>>
        %dma_start3A_494 = arith.constant 0 : i32
        %dma_start3A_495 = tpu.memref_slice %arg3[%arg0, %arg1, %add3A_356, %dma_start3A_494] : memref<2x16x320x32xi32, #tpu.memory_space<hbm>> -> memref<1x1x1x32xi32, #tpu.memory_space<hbm>>
        %dma_start3A_496 = tpu.memref_squeeze %dma_start3A_495 : memref<1x1x1x32xi32, #tpu.memory_space<hbm>> -> memref<32xi32, #tpu.memory_space<hbm>>
        tpu.enqueue_dma source(%dma_start3A_496 : memref<32xi32, #tpu.memory_space<hbm>>) target(%arg12 : memref<32xi32, #tpu.memory_space<vmem>>) target_semaphore(%arg42 : memref<!tpu.dma_semaphore, #tpu.memory_space<semaphore_mem>>)
        %dma_start3A_497 = arith.constant 0 : i32
        %dma_start3A_498 = tpu.memref_slice %arg4[%arg0, %arg1, %add3A_356, %dma_start3A_497] : memref<2x16x320x32xi32, #tpu.memory_space<hbm>> -> memref<1x1x1x32xi32, #tpu.memory_space<hbm>>
        %dma_start3A_499 = tpu.memref_squeeze %dma_start3A_498 : memref<1x1x1x32xi32, #tpu.memory_space<hbm>> -> memref<32xi32, #tpu.memory_space<hbm>>
        %dma_start3A_500 = arith.constant 0 : i32
        %dma_start3A_501 = tpu.memref_slice %arg4[%arg0, %arg1, %add3A_356, %dma_start3A_500] : memref<2x16x320x32xi32, #tpu.memory_space<hbm>> -> memref<1x1x1x32xi32, #tpu.memory_space<hbm>>
        %dma_start3A_502 = tpu.memref_squeeze %dma_start3A_501 : memref<1x1x1x32xi32, #tpu.memory_space<hbm>> -> memref<32xi32, #tpu.memory_space<hbm>>
        tpu.enqueue_dma source(%dma_start3A_502 : memref<32xi32, #tpu.memory_space<hbm>>) target(%arg22 : memref<32xi32, #tpu.memory_space<vmem>>) target_semaphore(%arg52 : memref<!tpu.dma_semaphore, #tpu.memory_space<semaphore_mem>>)
      } else {
      }
      %mul3A_361 = arith.constant 10 : i32
      %mul3A_362 = arith.muli %add3A_233, %mul3A_361 : i32
      %add3A_363 = arith.constant 5 : i32
      %add3A_364 = arith.addi %mul3A_362, %add3A_363 : i32
      %dma_wait3A_365 = arith.constant 0 : i32
      %dma_wait3A_366 = arith.constant 0 : i32
      %dma_wait3A_367 = tpu.memref_slice %arg2[%dma_wait3A_365, %dma_wait3A_366] : memref<10000x128xf32, #tpu.memory_space<hbm>> -> memref<10000x128xf32, #tpu.memory_space<hbm>>
      tpu.wait_indirect_dma semaphore(%arg33 : memref<!tpu.dma_semaphore, #tpu.memory_space<semaphore_mem>>) src(%dma_wait3A_367 : memref<10000x128xf32, #tpu.memory_space<hbm>>) dst(%arg28 : memref<32x128xf32, #tpu.memory_space<vmem>>)
      %dma_wait3A_368 = arith.constant 0 : i32
      %dma_wait3A_369 = arith.constant 0 : i32
      %dma_wait3A_370 = tpu.memref_slice %arg4[%arg0, %arg1, %dma_wait3A_368, %dma_wait3A_369] : memref<2x16x320x32xi32, #tpu.memory_space<hbm>> -> memref<1x1x1x32xi32, #tpu.memory_space<hbm>>
      %dma_wait3A_371 = tpu.memref_squeeze %dma_wait3A_370 : memref<1x1x1x32xi32, #tpu.memory_space<hbm>> -> memref<32xi32, #tpu.memory_space<hbm>>
      %dma_wait3A_372 = arith.constant 0 : i32
      %dma_wait3A_373 = tpu.memref_slice %arg4[%arg0, %arg1, %dma_wait3A_368, %dma_wait3A_372] : memref<2x16x320x32xi32, #tpu.memory_space<hbm>> -> memref<1x1x1x32xi32, #tpu.memory_space<hbm>>
      %dma_wait3A_374 = tpu.memref_squeeze %dma_wait3A_373 : memref<1x1x1x32xi32, #tpu.memory_space<hbm>> -> memref<32xi32, #tpu.memory_space<hbm>>
      tpu.wait_dma2 semaphore(%arg53 : memref<!tpu.dma_semaphore, #tpu.memory_space<semaphore_mem>>) src(%dma_wait3A_374 : memref<32xi32, #tpu.memory_space<hbm>>) dst(%arg23 : memref<32xi32, #tpu.memory_space<vmem>>)
      "tpu.region"() ({
        %run_scoped3A = tpu.sem_alloc : memref<!tpu.dma_semaphore, #tpu.memory_space<semaphore_mem>>
        %dma_start3A_491 = arith.constant 0 : i32
        %dma_start3A_492 = arith.constant 0 : i32
        %dma_start3A_493 = tpu.memref_slice %arg7[%dma_start3A_491, %dma_start3A_492] : memref<10240x128xf32, #tpu.memory_space<vmem_shared>> -> memref<10240x128xf32, #tpu.memory_space<vmem_shared>>
        tpu.enqueue_indirect_dma source(%arg28 : memref<32x128xf32, #tpu.memory_space<vmem>>) target(%dma_start3A_493 : memref<10240x128xf32, #tpu.memory_space<vmem_shared>>) offsets(%arg23 : memref<32xi32, #tpu.memory_space<vmem>>) semaphore(%run_scoped3A : memref<!tpu.dma_semaphore, #tpu.memory_space<semaphore_mem>>) {add = true}
        %dma_wait3A_494 = arith.constant 0 : i32
        %dma_wait3A_495 = arith.constant 0 : i32
        %dma_wait3A_496 = tpu.memref_slice %arg7[%dma_wait3A_494, %dma_wait3A_495] : memref<10240x128xf32, #tpu.memory_space<vmem_shared>> -> memref<10240x128xf32, #tpu.memory_space<vmem_shared>>
        tpu.wait_indirect_dma semaphore(%run_scoped3A : memref<!tpu.dma_semaphore, #tpu.memory_space<semaphore_mem>>) src(%arg28 : memref<32x128xf32, #tpu.memory_space<vmem>>) dst(%dma_wait3A_496 : memref<10240x128xf32, #tpu.memory_space<vmem_shared>>)
        tpu.yield
      }) : () -> ()
      %add3A_375 = arith.constant 5 : i32
      %add3A_376 = arith.addi %add3A_364, %add3A_375 : i32
      %lt3A_377 = arith.cmpi slt, %add3A_376, %select_n3A : i32
      %convert_element_type3A_378 = arith.extui %lt3A_377 : i1 to i32
      %cond3A_379 = arith.constant 0 : i32
      %cond3A_380 = arith.cmpi ne, %convert_element_type3A_378, %cond3A_379 : i32
      scf.if %cond3A_380 {
        %dma_wait3A_491 = arith.constant 0 : i32
        %dma_wait3A_492 = arith.constant 0 : i32
        %dma_wait3A_493 = tpu.memref_slice %arg3[%arg0, %arg1, %dma_wait3A_491, %dma_wait3A_492] : memref<2x16x320x32xi32, #tpu.memory_space<hbm>> -> memref<1x1x1x32xi32, #tpu.memory_space<hbm>>
        %dma_wait3A_494 = tpu.memref_squeeze %dma_wait3A_493 : memref<1x1x1x32xi32, #tpu.memory_space<hbm>> -> memref<32xi32, #tpu.memory_space<hbm>>
        %dma_wait3A_495 = arith.constant 0 : i32
        %dma_wait3A_496 = tpu.memref_slice %arg3[%arg0, %arg1, %dma_wait3A_491, %dma_wait3A_495] : memref<2x16x320x32xi32, #tpu.memory_space<hbm>> -> memref<1x1x1x32xi32, #tpu.memory_space<hbm>>
        %dma_wait3A_497 = tpu.memref_squeeze %dma_wait3A_496 : memref<1x1x1x32xi32, #tpu.memory_space<hbm>> -> memref<32xi32, #tpu.memory_space<hbm>>
        tpu.wait_dma2 semaphore(%arg38 : memref<!tpu.dma_semaphore, #tpu.memory_space<semaphore_mem>>) src(%dma_wait3A_497 : memref<32xi32, #tpu.memory_space<hbm>>) dst(%arg8 : memref<32xi32, #tpu.memory_space<vmem>>)
        %dma_start3A_498 = arith.constant 0 : i32
        %dma_start3A_499 = arith.constant 0 : i32
        %dma_start3A_500 = tpu.memref_slice %arg2[%dma_start3A_498, %dma_start3A_499] : memref<10000x128xf32, #tpu.memory_space<hbm>> -> memref<10000x128xf32, #tpu.memory_space<hbm>>
        tpu.enqueue_indirect_dma source(%dma_start3A_500 : memref<10000x128xf32, #tpu.memory_space<hbm>>) target(%arg28 : memref<32x128xf32, #tpu.memory_space<vmem>>) offsets(%arg8 : memref<32xi32, #tpu.memory_space<vmem>>) semaphore(%arg33 : memref<!tpu.dma_semaphore, #tpu.memory_space<semaphore_mem>>)
      } else {
      }
      %add3A_381 = arith.constant 10 : i32
      %add3A_382 = arith.addi %add3A_364, %add3A_381 : i32
      %lt3A_383 = arith.cmpi slt, %add3A_382, %select_n3A : i32
      %convert_element_type3A_384 = arith.extui %lt3A_383 : i1 to i32
      %cond3A_385 = arith.constant 0 : i32
      %cond3A_386 = arith.cmpi ne, %convert_element_type3A_384, %cond3A_385 : i32
      scf.if %cond3A_386 {
        %dma_start3A_491 = arith.constant 0 : i32
        %dma_start3A_492 = tpu.memref_slice %arg3[%arg0, %arg1, %add3A_382, %dma_start3A_491] : memref<2x16x320x32xi32, #tpu.memory_space<hbm>> -> memref<1x1x1x32xi32, #tpu.memory_space<hbm>>
        %dma_start3A_493 = tpu.memref_squeeze %dma_start3A_492 : memref<1x1x1x32xi32, #tpu.memory_space<hbm>> -> memref<32xi32, #tpu.memory_space<hbm>>
        %dma_start3A_494 = arith.constant 0 : i32
        %dma_start3A_495 = tpu.memref_slice %arg3[%arg0, %arg1, %add3A_382, %dma_start3A_494] : memref<2x16x320x32xi32, #tpu.memory_space<hbm>> -> memref<1x1x1x32xi32, #tpu.memory_space<hbm>>
        %dma_start3A_496 = tpu.memref_squeeze %dma_start3A_495 : memref<1x1x1x32xi32, #tpu.memory_space<hbm>> -> memref<32xi32, #tpu.memory_space<hbm>>
        tpu.enqueue_dma source(%dma_start3A_496 : memref<32xi32, #tpu.memory_space<hbm>>) target(%arg13 : memref<32xi32, #tpu.memory_space<vmem>>) target_semaphore(%arg43 : memref<!tpu.dma_semaphore, #tpu.memory_space<semaphore_mem>>)
        %dma_start3A_497 = arith.constant 0 : i32
        %dma_start3A_498 = tpu.memref_slice %arg4[%arg0, %arg1, %add3A_382, %dma_start3A_497] : memref<2x16x320x32xi32, #tpu.memory_space<hbm>> -> memref<1x1x1x32xi32, #tpu.memory_space<hbm>>
        %dma_start3A_499 = tpu.memref_squeeze %dma_start3A_498 : memref<1x1x1x32xi32, #tpu.memory_space<hbm>> -> memref<32xi32, #tpu.memory_space<hbm>>
        %dma_start3A_500 = arith.constant 0 : i32
        %dma_start3A_501 = tpu.memref_slice %arg4[%arg0, %arg1, %add3A_382, %dma_start3A_500] : memref<2x16x320x32xi32, #tpu.memory_space<hbm>> -> memref<1x1x1x32xi32, #tpu.memory_space<hbm>>
        %dma_start3A_502 = tpu.memref_squeeze %dma_start3A_501 : memref<1x1x1x32xi32, #tpu.memory_space<hbm>> -> memref<32xi32, #tpu.memory_space<hbm>>
        tpu.enqueue_dma source(%dma_start3A_502 : memref<32xi32, #tpu.memory_space<hbm>>) target(%arg23 : memref<32xi32, #tpu.memory_space<vmem>>) target_semaphore(%arg53 : memref<!tpu.dma_semaphore, #tpu.memory_space<semaphore_mem>>)
      } else {
      }
      %mul3A_387 = arith.constant 10 : i32
      %mul3A_388 = arith.muli %add3A_233, %mul3A_387 : i32
      %add3A_389 = arith.constant 6 : i32
      %add3A_390 = arith.addi %mul3A_388, %add3A_389 : i32
      %dma_wait3A_391 = arith.constant 0 : i32
      %dma_wait3A_392 = arith.constant 0 : i32
      %dma_wait3A_393 = tpu.memref_slice %arg2[%dma_wait3A_391, %dma_wait3A_392] : memref<10000x128xf32, #tpu.memory_space<hbm>> -> memref<10000x128xf32, #tpu.memory_space<hbm>>
      tpu.wait_indirect_dma semaphore(%arg34 : memref<!tpu.dma_semaphore, #tpu.memory_space<semaphore_mem>>) src(%dma_wait3A_393 : memref<10000x128xf32, #tpu.memory_space<hbm>>) dst(%arg29 : memref<32x128xf32, #tpu.memory_space<vmem>>)
      %dma_wait3A_394 = arith.constant 0 : i32
      %dma_wait3A_395 = arith.constant 0 : i32
      %dma_wait3A_396 = tpu.memref_slice %arg4[%arg0, %arg1, %dma_wait3A_394, %dma_wait3A_395] : memref<2x16x320x32xi32, #tpu.memory_space<hbm>> -> memref<1x1x1x32xi32, #tpu.memory_space<hbm>>
      %dma_wait3A_397 = tpu.memref_squeeze %dma_wait3A_396 : memref<1x1x1x32xi32, #tpu.memory_space<hbm>> -> memref<32xi32, #tpu.memory_space<hbm>>
      %dma_wait3A_398 = arith.constant 0 : i32
      %dma_wait3A_399 = tpu.memref_slice %arg4[%arg0, %arg1, %dma_wait3A_394, %dma_wait3A_398] : memref<2x16x320x32xi32, #tpu.memory_space<hbm>> -> memref<1x1x1x32xi32, #tpu.memory_space<hbm>>
      %dma_wait3A_400 = tpu.memref_squeeze %dma_wait3A_399 : memref<1x1x1x32xi32, #tpu.memory_space<hbm>> -> memref<32xi32, #tpu.memory_space<hbm>>
      tpu.wait_dma2 semaphore(%arg54 : memref<!tpu.dma_semaphore, #tpu.memory_space<semaphore_mem>>) src(%dma_wait3A_400 : memref<32xi32, #tpu.memory_space<hbm>>) dst(%arg24 : memref<32xi32, #tpu.memory_space<vmem>>)
      "tpu.region"() ({
        %run_scoped3A = tpu.sem_alloc : memref<!tpu.dma_semaphore, #tpu.memory_space<semaphore_mem>>
        %dma_start3A_491 = arith.constant 0 : i32
        %dma_start3A_492 = arith.constant 0 : i32
        %dma_start3A_493 = tpu.memref_slice %arg7[%dma_start3A_491, %dma_start3A_492] : memref<10240x128xf32, #tpu.memory_space<vmem_shared>> -> memref<10240x128xf32, #tpu.memory_space<vmem_shared>>
        tpu.enqueue_indirect_dma source(%arg29 : memref<32x128xf32, #tpu.memory_space<vmem>>) target(%dma_start3A_493 : memref<10240x128xf32, #tpu.memory_space<vmem_shared>>) offsets(%arg24 : memref<32xi32, #tpu.memory_space<vmem>>) semaphore(%run_scoped3A : memref<!tpu.dma_semaphore, #tpu.memory_space<semaphore_mem>>) {add = true}
        %dma_wait3A_494 = arith.constant 0 : i32
        %dma_wait3A_495 = arith.constant 0 : i32
        %dma_wait3A_496 = tpu.memref_slice %arg7[%dma_wait3A_494, %dma_wait3A_495] : memref<10240x128xf32, #tpu.memory_space<vmem_shared>> -> memref<10240x128xf32, #tpu.memory_space<vmem_shared>>
        tpu.wait_indirect_dma semaphore(%run_scoped3A : memref<!tpu.dma_semaphore, #tpu.memory_space<semaphore_mem>>) src(%arg29 : memref<32x128xf32, #tpu.memory_space<vmem>>) dst(%dma_wait3A_496 : memref<10240x128xf32, #tpu.memory_space<vmem_shared>>)
        tpu.yield
      }) : () -> ()
      %add3A_401 = arith.constant 5 : i32
      %add3A_402 = arith.addi %add3A_390, %add3A_401 : i32
      %lt3A_403 = arith.cmpi slt, %add3A_402, %select_n3A : i32
      %convert_element_type3A_404 = arith.extui %lt3A_403 : i1 to i32
      %cond3A_405 = arith.constant 0 : i32
      %cond3A_406 = arith.cmpi ne, %convert_element_type3A_404, %cond3A_405 : i32
      scf.if %cond3A_406 {
        %dma_wait3A_491 = arith.constant 0 : i32
        %dma_wait3A_492 = arith.constant 0 : i32
        %dma_wait3A_493 = tpu.memref_slice %arg3[%arg0, %arg1, %dma_wait3A_491, %dma_wait3A_492] : memref<2x16x320x32xi32, #tpu.memory_space<hbm>> -> memref<1x1x1x32xi32, #tpu.memory_space<hbm>>
        %dma_wait3A_494 = tpu.memref_squeeze %dma_wait3A_493 : memref<1x1x1x32xi32, #tpu.memory_space<hbm>> -> memref<32xi32, #tpu.memory_space<hbm>>
        %dma_wait3A_495 = arith.constant 0 : i32
        %dma_wait3A_496 = tpu.memref_slice %arg3[%arg0, %arg1, %dma_wait3A_491, %dma_wait3A_495] : memref<2x16x320x32xi32, #tpu.memory_space<hbm>> -> memref<1x1x1x32xi32, #tpu.memory_space<hbm>>
        %dma_wait3A_497 = tpu.memref_squeeze %dma_wait3A_496 : memref<1x1x1x32xi32, #tpu.memory_space<hbm>> -> memref<32xi32, #tpu.memory_space<hbm>>
        tpu.wait_dma2 semaphore(%arg39 : memref<!tpu.dma_semaphore, #tpu.memory_space<semaphore_mem>>) src(%dma_wait3A_497 : memref<32xi32, #tpu.memory_space<hbm>>) dst(%arg9 : memref<32xi32, #tpu.memory_space<vmem>>)
        %dma_start3A_498 = arith.constant 0 : i32
        %dma_start3A_499 = arith.constant 0 : i32
        %dma_start3A_500 = tpu.memref_slice %arg2[%dma_start3A_498, %dma_start3A_499] : memref<10000x128xf32, #tpu.memory_space<hbm>> -> memref<10000x128xf32, #tpu.memory_space<hbm>>
        tpu.enqueue_indirect_dma source(%dma_start3A_500 : memref<10000x128xf32, #tpu.memory_space<hbm>>) target(%arg29 : memref<32x128xf32, #tpu.memory_space<vmem>>) offsets(%arg9 : memref<32xi32, #tpu.memory_space<vmem>>) semaphore(%arg34 : memref<!tpu.dma_semaphore, #tpu.memory_space<semaphore_mem>>)
      } else {
      }
      %add3A_407 = arith.constant 10 : i32
      %add3A_408 = arith.addi %add3A_390, %add3A_407 : i32
      %lt3A_409 = arith.cmpi slt, %add3A_408, %select_n3A : i32
      %convert_element_type3A_410 = arith.extui %lt3A_409 : i1 to i32
      %cond3A_411 = arith.constant 0 : i32
      %cond3A_412 = arith.cmpi ne, %convert_element_type3A_410, %cond3A_411 : i32
      scf.if %cond3A_412 {
        %dma_start3A_491 = arith.constant 0 : i32
        %dma_start3A_492 = tpu.memref_slice %arg3[%arg0, %arg1, %add3A_408, %dma_start3A_491] : memref<2x16x320x32xi32, #tpu.memory_space<hbm>> -> memref<1x1x1x32xi32, #tpu.memory_space<hbm>>
        %dma_start3A_493 = tpu.memref_squeeze %dma_start3A_492 : memref<1x1x1x32xi32, #tpu.memory_space<hbm>> -> memref<32xi32, #tpu.memory_space<hbm>>
        %dma_start3A_494 = arith.constant 0 : i32
        %dma_start3A_495 = tpu.memref_slice %arg3[%arg0, %arg1, %add3A_408, %dma_start3A_494] : memref<2x16x320x32xi32, #tpu.memory_space<hbm>> -> memref<1x1x1x32xi32, #tpu.memory_space<hbm>>
        %dma_start3A_496 = tpu.memref_squeeze %dma_start3A_495 : memref<1x1x1x32xi32, #tpu.memory_space<hbm>> -> memref<32xi32, #tpu.memory_space<hbm>>
        tpu.enqueue_dma source(%dma_start3A_496 : memref<32xi32, #tpu.memory_space<hbm>>) target(%arg14 : memref<32xi32, #tpu.memory_space<vmem>>) target_semaphore(%arg44 : memref<!tpu.dma_semaphore, #tpu.memory_space<semaphore_mem>>)
        %dma_start3A_497 = arith.constant 0 : i32
        %dma_start3A_498 = tpu.memref_slice %arg4[%arg0, %arg1, %add3A_408, %dma_start3A_497] : memref<2x16x320x32xi32, #tpu.memory_space<hbm>> -> memref<1x1x1x32xi32, #tpu.memory_space<hbm>>
        %dma_start3A_499 = tpu.memref_squeeze %dma_start3A_498 : memref<1x1x1x32xi32, #tpu.memory_space<hbm>> -> memref<32xi32, #tpu.memory_space<hbm>>
        %dma_start3A_500 = arith.constant 0 : i32
        %dma_start3A_501 = tpu.memref_slice %arg4[%arg0, %arg1, %add3A_408, %dma_start3A_500] : memref<2x16x320x32xi32, #tpu.memory_space<hbm>> -> memref<1x1x1x32xi32, #tpu.memory_space<hbm>>
        %dma_start3A_502 = tpu.memref_squeeze %dma_start3A_501 : memref<1x1x1x32xi32, #tpu.memory_space<hbm>> -> memref<32xi32, #tpu.memory_space<hbm>>
        tpu.enqueue_dma source(%dma_start3A_502 : memref<32xi32, #tpu.memory_space<hbm>>) target(%arg24 : memref<32xi32, #tpu.memory_space<vmem>>) target_semaphore(%arg54 : memref<!tpu.dma_semaphore, #tpu.memory_space<semaphore_mem>>)
      } else {
      }
      %mul3A_413 = arith.constant 10 : i32
      %mul3A_414 = arith.muli %add3A_233, %mul3A_413 : i32
      %add3A_415 = arith.constant 7 : i32
      %add3A_416 = arith.addi %mul3A_414, %add3A_415 : i32
      %dma_wait3A_417 = arith.constant 0 : i32
      %dma_wait3A_418 = arith.constant 0 : i32
      %dma_wait3A_419 = tpu.memref_slice %arg2[%dma_wait3A_417, %dma_wait3A_418] : memref<10000x128xf32, #tpu.memory_space<hbm>> -> memref<10000x128xf32, #tpu.memory_space<hbm>>
      tpu.wait_indirect_dma semaphore(%arg35 : memref<!tpu.dma_semaphore, #tpu.memory_space<semaphore_mem>>) src(%dma_wait3A_419 : memref<10000x128xf32, #tpu.memory_space<hbm>>) dst(%arg30 : memref<32x128xf32, #tpu.memory_space<vmem>>)
      %dma_wait3A_420 = arith.constant 0 : i32
      %dma_wait3A_421 = arith.constant 0 : i32
      %dma_wait3A_422 = tpu.memref_slice %arg4[%arg0, %arg1, %dma_wait3A_420, %dma_wait3A_421] : memref<2x16x320x32xi32, #tpu.memory_space<hbm>> -> memref<1x1x1x32xi32, #tpu.memory_space<hbm>>
      %dma_wait3A_423 = tpu.memref_squeeze %dma_wait3A_422 : memref<1x1x1x32xi32, #tpu.memory_space<hbm>> -> memref<32xi32, #tpu.memory_space<hbm>>
      %dma_wait3A_424 = arith.constant 0 : i32
      %dma_wait3A_425 = tpu.memref_slice %arg4[%arg0, %arg1, %dma_wait3A_420, %dma_wait3A_424] : memref<2x16x320x32xi32, #tpu.memory_space<hbm>> -> memref<1x1x1x32xi32, #tpu.memory_space<hbm>>
      %dma_wait3A_426 = tpu.memref_squeeze %dma_wait3A_425 : memref<1x1x1x32xi32, #tpu.memory_space<hbm>> -> memref<32xi32, #tpu.memory_space<hbm>>
      tpu.wait_dma2 semaphore(%arg55 : memref<!tpu.dma_semaphore, #tpu.memory_space<semaphore_mem>>) src(%dma_wait3A_426 : memref<32xi32, #tpu.memory_space<hbm>>) dst(%arg25 : memref<32xi32, #tpu.memory_space<vmem>>)
      "tpu.region"() ({
        %run_scoped3A = tpu.sem_alloc : memref<!tpu.dma_semaphore, #tpu.memory_space<semaphore_mem>>
        %dma_start3A_491 = arith.constant 0 : i32
        %dma_start3A_492 = arith.constant 0 : i32
        %dma_start3A_493 = tpu.memref_slice %arg7[%dma_start3A_491, %dma_start3A_492] : memref<10240x128xf32, #tpu.memory_space<vmem_shared>> -> memref<10240x128xf32, #tpu.memory_space<vmem_shared>>
        tpu.enqueue_indirect_dma source(%arg30 : memref<32x128xf32, #tpu.memory_space<vmem>>) target(%dma_start3A_493 : memref<10240x128xf32, #tpu.memory_space<vmem_shared>>) offsets(%arg25 : memref<32xi32, #tpu.memory_space<vmem>>) semaphore(%run_scoped3A : memref<!tpu.dma_semaphore, #tpu.memory_space<semaphore_mem>>) {add = true}
        %dma_wait3A_494 = arith.constant 0 : i32
        %dma_wait3A_495 = arith.constant 0 : i32
        %dma_wait3A_496 = tpu.memref_slice %arg7[%dma_wait3A_494, %dma_wait3A_495] : memref<10240x128xf32, #tpu.memory_space<vmem_shared>> -> memref<10240x128xf32, #tpu.memory_space<vmem_shared>>
        tpu.wait_indirect_dma semaphore(%run_scoped3A : memref<!tpu.dma_semaphore, #tpu.memory_space<semaphore_mem>>) src(%arg30 : memref<32x128xf32, #tpu.memory_space<vmem>>) dst(%dma_wait3A_496 : memref<10240x128xf32, #tpu.memory_space<vmem_shared>>)
        tpu.yield
      }) : () -> ()
      %add3A_427 = arith.constant 5 : i32
      %add3A_428 = arith.addi %add3A_416, %add3A_427 : i32
      %lt3A_429 = arith.cmpi slt, %add3A_428, %select_n3A : i32
      %convert_element_type3A_430 = arith.extui %lt3A_429 : i1 to i32
      %cond3A_431 = arith.constant 0 : i32
      %cond3A_432 = arith.cmpi ne, %convert_element_type3A_430, %cond3A_431 : i32
      scf.if %cond3A_432 {
        %dma_wait3A_491 = arith.constant 0 : i32
        %dma_wait3A_492 = arith.constant 0 : i32
        %dma_wait3A_493 = tpu.memref_slice %arg3[%arg0, %arg1, %dma_wait3A_491, %dma_wait3A_492] : memref<2x16x320x32xi32, #tpu.memory_space<hbm>> -> memref<1x1x1x32xi32, #tpu.memory_space<hbm>>
        %dma_wait3A_494 = tpu.memref_squeeze %dma_wait3A_493 : memref<1x1x1x32xi32, #tpu.memory_space<hbm>> -> memref<32xi32, #tpu.memory_space<hbm>>
        %dma_wait3A_495 = arith.constant 0 : i32
        %dma_wait3A_496 = tpu.memref_slice %arg3[%arg0, %arg1, %dma_wait3A_491, %dma_wait3A_495] : memref<2x16x320x32xi32, #tpu.memory_space<hbm>> -> memref<1x1x1x32xi32, #tpu.memory_space<hbm>>
        %dma_wait3A_497 = tpu.memref_squeeze %dma_wait3A_496 : memref<1x1x1x32xi32, #tpu.memory_space<hbm>> -> memref<32xi32, #tpu.memory_space<hbm>>
        tpu.wait_dma2 semaphore(%arg40 : memref<!tpu.dma_semaphore, #tpu.memory_space<semaphore_mem>>) src(%dma_wait3A_497 : memref<32xi32, #tpu.memory_space<hbm>>) dst(%arg10 : memref<32xi32, #tpu.memory_space<vmem>>)
        %dma_start3A_498 = arith.constant 0 : i32
        %dma_start3A_499 = arith.constant 0 : i32
        %dma_start3A_500 = tpu.memref_slice %arg2[%dma_start3A_498, %dma_start3A_499] : memref<10000x128xf32, #tpu.memory_space<hbm>> -> memref<10000x128xf32, #tpu.memory_space<hbm>>
        tpu.enqueue_indirect_dma source(%dma_start3A_500 : memref<10000x128xf32, #tpu.memory_space<hbm>>) target(%arg30 : memref<32x128xf32, #tpu.memory_space<vmem>>) offsets(%arg10 : memref<32xi32, #tpu.memory_space<vmem>>) semaphore(%arg35 : memref<!tpu.dma_semaphore, #tpu.memory_space<semaphore_mem>>)
      } else {
      }
      %add3A_433 = arith.constant 10 : i32
      %add3A_434 = arith.addi %add3A_416, %add3A_433 : i32
      %lt3A_435 = arith.cmpi slt, %add3A_434, %select_n3A : i32
      %convert_element_type3A_436 = arith.extui %lt3A_435 : i1 to i32
      %cond3A_437 = arith.constant 0 : i32
      %cond3A_438 = arith.cmpi ne, %convert_element_type3A_436, %cond3A_437 : i32
      scf.if %cond3A_438 {
        %dma_start3A_491 = arith.constant 0 : i32
        %dma_start3A_492 = tpu.memref_slice %arg3[%arg0, %arg1, %add3A_434, %dma_start3A_491] : memref<2x16x320x32xi32, #tpu.memory_space<hbm>> -> memref<1x1x1x32xi32, #tpu.memory_space<hbm>>
        %dma_start3A_493 = tpu.memref_squeeze %dma_start3A_492 : memref<1x1x1x32xi32, #tpu.memory_space<hbm>> -> memref<32xi32, #tpu.memory_space<hbm>>
        %dma_start3A_494 = arith.constant 0 : i32
        %dma_start3A_495 = tpu.memref_slice %arg3[%arg0, %arg1, %add3A_434, %dma_start3A_494] : memref<2x16x320x32xi32, #tpu.memory_space<hbm>> -> memref<1x1x1x32xi32, #tpu.memory_space<hbm>>
        %dma_start3A_496 = tpu.memref_squeeze %dma_start3A_495 : memref<1x1x1x32xi32, #tpu.memory_space<hbm>> -> memref<32xi32, #tpu.memory_space<hbm>>
        tpu.enqueue_dma source(%dma_start3A_496 : memref<32xi32, #tpu.memory_space<hbm>>) target(%arg15 : memref<32xi32, #tpu.memory_space<vmem>>) target_semaphore(%arg45 : memref<!tpu.dma_semaphore, #tpu.memory_space<semaphore_mem>>)
        %dma_start3A_497 = arith.constant 0 : i32
        %dma_start3A_498 = tpu.memref_slice %arg4[%arg0, %arg1, %add3A_434, %dma_start3A_497] : memref<2x16x320x32xi32, #tpu.memory_space<hbm>> -> memref<1x1x1x32xi32, #tpu.memory_space<hbm>>
        %dma_start3A_499 = tpu.memref_squeeze %dma_start3A_498 : memref<1x1x1x32xi32, #tpu.memory_space<hbm>> -> memref<32xi32, #tpu.memory_space<hbm>>
        %dma_start3A_500 = arith.constant 0 : i32
        %dma_start3A_501 = tpu.memref_slice %arg4[%arg0, %arg1, %add3A_434, %dma_start3A_500] : memref<2x16x320x32xi32, #tpu.memory_space<hbm>> -> memref<1x1x1x32xi32, #tpu.memory_space<hbm>>
        %dma_start3A_502 = tpu.memref_squeeze %dma_start3A_501 : memref<1x1x1x32xi32, #tpu.memory_space<hbm>> -> memref<32xi32, #tpu.memory_space<hbm>>
        tpu.enqueue_dma source(%dma_start3A_502 : memref<32xi32, #tpu.memory_space<hbm>>) target(%arg25 : memref<32xi32, #tpu.memory_space<vmem>>) target_semaphore(%arg55 : memref<!tpu.dma_semaphore, #tpu.memory_space<semaphore_mem>>)
      } else {
      }
      %mul3A_439 = arith.constant 10 : i32
      %mul3A_440 = arith.muli %add3A_233, %mul3A_439 : i32
      %add3A_441 = arith.constant 8 : i32
      %add3A_442 = arith.addi %mul3A_440, %add3A_441 : i32
      %dma_wait3A_443 = arith.constant 0 : i32
      %dma_wait3A_444 = arith.constant 0 : i32
      %dma_wait3A_445 = tpu.memref_slice %arg2[%dma_wait3A_443, %dma_wait3A_444] : memref<10000x128xf32, #tpu.memory_space<hbm>> -> memref<10000x128xf32, #tpu.memory_space<hbm>>
      tpu.wait_indirect_dma semaphore(%arg36 : memref<!tpu.dma_semaphore, #tpu.memory_space<semaphore_mem>>) src(%dma_wait3A_445 : memref<10000x128xf32, #tpu.memory_space<hbm>>) dst(%arg31 : memref<32x128xf32, #tpu.memory_space<vmem>>)
      %dma_wait3A_446 = arith.constant 0 : i32
      %dma_wait3A_447 = arith.constant 0 : i32
      %dma_wait3A_448 = tpu.memref_slice %arg4[%arg0, %arg1, %dma_wait3A_446, %dma_wait3A_447] : memref<2x16x320x32xi32, #tpu.memory_space<hbm>> -> memref<1x1x1x32xi32, #tpu.memory_space<hbm>>
      %dma_wait3A_449 = tpu.memref_squeeze %dma_wait3A_448 : memref<1x1x1x32xi32, #tpu.memory_space<hbm>> -> memref<32xi32, #tpu.memory_space<hbm>>
      %dma_wait3A_450 = arith.constant 0 : i32
      %dma_wait3A_451 = tpu.memref_slice %arg4[%arg0, %arg1, %dma_wait3A_446, %dma_wait3A_450] : memref<2x16x320x32xi32, #tpu.memory_space<hbm>> -> memref<1x1x1x32xi32, #tpu.memory_space<hbm>>
      %dma_wait3A_452 = tpu.memref_squeeze %dma_wait3A_451 : memref<1x1x1x32xi32, #tpu.memory_space<hbm>> -> memref<32xi32, #tpu.memory_space<hbm>>
      tpu.wait_dma2 semaphore(%arg56 : memref<!tpu.dma_semaphore, #tpu.memory_space<semaphore_mem>>) src(%dma_wait3A_452 : memref<32xi32, #tpu.memory_space<hbm>>) dst(%arg26 : memref<32xi32, #tpu.memory_space<vmem>>)
      "tpu.region"() ({
        %run_scoped3A = tpu.sem_alloc : memref<!tpu.dma_semaphore, #tpu.memory_space<semaphore_mem>>
        %dma_start3A_491 = arith.constant 0 : i32
        %dma_start3A_492 = arith.constant 0 : i32
        %dma_start3A_493 = tpu.memref_slice %arg7[%dma_start3A_491, %dma_start3A_492] : memref<10240x128xf32, #tpu.memory_space<vmem_shared>> -> memref<10240x128xf32, #tpu.memory_space<vmem_shared>>
        tpu.enqueue_indirect_dma source(%arg31 : memref<32x128xf32, #tpu.memory_space<vmem>>) target(%dma_start3A_493 : memref<10240x128xf32, #tpu.memory_space<vmem_shared>>) offsets(%arg26 : memref<32xi32, #tpu.memory_space<vmem>>) semaphore(%run_scoped3A : memref<!tpu.dma_semaphore, #tpu.memory_space<semaphore_mem>>) {add = true}
        %dma_wait3A_494 = arith.constant 0 : i32
        %dma_wait3A_495 = arith.constant 0 : i32
        %dma_wait3A_496 = tpu.memref_slice %arg7[%dma_wait3A_494, %dma_wait3A_495] : memref<10240x128xf32, #tpu.memory_space<vmem_shared>> -> memref<10240x128xf32, #tpu.memory_space<vmem_shared>>
        tpu.wait_indirect_dma semaphore(%run_scoped3A : memref<!tpu.dma_semaphore, #tpu.memory_space<semaphore_mem>>) src(%arg31 : memref<32x128xf32, #tpu.memory_space<vmem>>) dst(%dma_wait3A_496 : memref<10240x128xf32, #tpu.memory_space<vmem_shared>>)
        tpu.yield
      }) : () -> ()
      %add3A_453 = arith.constant 5 : i32
      %add3A_454 = arith.addi %add3A_442, %add3A_453 : i32
      %lt3A_455 = arith.cmpi slt, %add3A_454, %select_n3A : i32
      %convert_element_type3A_456 = arith.extui %lt3A_455 : i1 to i32
      %cond3A_457 = arith.constant 0 : i32
      %cond3A_458 = arith.cmpi ne, %convert_element_type3A_456, %cond3A_457 : i32
      scf.if %cond3A_458 {
        %dma_wait3A_491 = arith.constant 0 : i32
        %dma_wait3A_492 = arith.constant 0 : i32
        %dma_wait3A_493 = tpu.memref_slice %arg3[%arg0, %arg1, %dma_wait3A_491, %dma_wait3A_492] : memref<2x16x320x32xi32, #tpu.memory_space<hbm>> -> memref<1x1x1x32xi32, #tpu.memory_space<hbm>>
        %dma_wait3A_494 = tpu.memref_squeeze %dma_wait3A_493 : memref<1x1x1x32xi32, #tpu.memory_space<hbm>> -> memref<32xi32, #tpu.memory_space<hbm>>
        %dma_wait3A_495 = arith.constant 0 : i32
        %dma_wait3A_496 = tpu.memref_slice %arg3[%arg0, %arg1, %dma_wait3A_491, %dma_wait3A_495] : memref<2x16x320x32xi32, #tpu.memory_space<hbm>> -> memref<1x1x1x32xi32, #tpu.memory_space<hbm>>
        %dma_wait3A_497 = tpu.memref_squeeze %dma_wait3A_496 : memref<1x1x1x32xi32, #tpu.memory_space<hbm>> -> memref<32xi32, #tpu.memory_space<hbm>>
        tpu.wait_dma2 semaphore(%arg41 : memref<!tpu.dma_semaphore, #tpu.memory_space<semaphore_mem>>) src(%dma_wait3A_497 : memref<32xi32, #tpu.memory_space<hbm>>) dst(%arg11 : memref<32xi32, #tpu.memory_space<vmem>>)
        %dma_start3A_498 = arith.constant 0 : i32
        %dma_start3A_499 = arith.constant 0 : i32
        %dma_start3A_500 = tpu.memref_slice %arg2[%dma_start3A_498, %dma_start3A_499] : memref<10000x128xf32, #tpu.memory_space<hbm>> -> memref<10000x128xf32, #tpu.memory_space<hbm>>
        tpu.enqueue_indirect_dma source(%dma_start3A_500 : memref<10000x128xf32, #tpu.memory_space<hbm>>) target(%arg31 : memref<32x128xf32, #tpu.memory_space<vmem>>) offsets(%arg11 : memref<32xi32, #tpu.memory_space<vmem>>) semaphore(%arg36 : memref<!tpu.dma_semaphore, #tpu.memory_space<semaphore_mem>>)
      } else {
      }
      %add3A_459 = arith.constant 10 : i32
      %add3A_460 = arith.addi %add3A_442, %add3A_459 : i32
      %lt3A_461 = arith.cmpi slt, %add3A_460, %select_n3A : i32
      %convert_element_type3A_462 = arith.extui %lt3A_461 : i1 to i32
      %cond3A_463 = arith.constant 0 : i32
      %cond3A_464 = arith.cmpi ne, %convert_element_type3A_462, %cond3A_463 : i32
      scf.if %cond3A_464 {
        %dma_start3A_491 = arith.constant 0 : i32
        %dma_start3A_492 = tpu.memref_slice %arg3[%arg0, %arg1, %add3A_460, %dma_start3A_491] : memref<2x16x320x32xi32, #tpu.memory_space<hbm>> -> memref<1x1x1x32xi32, #tpu.memory_space<hbm>>
        %dma_start3A_493 = tpu.memref_squeeze %dma_start3A_492 : memref<1x1x1x32xi32, #tpu.memory_space<hbm>> -> memref<32xi32, #tpu.memory_space<hbm>>
        %dma_start3A_494 = arith.constant 0 : i32
        %dma_start3A_495 = tpu.memref_slice %arg3[%arg0, %arg1, %add3A_460, %dma_start3A_494] : memref<2x16x320x32xi32, #tpu.memory_space<hbm>> -> memref<1x1x1x32xi32, #tpu.memory_space<hbm>>
        %dma_start3A_496 = tpu.memref_squeeze %dma_start3A_495 : memref<1x1x1x32xi32, #tpu.memory_space<hbm>> -> memref<32xi32, #tpu.memory_space<hbm>>
        tpu.enqueue_dma source(%dma_start3A_496 : memref<32xi32, #tpu.memory_space<hbm>>) target(%arg16 : memref<32xi32, #tpu.memory_space<vmem>>) target_semaphore(%arg46 : memref<!tpu.dma_semaphore, #tpu.memory_space<semaphore_mem>>)
        %dma_start3A_497 = arith.constant 0 : i32
        %dma_start3A_498 = tpu.memref_slice %arg4[%arg0, %arg1, %add3A_460, %dma_start3A_497] : memref<2x16x320x32xi32, #tpu.memory_space<hbm>> -> memref<1x1x1x32xi32, #tpu.memory_space<hbm>>
        %dma_start3A_499 = tpu.memref_squeeze %dma_start3A_498 : memref<1x1x1x32xi32, #tpu.memory_space<hbm>> -> memref<32xi32, #tpu.memory_space<hbm>>
        %dma_start3A_500 = arith.constant 0 : i32
        %dma_start3A_501 = tpu.memref_slice %arg4[%arg0, %arg1, %add3A_460, %dma_start3A_500] : memref<2x16x320x32xi32, #tpu.memory_space<hbm>> -> memref<1x1x1x32xi32, #tpu.memory_space<hbm>>
        %dma_start3A_502 = tpu.memref_squeeze %dma_start3A_501 : memref<1x1x1x32xi32, #tpu.memory_space<hbm>> -> memref<32xi32, #tpu.memory_space<hbm>>
        tpu.enqueue_dma source(%dma_start3A_502 : memref<32xi32, #tpu.memory_space<hbm>>) target(%arg26 : memref<32xi32, #tpu.memory_space<vmem>>) target_semaphore(%arg56 : memref<!tpu.dma_semaphore, #tpu.memory_space<semaphore_mem>>)
      } else {
      }
      %mul3A_465 = arith.constant 10 : i32
      %mul3A_466 = arith.muli %add3A_233, %mul3A_465 : i32
      %add3A_467 = arith.constant 9 : i32
      %add3A_468 = arith.addi %mul3A_466, %add3A_467 : i32
      %dma_wait3A_469 = arith.constant 0 : i32
      %dma_wait3A_470 = arith.constant 0 : i32
      %dma_wait3A_471 = tpu.memref_slice %arg2[%dma_wait3A_469, %dma_wait3A_470] : memref<10000x128xf32, #tpu.memory_space<hbm>> -> memref<10000x128xf32, #tpu.memory_space<hbm>>
      tpu.wait_indirect_dma semaphore(%arg37 : memref<!tpu.dma_semaphore, #tpu.memory_space<semaphore_mem>>) src(%dma_wait3A_471 : memref<10000x128xf32, #tpu.memory_space<hbm>>) dst(%arg32 : memref<32x128xf32, #tpu.memory_space<vmem>>)
      %dma_wait3A_472 = arith.constant 0 : i32
      %dma_wait3A_473 = arith.constant 0 : i32
      %dma_wait3A_474 = tpu.memref_slice %arg4[%arg0, %arg1, %dma_wait3A_472, %dma_wait3A_473] : memref<2x16x320x32xi32, #tpu.memory_space<hbm>> -> memref<1x1x1x32xi32, #tpu.memory_space<hbm>>
      %dma_wait3A_475 = tpu.memref_squeeze %dma_wait3A_474 : memref<1x1x1x32xi32, #tpu.memory_space<hbm>> -> memref<32xi32, #tpu.memory_space<hbm>>
      %dma_wait3A_476 = arith.constant 0 : i32
      %dma_wait3A_477 = tpu.memref_slice %arg4[%arg0, %arg1, %dma_wait3A_472, %dma_wait3A_476] : memref<2x16x320x32xi32, #tpu.memory_space<hbm>> -> memref<1x1x1x32xi32, #tpu.memory_space<hbm>>
      %dma_wait3A_478 = tpu.memref_squeeze %dma_wait3A_477 : memref<1x1x1x32xi32, #tpu.memory_space<hbm>> -> memref<32xi32, #tpu.memory_space<hbm>>
      tpu.wait_dma2 semaphore(%arg57 : memref<!tpu.dma_semaphore, #tpu.memory_space<semaphore_mem>>) src(%dma_wait3A_478 : memref<32xi32, #tpu.memory_space<hbm>>) dst(%arg27 : memref<32xi32, #tpu.memory_space<vmem>>)
      "tpu.region"() ({
        %run_scoped3A = tpu.sem_alloc : memref<!tpu.dma_semaphore, #tpu.memory_space<semaphore_mem>>
        %dma_start3A_491 = arith.constant 0 : i32
        %dma_start3A_492 = arith.constant 0 : i32
        %dma_start3A_493 = tpu.memref_slice %arg7[%dma_start3A_491, %dma_start3A_492] : memref<10240x128xf32, #tpu.memory_space<vmem_shared>> -> memref<10240x128xf32, #tpu.memory_space<vmem_shared>>
        tpu.enqueue_indirect_dma source(%arg32 : memref<32x128xf32, #tpu.memory_space<vmem>>) target(%dma_start3A_493 : memref<10240x128xf32, #tpu.memory_space<vmem_shared>>) offsets(%arg27 : memref<32xi32, #tpu.memory_space<vmem>>) semaphore(%run_scoped3A : memref<!tpu.dma_semaphore, #tpu.memory_space<semaphore_mem>>) {add = true}
        %dma_wait3A_494 = arith.constant 0 : i32
        %dma_wait3A_495 = arith.constant 0 : i32
        %dma_wait3A_496 = tpu.memref_slice %arg7[%dma_wait3A_494, %dma_wait3A_495] : memref<10240x128xf32, #tpu.memory_space<vmem_shared>> -> memref<10240x128xf32, #tpu.memory_space<vmem_shared>>
        tpu.wait_indirect_dma semaphore(%run_scoped3A : memref<!tpu.dma_semaphore, #tpu.memory_space<semaphore_mem>>) src(%arg32 : memref<32x128xf32, #tpu.memory_space<vmem>>) dst(%dma_wait3A_496 : memref<10240x128xf32, #tpu.memory_space<vmem_shared>>)
        tpu.yield
      }) : () -> ()
      %add3A_479 = arith.constant 5 : i32
      %add3A_480 = arith.addi %add3A_468, %add3A_479 : i32
      %lt3A_481 = arith.cmpi slt, %add3A_480, %select_n3A : i32
      %convert_element_type3A_482 = arith.extui %lt3A_481 : i1 to i32
      %cond3A_483 = arith.constant 0 : i32
      %cond3A_484 = arith.cmpi ne, %convert_element_type3A_482, %cond3A_483 : i32
      scf.if %cond3A_484 {
        %dma_wait3A_491 = arith.constant 0 : i32
        %dma_wait3A_492 = arith.constant 0 : i32
        %dma_wait3A_493 = tpu.memref_slice %arg3[%arg0, %arg1, %dma_wait3A_491, %dma_wait3A_492] : memref<2x16x320x32xi32, #tpu.memory_space<hbm>> -> memref<1x1x1x32xi32, #tpu.memory_space<hbm>>
        %dma_wait3A_494 = tpu.memref_squeeze %dma_wait3A_493 : memref<1x1x1x32xi32, #tpu.memory_space<hbm>> -> memref<32xi32, #tpu.memory_space<hbm>>
        %dma_wait3A_495 = arith.constant 0 : i32
        %dma_wait3A_496 = tpu.memref_slice %arg3[%arg0, %arg1, %dma_wait3A_491, %dma_wait3A_495] : memref<2x16x320x32xi32, #tpu.memory_space<hbm>> -> memref<1x1x1x32xi32, #tpu.memory_space<hbm>>
        %dma_wait3A_497 = tpu.memref_squeeze %dma_wait3A_496 : memref<1x1x1x32xi32, #tpu.memory_space<hbm>> -> memref<32xi32, #tpu.memory_space<hbm>>
        tpu.wait_dma2 semaphore(%arg42 : memref<!tpu.dma_semaphore, #tpu.memory_space<semaphore_mem>>) src(%dma_wait3A_497 : memref<32xi32, #tpu.memory_space<hbm>>) dst(%arg12 : memref<32xi32, #tpu.memory_space<vmem>>)
        %dma_start3A_498 = arith.constant 0 : i32
        %dma_start3A_499 = arith.constant 0 : i32
        %dma_start3A_500 = tpu.memref_slice %arg2[%dma_start3A_498, %dma_start3A_499] : memref<10000x128xf32, #tpu.memory_space<hbm>> -> memref<10000x128xf32, #tpu.memory_space<hbm>>
        tpu.enqueue_indirect_dma source(%dma_start3A_500 : memref<10000x128xf32, #tpu.memory_space<hbm>>) target(%arg32 : memref<32x128xf32, #tpu.memory_space<vmem>>) offsets(%arg12 : memref<32xi32, #tpu.memory_space<vmem>>) semaphore(%arg37 : memref<!tpu.dma_semaphore, #tpu.memory_space<semaphore_mem>>)
      } else {
      }
      %add3A_485 = arith.constant 10 : i32
      %add3A_486 = arith.addi %add3A_468, %add3A_485 : i32
      %lt3A_487 = arith.cmpi slt, %add3A_486, %select_n3A : i32
      %convert_element_type3A_488 = arith.extui %lt3A_487 : i1 to i32
      %cond3A_489 = arith.constant 0 : i32
      %cond3A_490 = arith.cmpi ne, %convert_element_type3A_488, %cond3A_489 : i32
      scf.if %cond3A_490 {
        %dma_start3A_491 = arith.constant 0 : i32
        %dma_start3A_492 = tpu.memref_slice %arg3[%arg0, %arg1, %add3A_486, %dma_start3A_491] : memref<2x16x320x32xi32, #tpu.memory_space<hbm>> -> memref<1x1x1x32xi32, #tpu.memory_space<hbm>>
        %dma_start3A_493 = tpu.memref_squeeze %dma_start3A_492 : memref<1x1x1x32xi32, #tpu.memory_space<hbm>> -> memref<32xi32, #tpu.memory_space<hbm>>
        %dma_start3A_494 = arith.constant 0 : i32
        %dma_start3A_495 = tpu.memref_slice %arg3[%arg0, %arg1, %add3A_486, %dma_start3A_494] : memref<2x16x320x32xi32, #tpu.memory_space<hbm>> -> memref<1x1x1x32xi32, #tpu.memory_space<hbm>>
        %dma_start3A_496 = tpu.memref_squeeze %dma_start3A_495 : memref<1x1x1x32xi32, #tpu.memory_space<hbm>> -> memref<32xi32, #tpu.memory_space<hbm>>
        tpu.enqueue_dma source(%dma_start3A_496 : memref<32xi32, #tpu.memory_space<hbm>>) target(%arg17 : memref<32xi32, #tpu.memory_space<vmem>>) target_semaphore(%arg47 : memref<!tpu.dma_semaphore, #tpu.memory_space<semaphore_mem>>)
        %dma_start3A_497 = arith.constant 0 : i32
        %dma_start3A_498 = tpu.memref_slice %arg4[%arg0, %arg1, %add3A_486, %dma_start3A_497] : memref<2x16x320x32xi32, #tpu.memory_space<hbm>> -> memref<1x1x1x32xi32, #tpu.memory_space<hbm>>
        %dma_start3A_499 = tpu.memref_squeeze %dma_start3A_498 : memref<1x1x1x32xi32, #tpu.memory_space<hbm>> -> memref<32xi32, #tpu.memory_space<hbm>>
        %dma_start3A_500 = arith.constant 0 : i32
        %dma_start3A_501 = tpu.memref_slice %arg4[%arg0, %arg1, %add3A_486, %dma_start3A_500] : memref<2x16x320x32xi32, #tpu.memory_space<hbm>> -> memref<1x1x1x32xi32, #tpu.memory_space<hbm>>
        %dma_start3A_502 = tpu.memref_squeeze %dma_start3A_501 : memref<1x1x1x32xi32, #tpu.memory_space<hbm>> -> memref<32xi32, #tpu.memory_space<hbm>>
        tpu.enqueue_dma source(%dma_start3A_502 : memref<32xi32, #tpu.memory_space<hbm>>) target(%arg27 : memref<32xi32, #tpu.memory_space<vmem>>) target_semaphore(%arg57 : memref<!tpu.dma_semaphore, #tpu.memory_space<semaphore_mem>>)
      } else {
      }
    }
    %barrier3A_226 = arith.constant 0 : index
    tpu.barrier barrier_id(%barrier3A_226)
    %mul3A_227 = arith.constant 640 : i32
    %mul3A_228 = arith.muli %arg1, %mul3A_227 : i32
    %mul3A_229 = arith.constant 640 : i32
    %mul3A_230 = arith.muli %arg1, %mul3A_229 : i32
    "tpu.region"() ({
      %run_scoped3A = tpu.sem_alloc : memref<!tpu.dma_semaphore, #tpu.memory_space<semaphore_mem>>
      %dma_start3A_231 = arith.constant 0 : i32
      %dma_start3A_232 = tpu.memref_slice %arg6[%arg0, %mul3A_230, %dma_start3A_231] : memref<2x10240x128xf32, #tpu.memory_space<hbm>> -> memref<1x640x128xf32, #tpu.memory_space<hbm>>
      %dma_start3A_233 = tpu.memref_squeeze %dma_start3A_232 : memref<1x640x128xf32, #tpu.memory_space<hbm>> -> memref<640x128xf32, #tpu.memory_space<hbm>>
      %dma_start3A_234 = arith.constant 0 : i32
      %dma_start3A_235 = tpu.memref_slice %arg7[%mul3A_228, %dma_start3A_234] : memref<10240x128xf32, #tpu.memory_space<vmem_shared>> -> memref<640x128xf32, #tpu.memory_space<vmem_shared>>
      tpu.enqueue_dma source(%dma_start3A_235 : memref<640x128xf32, #tpu.memory_space<vmem_shared>>) target(%dma_start3A_233 : memref<640x128xf32, #tpu.memory_space<hbm>>) target_semaphore(%run_scoped3A : memref<!tpu.dma_semaphore, #tpu.memory_space<semaphore_mem>>)
      %dma_wait3A_236 = arith.constant 0 : i32
      %dma_wait3A_237 = tpu.memref_slice %arg6[%arg0, %mul3A_230, %dma_wait3A_236] : memref<2x10240x128xf32, #tpu.memory_space<hbm>> -> memref<1x640x128xf32, #tpu.memory_space<hbm>>
      %dma_wait3A_238 = tpu.memref_squeeze %dma_wait3A_237 : memref<1x640x128xf32, #tpu.memory_space<hbm>> -> memref<640x128xf32, #tpu.memory_space<hbm>>
      %dma_wait3A_239 = arith.constant 0 : i32
      %dma_wait3A_240 = tpu.memref_slice %arg7[%mul3A_228, %dma_wait3A_239] : memref<10240x128xf32, #tpu.memory_space<vmem_shared>> -> memref<640x128xf32, #tpu.memory_space<vmem_shared>>
      tpu.wait_dma2 semaphore(%run_scoped3A : memref<!tpu.dma_semaphore, #tpu.memory_space<semaphore_mem>>) src(%dma_wait3A_240 : memref<640x128xf32, #tpu.memory_space<vmem_shared>>) dst(%dma_wait3A_238 : memref<640x128xf32, #tpu.memory_space<hbm>>)
      tpu.yield
    }) : () -> ()
    return
  }
}

#map = affine_map<(d0, d1) -> (0, 0)>
#map1 = affine_map<(d0, d1) -> (0, 0, 0, 0)>
#map2 = affine_map<(d0, d1) -> (0, 0, 0)>
module attributes {stable_mosaic.version = 14 : i64} {
  func.func @_sc_scatter_rows(%arg0: i32, %arg1: i32, %arg2: memref<10000x128xf32, #tpu.memory_space<hbm>>, %arg3: memref<2x16x320x32xi32, #tpu.memory_space<hbm>>, %arg4: memref<2x16x320x32xi32, #tpu.memory_space<hbm>>, %arg5: memref<640x128xf32, #tpu.memory_space<hbm>>, %arg6: memref<2x10240x128xf32, #tpu.memory_space<hbm>>, %arg7: memref<10240x128xf32, #tpu.memory_space<vmem_shared>>, %arg8: memref<32xi32, #tpu.memory_space<vmem>>, %arg9: memref<32xi32, #tpu.memory_space<vmem>>, %arg10: memref<32xi32, #tpu.memory_space<vmem>>, %arg11: memref<32xi32, #tpu.memory_space<vmem>>, %arg12: memref<32xi32, #tpu.memory_space<vmem>>, %arg13: memref<32xi32, #tpu.memory_space<vmem>>, %arg14: memref<32xi32, #tpu.memory_space<vmem>>, %arg15: memref<32xi32, #tpu.memory_space<vmem>>, %arg16: memref<32xi32, #tpu.memory_space<vmem>>, %arg17: memref<32xi32, #tpu.memory_space<vmem>>, %arg18: memref<32xi32, #tpu.memory_space<vmem>>, %arg19: memref<32xi32, #tpu.memory_space<vmem>>, %arg20: memref<32xi32, #tpu.memory_space<vmem>>, %arg21: memref<32xi32, #tpu.memory_space<vmem>>, %arg22: memref<32xi32, #tpu.memory_space<vmem>>, %arg23: memref<32xi32, #tpu.memory_space<vmem>>, %arg24: memref<32xi32, #tpu.memory_space<vmem>>, %arg25: memref<32xi32, #tpu.memory_space<vmem>>, %arg26: memref<32xi32, #tpu.memory_space<vmem>>, %arg27: memref<32xi32, #tpu.memory_space<vmem>>, %arg28: memref<32x128xf32, #tpu.memory_space<vmem>>, %arg29: memref<32x128xf32, #tpu.memory_space<vmem>>, %arg30: memref<32x128xf32, #tpu.memory_space<vmem>>, %arg31: memref<32x128xf32, #tpu.memory_space<vmem>>, %arg32: memref<32x128xf32, #tpu.memory_space<vmem>>, %arg33: memref<!tpu.dma_semaphore, #tpu.memory_space<semaphore_mem>>, %arg34: memref<!tpu.dma_semaphore, #tpu.memory_space<semaphore_mem>>, %arg35: memref<!tpu.dma_semaphore, #tpu.memory_space<semaphore_mem>>, %arg36: memref<!tpu.dma_semaphore, #tpu.memory_space<semaphore_mem>>, %arg37: memref<!tpu.dma_semaphore, #tpu.memory_space<semaphore_mem>>, %arg38: memref<!tpu.dma_semaphore, #tpu.memory_space<semaphore_mem>>, %arg39: memref<!tpu.dma_semaphore, #tpu.memory_space<semaphore_mem>>, %arg40: memref<!tpu.dma_semaphore, #tpu.memory_space<semaphore_mem>>, %arg41: memref<!tpu.dma_semaphore, #tpu.memory_space<semaphore_mem>>, %arg42: memref<!tpu.dma_semaphore, #tpu.memory_space<semaphore_mem>>, %arg43: memref<!tpu.dma_semaphore, #tpu.memory_space<semaphore_mem>>, %arg44: memref<!tpu.dma_semaphore, #tpu.memory_space<semaphore_mem>>, %arg45: memref<!tpu.dma_semaphore, #tpu.memory_space<semaphore_mem>>, %arg46: memref<!tpu.dma_semaphore, #tpu.memory_space<semaphore_mem>>, %arg47: memref<!tpu.dma_semaphore, #tpu.memory_space<semaphore_mem>>, %arg48: memref<!tpu.dma_semaphore, #tpu.memory_space<semaphore_mem>>, %arg49: memref<!tpu.dma_semaphore, #tpu.memory_space<semaphore_mem>>, %arg50: memref<!tpu.dma_semaphore, #tpu.memory_space<semaphore_mem>>, %arg51: memref<!tpu.dma_semaphore, #tpu.memory_space<semaphore_mem>>, %arg52: memref<!tpu.dma_semaphore, #tpu.memory_space<semaphore_mem>>, %arg53: memref<!tpu.dma_semaphore, #tpu.memory_space<semaphore_mem>>, %arg54: memref<!tpu.dma_semaphore, #tpu.memory_space<semaphore_mem>>, %arg55: memref<!tpu.dma_semaphore, #tpu.memory_space<semaphore_mem>>, %arg56: memref<!tpu.dma_semaphore, #tpu.memory_space<semaphore_mem>>, %arg57: memref<!tpu.dma_semaphore, #tpu.memory_space<semaphore_mem>>) attributes {dimension_semantics = [#tpu.dimension_semantics<core_parallel>, #tpu.dimension_semantics<subcore_parallel>], iteration_bounds = array<i64: 2, 16>, scalar_prefetch = 0 : i64, scratch_operands = 51 : i64, tpu.core_type = #tpu.core_type<sc_vector_subcore>, window_params = [{transform_indices = #map}, {transform_indices = #map1}, {transform_indices = #map1}, {transform_indices = #map}, {transform_indices = #map2}]} {
    %eq3A = arith.constant 0 : i32
    %eq3A_0 = arith.cmpi eq, %arg0, %eq3A : i32
    %jit3A = arith.constant 320 : i32
    %jit3A_1 = arith.constant 320 : i32
    %select_n3A = arith.select %eq3A_0, %jit3A, %jit3A_1 : i32
    %mul3A = arith.constant 640 : i32
    %mul3A_2 = arith.muli %arg1, %mul3A : i32
    "tpu.region"() ({
      %run_scoped3A = tpu.sem_alloc : memref<!tpu.dma_semaphore, #tpu.memory_space<semaphore_mem>>
      %dma_start3A_231 = arith.constant 0 : i32
      %dma_start3A_232 = tpu.memref_slice %arg7[%mul3A_2, %dma_start3A_231] : memref<10240x128xf32, #tpu.memory_space<vmem_shared>> -> memref<640x128xf32, #tpu.memory_space<vmem_shared>>
      tpu.enqueue_dma source(%arg5 : memref<640x128xf32, #tpu.memory_space<hbm>>) target(%dma_start3A_232 : memref<640x128xf32, #tpu.memory_space<vmem_shared>>) target_semaphore(%run_scoped3A : memref<!tpu.dma_semaphore, #tpu.memory_space<semaphore_mem>>)
      %dma_wait3A_233 = arith.constant 0 : i32
      %dma_wait3A_234 = tpu.memref_slice %arg7[%mul3A_2, %dma_wait3A_233] : memref<10240x128xf32, #tpu.memory_space<vmem_shared>> -> memref<640x128xf32, #tpu.memory_space<vmem_shared>>
      tpu.wait_dma2 semaphore(%run_scoped3A : memref<!tpu.dma_semaphore, #tpu.memory_space<semaphore_mem>>) src(%arg5 : memref<640x128xf32, #tpu.memory_space<hbm>>) dst(%dma_wait3A_234 : memref<640x128xf32, #tpu.memory_space<vmem_shared>>)
      tpu.yield
    }) : () -> ()
    %barrier3A = arith.constant 0 : index
    tpu.barrier barrier_id(%barrier3A)
    %dma_start3A = arith.constant 0 : i32
    %dma_start3A_3 = arith.constant 0 : i32
    %dma_start3A_4 = tpu.memref_slice %arg3[%arg0, %arg1, %dma_start3A, %dma_start3A_3] : memref<2x16x320x32xi32, #tpu.memory_space<hbm>> -> memref<1x1x1x32xi32, #tpu.memory_space<hbm>>
    %dma_start3A_5 = tpu.memref_squeeze %dma_start3A_4 : memref<1x1x1x32xi32, #tpu.memory_space<hbm>> -> memref<32xi32, #tpu.memory_space<hbm>>
    %dma_start3A_6 = arith.constant 0 : i32
    %dma_start3A_7 = tpu.memref_slice %arg3[%arg0, %arg1, %dma_start3A, %dma_start3A_6] : memref<2x16x320x32xi32, #tpu.memory_space<hbm>> -> memref<1x1x1x32xi32, #tpu.memory_space<hbm>>
    %dma_start3A_8 = tpu.memref_squeeze %dma_start3A_7 : memref<1x1x1x32xi32, #tpu.memory_space<hbm>> -> memref<32xi32, #tpu.memory_space<hbm>>
    tpu.enqueue_dma source(%dma_start3A_8 : memref<32xi32, #tpu.memory_space<hbm>>) target(%arg8 : memref<32xi32, #tpu.memory_space<vmem>>) target_semaphore(%arg38 : memref<!tpu.dma_semaphore, #tpu.memory_space<semaphore_mem>>)
    %dma_start3A_9 = arith.constant 0 : i32
    %dma_start3A_10 = arith.constant 0 : i32
    %dma_start3A_11 = tpu.memref_slice %arg4[%arg0, %arg1, %dma_start3A_9, %dma_start3A_10] : memref<2x16x320x32xi32, #tpu.memory_space<hbm>> -> memref<1x1x1x32xi32, #tpu.memory_space<hbm>>
    %dma_start3A_12 = tpu.memref_squeeze %dma_start3A_11 : memref<1x1x1x32xi32, #tpu.memory_space<hbm>> -> memref<32xi32, #tpu.memory_space<hbm>>
    %dma_start3A_13 = arith.constant 0 : i32
    %dma_start3A_14 = tpu.memref_slice %arg4[%arg0, %arg1, %dma_start3A_9, %dma_start3A_13] : memref<2x16x320x32xi32, #tpu.memory_space<hbm>> -> memref<1x1x1x32xi32, #tpu.memory_space<hbm>>
    %dma_start3A_15 = tpu.memref_squeeze %dma_start3A_14 : memref<1x1x1x32xi32, #tpu.memory_space<hbm>> -> memref<32xi32, #tpu.memory_space<hbm>>
    tpu.enqueue_dma source(%dma_start3A_15 : memref<32xi32, #tpu.memory_space<hbm>>) target(%arg18 : memref<32xi32, #tpu.memory_space<vmem>>) target_semaphore(%arg48 : memref<!tpu.dma_semaphore, #tpu.memory_space<semaphore_mem>>)
    %dma_start3A_16 = arith.constant 1 : i32
    %dma_start3A_17 = arith.constant 0 : i32
    %dma_start3A_18 = tpu.memref_slice %arg3[%arg0, %arg1, %dma_start3A_16, %dma_start3A_17] : memref<2x16x320x32xi32, #tpu.memory_space<hbm>> -> memref<1x1x1x32xi32, #tpu.memory_space<hbm>>
    %dma_start3A_19 = tpu.memref_squeeze %dma_start3A_18 : memref<1x1x1x32xi32, #tpu.memory_space<hbm>> -> memref<32xi32, #tpu.memory_space<hbm>>
    %dma_start3A_20 = arith.constant 0 : i32
    %dma_start3A_21 = tpu.memref_slice %arg3[%arg0, %arg1, %dma_start3A_16, %dma_start3A_20] : memref<2x16x320x32xi32, #tpu.memory_space<hbm>> -> memref<1x1x1x32xi32, #tpu.memory_space<hbm>>
    %dma_start3A_22 = tpu.memref_squeeze %dma_start3A_21 : memref<1x1x1x32xi32, #tpu.memory_space<hbm>> -> memref<32xi32, #tpu.memory_space<hbm>>
    tpu.enqueue_dma source(%dma_start3A_22 : memref<32xi32, #tpu.memory_space<hbm>>) target(%arg9 : memref<32xi32, #tpu.memory_space<vmem>>) target_semaphore(%arg39 : memref<!tpu.dma_semaphore, #tpu.memory_space<semaphore_mem>>)
    %dma_start3A_23 = arith.constant 1 : i32
    %dma_start3A_24 = arith.constant 0 : i32
    %dma_start3A_25 = tpu.memref_slice %arg4[%arg0, %arg1, %dma_start3A_23, %dma_start3A_24] : memref<2x16x320x32xi32, #tpu.memory_space<hbm>> -> memref<1x1x1x32xi32, #tpu.memory_space<hbm>>
    %dma_start3A_26 = tpu.memref_squeeze %dma_start3A_25 : memref<1x1x1x32xi32, #tpu.memory_space<hbm>> -> memref<32xi32, #tpu.memory_space<hbm>>
    %dma_start3A_27 = arith.constant 0 : i32
    %dma_start3A_28 = tpu.memref_slice %arg4[%arg0, %arg1, %dma_start3A_23, %dma_start3A_27] : memref<2x16x320x32xi32, #tpu.memory_space<hbm>> -> memref<1x1x1x32xi32, #tpu.memory_space<hbm>>
    %dma_start3A_29 = tpu.memref_squeeze %dma_start3A_28 : memref<1x1x1x32xi32, #tpu.memory_space<hbm>> -> memref<32xi32, #tpu.memory_space<hbm>>
    tpu.enqueue_dma source(%dma_start3A_29 : memref<32xi32, #tpu.memory_space<hbm>>) target(%arg19 : memref<32xi32, #tpu.memory_space<vmem>>) target_semaphore(%arg49 : memref<!tpu.dma_semaphore, #tpu.memory_space<semaphore_mem>>)
    %dma_start3A_30 = arith.constant 2 : i32
    %dma_start3A_31 = arith.constant 0 : i32
    %dma_start3A_32 = tpu.memref_slice %arg3[%arg0, %arg1, %dma_start3A_30, %dma_start3A_31] : memref<2x16x320x32xi32, #tpu.memory_space<hbm>> -> memref<1x1x1x32xi32, #tpu.memory_space<hbm>>
    %dma_start3A_33 = tpu.memref_squeeze %dma_start3A_32 : memref<1x1x1x32xi32, #tpu.memory_space<hbm>> -> memref<32xi32, #tpu.memory_space<hbm>>
    %dma_start3A_34 = arith.constant 0 : i32
    %dma_start3A_35 = tpu.memref_slice %arg3[%arg0, %arg1, %dma_start3A_30, %dma_start3A_34] : memref<2x16x320x32xi32, #tpu.memory_space<hbm>> -> memref<1x1x1x32xi32, #tpu.memory_space<hbm>>
    %dma_start3A_36 = tpu.memref_squeeze %dma_start3A_35 : memref<1x1x1x32xi32, #tpu.memory_space<hbm>> -> memref<32xi32, #tpu.memory_space<hbm>>
    tpu.enqueue_dma source(%dma_start3A_36 : memref<32xi32, #tpu.memory_space<hbm>>) target(%arg10 : memref<32xi32, #tpu.memory_space<vmem>>) target_semaphore(%arg40 : memref<!tpu.dma_semaphore, #tpu.memory_space<semaphore_mem>>)
    %dma_start3A_37 = arith.constant 2 : i32
    %dma_start3A_38 = arith.constant 0 : i32
    %dma_start3A_39 = tpu.memref_slice %arg4[%arg0, %arg1, %dma_start3A_37, %dma_start3A_38] : memref<2x16x320x32xi32, #tpu.memory_space<hbm>> -> memref<1x1x1x32xi32, #tpu.memory_space<hbm>>
    %dma_start3A_40 = tpu.memref_squeeze %dma_start3A_39 : memref<1x1x1x32xi32, #tpu.memory_space<hbm>> -> memref<32xi32, #tpu.memory_space<hbm>>
    %dma_start3A_41 = arith.constant 0 : i32
    %dma_start3A_42 = tpu.memref_slice %arg4[%arg0, %arg1, %dma_start3A_37, %dma_start3A_41] : memref<2x16x320x32xi32, #tpu.memory_space<hbm>> -> memref<1x1x1x32xi32, #tpu.memory_space<hbm>>
    %dma_start3A_43 = tpu.memref_squeeze %dma_start3A_42 : memref<1x1x1x32xi32, #tpu.memory_space<hbm>> -> memref<32xi32, #tpu.memory_space<hbm>>
    tpu.enqueue_dma source(%dma_start3A_43 : memref<32xi32, #tpu.memory_space<hbm>>) target(%arg20 : memref<32xi32, #tpu.memory_space<vmem>>) target_semaphore(%arg50 : memref<!tpu.dma_semaphore, #tpu.memory_space<semaphore_mem>>)
    %dma_start3A_44 = arith.constant 3 : i32
    %dma_start3A_45 = arith.constant 0 : i32
    %dma_start3A_46 = tpu.memref_slice %arg3[%arg0, %arg1, %dma_start3A_44, %dma_start3A_45] : memref<2x16x320x32xi32, #tpu.memory_space<hbm>> -> memref<1x1x1x32xi32, #tpu.memory_space<hbm>>
    %dma_start3A_47 = tpu.memref_squeeze %dma_start3A_46 : memref<1x1x1x32xi32, #tpu.memory_space<hbm>> -> memref<32xi32, #tpu.memory_space<hbm>>
    %dma_start3A_48 = arith.constant 0 : i32
    %dma_start3A_49 = tpu.memref_slice %arg3[%arg0, %arg1, %dma_start3A_44, %dma_start3A_48] : memref<2x16x320x32xi32, #tpu.memory_space<hbm>> -> memref<1x1x1x32xi32, #tpu.memory_space<hbm>>
    %dma_start3A_50 = tpu.memref_squeeze %dma_start3A_49 : memref<1x1x1x32xi32, #tpu.memory_space<hbm>> -> memref<32xi32, #tpu.memory_space<hbm>>
    tpu.enqueue_dma source(%dma_start3A_50 : memref<32xi32, #tpu.memory_space<hbm>>) target(%arg11 : memref<32xi32, #tpu.memory_space<vmem>>) target_semaphore(%arg41 : memref<!tpu.dma_semaphore, #tpu.memory_space<semaphore_mem>>)
    %dma_start3A_51 = arith.constant 3 : i32
    %dma_start3A_52 = arith.constant 0 : i32
    %dma_start3A_53 = tpu.memref_slice %arg4[%arg0, %arg1, %dma_start3A_51, %dma_start3A_52] : memref<2x16x320x32xi32, #tpu.memory_space<hbm>> -> memref<1x1x1x32xi32, #tpu.memory_space<hbm>>
    %dma_start3A_54 = tpu.memref_squeeze %dma_start3A_53 : memref<1x1x1x32xi32, #tpu.memory_space<hbm>> -> memref<32xi32, #tpu.memory_space<hbm>>
    %dma_start3A_55 = arith.constant 0 : i32
    %dma_start3A_56 = tpu.memref_slice %arg4[%arg0, %arg1, %dma_start3A_51, %dma_start3A_55] : memref<2x16x320x32xi32, #tpu.memory_space<hbm>> -> memref<1x1x1x32xi32, #tpu.memory_space<hbm>>
    %dma_start3A_57 = tpu.memref_squeeze %dma_start3A_56 : memref<1x1x1x32xi32, #tpu.memory_space<hbm>> -> memref<32xi32, #tpu.memory_space<hbm>>
    tpu.enqueue_dma source(%dma_start3A_57 : memref<32xi32, #tpu.memory_space<hbm>>) target(%arg21 : memref<32xi32, #tpu.memory_space<vmem>>) target_semaphore(%arg51 : memref<!tpu.dma_semaphore, #tpu.memory_space<semaphore_mem>>)
    %dma_start3A_58 = arith.constant 4 : i32
    %dma_start3A_59 = arith.constant 0 : i32
    %dma_start3A_60 = tpu.memref_slice %arg3[%arg0, %arg1, %dma_start3A_58, %dma_start3A_59] : memref<2x16x320x32xi32, #tpu.memory_space<hbm>> -> memref<1x1x1x32xi32, #tpu.memory_space<hbm>>
    %dma_start3A_61 = tpu.memref_squeeze %dma_start3A_60 : memref<1x1x1x32xi32, #tpu.memory_space<hbm>> -> memref<32xi32, #tpu.memory_space<hbm>>
    %dma_start3A_62 = arith.constant 0 : i32
    %dma_start3A_63 = tpu.memref_slice %arg3[%arg0, %arg1, %dma_start3A_58, %dma_start3A_62] : memref<2x16x320x32xi32, #tpu.memory_space<hbm>> -> memref<1x1x1x32xi32, #tpu.memory_space<hbm>>
    %dma_start3A_64 = tpu.memref_squeeze %dma_start3A_63 : memref<1x1x1x32xi32, #tpu.memory_space<hbm>> -> memref<32xi32, #tpu.memory_space<hbm>>
    tpu.enqueue_dma source(%dma_start3A_64 : memref<32xi32, #tpu.memory_space<hbm>>) target(%arg12 : memref<32xi32, #tpu.memory_space<vmem>>) target_semaphore(%arg42 : memref<!tpu.dma_semaphore, #tpu.memory_space<semaphore_mem>>)
    %dma_start3A_65 = arith.constant 4 : i32
    %dma_start3A_66 = arith.constant 0 : i32
    %dma_start3A_67 = tpu.memref_slice %arg4[%arg0, %arg1, %dma_start3A_65, %dma_start3A_66] : memref<2x16x320x32xi32, #tpu.memory_space<hbm>> -> memref<1x1x1x32xi32, #tpu.memory_space<hbm>>
    %dma_start3A_68 = tpu.memref_squeeze %dma_start3A_67 : memref<1x1x1x32xi32, #tpu.memory_space<hbm>> -> memref<32xi32, #tpu.memory_space<hbm>>
    %dma_start3A_69 = arith.constant 0 : i32
    %dma_start3A_70 = tpu.memref_slice %arg4[%arg0, %arg1, %dma_start3A_65, %dma_start3A_69] : memref<2x16x320x32xi32, #tpu.memory_space<hbm>> -> memref<1x1x1x32xi32, #tpu.memory_space<hbm>>
    %dma_start3A_71 = tpu.memref_squeeze %dma_start3A_70 : memref<1x1x1x32xi32, #tpu.memory_space<hbm>> -> memref<32xi32, #tpu.memory_space<hbm>>
    tpu.enqueue_dma source(%dma_start3A_71 : memref<32xi32, #tpu.memory_space<hbm>>) target(%arg22 : memref<32xi32, #tpu.memory_space<vmem>>) target_semaphore(%arg52 : memref<!tpu.dma_semaphore, #tpu.memory_space<semaphore_mem>>)
    %dma_start3A_72 = arith.constant 5 : i32
    %dma_start3A_73 = arith.constant 0 : i32
    %dma_start3A_74 = tpu.memref_slice %arg3[%arg0, %arg1, %dma_start3A_72, %dma_start3A_73] : memref<2x16x320x32xi32, #tpu.memory_space<hbm>> -> memref<1x1x1x32xi32, #tpu.memory_space<hbm>>
    %dma_start3A_75 = tpu.memref_squeeze %dma_start3A_74 : memref<1x1x1x32xi32, #tpu.memory_space<hbm>> -> memref<32xi32, #tpu.memory_space<hbm>>
    %dma_start3A_76 = arith.constant 0 : i32
    %dma_start3A_77 = tpu.memref_slice %arg3[%arg0, %arg1, %dma_start3A_72, %dma_start3A_76] : memref<2x16x320x32xi32, #tpu.memory_space<hbm>> -> memref<1x1x1x32xi32, #tpu.memory_space<hbm>>
    %dma_start3A_78 = tpu.memref_squeeze %dma_start3A_77 : memref<1x1x1x32xi32, #tpu.memory_space<hbm>> -> memref<32xi32, #tpu.memory_space<hbm>>
    tpu.enqueue_dma source(%dma_start3A_78 : memref<32xi32, #tpu.memory_space<hbm>>) target(%arg13 : memref<32xi32, #tpu.memory_space<vmem>>) target_semaphore(%arg43 : memref<!tpu.dma_semaphore, #tpu.memory_space<semaphore_mem>>)
    %dma_start3A_79 = arith.constant 5 : i32
    %dma_start3A_80 = arith.constant 0 : i32
    %dma_start3A_81 = tpu.memref_slice %arg4[%arg0, %arg1, %dma_start3A_79, %dma_start3A_80] : memref<2x16x320x32xi32, #tpu.memory_space<hbm>> -> memref<1x1x1x32xi32, #tpu.memory_space<hbm>>
    %dma_start3A_82 = tpu.memref_squeeze %dma_start3A_81 : memref<1x1x1x32xi32, #tpu.memory_space<hbm>> -> memref<32xi32, #tpu.memory_space<hbm>>
    %dma_start3A_83 = arith.constant 0 : i32
    %dma_start3A_84 = tpu.memref_slice %arg4[%arg0, %arg1, %dma_start3A_79, %dma_start3A_83] : memref<2x16x320x32xi32, #tpu.memory_space<hbm>> -> memref<1x1x1x32xi32, #tpu.memory_space<hbm>>
    %dma_start3A_85 = tpu.memref_squeeze %dma_start3A_84 : memref<1x1x1x32xi32, #tpu.memory_space<hbm>> -> memref<32xi32, #tpu.memory_space<hbm>>
    tpu.enqueue_dma source(%dma_start3A_85 : memref<32xi32, #tpu.memory_space<hbm>>) target(%arg23 : memref<32xi32, #tpu.memory_space<vmem>>) target_semaphore(%arg53 : memref<!tpu.dma_semaphore, #tpu.memory_space<semaphore_mem>>)
    %dma_start3A_86 = arith.constant 6 : i32
    %dma_start3A_87 = arith.constant 0 : i32
    %dma_start3A_88 = tpu.memref_slice %arg3[%arg0, %arg1, %dma_start3A_86, %dma_start3A_87] : memref<2x16x320x32xi32, #tpu.memory_space<hbm>> -> memref<1x1x1x32xi32, #tpu.memory_space<hbm>>
    %dma_start3A_89 = tpu.memref_squeeze %dma_start3A_88 : memref<1x1x1x32xi32, #tpu.memory_space<hbm>> -> memref<32xi32, #tpu.memory_space<hbm>>
    %dma_start3A_90 = arith.constant 0 : i32
    %dma_start3A_91 = tpu.memref_slice %arg3[%arg0, %arg1, %dma_start3A_86, %dma_start3A_90] : memref<2x16x320x32xi32, #tpu.memory_space<hbm>> -> memref<1x1x1x32xi32, #tpu.memory_space<hbm>>
    %dma_start3A_92 = tpu.memref_squeeze %dma_start3A_91 : memref<1x1x1x32xi32, #tpu.memory_space<hbm>> -> memref<32xi32, #tpu.memory_space<hbm>>
    tpu.enqueue_dma source(%dma_start3A_92 : memref<32xi32, #tpu.memory_space<hbm>>) target(%arg14 : memref<32xi32, #tpu.memory_space<vmem>>) target_semaphore(%arg44 : memref<!tpu.dma_semaphore, #tpu.memory_space<semaphore_mem>>)
    %dma_start3A_93 = arith.constant 6 : i32
    %dma_start3A_94 = arith.constant 0 : i32
    %dma_start3A_95 = tpu.memref_slice %arg4[%arg0, %arg1, %dma_start3A_93, %dma_start3A_94] : memref<2x16x320x32xi32, #tpu.memory_space<hbm>> -> memref<1x1x1x32xi32, #tpu.memory_space<hbm>>
    %dma_start3A_96 = tpu.memref_squeeze %dma_start3A_95 : memref<1x1x1x32xi32, #tpu.memory_space<hbm>> -> memref<32xi32, #tpu.memory_space<hbm>>
    %dma_start3A_97 = arith.constant 0 : i32
    %dma_start3A_98 = tpu.memref_slice %arg4[%arg0, %arg1, %dma_start3A_93, %dma_start3A_97] : memref<2x16x320x32xi32, #tpu.memory_space<hbm>> -> memref<1x1x1x32xi32, #tpu.memory_space<hbm>>
    %dma_start3A_99 = tpu.memref_squeeze %dma_start3A_98 : memref<1x1x1x32xi32, #tpu.memory_space<hbm>> -> memref<32xi32, #tpu.memory_space<hbm>>
    tpu.enqueue_dma source(%dma_start3A_99 : memref<32xi32, #tpu.memory_space<hbm>>) target(%arg24 : memref<32xi32, #tpu.memory_space<vmem>>) target_semaphore(%arg54 : memref<!tpu.dma_semaphore, #tpu.memory_space<semaphore_mem>>)
    %dma_start3A_100 = arith.constant 7 : i32
    %dma_start3A_101 = arith.constant 0 : i32
    %dma_start3A_102 = tpu.memref_slice %arg3[%arg0, %arg1, %dma_start3A_100, %dma_start3A_101] : memref<2x16x320x32xi32, #tpu.memory_space<hbm>> -> memref<1x1x1x32xi32, #tpu.memory_space<hbm>>
    %dma_start3A_103 = tpu.memref_squeeze %dma_start3A_102 : memref<1x1x1x32xi32, #tpu.memory_space<hbm>> -> memref<32xi32, #tpu.memory_space<hbm>>
    %dma_start3A_104 = arith.constant 0 : i32
    %dma_start3A_105 = tpu.memref_slice %arg3[%arg0, %arg1, %dma_start3A_100, %dma_start3A_104] : memref<2x16x320x32xi32, #tpu.memory_space<hbm>> -> memref<1x1x1x32xi32, #tpu.memory_space<hbm>>
    %dma_start3A_106 = tpu.memref_squeeze %dma_start3A_105 : memref<1x1x1x32xi32, #tpu.memory_space<hbm>> -> memref<32xi32, #tpu.memory_space<hbm>>
    tpu.enqueue_dma source(%dma_start3A_106 : memref<32xi32, #tpu.memory_space<hbm>>) target(%arg15 : memref<32xi32, #tpu.memory_space<vmem>>) target_semaphore(%arg45 : memref<!tpu.dma_semaphore, #tpu.memory_space<semaphore_mem>>)
    %dma_start3A_107 = arith.constant 7 : i32
    %dma_start3A_108 = arith.constant 0 : i32
    %dma_start3A_109 = tpu.memref_slice %arg4[%arg0, %arg1, %dma_start3A_107, %dma_start3A_108] : memref<2x16x320x32xi32, #tpu.memory_space<hbm>> -> memref<1x1x1x32xi32, #tpu.memory_space<hbm>>
    %dma_start3A_110 = tpu.memref_squeeze %dma_start3A_109 : memref<1x1x1x32xi32, #tpu.memory_space<hbm>> -> memref<32xi32, #tpu.memory_space<hbm>>
    %dma_start3A_111 = arith.constant 0 : i32
    %dma_start3A_112 = tpu.memref_slice %arg4[%arg0, %arg1, %dma_start3A_107, %dma_start3A_111] : memref<2x16x320x32xi32, #tpu.memory_space<hbm>> -> memref<1x1x1x32xi32, #tpu.memory_space<hbm>>
    %dma_start3A_113 = tpu.memref_squeeze %dma_start3A_112 : memref<1x1x1x32xi32, #tpu.memory_space<hbm>> -> memref<32xi32, #tpu.memory_space<hbm>>
    tpu.enqueue_dma source(%dma_start3A_113 : memref<32xi32, #tpu.memory_space<hbm>>) target(%arg25 : memref<32xi32, #tpu.memory_space<vmem>>) target_semaphore(%arg55 : memref<!tpu.dma_semaphore, #tpu.memory_space<semaphore_mem>>)
    %dma_start3A_114 = arith.constant 8 : i32
    %dma_start3A_115 = arith.constant 0 : i32
    %dma_start3A_116 = tpu.memref_slice %arg3[%arg0, %arg1, %dma_start3A_114, %dma_start3A_115] : memref<2x16x320x32xi32, #tpu.memory_space<hbm>> -> memref<1x1x1x32xi32, #tpu.memory_space<hbm>>
    %dma_start3A_117 = tpu.memref_squeeze %dma_start3A_116 : memref<1x1x1x32xi32, #tpu.memory_space<hbm>> -> memref<32xi32, #tpu.memory_space<hbm>>
    %dma_start3A_118 = arith.constant 0 : i32
    %dma_start3A_119 = tpu.memref_slice %arg3[%arg0, %arg1, %dma_start3A_114, %dma_start3A_118] : memref<2x16x320x32xi32, #tpu.memory_space<hbm>> -> memref<1x1x1x32xi32, #tpu.memory_space<hbm>>
    %dma_start3A_120 = tpu.memref_squeeze %dma_start3A_119 : memref<1x1x1x32xi32, #tpu.memory_space<hbm>> -> memref<32xi32, #tpu.memory_space<hbm>>
    tpu.enqueue_dma source(%dma_start3A_120 : memref<32xi32, #tpu.memory_space<hbm>>) target(%arg16 : memref<32xi32, #tpu.memory_space<vmem>>) target_semaphore(%arg46 : memref<!tpu.dma_semaphore, #tpu.memory_space<semaphore_mem>>)
    %dma_start3A_121 = arith.constant 8 : i32
    %dma_start3A_122 = arith.constant 0 : i32
    %dma_start3A_123 = tpu.memref_slice %arg4[%arg0, %arg1, %dma_start3A_121, %dma_start3A_122] : memref<2x16x320x32xi32, #tpu.memory_space<hbm>> -> memref<1x1x1x32xi32, #tpu.memory_space<hbm>>
    %dma_start3A_124 = tpu.memref_squeeze %dma_start3A_123 : memref<1x1x1x32xi32, #tpu.memory_space<hbm>> -> memref<32xi32, #tpu.memory_space<hbm>>
    %dma_start3A_125 = arith.constant 0 : i32
    %dma_start3A_126 = tpu.memref_slice %arg4[%arg0, %arg1, %dma_start3A_121, %dma_start3A_125] : memref<2x16x320x32xi32, #tpu.memory_space<hbm>> -> memref<1x1x1x32xi32, #tpu.memory_space<hbm>>
    %dma_start3A_127 = tpu.memref_squeeze %dma_start3A_126 : memref<1x1x1x32xi32, #tpu.memory_space<hbm>> -> memref<32xi32, #tpu.memory_space<hbm>>
    tpu.enqueue_dma source(%dma_start3A_127 : memref<32xi32, #tpu.memory_space<hbm>>) target(%arg26 : memref<32xi32, #tpu.memory_space<vmem>>) target_semaphore(%arg56 : memref<!tpu.dma_semaphore, #tpu.memory_space<semaphore_mem>>)
    %dma_start3A_128 = arith.constant 9 : i32
    %dma_start3A_129 = arith.constant 0 : i32
    %dma_start3A_130 = tpu.memref_slice %arg3[%arg0, %arg1, %dma_start3A_128, %dma_start3A_129] : memref<2x16x320x32xi32, #tpu.memory_space<hbm>> -> memref<1x1x1x32xi32, #tpu.memory_space<hbm>>
    %dma_start3A_131 = tpu.memref_squeeze %dma_start3A_130 : memref<1x1x1x32xi32, #tpu.memory_space<hbm>> -> memref<32xi32, #tpu.memory_space<hbm>>
    %dma_start3A_132 = arith.constant 0 : i32
    %dma_start3A_133 = tpu.memref_slice %arg3[%arg0, %arg1, %dma_start3A_128, %dma_start3A_132] : memref<2x16x320x32xi32, #tpu.memory_space<hbm>> -> memref<1x1x1x32xi32, #tpu.memory_space<hbm>>
    %dma_start3A_134 = tpu.memref_squeeze %dma_start3A_133 : memref<1x1x1x32xi32, #tpu.memory_space<hbm>> -> memref<32xi32, #tpu.memory_space<hbm>>
    tpu.enqueue_dma source(%dma_start3A_134 : memref<32xi32, #tpu.memory_space<hbm>>) target(%arg17 : memref<32xi32, #tpu.memory_space<vmem>>) target_semaphore(%arg47 : memref<!tpu.dma_semaphore, #tpu.memory_space<semaphore_mem>>)
    %dma_start3A_135 = arith.constant 9 : i32
    %dma_start3A_136 = arith.constant 0 : i32
    %dma_start3A_137 = tpu.memref_slice %arg4[%arg0, %arg1, %dma_start3A_135, %dma_start3A_136] : memref<2x16x320x32xi32, #tpu.memory_space<hbm>> -> memref<1x1x1x32xi32, #tpu.memory_space<hbm>>
    %dma_start3A_138 = tpu.memref_squeeze %dma_start3A_137 : memref<1x1x1x32xi32, #tpu.memory_space<hbm>> -> memref<32xi32, #tpu.memory_space<hbm>>
    %dma_start3A_139 = arith.constant 0 : i32
    %dma_start3A_140 = tpu.memref_slice %arg4[%arg0, %arg1, %dma_start3A_135, %dma_start3A_139] : memref<2x16x320x32xi32, #tpu.memory_space<hbm>> -> memref<1x1x1x32xi32, #tpu.memory_space<hbm>>
    %dma_start3A_141 = tpu.memref_squeeze %dma_start3A_140 : memref<1x1x1x32xi32, #tpu.memory_space<hbm>> -> memref<32xi32, #tpu.memory_space<hbm>>
    tpu.enqueue_dma source(%dma_start3A_141 : memref<32xi32, #tpu.memory_space<hbm>>) target(%arg27 : memref<32xi32, #tpu.memory_space<vmem>>) target_semaphore(%arg57 : memref<!tpu.dma_semaphore, #tpu.memory_space<semaphore_mem>>)
    %dma_wait3A = arith.constant 0 : i32
    %dma_wait3A_142 = arith.constant 0 : i32
    %dma_wait3A_143 = tpu.memref_slice %arg3[%arg0, %arg1, %dma_wait3A, %dma_wait3A_142] : memref<2x16x320x32xi32, #tpu.memory_space<hbm>> -> memref<1x1x1x32xi32, #tpu.memory_space<hbm>>
    %dma_wait3A_144 = tpu.memref_squeeze %dma_wait3A_143 : memref<1x1x1x32xi32, #tpu.memory_space<hbm>> -> memref<32xi32, #tpu.memory_space<hbm>>
    %dma_wait3A_145 = arith.constant 0 : i32
    %dma_wait3A_146 = tpu.memref_slice %arg3[%arg0, %arg1, %dma_wait3A, %dma_wait3A_145] : memref<2x16x320x32xi32, #tpu.memory_space<hbm>> -> memref<1x1x1x32xi32, #tpu.memory_space<hbm>>
    %dma_wait3A_147 = tpu.memref_squeeze %dma_wait3A_146 : memref<1x1x1x32xi32, #tpu.memory_space<hbm>> -> memref<32xi32, #tpu.memory_space<hbm>>
    tpu.wait_dma2 semaphore(%arg38 : memref<!tpu.dma_semaphore, #tpu.memory_space<semaphore_mem>>) src(%dma_wait3A_147 : memref<32xi32, #tpu.memory_space<hbm>>) dst(%arg8 : memref<32xi32, #tpu.memory_space<vmem>>)
    %dma_start3A_148 = arith.constant 0 : i32
    %dma_start3A_149 = arith.constant 0 : i32
    %dma_start3A_150 = tpu.memref_slice %arg2[%dma_start3A_148, %dma_start3A_149] : memref<10000x128xf32, #tpu.memory_space<hbm>> -> memref<10000x128xf32, #tpu.memory_space<hbm>>
    tpu.enqueue_indirect_dma source(%dma_start3A_150 : memref<10000x128xf32, #tpu.memory_space<hbm>>) target(%arg28 : memref<32x128xf32, #tpu.memory_space<vmem>>) offsets(%arg8 : memref<32xi32, #tpu.memory_space<vmem>>) semaphore(%arg33 : memref<!tpu.dma_semaphore, #tpu.memory_space<semaphore_mem>>)
    %dma_wait3A_151 = arith.constant 0 : i32
    %dma_wait3A_152 = arith.constant 0 : i32
    %dma_wait3A_153 = tpu.memref_slice %arg3[%arg0, %arg1, %dma_wait3A_151, %dma_wait3A_152] : memref<2x16x320x32xi32, #tpu.memory_space<hbm>> -> memref<1x1x1x32xi32, #tpu.memory_space<hbm>>
    %dma_wait3A_154 = tpu.memref_squeeze %dma_wait3A_153 : memref<1x1x1x32xi32, #tpu.memory_space<hbm>> -> memref<32xi32, #tpu.memory_space<hbm>>
    %dma_wait3A_155 = arith.constant 0 : i32
    %dma_wait3A_156 = tpu.memref_slice %arg3[%arg0, %arg1, %dma_wait3A_151, %dma_wait3A_155] : memref<2x16x320x32xi32, #tpu.memory_space<hbm>> -> memref<1x1x1x32xi32, #tpu.memory_space<hbm>>
    %dma_wait3A_157 = tpu.memref_squeeze %dma_wait3A_156 : memref<1x1x1x32xi32, #tpu.memory_space<hbm>> -> memref<32xi32, #tpu.memory_space<hbm>>
    tpu.wait_dma2 semaphore(%arg39 : memref<!tpu.dma_semaphore, #tpu.memory_space<semaphore_mem>>) src(%dma_wait3A_157 : memref<32xi32, #tpu.memory_space<hbm>>) dst(%arg9 : memref<32xi32, #tpu.memory_space<vmem>>)
    %dma_start3A_158 = arith.constant 0 : i32
    %dma_start3A_159 = arith.constant 0 : i32
    %dma_start3A_160 = tpu.memref_slice %arg2[%dma_start3A_158, %dma_start3A_159] : memref<10000x128xf32, #tpu.memory_space<hbm>> -> memref<10000x128xf32, #tpu.memory_space<hbm>>
    tpu.enqueue_indirect_dma source(%dma_start3A_160 : memref<10000x128xf32, #tpu.memory_space<hbm>>) target(%arg29 : memref<32x128xf32, #tpu.memory_space<vmem>>) offsets(%arg9 : memref<32xi32, #tpu.memory_space<vmem>>) semaphore(%arg34 : memref<!tpu.dma_semaphore, #tpu.memory_space<semaphore_mem>>)
    %dma_wait3A_161 = arith.constant 0 : i32
    %dma_wait3A_162 = arith.constant 0 : i32
    %dma_wait3A_163 = tpu.memref_slice %arg3[%arg0, %arg1, %dma_wait3A_161, %dma_wait3A_162] : memref<2x16x320x32xi32, #tpu.memory_space<hbm>> -> memref<1x1x1x32xi32, #tpu.memory_space<hbm>>
    %dma_wait3A_164 = tpu.memref_squeeze %dma_wait3A_163 : memref<1x1x1x32xi32, #tpu.memory_space<hbm>> -> memref<32xi32, #tpu.memory_space<hbm>>
    %dma_wait3A_165 = arith.constant 0 : i32
    %dma_wait3A_166 = tpu.memref_slice %arg3[%arg0, %arg1, %dma_wait3A_161, %dma_wait3A_165] : memref<2x16x320x32xi32, #tpu.memory_space<hbm>> -> memref<1x1x1x32xi32, #tpu.memory_space<hbm>>
    %dma_wait3A_167 = tpu.memref_squeeze %dma_wait3A_166 : memref<1x1x1x32xi32, #tpu.memory_space<hbm>> -> memref<32xi32, #tpu.memory_space<hbm>>
    tpu.wait_dma2 semaphore(%arg40 : memref<!tpu.dma_semaphore, #tpu.memory_space<semaphore_mem>>) src(%dma_wait3A_167 : memref<32xi32, #tpu.memory_space<hbm>>) dst(%arg10 : memref<32xi32, #tpu.memory_space<vmem>>)
    %dma_start3A_168 = arith.constant 0 : i32
    %dma_start3A_169 = arith.constant 0 : i32
    %dma_start3A_170 = tpu.memref_slice %arg2[%dma_start3A_168, %dma_start3A_169] : memref<10000x128xf32, #tpu.memory_space<hbm>> -> memref<10000x128xf32, #tpu.memory_space<hbm>>
    tpu.enqueue_indirect_dma source(%dma_start3A_170 : memref<10000x128xf32, #tpu.memory_space<hbm>>) target(%arg30 : memref<32x128xf32, #tpu.memory_space<vmem>>) offsets(%arg10 : memref<32xi32, #tpu.memory_space<vmem>>) semaphore(%arg35 : memref<!tpu.dma_semaphore, #tpu.memory_space<semaphore_mem>>)
    %dma_wait3A_171 = arith.constant 0 : i32
    %dma_wait3A_172 = arith.constant 0 : i32
    %dma_wait3A_173 = tpu.memref_slice %arg3[%arg0, %arg1, %dma_wait3A_171, %dma_wait3A_172] : memref<2x16x320x32xi32, #tpu.memory_space<hbm>> -> memref<1x1x1x32xi32, #tpu.memory_space<hbm>>
    %dma_wait3A_174 = tpu.memref_squeeze %dma_wait3A_173 : memref<1x1x1x32xi32, #tpu.memory_space<hbm>> -> memref<32xi32, #tpu.memory_space<hbm>>
    %dma_wait3A_175 = arith.constant 0 : i32
    %dma_wait3A_176 = tpu.memref_slice %arg3[%arg0, %arg1, %dma_wait3A_171, %dma_wait3A_175] : memref<2x16x320x32xi32, #tpu.memory_space<hbm>> -> memref<1x1x1x32xi32, #tpu.memory_space<hbm>>
    %dma_wait3A_177 = tpu.memref_squeeze %dma_wait3A_176 : memref<1x1x1x32xi32, #tpu.memory_space<hbm>> -> memref<32xi32, #tpu.memory_space<hbm>>
    tpu.wait_dma2 semaphore(%arg41 : memref<!tpu.dma_semaphore, #tpu.memory_space<semaphore_mem>>) src(%dma_wait3A_177 : memref<32xi32, #tpu.memory_space<hbm>>) dst(%arg11 : memref<32xi32, #tpu.memory_space<vmem>>)
    %dma_start3A_178 = arith.constant 0 : i32
    %dma_start3A_179 = arith.constant 0 : i32
    %dma_start3A_180 = tpu.memref_slice %arg2[%dma_start3A_178, %dma_start3A_179] : memref<10000x128xf32, #tpu.memory_space<hbm>> -> memref<10000x128xf32, #tpu.memory_space<hbm>>
    tpu.enqueue_indirect_dma source(%dma_start3A_180 : memref<10000x128xf32, #tpu.memory_space<hbm>>) target(%arg31 : memref<32x128xf32, #tpu.memory_space<vmem>>) offsets(%arg11 : memref<32xi32, #tpu.memory_space<vmem>>) semaphore(%arg36 : memref<!tpu.dma_semaphore, #tpu.memory_space<semaphore_mem>>)
    %dma_wait3A_181 = arith.constant 0 : i32
    %dma_wait3A_182 = arith.constant 0 : i32
    %dma_wait3A_183 = tpu.memref_slice %arg3[%arg0, %arg1, %dma_wait3A_181, %dma_wait3A_182] : memref<2x16x320x32xi32, #tpu.memory_space<hbm>> -> memref<1x1x1x32xi32, #tpu.memory_space<hbm>>
    %dma_wait3A_184 = tpu.memref_squeeze %dma_wait3A_183 : memref<1x1x1x32xi32, #tpu.memory_space<hbm>> -> memref<32xi32, #tpu.memory_space<hbm>>
    %dma_wait3A_185 = arith.constant 0 : i32
    %dma_wait3A_186 = tpu.memref_slice %arg3[%arg0, %arg1, %dma_wait3A_181, %dma_wait3A_185] : memref<2x16x320x32xi32, #tpu.memory_space<hbm>> -> memref<1x1x1x32xi32, #tpu.memory_space<hbm>>
    %dma_wait3A_187 = tpu.memref_squeeze %dma_wait3A_186 : memref<1x1x1x32xi32, #tpu.memory_space<hbm>> -> memref<32xi32, #tpu.memory_space<hbm>>
    tpu.wait_dma2 semaphore(%arg42 : memref<!tpu.dma_semaphore, #tpu.memory_space<semaphore_mem>>) src(%dma_wait3A_187 : memref<32xi32, #tpu.memory_space<hbm>>) dst(%arg12 : memref<32xi32, #tpu.memory_space<vmem>>)
    %dma_start3A_188 = arith.constant 0 : i32
    %dma_start3A_189 = arith.constant 0 : i32
    %dma_start3A_190 = tpu.memref_slice %arg2[%dma_start3A_188, %dma_start3A_189] : memref<10000x128xf32, #tpu.memory_space<hbm>> -> memref<10000x128xf32, #tpu.memory_space<hbm>>
    tpu.enqueue_indirect_dma source(%dma_start3A_190 : memref<10000x128xf32, #tpu.memory_space<hbm>>) target(%arg32 : memref<32x128xf32, #tpu.memory_space<vmem>>) offsets(%arg12 : memref<32xi32, #tpu.memory_space<vmem>>) semaphore(%arg37 : memref<!tpu.dma_semaphore, #tpu.memory_space<semaphore_mem>>)
    %jit3A_191 = arith.constant 10 : i32
    %div3A = arith.divsi %select_n3A, %jit3A_191 : i32
    %sign3A = arith.constant 0 : i32
    %sign3A_192 = arith.cmpi sgt, %select_n3A, %sign3A : i32
    %sign3A_193 = arith.extui %sign3A_192 : i1 to i32
    %sign3A_194 = arith.constant 0 : i32
    %sign3A_195 = arith.cmpi slt, %select_n3A, %sign3A_194 : i32
    %sign3A_196 = arith.extui %sign3A_195 : i1 to i32
    %sign3A_197 = arith.subi %sign3A_193, %sign3A_196 : i32
    %sign3A_198 = arith.constant 0 : i32
    %sign3A_199 = arith.cmpi sgt, %jit3A_191, %sign3A_198 : i32
    %sign3A_200 = arith.extui %sign3A_199 : i1 to i32
    %sign3A_201 = arith.constant 0 : i32
    %sign3A_202 = arith.cmpi slt, %jit3A_191, %sign3A_201 : i32
    %sign3A_203 = arith.extui %sign3A_202 : i1 to i32
    %sign3A_204 = arith.subi %sign3A_200, %sign3A_203 : i32
    %ne3A = arith.cmpi ne, %sign3A_197, %sign3A_204 : i32
    %rem3A = arith.remsi %select_n3A, %jit3A_191 : i32
    %ne3A_205 = arith.constant 0 : i32
    %ne3A_206 = arith.cmpi ne, %rem3A, %ne3A_205 : i32
    %and3A = arith.andi %ne3A, %ne3A_206 : i1
    %sub3A = arith.constant 1 : i32
    %sub3A_207 = arith.subi %div3A, %sub3A : i32
    %select_n3A_208 = arith.select %and3A, %sub3A_207, %div3A : i32
    %sub3A_209 = arith.constant 0 : i32
    %sub3A_210 = arith.subi %select_n3A_208, %sub3A_209 : i32
    %sub3A_211 = arith.constant 1 : i32
    %sub3A_212 = arith.constant 1 : i32
    %sub3A_213 = arith.subi %sub3A_211, %sub3A_212 : i32
    %add3A = arith.addi %sub3A_210, %sub3A_213 : i32
    %div3A_214 = arith.constant 1 : i32
    %div3A_215 = arith.divsi %add3A, %div3A_214 : i32
    %while3A = arith.constant 1 : i32
    %while3A_216 = arith.constant 0 : i32
    %while3A_217 = arith.constant 0 : i32
    %while3A_218 = arith.subi %div3A_215, %while3A_217 : i32
    %while3A_219 = arith.addi %while3A_217, %while3A_218 : i32
    %while3A_220 = arith.constant 1 : i32
    %while3A_221 = arith.divsi %while3A_218, %while3A_220 : i32
    %while3A_222 = arith.muli %while3A_221, %while3A_220 : i32
    %while3A_223 = arith.addi %while3A_217, %while3A_222 : i32
    %while3A_224 = arith.constant 1 : i32
    scf.for %while3A_231 = %while3A_217 to %while3A_223 step %while3A_224  : i32 {
      %mul3A_232 = arith.muli %while3A_231, %while3A : i32
      %add3A_233 = arith.addi %while3A_216, %mul3A_232 : i32
      %mul3A_234 = arith.constant 10 : i32
      %mul3A_235 = arith.muli %add3A_233, %mul3A_234 : i32
      %add3A_236 = arith.constant 0 : i32
      %add3A_237 = arith.addi %mul3A_235, %add3A_236 : i32
      %dma_wait3A_238 = arith.constant 0 : i32
      %dma_wait3A_239 = arith.constant 0 : i32
      %dma_wait3A_240 = tpu.memref_slice %arg2[%dma_wait3A_238, %dma_wait3A_239] : memref<10000x128xf32, #tpu.memory_space<hbm>> -> memref<10000x128xf32, #tpu.memory_space<hbm>>
      tpu.wait_indirect_dma semaphore(%arg33 : memref<!tpu.dma_semaphore, #tpu.memory_space<semaphore_mem>>) src(%dma_wait3A_240 : memref<10000x128xf32, #tpu.memory_space<hbm>>) dst(%arg28 : memref<32x128xf32, #tpu.memory_space<vmem>>)
      %dma_wait3A_241 = arith.constant 0 : i32
      %dma_wait3A_242 = arith.constant 0 : i32
      %dma_wait3A_243 = tpu.memref_slice %arg4[%arg0, %arg1, %dma_wait3A_241, %dma_wait3A_242] : memref<2x16x320x32xi32, #tpu.memory_space<hbm>> -> memref<1x1x1x32xi32, #tpu.memory_space<hbm>>
      %dma_wait3A_244 = tpu.memref_squeeze %dma_wait3A_243 : memref<1x1x1x32xi32, #tpu.memory_space<hbm>> -> memref<32xi32, #tpu.memory_space<hbm>>
      %dma_wait3A_245 = arith.constant 0 : i32
      %dma_wait3A_246 = tpu.memref_slice %arg4[%arg0, %arg1, %dma_wait3A_241, %dma_wait3A_245] : memref<2x16x320x32xi32, #tpu.memory_space<hbm>> -> memref<1x1x1x32xi32, #tpu.memory_space<hbm>>
      %dma_wait3A_247 = tpu.memref_squeeze %dma_wait3A_246 : memref<1x1x1x32xi32, #tpu.memory_space<hbm>> -> memref<32xi32, #tpu.memory_space<hbm>>
      tpu.wait_dma2 semaphore(%arg48 : memref<!tpu.dma_semaphore, #tpu.memory_space<semaphore_mem>>) src(%dma_wait3A_247 : memref<32xi32, #tpu.memory_space<hbm>>) dst(%arg18 : memref<32xi32, #tpu.memory_space<vmem>>)
      "tpu.region"() ({
        %run_scoped3A = tpu.sem_alloc : memref<!tpu.dma_semaphore, #tpu.memory_space<semaphore_mem>>
        %dma_start3A_491 = arith.constant 0 : i32
        %dma_start3A_492 = arith.constant 0 : i32
        %dma_start3A_493 = tpu.memref_slice %arg7[%dma_start3A_491, %dma_start3A_492] : memref<10240x128xf32, #tpu.memory_space<vmem_shared>> -> memref<10240x128xf32, #tpu.memory_space<vmem_shared>>
        tpu.enqueue_indirect_dma source(%arg28 : memref<32x128xf32, #tpu.memory_space<vmem>>) target(%dma_start3A_493 : memref<10240x128xf32, #tpu.memory_space<vmem_shared>>) offsets(%arg18 : memref<32xi32, #tpu.memory_space<vmem>>) semaphore(%run_scoped3A : memref<!tpu.dma_semaphore, #tpu.memory_space<semaphore_mem>>) {add = true}
        %dma_wait3A_494 = arith.constant 0 : i32
        %dma_wait3A_495 = arith.constant 0 : i32
        %dma_wait3A_496 = tpu.memref_slice %arg7[%dma_wait3A_494, %dma_wait3A_495] : memref<10240x128xf32, #tpu.memory_space<vmem_shared>> -> memref<10240x128xf32, #tpu.memory_space<vmem_shared>>
        tpu.wait_indirect_dma semaphore(%run_scoped3A : memref<!tpu.dma_semaphore, #tpu.memory_space<semaphore_mem>>) src(%arg28 : memref<32x128xf32, #tpu.memory_space<vmem>>) dst(%dma_wait3A_496 : memref<10240x128xf32, #tpu.memory_space<vmem_shared>>)
        tpu.yield
      }) : () -> ()
      %add3A_248 = arith.constant 5 : i32
      %add3A_249 = arith.addi %add3A_237, %add3A_248 : i32
      %lt3A = arith.cmpi slt, %add3A_249, %select_n3A : i32
      %convert_element_type3A = arith.extui %lt3A : i1 to i32
      %cond3A = arith.constant 0 : i32
      %cond3A_250 = arith.cmpi ne, %convert_element_type3A, %cond3A : i32
      scf.if %cond3A_250 {
        %dma_wait3A_491 = arith.constant 0 : i32
        %dma_wait3A_492 = arith.constant 0 : i32
        %dma_wait3A_493 = tpu.memref_slice %arg3[%arg0, %arg1, %dma_wait3A_491, %dma_wait3A_492] : memref<2x16x320x32xi32, #tpu.memory_space<hbm>> -> memref<1x1x1x32xi32, #tpu.memory_space<hbm>>
        %dma_wait3A_494 = tpu.memref_squeeze %dma_wait3A_493 : memref<1x1x1x32xi32, #tpu.memory_space<hbm>> -> memref<32xi32, #tpu.memory_space<hbm>>
        %dma_wait3A_495 = arith.constant 0 : i32
        %dma_wait3A_496 = tpu.memref_slice %arg3[%arg0, %arg1, %dma_wait3A_491, %dma_wait3A_495] : memref<2x16x320x32xi32, #tpu.memory_space<hbm>> -> memref<1x1x1x32xi32, #tpu.memory_space<hbm>>
        %dma_wait3A_497 = tpu.memref_squeeze %dma_wait3A_496 : memref<1x1x1x32xi32, #tpu.memory_space<hbm>> -> memref<32xi32, #tpu.memory_space<hbm>>
        tpu.wait_dma2 semaphore(%arg43 : memref<!tpu.dma_semaphore, #tpu.memory_space<semaphore_mem>>) src(%dma_wait3A_497 : memref<32xi32, #tpu.memory_space<hbm>>) dst(%arg13 : memref<32xi32, #tpu.memory_space<vmem>>)
        %dma_start3A_498 = arith.constant 0 : i32
        %dma_start3A_499 = arith.constant 0 : i32
        %dma_start3A_500 = tpu.memref_slice %arg2[%dma_start3A_498, %dma_start3A_499] : memref<10000x128xf32, #tpu.memory_space<hbm>> -> memref<10000x128xf32, #tpu.memory_space<hbm>>
        tpu.enqueue_indirect_dma source(%dma_start3A_500 : memref<10000x128xf32, #tpu.memory_space<hbm>>) target(%arg28 : memref<32x128xf32, #tpu.memory_space<vmem>>) offsets(%arg13 : memref<32xi32, #tpu.memory_space<vmem>>) semaphore(%arg33 : memref<!tpu.dma_semaphore, #tpu.memory_space<semaphore_mem>>)
      } else {
      }
      %add3A_251 = arith.constant 10 : i32
      %add3A_252 = arith.addi %add3A_237, %add3A_251 : i32
      %lt3A_253 = arith.cmpi slt, %add3A_252, %select_n3A : i32
      %convert_element_type3A_254 = arith.extui %lt3A_253 : i1 to i32
      %cond3A_255 = arith.constant 0 : i32
      %cond3A_256 = arith.cmpi ne, %convert_element_type3A_254, %cond3A_255 : i32
      scf.if %cond3A_256 {
        %dma_start3A_491 = arith.constant 0 : i32
        %dma_start3A_492 = tpu.memref_slice %arg3[%arg0, %arg1, %add3A_252, %dma_start3A_491] : memref<2x16x320x32xi32, #tpu.memory_space<hbm>> -> memref<1x1x1x32xi32, #tpu.memory_space<hbm>>
        %dma_start3A_493 = tpu.memref_squeeze %dma_start3A_492 : memref<1x1x1x32xi32, #tpu.memory_space<hbm>> -> memref<32xi32, #tpu.memory_space<hbm>>
        %dma_start3A_494 = arith.constant 0 : i32
        %dma_start3A_495 = tpu.memref_slice %arg3[%arg0, %arg1, %add3A_252, %dma_start3A_494] : memref<2x16x320x32xi32, #tpu.memory_space<hbm>> -> memref<1x1x1x32xi32, #tpu.memory_space<hbm>>
        %dma_start3A_496 = tpu.memref_squeeze %dma_start3A_495 : memref<1x1x1x32xi32, #tpu.memory_space<hbm>> -> memref<32xi32, #tpu.memory_space<hbm>>
        tpu.enqueue_dma source(%dma_start3A_496 : memref<32xi32, #tpu.memory_space<hbm>>) target(%arg8 : memref<32xi32, #tpu.memory_space<vmem>>) target_semaphore(%arg38 : memref<!tpu.dma_semaphore, #tpu.memory_space<semaphore_mem>>)
        %dma_start3A_497 = arith.constant 0 : i32
        %dma_start3A_498 = tpu.memref_slice %arg4[%arg0, %arg1, %add3A_252, %dma_start3A_497] : memref<2x16x320x32xi32, #tpu.memory_space<hbm>> -> memref<1x1x1x32xi32, #tpu.memory_space<hbm>>
        %dma_start3A_499 = tpu.memref_squeeze %dma_start3A_498 : memref<1x1x1x32xi32, #tpu.memory_space<hbm>> -> memref<32xi32, #tpu.memory_space<hbm>>
        %dma_start3A_500 = arith.constant 0 : i32
        %dma_start3A_501 = tpu.memref_slice %arg4[%arg0, %arg1, %add3A_252, %dma_start3A_500] : memref<2x16x320x32xi32, #tpu.memory_space<hbm>> -> memref<1x1x1x32xi32, #tpu.memory_space<hbm>>
        %dma_start3A_502 = tpu.memref_squeeze %dma_start3A_501 : memref<1x1x1x32xi32, #tpu.memory_space<hbm>> -> memref<32xi32, #tpu.memory_space<hbm>>
        tpu.enqueue_dma source(%dma_start3A_502 : memref<32xi32, #tpu.memory_space<hbm>>) target(%arg18 : memref<32xi32, #tpu.memory_space<vmem>>) target_semaphore(%arg48 : memref<!tpu.dma_semaphore, #tpu.memory_space<semaphore_mem>>)
      } else {
      }
      %mul3A_257 = arith.constant 10 : i32
      %mul3A_258 = arith.muli %add3A_233, %mul3A_257 : i32
      %add3A_259 = arith.constant 1 : i32
      %add3A_260 = arith.addi %mul3A_258, %add3A_259 : i32
      %dma_wait3A_261 = arith.constant 0 : i32
      %dma_wait3A_262 = arith.constant 0 : i32
      %dma_wait3A_263 = tpu.memref_slice %arg2[%dma_wait3A_261, %dma_wait3A_262] : memref<10000x128xf32, #tpu.memory_space<hbm>> -> memref<10000x128xf32, #tpu.memory_space<hbm>>
      tpu.wait_indirect_dma semaphore(%arg34 : memref<!tpu.dma_semaphore, #tpu.memory_space<semaphore_mem>>) src(%dma_wait3A_263 : memref<10000x128xf32, #tpu.memory_space<hbm>>) dst(%arg29 : memref<32x128xf32, #tpu.memory_space<vmem>>)
      %dma_wait3A_264 = arith.constant 0 : i32
      %dma_wait3A_265 = arith.constant 0 : i32
      %dma_wait3A_266 = tpu.memref_slice %arg4[%arg0, %arg1, %dma_wait3A_264, %dma_wait3A_265] : memref<2x16x320x32xi32, #tpu.memory_space<hbm>> -> memref<1x1x1x32xi32, #tpu.memory_space<hbm>>
      %dma_wait3A_267 = tpu.memref_squeeze %dma_wait3A_266 : memref<1x1x1x32xi32, #tpu.memory_space<hbm>> -> memref<32xi32, #tpu.memory_space<hbm>>
      %dma_wait3A_268 = arith.constant 0 : i32
      %dma_wait3A_269 = tpu.memref_slice %arg4[%arg0, %arg1, %dma_wait3A_264, %dma_wait3A_268] : memref<2x16x320x32xi32, #tpu.memory_space<hbm>> -> memref<1x1x1x32xi32, #tpu.memory_space<hbm>>
      %dma_wait3A_270 = tpu.memref_squeeze %dma_wait3A_269 : memref<1x1x1x32xi32, #tpu.memory_space<hbm>> -> memref<32xi32, #tpu.memory_space<hbm>>
      tpu.wait_dma2 semaphore(%arg49 : memref<!tpu.dma_semaphore, #tpu.memory_space<semaphore_mem>>) src(%dma_wait3A_270 : memref<32xi32, #tpu.memory_space<hbm>>) dst(%arg19 : memref<32xi32, #tpu.memory_space<vmem>>)
      "tpu.region"() ({
        %run_scoped3A = tpu.sem_alloc : memref<!tpu.dma_semaphore, #tpu.memory_space<semaphore_mem>>
        %dma_start3A_491 = arith.constant 0 : i32
        %dma_start3A_492 = arith.constant 0 : i32
        %dma_start3A_493 = tpu.memref_slice %arg7[%dma_start3A_491, %dma_start3A_492] : memref<10240x128xf32, #tpu.memory_space<vmem_shared>> -> memref<10240x128xf32, #tpu.memory_space<vmem_shared>>
        tpu.enqueue_indirect_dma source(%arg29 : memref<32x128xf32, #tpu.memory_space<vmem>>) target(%dma_start3A_493 : memref<10240x128xf32, #tpu.memory_space<vmem_shared>>) offsets(%arg19 : memref<32xi32, #tpu.memory_space<vmem>>) semaphore(%run_scoped3A : memref<!tpu.dma_semaphore, #tpu.memory_space<semaphore_mem>>) {add = true}
        %dma_wait3A_494 = arith.constant 0 : i32
        %dma_wait3A_495 = arith.constant 0 : i32
        %dma_wait3A_496 = tpu.memref_slice %arg7[%dma_wait3A_494, %dma_wait3A_495] : memref<10240x128xf32, #tpu.memory_space<vmem_shared>> -> memref<10240x128xf32, #tpu.memory_space<vmem_shared>>
        tpu.wait_indirect_dma semaphore(%run_scoped3A : memref<!tpu.dma_semaphore, #tpu.memory_space<semaphore_mem>>) src(%arg29 : memref<32x128xf32, #tpu.memory_space<vmem>>) dst(%dma_wait3A_496 : memref<10240x128xf32, #tpu.memory_space<vmem_shared>>)
        tpu.yield
      }) : () -> ()
      %add3A_271 = arith.constant 5 : i32
      %add3A_272 = arith.addi %add3A_260, %add3A_271 : i32
      %lt3A_273 = arith.cmpi slt, %add3A_272, %select_n3A : i32
      %convert_element_type3A_274 = arith.extui %lt3A_273 : i1 to i32
      %cond3A_275 = arith.constant 0 : i32
      %cond3A_276 = arith.cmpi ne, %convert_element_type3A_274, %cond3A_275 : i32
      scf.if %cond3A_276 {
        %dma_wait3A_491 = arith.constant 0 : i32
        %dma_wait3A_492 = arith.constant 0 : i32
        %dma_wait3A_493 = tpu.memref_slice %arg3[%arg0, %arg1, %dma_wait3A_491, %dma_wait3A_492] : memref<2x16x320x32xi32, #tpu.memory_space<hbm>> -> memref<1x1x1x32xi32, #tpu.memory_space<hbm>>
        %dma_wait3A_494 = tpu.memref_squeeze %dma_wait3A_493 : memref<1x1x1x32xi32, #tpu.memory_space<hbm>> -> memref<32xi32, #tpu.memory_space<hbm>>
        %dma_wait3A_495 = arith.constant 0 : i32
        %dma_wait3A_496 = tpu.memref_slice %arg3[%arg0, %arg1, %dma_wait3A_491, %dma_wait3A_495] : memref<2x16x320x32xi32, #tpu.memory_space<hbm>> -> memref<1x1x1x32xi32, #tpu.memory_space<hbm>>
        %dma_wait3A_497 = tpu.memref_squeeze %dma_wait3A_496 : memref<1x1x1x32xi32, #tpu.memory_space<hbm>> -> memref<32xi32, #tpu.memory_space<hbm>>
        tpu.wait_dma2 semaphore(%arg44 : memref<!tpu.dma_semaphore, #tpu.memory_space<semaphore_mem>>) src(%dma_wait3A_497 : memref<32xi32, #tpu.memory_space<hbm>>) dst(%arg14 : memref<32xi32, #tpu.memory_space<vmem>>)
        %dma_start3A_498 = arith.constant 0 : i32
        %dma_start3A_499 = arith.constant 0 : i32
        %dma_start3A_500 = tpu.memref_slice %arg2[%dma_start3A_498, %dma_start3A_499] : memref<10000x128xf32, #tpu.memory_space<hbm>> -> memref<10000x128xf32, #tpu.memory_space<hbm>>
        tpu.enqueue_indirect_dma source(%dma_start3A_500 : memref<10000x128xf32, #tpu.memory_space<hbm>>) target(%arg29 : memref<32x128xf32, #tpu.memory_space<vmem>>) offsets(%arg14 : memref<32xi32, #tpu.memory_space<vmem>>) semaphore(%arg34 : memref<!tpu.dma_semaphore, #tpu.memory_space<semaphore_mem>>)
      } else {
      }
      %add3A_277 = arith.constant 10 : i32
      %add3A_278 = arith.addi %add3A_260, %add3A_277 : i32
      %lt3A_279 = arith.cmpi slt, %add3A_278, %select_n3A : i32
      %convert_element_type3A_280 = arith.extui %lt3A_279 : i1 to i32
      %cond3A_281 = arith.constant 0 : i32
      %cond3A_282 = arith.cmpi ne, %convert_element_type3A_280, %cond3A_281 : i32
      scf.if %cond3A_282 {
        %dma_start3A_491 = arith.constant 0 : i32
        %dma_start3A_492 = tpu.memref_slice %arg3[%arg0, %arg1, %add3A_278, %dma_start3A_491] : memref<2x16x320x32xi32, #tpu.memory_space<hbm>> -> memref<1x1x1x32xi32, #tpu.memory_space<hbm>>
        %dma_start3A_493 = tpu.memref_squeeze %dma_start3A_492 : memref<1x1x1x32xi32, #tpu.memory_space<hbm>> -> memref<32xi32, #tpu.memory_space<hbm>>
        %dma_start3A_494 = arith.constant 0 : i32
        %dma_start3A_495 = tpu.memref_slice %arg3[%arg0, %arg1, %add3A_278, %dma_start3A_494] : memref<2x16x320x32xi32, #tpu.memory_space<hbm>> -> memref<1x1x1x32xi32, #tpu.memory_space<hbm>>
        %dma_start3A_496 = tpu.memref_squeeze %dma_start3A_495 : memref<1x1x1x32xi32, #tpu.memory_space<hbm>> -> memref<32xi32, #tpu.memory_space<hbm>>
        tpu.enqueue_dma source(%dma_start3A_496 : memref<32xi32, #tpu.memory_space<hbm>>) target(%arg9 : memref<32xi32, #tpu.memory_space<vmem>>) target_semaphore(%arg39 : memref<!tpu.dma_semaphore, #tpu.memory_space<semaphore_mem>>)
        %dma_start3A_497 = arith.constant 0 : i32
        %dma_start3A_498 = tpu.memref_slice %arg4[%arg0, %arg1, %add3A_278, %dma_start3A_497] : memref<2x16x320x32xi32, #tpu.memory_space<hbm>> -> memref<1x1x1x32xi32, #tpu.memory_space<hbm>>
        %dma_start3A_499 = tpu.memref_squeeze %dma_start3A_498 : memref<1x1x1x32xi32, #tpu.memory_space<hbm>> -> memref<32xi32, #tpu.memory_space<hbm>>
        %dma_start3A_500 = arith.constant 0 : i32
        %dma_start3A_501 = tpu.memref_slice %arg4[%arg0, %arg1, %add3A_278, %dma_start3A_500] : memref<2x16x320x32xi32, #tpu.memory_space<hbm>> -> memref<1x1x1x32xi32, #tpu.memory_space<hbm>>
        %dma_start3A_502 = tpu.memref_squeeze %dma_start3A_501 : memref<1x1x1x32xi32, #tpu.memory_space<hbm>> -> memref<32xi32, #tpu.memory_space<hbm>>
        tpu.enqueue_dma source(%dma_start3A_502 : memref<32xi32, #tpu.memory_space<hbm>>) target(%arg19 : memref<32xi32, #tpu.memory_space<vmem>>) target_semaphore(%arg49 : memref<!tpu.dma_semaphore, #tpu.memory_space<semaphore_mem>>)
      } else {
      }
      %mul3A_283 = arith.constant 10 : i32
      %mul3A_284 = arith.muli %add3A_233, %mul3A_283 : i32
      %add3A_285 = arith.constant 2 : i32
      %add3A_286 = arith.addi %mul3A_284, %add3A_285 : i32
      %dma_wait3A_287 = arith.constant 0 : i32
      %dma_wait3A_288 = arith.constant 0 : i32
      %dma_wait3A_289 = tpu.memref_slice %arg2[%dma_wait3A_287, %dma_wait3A_288] : memref<10000x128xf32, #tpu.memory_space<hbm>> -> memref<10000x128xf32, #tpu.memory_space<hbm>>
      tpu.wait_indirect_dma semaphore(%arg35 : memref<!tpu.dma_semaphore, #tpu.memory_space<semaphore_mem>>) src(%dma_wait3A_289 : memref<10000x128xf32, #tpu.memory_space<hbm>>) dst(%arg30 : memref<32x128xf32, #tpu.memory_space<vmem>>)
      %dma_wait3A_290 = arith.constant 0 : i32
      %dma_wait3A_291 = arith.constant 0 : i32
      %dma_wait3A_292 = tpu.memref_slice %arg4[%arg0, %arg1, %dma_wait3A_290, %dma_wait3A_291] : memref<2x16x320x32xi32, #tpu.memory_space<hbm>> -> memref<1x1x1x32xi32, #tpu.memory_space<hbm>>
      %dma_wait3A_293 = tpu.memref_squeeze %dma_wait3A_292 : memref<1x1x1x32xi32, #tpu.memory_space<hbm>> -> memref<32xi32, #tpu.memory_space<hbm>>
      %dma_wait3A_294 = arith.constant 0 : i32
      %dma_wait3A_295 = tpu.memref_slice %arg4[%arg0, %arg1, %dma_wait3A_290, %dma_wait3A_294] : memref<2x16x320x32xi32, #tpu.memory_space<hbm>> -> memref<1x1x1x32xi32, #tpu.memory_space<hbm>>
      %dma_wait3A_296 = tpu.memref_squeeze %dma_wait3A_295 : memref<1x1x1x32xi32, #tpu.memory_space<hbm>> -> memref<32xi32, #tpu.memory_space<hbm>>
      tpu.wait_dma2 semaphore(%arg50 : memref<!tpu.dma_semaphore, #tpu.memory_space<semaphore_mem>>) src(%dma_wait3A_296 : memref<32xi32, #tpu.memory_space<hbm>>) dst(%arg20 : memref<32xi32, #tpu.memory_space<vmem>>)
      "tpu.region"() ({
        %run_scoped3A = tpu.sem_alloc : memref<!tpu.dma_semaphore, #tpu.memory_space<semaphore_mem>>
        %dma_start3A_491 = arith.constant 0 : i32
        %dma_start3A_492 = arith.constant 0 : i32
        %dma_start3A_493 = tpu.memref_slice %arg7[%dma_start3A_491, %dma_start3A_492] : memref<10240x128xf32, #tpu.memory_space<vmem_shared>> -> memref<10240x128xf32, #tpu.memory_space<vmem_shared>>
        tpu.enqueue_indirect_dma source(%arg30 : memref<32x128xf32, #tpu.memory_space<vmem>>) target(%dma_start3A_493 : memref<10240x128xf32, #tpu.memory_space<vmem_shared>>) offsets(%arg20 : memref<32xi32, #tpu.memory_space<vmem>>) semaphore(%run_scoped3A : memref<!tpu.dma_semaphore, #tpu.memory_space<semaphore_mem>>) {add = true}
        %dma_wait3A_494 = arith.constant 0 : i32
        %dma_wait3A_495 = arith.constant 0 : i32
        %dma_wait3A_496 = tpu.memref_slice %arg7[%dma_wait3A_494, %dma_wait3A_495] : memref<10240x128xf32, #tpu.memory_space<vmem_shared>> -> memref<10240x128xf32, #tpu.memory_space<vmem_shared>>
        tpu.wait_indirect_dma semaphore(%run_scoped3A : memref<!tpu.dma_semaphore, #tpu.memory_space<semaphore_mem>>) src(%arg30 : memref<32x128xf32, #tpu.memory_space<vmem>>) dst(%dma_wait3A_496 : memref<10240x128xf32, #tpu.memory_space<vmem_shared>>)
        tpu.yield
      }) : () -> ()
      %add3A_297 = arith.constant 5 : i32
      %add3A_298 = arith.addi %add3A_286, %add3A_297 : i32
      %lt3A_299 = arith.cmpi slt, %add3A_298, %select_n3A : i32
      %convert_element_type3A_300 = arith.extui %lt3A_299 : i1 to i32
      %cond3A_301 = arith.constant 0 : i32
      %cond3A_302 = arith.cmpi ne, %convert_element_type3A_300, %cond3A_301 : i32
      scf.if %cond3A_302 {
        %dma_wait3A_491 = arith.constant 0 : i32
        %dma_wait3A_492 = arith.constant 0 : i32
        %dma_wait3A_493 = tpu.memref_slice %arg3[%arg0, %arg1, %dma_wait3A_491, %dma_wait3A_492] : memref<2x16x320x32xi32, #tpu.memory_space<hbm>> -> memref<1x1x1x32xi32, #tpu.memory_space<hbm>>
        %dma_wait3A_494 = tpu.memref_squeeze %dma_wait3A_493 : memref<1x1x1x32xi32, #tpu.memory_space<hbm>> -> memref<32xi32, #tpu.memory_space<hbm>>
        %dma_wait3A_495 = arith.constant 0 : i32
        %dma_wait3A_496 = tpu.memref_slice %arg3[%arg0, %arg1, %dma_wait3A_491, %dma_wait3A_495] : memref<2x16x320x32xi32, #tpu.memory_space<hbm>> -> memref<1x1x1x32xi32, #tpu.memory_space<hbm>>
        %dma_wait3A_497 = tpu.memref_squeeze %dma_wait3A_496 : memref<1x1x1x32xi32, #tpu.memory_space<hbm>> -> memref<32xi32, #tpu.memory_space<hbm>>
        tpu.wait_dma2 semaphore(%arg45 : memref<!tpu.dma_semaphore, #tpu.memory_space<semaphore_mem>>) src(%dma_wait3A_497 : memref<32xi32, #tpu.memory_space<hbm>>) dst(%arg15 : memref<32xi32, #tpu.memory_space<vmem>>)
        %dma_start3A_498 = arith.constant 0 : i32
        %dma_start3A_499 = arith.constant 0 : i32
        %dma_start3A_500 = tpu.memref_slice %arg2[%dma_start3A_498, %dma_start3A_499] : memref<10000x128xf32, #tpu.memory_space<hbm>> -> memref<10000x128xf32, #tpu.memory_space<hbm>>
        tpu.enqueue_indirect_dma source(%dma_start3A_500 : memref<10000x128xf32, #tpu.memory_space<hbm>>) target(%arg30 : memref<32x128xf32, #tpu.memory_space<vmem>>) offsets(%arg15 : memref<32xi32, #tpu.memory_space<vmem>>) semaphore(%arg35 : memref<!tpu.dma_semaphore, #tpu.memory_space<semaphore_mem>>)
      } else {
      }
      %add3A_303 = arith.constant 10 : i32
      %add3A_304 = arith.addi %add3A_286, %add3A_303 : i32
      %lt3A_305 = arith.cmpi slt, %add3A_304, %select_n3A : i32
      %convert_element_type3A_306 = arith.extui %lt3A_305 : i1 to i32
      %cond3A_307 = arith.constant 0 : i32
      %cond3A_308 = arith.cmpi ne, %convert_element_type3A_306, %cond3A_307 : i32
      scf.if %cond3A_308 {
        %dma_start3A_491 = arith.constant 0 : i32
        %dma_start3A_492 = tpu.memref_slice %arg3[%arg0, %arg1, %add3A_304, %dma_start3A_491] : memref<2x16x320x32xi32, #tpu.memory_space<hbm>> -> memref<1x1x1x32xi32, #tpu.memory_space<hbm>>
        %dma_start3A_493 = tpu.memref_squeeze %dma_start3A_492 : memref<1x1x1x32xi32, #tpu.memory_space<hbm>> -> memref<32xi32, #tpu.memory_space<hbm>>
        %dma_start3A_494 = arith.constant 0 : i32
        %dma_start3A_495 = tpu.memref_slice %arg3[%arg0, %arg1, %add3A_304, %dma_start3A_494] : memref<2x16x320x32xi32, #tpu.memory_space<hbm>> -> memref<1x1x1x32xi32, #tpu.memory_space<hbm>>
        %dma_start3A_496 = tpu.memref_squeeze %dma_start3A_495 : memref<1x1x1x32xi32, #tpu.memory_space<hbm>> -> memref<32xi32, #tpu.memory_space<hbm>>
        tpu.enqueue_dma source(%dma_start3A_496 : memref<32xi32, #tpu.memory_space<hbm>>) target(%arg10 : memref<32xi32, #tpu.memory_space<vmem>>) target_semaphore(%arg40 : memref<!tpu.dma_semaphore, #tpu.memory_space<semaphore_mem>>)
        %dma_start3A_497 = arith.constant 0 : i32
        %dma_start3A_498 = tpu.memref_slice %arg4[%arg0, %arg1, %add3A_304, %dma_start3A_497] : memref<2x16x320x32xi32, #tpu.memory_space<hbm>> -> memref<1x1x1x32xi32, #tpu.memory_space<hbm>>
        %dma_start3A_499 = tpu.memref_squeeze %dma_start3A_498 : memref<1x1x1x32xi32, #tpu.memory_space<hbm>> -> memref<32xi32, #tpu.memory_space<hbm>>
        %dma_start3A_500 = arith.constant 0 : i32
        %dma_start3A_501 = tpu.memref_slice %arg4[%arg0, %arg1, %add3A_304, %dma_start3A_500] : memref<2x16x320x32xi32, #tpu.memory_space<hbm>> -> memref<1x1x1x32xi32, #tpu.memory_space<hbm>>
        %dma_start3A_502 = tpu.memref_squeeze %dma_start3A_501 : memref<1x1x1x32xi32, #tpu.memory_space<hbm>> -> memref<32xi32, #tpu.memory_space<hbm>>
        tpu.enqueue_dma source(%dma_start3A_502 : memref<32xi32, #tpu.memory_space<hbm>>) target(%arg20 : memref<32xi32, #tpu.memory_space<vmem>>) target_semaphore(%arg50 : memref<!tpu.dma_semaphore, #tpu.memory_space<semaphore_mem>>)
      } else {
      }
      %mul3A_309 = arith.constant 10 : i32
      %mul3A_310 = arith.muli %add3A_233, %mul3A_309 : i32
      %add3A_311 = arith.constant 3 : i32
      %add3A_312 = arith.addi %mul3A_310, %add3A_311 : i32
      %dma_wait3A_313 = arith.constant 0 : i32
      %dma_wait3A_314 = arith.constant 0 : i32
      %dma_wait3A_315 = tpu.memref_slice %arg2[%dma_wait3A_313, %dma_wait3A_314] : memref<10000x128xf32, #tpu.memory_space<hbm>> -> memref<10000x128xf32, #tpu.memory_space<hbm>>
      tpu.wait_indirect_dma semaphore(%arg36 : memref<!tpu.dma_semaphore, #tpu.memory_space<semaphore_mem>>) src(%dma_wait3A_315 : memref<10000x128xf32, #tpu.memory_space<hbm>>) dst(%arg31 : memref<32x128xf32, #tpu.memory_space<vmem>>)
      %dma_wait3A_316 = arith.constant 0 : i32
      %dma_wait3A_317 = arith.constant 0 : i32
      %dma_wait3A_318 = tpu.memref_slice %arg4[%arg0, %arg1, %dma_wait3A_316, %dma_wait3A_317] : memref<2x16x320x32xi32, #tpu.memory_space<hbm>> -> memref<1x1x1x32xi32, #tpu.memory_space<hbm>>
      %dma_wait3A_319 = tpu.memref_squeeze %dma_wait3A_318 : memref<1x1x1x32xi32, #tpu.memory_space<hbm>> -> memref<32xi32, #tpu.memory_space<hbm>>
      %dma_wait3A_320 = arith.constant 0 : i32
      %dma_wait3A_321 = tpu.memref_slice %arg4[%arg0, %arg1, %dma_wait3A_316, %dma_wait3A_320] : memref<2x16x320x32xi32, #tpu.memory_space<hbm>> -> memref<1x1x1x32xi32, #tpu.memory_space<hbm>>
      %dma_wait3A_322 = tpu.memref_squeeze %dma_wait3A_321 : memref<1x1x1x32xi32, #tpu.memory_space<hbm>> -> memref<32xi32, #tpu.memory_space<hbm>>
      tpu.wait_dma2 semaphore(%arg51 : memref<!tpu.dma_semaphore, #tpu.memory_space<semaphore_mem>>) src(%dma_wait3A_322 : memref<32xi32, #tpu.memory_space<hbm>>) dst(%arg21 : memref<32xi32, #tpu.memory_space<vmem>>)
      "tpu.region"() ({
        %run_scoped3A = tpu.sem_alloc : memref<!tpu.dma_semaphore, #tpu.memory_space<semaphore_mem>>
        %dma_start3A_491 = arith.constant 0 : i32
        %dma_start3A_492 = arith.constant 0 : i32
        %dma_start3A_493 = tpu.memref_slice %arg7[%dma_start3A_491, %dma_start3A_492] : memref<10240x128xf32, #tpu.memory_space<vmem_shared>> -> memref<10240x128xf32, #tpu.memory_space<vmem_shared>>
        tpu.enqueue_indirect_dma source(%arg31 : memref<32x128xf32, #tpu.memory_space<vmem>>) target(%dma_start3A_493 : memref<10240x128xf32, #tpu.memory_space<vmem_shared>>) offsets(%arg21 : memref<32xi32, #tpu.memory_space<vmem>>) semaphore(%run_scoped3A : memref<!tpu.dma_semaphore, #tpu.memory_space<semaphore_mem>>) {add = true}
        %dma_wait3A_494 = arith.constant 0 : i32
        %dma_wait3A_495 = arith.constant 0 : i32
        %dma_wait3A_496 = tpu.memref_slice %arg7[%dma_wait3A_494, %dma_wait3A_495] : memref<10240x128xf32, #tpu.memory_space<vmem_shared>> -> memref<10240x128xf32, #tpu.memory_space<vmem_shared>>
        tpu.wait_indirect_dma semaphore(%run_scoped3A : memref<!tpu.dma_semaphore, #tpu.memory_space<semaphore_mem>>) src(%arg31 : memref<32x128xf32, #tpu.memory_space<vmem>>) dst(%dma_wait3A_496 : memref<10240x128xf32, #tpu.memory_space<vmem_shared>>)
        tpu.yield
      }) : () -> ()
      %add3A_323 = arith.constant 5 : i32
      %add3A_324 = arith.addi %add3A_312, %add3A_323 : i32
      %lt3A_325 = arith.cmpi slt, %add3A_324, %select_n3A : i32
      %convert_element_type3A_326 = arith.extui %lt3A_325 : i1 to i32
      %cond3A_327 = arith.constant 0 : i32
      %cond3A_328 = arith.cmpi ne, %convert_element_type3A_326, %cond3A_327 : i32
      scf.if %cond3A_328 {
        %dma_wait3A_491 = arith.constant 0 : i32
        %dma_wait3A_492 = arith.constant 0 : i32
        %dma_wait3A_493 = tpu.memref_slice %arg3[%arg0, %arg1, %dma_wait3A_491, %dma_wait3A_492] : memref<2x16x320x32xi32, #tpu.memory_space<hbm>> -> memref<1x1x1x32xi32, #tpu.memory_space<hbm>>
        %dma_wait3A_494 = tpu.memref_squeeze %dma_wait3A_493 : memref<1x1x1x32xi32, #tpu.memory_space<hbm>> -> memref<32xi32, #tpu.memory_space<hbm>>
        %dma_wait3A_495 = arith.constant 0 : i32
        %dma_wait3A_496 = tpu.memref_slice %arg3[%arg0, %arg1, %dma_wait3A_491, %dma_wait3A_495] : memref<2x16x320x32xi32, #tpu.memory_space<hbm>> -> memref<1x1x1x32xi32, #tpu.memory_space<hbm>>
        %dma_wait3A_497 = tpu.memref_squeeze %dma_wait3A_496 : memref<1x1x1x32xi32, #tpu.memory_space<hbm>> -> memref<32xi32, #tpu.memory_space<hbm>>
        tpu.wait_dma2 semaphore(%arg46 : memref<!tpu.dma_semaphore, #tpu.memory_space<semaphore_mem>>) src(%dma_wait3A_497 : memref<32xi32, #tpu.memory_space<hbm>>) dst(%arg16 : memref<32xi32, #tpu.memory_space<vmem>>)
        %dma_start3A_498 = arith.constant 0 : i32
        %dma_start3A_499 = arith.constant 0 : i32
        %dma_start3A_500 = tpu.memref_slice %arg2[%dma_start3A_498, %dma_start3A_499] : memref<10000x128xf32, #tpu.memory_space<hbm>> -> memref<10000x128xf32, #tpu.memory_space<hbm>>
        tpu.enqueue_indirect_dma source(%dma_start3A_500 : memref<10000x128xf32, #tpu.memory_space<hbm>>) target(%arg31 : memref<32x128xf32, #tpu.memory_space<vmem>>) offsets(%arg16 : memref<32xi32, #tpu.memory_space<vmem>>) semaphore(%arg36 : memref<!tpu.dma_semaphore, #tpu.memory_space<semaphore_mem>>)
      } else {
      }
      %add3A_329 = arith.constant 10 : i32
      %add3A_330 = arith.addi %add3A_312, %add3A_329 : i32
      %lt3A_331 = arith.cmpi slt, %add3A_330, %select_n3A : i32
      %convert_element_type3A_332 = arith.extui %lt3A_331 : i1 to i32
      %cond3A_333 = arith.constant 0 : i32
      %cond3A_334 = arith.cmpi ne, %convert_element_type3A_332, %cond3A_333 : i32
      scf.if %cond3A_334 {
        %dma_start3A_491 = arith.constant 0 : i32
        %dma_start3A_492 = tpu.memref_slice %arg3[%arg0, %arg1, %add3A_330, %dma_start3A_491] : memref<2x16x320x32xi32, #tpu.memory_space<hbm>> -> memref<1x1x1x32xi32, #tpu.memory_space<hbm>>
        %dma_start3A_493 = tpu.memref_squeeze %dma_start3A_492 : memref<1x1x1x32xi32, #tpu.memory_space<hbm>> -> memref<32xi32, #tpu.memory_space<hbm>>
        %dma_start3A_494 = arith.constant 0 : i32
        %dma_start3A_495 = tpu.memref_slice %arg3[%arg0, %arg1, %add3A_330, %dma_start3A_494] : memref<2x16x320x32xi32, #tpu.memory_space<hbm>> -> memref<1x1x1x32xi32, #tpu.memory_space<hbm>>
        %dma_start3A_496 = tpu.memref_squeeze %dma_start3A_495 : memref<1x1x1x32xi32, #tpu.memory_space<hbm>> -> memref<32xi32, #tpu.memory_space<hbm>>
        tpu.enqueue_dma source(%dma_start3A_496 : memref<32xi32, #tpu.memory_space<hbm>>) target(%arg11 : memref<32xi32, #tpu.memory_space<vmem>>) target_semaphore(%arg41 : memref<!tpu.dma_semaphore, #tpu.memory_space<semaphore_mem>>)
        %dma_start3A_497 = arith.constant 0 : i32
        %dma_start3A_498 = tpu.memref_slice %arg4[%arg0, %arg1, %add3A_330, %dma_start3A_497] : memref<2x16x320x32xi32, #tpu.memory_space<hbm>> -> memref<1x1x1x32xi32, #tpu.memory_space<hbm>>
        %dma_start3A_499 = tpu.memref_squeeze %dma_start3A_498 : memref<1x1x1x32xi32, #tpu.memory_space<hbm>> -> memref<32xi32, #tpu.memory_space<hbm>>
        %dma_start3A_500 = arith.constant 0 : i32
        %dma_start3A_501 = tpu.memref_slice %arg4[%arg0, %arg1, %add3A_330, %dma_start3A_500] : memref<2x16x320x32xi32, #tpu.memory_space<hbm>> -> memref<1x1x1x32xi32, #tpu.memory_space<hbm>>
        %dma_start3A_502 = tpu.memref_squeeze %dma_start3A_501 : memref<1x1x1x32xi32, #tpu.memory_space<hbm>> -> memref<32xi32, #tpu.memory_space<hbm>>
        tpu.enqueue_dma source(%dma_start3A_502 : memref<32xi32, #tpu.memory_space<hbm>>) target(%arg21 : memref<32xi32, #tpu.memory_space<vmem>>) target_semaphore(%arg51 : memref<!tpu.dma_semaphore, #tpu.memory_space<semaphore_mem>>)
      } else {
      }
      %mul3A_335 = arith.constant 10 : i32
      %mul3A_336 = arith.muli %add3A_233, %mul3A_335 : i32
      %add3A_337 = arith.constant 4 : i32
      %add3A_338 = arith.addi %mul3A_336, %add3A_337 : i32
      %dma_wait3A_339 = arith.constant 0 : i32
      %dma_wait3A_340 = arith.constant 0 : i32
      %dma_wait3A_341 = tpu.memref_slice %arg2[%dma_wait3A_339, %dma_wait3A_340] : memref<10000x128xf32, #tpu.memory_space<hbm>> -> memref<10000x128xf32, #tpu.memory_space<hbm>>
      tpu.wait_indirect_dma semaphore(%arg37 : memref<!tpu.dma_semaphore, #tpu.memory_space<semaphore_mem>>) src(%dma_wait3A_341 : memref<10000x128xf32, #tpu.memory_space<hbm>>) dst(%arg32 : memref<32x128xf32, #tpu.memory_space<vmem>>)
      %dma_wait3A_342 = arith.constant 0 : i32
      %dma_wait3A_343 = arith.constant 0 : i32
      %dma_wait3A_344 = tpu.memref_slice %arg4[%arg0, %arg1, %dma_wait3A_342, %dma_wait3A_343] : memref<2x16x320x32xi32, #tpu.memory_space<hbm>> -> memref<1x1x1x32xi32, #tpu.memory_space<hbm>>
      %dma_wait3A_345 = tpu.memref_squeeze %dma_wait3A_344 : memref<1x1x1x32xi32, #tpu.memory_space<hbm>> -> memref<32xi32, #tpu.memory_space<hbm>>
      %dma_wait3A_346 = arith.constant 0 : i32
      %dma_wait3A_347 = tpu.memref_slice %arg4[%arg0, %arg1, %dma_wait3A_342, %dma_wait3A_346] : memref<2x16x320x32xi32, #tpu.memory_space<hbm>> -> memref<1x1x1x32xi32, #tpu.memory_space<hbm>>
      %dma_wait3A_348 = tpu.memref_squeeze %dma_wait3A_347 : memref<1x1x1x32xi32, #tpu.memory_space<hbm>> -> memref<32xi32, #tpu.memory_space<hbm>>
      tpu.wait_dma2 semaphore(%arg52 : memref<!tpu.dma_semaphore, #tpu.memory_space<semaphore_mem>>) src(%dma_wait3A_348 : memref<32xi32, #tpu.memory_space<hbm>>) dst(%arg22 : memref<32xi32, #tpu.memory_space<vmem>>)
      "tpu.region"() ({
        %run_scoped3A = tpu.sem_alloc : memref<!tpu.dma_semaphore, #tpu.memory_space<semaphore_mem>>
        %dma_start3A_491 = arith.constant 0 : i32
        %dma_start3A_492 = arith.constant 0 : i32
        %dma_start3A_493 = tpu.memref_slice %arg7[%dma_start3A_491, %dma_start3A_492] : memref<10240x128xf32, #tpu.memory_space<vmem_shared>> -> memref<10240x128xf32, #tpu.memory_space<vmem_shared>>
        tpu.enqueue_indirect_dma source(%arg32 : memref<32x128xf32, #tpu.memory_space<vmem>>) target(%dma_start3A_493 : memref<10240x128xf32, #tpu.memory_space<vmem_shared>>) offsets(%arg22 : memref<32xi32, #tpu.memory_space<vmem>>) semaphore(%run_scoped3A : memref<!tpu.dma_semaphore, #tpu.memory_space<semaphore_mem>>) {add = true}
        %dma_wait3A_494 = arith.constant 0 : i32
        %dma_wait3A_495 = arith.constant 0 : i32
        %dma_wait3A_496 = tpu.memref_slice %arg7[%dma_wait3A_494, %dma_wait3A_495] : memref<10240x128xf32, #tpu.memory_space<vmem_shared>> -> memref<10240x128xf32, #tpu.memory_space<vmem_shared>>
        tpu.wait_indirect_dma semaphore(%run_scoped3A : memref<!tpu.dma_semaphore, #tpu.memory_space<semaphore_mem>>) src(%arg32 : memref<32x128xf32, #tpu.memory_space<vmem>>) dst(%dma_wait3A_496 : memref<10240x128xf32, #tpu.memory_space<vmem_shared>>)
        tpu.yield
      }) : () -> ()
      %add3A_349 = arith.constant 5 : i32
      %add3A_350 = arith.addi %add3A_338, %add3A_349 : i32
      %lt3A_351 = arith.cmpi slt, %add3A_350, %select_n3A : i32
      %convert_element_type3A_352 = arith.extui %lt3A_351 : i1 to i32
      %cond3A_353 = arith.constant 0 : i32
      %cond3A_354 = arith.cmpi ne, %convert_element_type3A_352, %cond3A_353 : i32
      scf.if %cond3A_354 {
        %dma_wait3A_491 = arith.constant 0 : i32
        %dma_wait3A_492 = arith.constant 0 : i32
        %dma_wait3A_493 = tpu.memref_slice %arg3[%arg0, %arg1, %dma_wait3A_491, %dma_wait3A_492] : memref<2x16x320x32xi32, #tpu.memory_space<hbm>> -> memref<1x1x1x32xi32, #tpu.memory_space<hbm>>
        %dma_wait3A_494 = tpu.memref_squeeze %dma_wait3A_493 : memref<1x1x1x32xi32, #tpu.memory_space<hbm>> -> memref<32xi32, #tpu.memory_space<hbm>>
        %dma_wait3A_495 = arith.constant 0 : i32
        %dma_wait3A_496 = tpu.memref_slice %arg3[%arg0, %arg1, %dma_wait3A_491, %dma_wait3A_495] : memref<2x16x320x32xi32, #tpu.memory_space<hbm>> -> memref<1x1x1x32xi32, #tpu.memory_space<hbm>>
        %dma_wait3A_497 = tpu.memref_squeeze %dma_wait3A_496 : memref<1x1x1x32xi32, #tpu.memory_space<hbm>> -> memref<32xi32, #tpu.memory_space<hbm>>
        tpu.wait_dma2 semaphore(%arg47 : memref<!tpu.dma_semaphore, #tpu.memory_space<semaphore_mem>>) src(%dma_wait3A_497 : memref<32xi32, #tpu.memory_space<hbm>>) dst(%arg17 : memref<32xi32, #tpu.memory_space<vmem>>)
        %dma_start3A_498 = arith.constant 0 : i32
        %dma_start3A_499 = arith.constant 0 : i32
        %dma_start3A_500 = tpu.memref_slice %arg2[%dma_start3A_498, %dma_start3A_499] : memref<10000x128xf32, #tpu.memory_space<hbm>> -> memref<10000x128xf32, #tpu.memory_space<hbm>>
        tpu.enqueue_indirect_dma source(%dma_start3A_500 : memref<10000x128xf32, #tpu.memory_space<hbm>>) target(%arg32 : memref<32x128xf32, #tpu.memory_space<vmem>>) offsets(%arg17 : memref<32xi32, #tpu.memory_space<vmem>>) semaphore(%arg37 : memref<!tpu.dma_semaphore, #tpu.memory_space<semaphore_mem>>)
      } else {
      }
      %add3A_355 = arith.constant 10 : i32
      %add3A_356 = arith.addi %add3A_338, %add3A_355 : i32
      %lt3A_357 = arith.cmpi slt, %add3A_356, %select_n3A : i32
      %convert_element_type3A_358 = arith.extui %lt3A_357 : i1 to i32
      %cond3A_359 = arith.constant 0 : i32
      %cond3A_360 = arith.cmpi ne, %convert_element_type3A_358, %cond3A_359 : i32
      scf.if %cond3A_360 {
        %dma_start3A_491 = arith.constant 0 : i32
        %dma_start3A_492 = tpu.memref_slice %arg3[%arg0, %arg1, %add3A_356, %dma_start3A_491] : memref<2x16x320x32xi32, #tpu.memory_space<hbm>> -> memref<1x1x1x32xi32, #tpu.memory_space<hbm>>
        %dma_start3A_493 = tpu.memref_squeeze %dma_start3A_492 : memref<1x1x1x32xi32, #tpu.memory_space<hbm>> -> memref<32xi32, #tpu.memory_space<hbm>>
        %dma_start3A_494 = arith.constant 0 : i32
        %dma_start3A_495 = tpu.memref_slice %arg3[%arg0, %arg1, %add3A_356, %dma_start3A_494] : memref<2x16x320x32xi32, #tpu.memory_space<hbm>> -> memref<1x1x1x32xi32, #tpu.memory_space<hbm>>
        %dma_start3A_496 = tpu.memref_squeeze %dma_start3A_495 : memref<1x1x1x32xi32, #tpu.memory_space<hbm>> -> memref<32xi32, #tpu.memory_space<hbm>>
        tpu.enqueue_dma source(%dma_start3A_496 : memref<32xi32, #tpu.memory_space<hbm>>) target(%arg12 : memref<32xi32, #tpu.memory_space<vmem>>) target_semaphore(%arg42 : memref<!tpu.dma_semaphore, #tpu.memory_space<semaphore_mem>>)
        %dma_start3A_497 = arith.constant 0 : i32
        %dma_start3A_498 = tpu.memref_slice %arg4[%arg0, %arg1, %add3A_356, %dma_start3A_497] : memref<2x16x320x32xi32, #tpu.memory_space<hbm>> -> memref<1x1x1x32xi32, #tpu.memory_space<hbm>>
        %dma_start3A_499 = tpu.memref_squeeze %dma_start3A_498 : memref<1x1x1x32xi32, #tpu.memory_space<hbm>> -> memref<32xi32, #tpu.memory_space<hbm>>
        %dma_start3A_500 = arith.constant 0 : i32
        %dma_start3A_501 = tpu.memref_slice %arg4[%arg0, %arg1, %add3A_356, %dma_start3A_500] : memref<2x16x320x32xi32, #tpu.memory_space<hbm>> -> memref<1x1x1x32xi32, #tpu.memory_space<hbm>>
        %dma_start3A_502 = tpu.memref_squeeze %dma_start3A_501 : memref<1x1x1x32xi32, #tpu.memory_space<hbm>> -> memref<32xi32, #tpu.memory_space<hbm>>
        tpu.enqueue_dma source(%dma_start3A_502 : memref<32xi32, #tpu.memory_space<hbm>>) target(%arg22 : memref<32xi32, #tpu.memory_space<vmem>>) target_semaphore(%arg52 : memref<!tpu.dma_semaphore, #tpu.memory_space<semaphore_mem>>)
      } else {
      }
      %mul3A_361 = arith.constant 10 : i32
      %mul3A_362 = arith.muli %add3A_233, %mul3A_361 : i32
      %add3A_363 = arith.constant 5 : i32
      %add3A_364 = arith.addi %mul3A_362, %add3A_363 : i32
      %dma_wait3A_365 = arith.constant 0 : i32
      %dma_wait3A_366 = arith.constant 0 : i32
      %dma_wait3A_367 = tpu.memref_slice %arg2[%dma_wait3A_365, %dma_wait3A_366] : memref<10000x128xf32, #tpu.memory_space<hbm>> -> memref<10000x128xf32, #tpu.memory_space<hbm>>
      tpu.wait_indirect_dma semaphore(%arg33 : memref<!tpu.dma_semaphore, #tpu.memory_space<semaphore_mem>>) src(%dma_wait3A_367 : memref<10000x128xf32, #tpu.memory_space<hbm>>) dst(%arg28 : memref<32x128xf32, #tpu.memory_space<vmem>>)
      %dma_wait3A_368 = arith.constant 0 : i32
      %dma_wait3A_369 = arith.constant 0 : i32
      %dma_wait3A_370 = tpu.memref_slice %arg4[%arg0, %arg1, %dma_wait3A_368, %dma_wait3A_369] : memref<2x16x320x32xi32, #tpu.memory_space<hbm>> -> memref<1x1x1x32xi32, #tpu.memory_space<hbm>>
      %dma_wait3A_371 = tpu.memref_squeeze %dma_wait3A_370 : memref<1x1x1x32xi32, #tpu.memory_space<hbm>> -> memref<32xi32, #tpu.memory_space<hbm>>
      %dma_wait3A_372 = arith.constant 0 : i32
      %dma_wait3A_373 = tpu.memref_slice %arg4[%arg0, %arg1, %dma_wait3A_368, %dma_wait3A_372] : memref<2x16x320x32xi32, #tpu.memory_space<hbm>> -> memref<1x1x1x32xi32, #tpu.memory_space<hbm>>
      %dma_wait3A_374 = tpu.memref_squeeze %dma_wait3A_373 : memref<1x1x1x32xi32, #tpu.memory_space<hbm>> -> memref<32xi32, #tpu.memory_space<hbm>>
      tpu.wait_dma2 semaphore(%arg53 : memref<!tpu.dma_semaphore, #tpu.memory_space<semaphore_mem>>) src(%dma_wait3A_374 : memref<32xi32, #tpu.memory_space<hbm>>) dst(%arg23 : memref<32xi32, #tpu.memory_space<vmem>>)
      "tpu.region"() ({
        %run_scoped3A = tpu.sem_alloc : memref<!tpu.dma_semaphore, #tpu.memory_space<semaphore_mem>>
        %dma_start3A_491 = arith.constant 0 : i32
        %dma_start3A_492 = arith.constant 0 : i32
        %dma_start3A_493 = tpu.memref_slice %arg7[%dma_start3A_491, %dma_start3A_492] : memref<10240x128xf32, #tpu.memory_space<vmem_shared>> -> memref<10240x128xf32, #tpu.memory_space<vmem_shared>>
        tpu.enqueue_indirect_dma source(%arg28 : memref<32x128xf32, #tpu.memory_space<vmem>>) target(%dma_start3A_493 : memref<10240x128xf32, #tpu.memory_space<vmem_shared>>) offsets(%arg23 : memref<32xi32, #tpu.memory_space<vmem>>) semaphore(%run_scoped3A : memref<!tpu.dma_semaphore, #tpu.memory_space<semaphore_mem>>) {add = true}
        %dma_wait3A_494 = arith.constant 0 : i32
        %dma_wait3A_495 = arith.constant 0 : i32
        %dma_wait3A_496 = tpu.memref_slice %arg7[%dma_wait3A_494, %dma_wait3A_495] : memref<10240x128xf32, #tpu.memory_space<vmem_shared>> -> memref<10240x128xf32, #tpu.memory_space<vmem_shared>>
        tpu.wait_indirect_dma semaphore(%run_scoped3A : memref<!tpu.dma_semaphore, #tpu.memory_space<semaphore_mem>>) src(%arg28 : memref<32x128xf32, #tpu.memory_space<vmem>>) dst(%dma_wait3A_496 : memref<10240x128xf32, #tpu.memory_space<vmem_shared>>)
        tpu.yield
      }) : () -> ()
      %add3A_375 = arith.constant 5 : i32
      %add3A_376 = arith.addi %add3A_364, %add3A_375 : i32
      %lt3A_377 = arith.cmpi slt, %add3A_376, %select_n3A : i32
      %convert_element_type3A_378 = arith.extui %lt3A_377 : i1 to i32
      %cond3A_379 = arith.constant 0 : i32
      %cond3A_380 = arith.cmpi ne, %convert_element_type3A_378, %cond3A_379 : i32
      scf.if %cond3A_380 {
        %dma_wait3A_491 = arith.constant 0 : i32
        %dma_wait3A_492 = arith.constant 0 : i32
        %dma_wait3A_493 = tpu.memref_slice %arg3[%arg0, %arg1, %dma_wait3A_491, %dma_wait3A_492] : memref<2x16x320x32xi32, #tpu.memory_space<hbm>> -> memref<1x1x1x32xi32, #tpu.memory_space<hbm>>
        %dma_wait3A_494 = tpu.memref_squeeze %dma_wait3A_493 : memref<1x1x1x32xi32, #tpu.memory_space<hbm>> -> memref<32xi32, #tpu.memory_space<hbm>>
        %dma_wait3A_495 = arith.constant 0 : i32
        %dma_wait3A_496 = tpu.memref_slice %arg3[%arg0, %arg1, %dma_wait3A_491, %dma_wait3A_495] : memref<2x16x320x32xi32, #tpu.memory_space<hbm>> -> memref<1x1x1x32xi32, #tpu.memory_space<hbm>>
        %dma_wait3A_497 = tpu.memref_squeeze %dma_wait3A_496 : memref<1x1x1x32xi32, #tpu.memory_space<hbm>> -> memref<32xi32, #tpu.memory_space<hbm>>
        tpu.wait_dma2 semaphore(%arg38 : memref<!tpu.dma_semaphore, #tpu.memory_space<semaphore_mem>>) src(%dma_wait3A_497 : memref<32xi32, #tpu.memory_space<hbm>>) dst(%arg8 : memref<32xi32, #tpu.memory_space<vmem>>)
        %dma_start3A_498 = arith.constant 0 : i32
        %dma_start3A_499 = arith.constant 0 : i32
        %dma_start3A_500 = tpu.memref_slice %arg2[%dma_start3A_498, %dma_start3A_499] : memref<10000x128xf32, #tpu.memory_space<hbm>> -> memref<10000x128xf32, #tpu.memory_space<hbm>>
        tpu.enqueue_indirect_dma source(%dma_start3A_500 : memref<10000x128xf32, #tpu.memory_space<hbm>>) target(%arg28 : memref<32x128xf32, #tpu.memory_space<vmem>>) offsets(%arg8 : memref<32xi32, #tpu.memory_space<vmem>>) semaphore(%arg33 : memref<!tpu.dma_semaphore, #tpu.memory_space<semaphore_mem>>)
      } else {
      }
      %add3A_381 = arith.constant 10 : i32
      %add3A_382 = arith.addi %add3A_364, %add3A_381 : i32
      %lt3A_383 = arith.cmpi slt, %add3A_382, %select_n3A : i32
      %convert_element_type3A_384 = arith.extui %lt3A_383 : i1 to i32
      %cond3A_385 = arith.constant 0 : i32
      %cond3A_386 = arith.cmpi ne, %convert_element_type3A_384, %cond3A_385 : i32
      scf.if %cond3A_386 {
        %dma_start3A_491 = arith.constant 0 : i32
        %dma_start3A_492 = tpu.memref_slice %arg3[%arg0, %arg1, %add3A_382, %dma_start3A_491] : memref<2x16x320x32xi32, #tpu.memory_space<hbm>> -> memref<1x1x1x32xi32, #tpu.memory_space<hbm>>
        %dma_start3A_493 = tpu.memref_squeeze %dma_start3A_492 : memref<1x1x1x32xi32, #tpu.memory_space<hbm>> -> memref<32xi32, #tpu.memory_space<hbm>>
        %dma_start3A_494 = arith.constant 0 : i32
        %dma_start3A_495 = tpu.memref_slice %arg3[%arg0, %arg1, %add3A_382, %dma_start3A_494] : memref<2x16x320x32xi32, #tpu.memory_space<hbm>> -> memref<1x1x1x32xi32, #tpu.memory_space<hbm>>
        %dma_start3A_496 = tpu.memref_squeeze %dma_start3A_495 : memref<1x1x1x32xi32, #tpu.memory_space<hbm>> -> memref<32xi32, #tpu.memory_space<hbm>>
        tpu.enqueue_dma source(%dma_start3A_496 : memref<32xi32, #tpu.memory_space<hbm>>) target(%arg13 : memref<32xi32, #tpu.memory_space<vmem>>) target_semaphore(%arg43 : memref<!tpu.dma_semaphore, #tpu.memory_space<semaphore_mem>>)
        %dma_start3A_497 = arith.constant 0 : i32
        %dma_start3A_498 = tpu.memref_slice %arg4[%arg0, %arg1, %add3A_382, %dma_start3A_497] : memref<2x16x320x32xi32, #tpu.memory_space<hbm>> -> memref<1x1x1x32xi32, #tpu.memory_space<hbm>>
        %dma_start3A_499 = tpu.memref_squeeze %dma_start3A_498 : memref<1x1x1x32xi32, #tpu.memory_space<hbm>> -> memref<32xi32, #tpu.memory_space<hbm>>
        %dma_start3A_500 = arith.constant 0 : i32
        %dma_start3A_501 = tpu.memref_slice %arg4[%arg0, %arg1, %add3A_382, %dma_start3A_500] : memref<2x16x320x32xi32, #tpu.memory_space<hbm>> -> memref<1x1x1x32xi32, #tpu.memory_space<hbm>>
        %dma_start3A_502 = tpu.memref_squeeze %dma_start3A_501 : memref<1x1x1x32xi32, #tpu.memory_space<hbm>> -> memref<32xi32, #tpu.memory_space<hbm>>
        tpu.enqueue_dma source(%dma_start3A_502 : memref<32xi32, #tpu.memory_space<hbm>>) target(%arg23 : memref<32xi32, #tpu.memory_space<vmem>>) target_semaphore(%arg53 : memref<!tpu.dma_semaphore, #tpu.memory_space<semaphore_mem>>)
      } else {
      }
      %mul3A_387 = arith.constant 10 : i32
      %mul3A_388 = arith.muli %add3A_233, %mul3A_387 : i32
      %add3A_389 = arith.constant 6 : i32
      %add3A_390 = arith.addi %mul3A_388, %add3A_389 : i32
      %dma_wait3A_391 = arith.constant 0 : i32
      %dma_wait3A_392 = arith.constant 0 : i32
      %dma_wait3A_393 = tpu.memref_slice %arg2[%dma_wait3A_391, %dma_wait3A_392] : memref<10000x128xf32, #tpu.memory_space<hbm>> -> memref<10000x128xf32, #tpu.memory_space<hbm>>
      tpu.wait_indirect_dma semaphore(%arg34 : memref<!tpu.dma_semaphore, #tpu.memory_space<semaphore_mem>>) src(%dma_wait3A_393 : memref<10000x128xf32, #tpu.memory_space<hbm>>) dst(%arg29 : memref<32x128xf32, #tpu.memory_space<vmem>>)
      %dma_wait3A_394 = arith.constant 0 : i32
      %dma_wait3A_395 = arith.constant 0 : i32
      %dma_wait3A_396 = tpu.memref_slice %arg4[%arg0, %arg1, %dma_wait3A_394, %dma_wait3A_395] : memref<2x16x320x32xi32, #tpu.memory_space<hbm>> -> memref<1x1x1x32xi32, #tpu.memory_space<hbm>>
      %dma_wait3A_397 = tpu.memref_squeeze %dma_wait3A_396 : memref<1x1x1x32xi32, #tpu.memory_space<hbm>> -> memref<32xi32, #tpu.memory_space<hbm>>
      %dma_wait3A_398 = arith.constant 0 : i32
      %dma_wait3A_399 = tpu.memref_slice %arg4[%arg0, %arg1, %dma_wait3A_394, %dma_wait3A_398] : memref<2x16x320x32xi32, #tpu.memory_space<hbm>> -> memref<1x1x1x32xi32, #tpu.memory_space<hbm>>
      %dma_wait3A_400 = tpu.memref_squeeze %dma_wait3A_399 : memref<1x1x1x32xi32, #tpu.memory_space<hbm>> -> memref<32xi32, #tpu.memory_space<hbm>>
      tpu.wait_dma2 semaphore(%arg54 : memref<!tpu.dma_semaphore, #tpu.memory_space<semaphore_mem>>) src(%dma_wait3A_400 : memref<32xi32, #tpu.memory_space<hbm>>) dst(%arg24 : memref<32xi32, #tpu.memory_space<vmem>>)
      "tpu.region"() ({
        %run_scoped3A = tpu.sem_alloc : memref<!tpu.dma_semaphore, #tpu.memory_space<semaphore_mem>>
        %dma_start3A_491 = arith.constant 0 : i32
        %dma_start3A_492 = arith.constant 0 : i32
        %dma_start3A_493 = tpu.memref_slice %arg7[%dma_start3A_491, %dma_start3A_492] : memref<10240x128xf32, #tpu.memory_space<vmem_shared>> -> memref<10240x128xf32, #tpu.memory_space<vmem_shared>>
        tpu.enqueue_indirect_dma source(%arg29 : memref<32x128xf32, #tpu.memory_space<vmem>>) target(%dma_start3A_493 : memref<10240x128xf32, #tpu.memory_space<vmem_shared>>) offsets(%arg24 : memref<32xi32, #tpu.memory_space<vmem>>) semaphore(%run_scoped3A : memref<!tpu.dma_semaphore, #tpu.memory_space<semaphore_mem>>) {add = true}
        %dma_wait3A_494 = arith.constant 0 : i32
        %dma_wait3A_495 = arith.constant 0 : i32
        %dma_wait3A_496 = tpu.memref_slice %arg7[%dma_wait3A_494, %dma_wait3A_495] : memref<10240x128xf32, #tpu.memory_space<vmem_shared>> -> memref<10240x128xf32, #tpu.memory_space<vmem_shared>>
        tpu.wait_indirect_dma semaphore(%run_scoped3A : memref<!tpu.dma_semaphore, #tpu.memory_space<semaphore_mem>>) src(%arg29 : memref<32x128xf32, #tpu.memory_space<vmem>>) dst(%dma_wait3A_496 : memref<10240x128xf32, #tpu.memory_space<vmem_shared>>)
        tpu.yield
      }) : () -> ()
      %add3A_401 = arith.constant 5 : i32
      %add3A_402 = arith.addi %add3A_390, %add3A_401 : i32
      %lt3A_403 = arith.cmpi slt, %add3A_402, %select_n3A : i32
      %convert_element_type3A_404 = arith.extui %lt3A_403 : i1 to i32
      %cond3A_405 = arith.constant 0 : i32
      %cond3A_406 = arith.cmpi ne, %convert_element_type3A_404, %cond3A_405 : i32
      scf.if %cond3A_406 {
        %dma_wait3A_491 = arith.constant 0 : i32
        %dma_wait3A_492 = arith.constant 0 : i32
        %dma_wait3A_493 = tpu.memref_slice %arg3[%arg0, %arg1, %dma_wait3A_491, %dma_wait3A_492] : memref<2x16x320x32xi32, #tpu.memory_space<hbm>> -> memref<1x1x1x32xi32, #tpu.memory_space<hbm>>
        %dma_wait3A_494 = tpu.memref_squeeze %dma_wait3A_493 : memref<1x1x1x32xi32, #tpu.memory_space<hbm>> -> memref<32xi32, #tpu.memory_space<hbm>>
        %dma_wait3A_495 = arith.constant 0 : i32
        %dma_wait3A_496 = tpu.memref_slice %arg3[%arg0, %arg1, %dma_wait3A_491, %dma_wait3A_495] : memref<2x16x320x32xi32, #tpu.memory_space<hbm>> -> memref<1x1x1x32xi32, #tpu.memory_space<hbm>>
        %dma_wait3A_497 = tpu.memref_squeeze %dma_wait3A_496 : memref<1x1x1x32xi32, #tpu.memory_space<hbm>> -> memref<32xi32, #tpu.memory_space<hbm>>
        tpu.wait_dma2 semaphore(%arg39 : memref<!tpu.dma_semaphore, #tpu.memory_space<semaphore_mem>>) src(%dma_wait3A_497 : memref<32xi32, #tpu.memory_space<hbm>>) dst(%arg9 : memref<32xi32, #tpu.memory_space<vmem>>)
        %dma_start3A_498 = arith.constant 0 : i32
        %dma_start3A_499 = arith.constant 0 : i32
        %dma_start3A_500 = tpu.memref_slice %arg2[%dma_start3A_498, %dma_start3A_499] : memref<10000x128xf32, #tpu.memory_space<hbm>> -> memref<10000x128xf32, #tpu.memory_space<hbm>>
        tpu.enqueue_indirect_dma source(%dma_start3A_500 : memref<10000x128xf32, #tpu.memory_space<hbm>>) target(%arg29 : memref<32x128xf32, #tpu.memory_space<vmem>>) offsets(%arg9 : memref<32xi32, #tpu.memory_space<vmem>>) semaphore(%arg34 : memref<!tpu.dma_semaphore, #tpu.memory_space<semaphore_mem>>)
      } else {
      }
      %add3A_407 = arith.constant 10 : i32
      %add3A_408 = arith.addi %add3A_390, %add3A_407 : i32
      %lt3A_409 = arith.cmpi slt, %add3A_408, %select_n3A : i32
      %convert_element_type3A_410 = arith.extui %lt3A_409 : i1 to i32
      %cond3A_411 = arith.constant 0 : i32
      %cond3A_412 = arith.cmpi ne, %convert_element_type3A_410, %cond3A_411 : i32
      scf.if %cond3A_412 {
        %dma_start3A_491 = arith.constant 0 : i32
        %dma_start3A_492 = tpu.memref_slice %arg3[%arg0, %arg1, %add3A_408, %dma_start3A_491] : memref<2x16x320x32xi32, #tpu.memory_space<hbm>> -> memref<1x1x1x32xi32, #tpu.memory_space<hbm>>
        %dma_start3A_493 = tpu.memref_squeeze %dma_start3A_492 : memref<1x1x1x32xi32, #tpu.memory_space<hbm>> -> memref<32xi32, #tpu.memory_space<hbm>>
        %dma_start3A_494 = arith.constant 0 : i32
        %dma_start3A_495 = tpu.memref_slice %arg3[%arg0, %arg1, %add3A_408, %dma_start3A_494] : memref<2x16x320x32xi32, #tpu.memory_space<hbm>> -> memref<1x1x1x32xi32, #tpu.memory_space<hbm>>
        %dma_start3A_496 = tpu.memref_squeeze %dma_start3A_495 : memref<1x1x1x32xi32, #tpu.memory_space<hbm>> -> memref<32xi32, #tpu.memory_space<hbm>>
        tpu.enqueue_dma source(%dma_start3A_496 : memref<32xi32, #tpu.memory_space<hbm>>) target(%arg14 : memref<32xi32, #tpu.memory_space<vmem>>) target_semaphore(%arg44 : memref<!tpu.dma_semaphore, #tpu.memory_space<semaphore_mem>>)
        %dma_start3A_497 = arith.constant 0 : i32
        %dma_start3A_498 = tpu.memref_slice %arg4[%arg0, %arg1, %add3A_408, %dma_start3A_497] : memref<2x16x320x32xi32, #tpu.memory_space<hbm>> -> memref<1x1x1x32xi32, #tpu.memory_space<hbm>>
        %dma_start3A_499 = tpu.memref_squeeze %dma_start3A_498 : memref<1x1x1x32xi32, #tpu.memory_space<hbm>> -> memref<32xi32, #tpu.memory_space<hbm>>
        %dma_start3A_500 = arith.constant 0 : i32
        %dma_start3A_501 = tpu.memref_slice %arg4[%arg0, %arg1, %add3A_408, %dma_start3A_500] : memref<2x16x320x32xi32, #tpu.memory_space<hbm>> -> memref<1x1x1x32xi32, #tpu.memory_space<hbm>>
        %dma_start3A_502 = tpu.memref_squeeze %dma_start3A_501 : memref<1x1x1x32xi32, #tpu.memory_space<hbm>> -> memref<32xi32, #tpu.memory_space<hbm>>
        tpu.enqueue_dma source(%dma_start3A_502 : memref<32xi32, #tpu.memory_space<hbm>>) target(%arg24 : memref<32xi32, #tpu.memory_space<vmem>>) target_semaphore(%arg54 : memref<!tpu.dma_semaphore, #tpu.memory_space<semaphore_mem>>)
      } else {
      }
      %mul3A_413 = arith.constant 10 : i32
      %mul3A_414 = arith.muli %add3A_233, %mul3A_413 : i32
      %add3A_415 = arith.constant 7 : i32
      %add3A_416 = arith.addi %mul3A_414, %add3A_415 : i32
      %dma_wait3A_417 = arith.constant 0 : i32
      %dma_wait3A_418 = arith.constant 0 : i32
      %dma_wait3A_419 = tpu.memref_slice %arg2[%dma_wait3A_417, %dma_wait3A_418] : memref<10000x128xf32, #tpu.memory_space<hbm>> -> memref<10000x128xf32, #tpu.memory_space<hbm>>
      tpu.wait_indirect_dma semaphore(%arg35 : memref<!tpu.dma_semaphore, #tpu.memory_space<semaphore_mem>>) src(%dma_wait3A_419 : memref<10000x128xf32, #tpu.memory_space<hbm>>) dst(%arg30 : memref<32x128xf32, #tpu.memory_space<vmem>>)
      %dma_wait3A_420 = arith.constant 0 : i32
      %dma_wait3A_421 = arith.constant 0 : i32
      %dma_wait3A_422 = tpu.memref_slice %arg4[%arg0, %arg1, %dma_wait3A_420, %dma_wait3A_421] : memref<2x16x320x32xi32, #tpu.memory_space<hbm>> -> memref<1x1x1x32xi32, #tpu.memory_space<hbm>>
      %dma_wait3A_423 = tpu.memref_squeeze %dma_wait3A_422 : memref<1x1x1x32xi32, #tpu.memory_space<hbm>> -> memref<32xi32, #tpu.memory_space<hbm>>
      %dma_wait3A_424 = arith.constant 0 : i32
      %dma_wait3A_425 = tpu.memref_slice %arg4[%arg0, %arg1, %dma_wait3A_420, %dma_wait3A_424] : memref<2x16x320x32xi32, #tpu.memory_space<hbm>> -> memref<1x1x1x32xi32, #tpu.memory_space<hbm>>
      %dma_wait3A_426 = tpu.memref_squeeze %dma_wait3A_425 : memref<1x1x1x32xi32, #tpu.memory_space<hbm>> -> memref<32xi32, #tpu.memory_space<hbm>>
      tpu.wait_dma2 semaphore(%arg55 : memref<!tpu.dma_semaphore, #tpu.memory_space<semaphore_mem>>) src(%dma_wait3A_426 : memref<32xi32, #tpu.memory_space<hbm>>) dst(%arg25 : memref<32xi32, #tpu.memory_space<vmem>>)
      "tpu.region"() ({
        %run_scoped3A = tpu.sem_alloc : memref<!tpu.dma_semaphore, #tpu.memory_space<semaphore_mem>>
        %dma_start3A_491 = arith.constant 0 : i32
        %dma_start3A_492 = arith.constant 0 : i32
        %dma_start3A_493 = tpu.memref_slice %arg7[%dma_start3A_491, %dma_start3A_492] : memref<10240x128xf32, #tpu.memory_space<vmem_shared>> -> memref<10240x128xf32, #tpu.memory_space<vmem_shared>>
        tpu.enqueue_indirect_dma source(%arg30 : memref<32x128xf32, #tpu.memory_space<vmem>>) target(%dma_start3A_493 : memref<10240x128xf32, #tpu.memory_space<vmem_shared>>) offsets(%arg25 : memref<32xi32, #tpu.memory_space<vmem>>) semaphore(%run_scoped3A : memref<!tpu.dma_semaphore, #tpu.memory_space<semaphore_mem>>) {add = true}
        %dma_wait3A_494 = arith.constant 0 : i32
        %dma_wait3A_495 = arith.constant 0 : i32
        %dma_wait3A_496 = tpu.memref_slice %arg7[%dma_wait3A_494, %dma_wait3A_495] : memref<10240x128xf32, #tpu.memory_space<vmem_shared>> -> memref<10240x128xf32, #tpu.memory_space<vmem_shared>>
        tpu.wait_indirect_dma semaphore(%run_scoped3A : memref<!tpu.dma_semaphore, #tpu.memory_space<semaphore_mem>>) src(%arg30 : memref<32x128xf32, #tpu.memory_space<vmem>>) dst(%dma_wait3A_496 : memref<10240x128xf32, #tpu.memory_space<vmem_shared>>)
        tpu.yield
      }) : () -> ()
      %add3A_427 = arith.constant 5 : i32
      %add3A_428 = arith.addi %add3A_416, %add3A_427 : i32
      %lt3A_429 = arith.cmpi slt, %add3A_428, %select_n3A : i32
      %convert_element_type3A_430 = arith.extui %lt3A_429 : i1 to i32
      %cond3A_431 = arith.constant 0 : i32
      %cond3A_432 = arith.cmpi ne, %convert_element_type3A_430, %cond3A_431 : i32
      scf.if %cond3A_432 {
        %dma_wait3A_491 = arith.constant 0 : i32
        %dma_wait3A_492 = arith.constant 0 : i32
        %dma_wait3A_493 = tpu.memref_slice %arg3[%arg0, %arg1, %dma_wait3A_491, %dma_wait3A_492] : memref<2x16x320x32xi32, #tpu.memory_space<hbm>> -> memref<1x1x1x32xi32, #tpu.memory_space<hbm>>
        %dma_wait3A_494 = tpu.memref_squeeze %dma_wait3A_493 : memref<1x1x1x32xi32, #tpu.memory_space<hbm>> -> memref<32xi32, #tpu.memory_space<hbm>>
        %dma_wait3A_495 = arith.constant 0 : i32
        %dma_wait3A_496 = tpu.memref_slice %arg3[%arg0, %arg1, %dma_wait3A_491, %dma_wait3A_495] : memref<2x16x320x32xi32, #tpu.memory_space<hbm>> -> memref<1x1x1x32xi32, #tpu.memory_space<hbm>>
        %dma_wait3A_497 = tpu.memref_squeeze %dma_wait3A_496 : memref<1x1x1x32xi32, #tpu.memory_space<hbm>> -> memref<32xi32, #tpu.memory_space<hbm>>
        tpu.wait_dma2 semaphore(%arg40 : memref<!tpu.dma_semaphore, #tpu.memory_space<semaphore_mem>>) src(%dma_wait3A_497 : memref<32xi32, #tpu.memory_space<hbm>>) dst(%arg10 : memref<32xi32, #tpu.memory_space<vmem>>)
        %dma_start3A_498 = arith.constant 0 : i32
        %dma_start3A_499 = arith.constant 0 : i32
        %dma_start3A_500 = tpu.memref_slice %arg2[%dma_start3A_498, %dma_start3A_499] : memref<10000x128xf32, #tpu.memory_space<hbm>> -> memref<10000x128xf32, #tpu.memory_space<hbm>>
        tpu.enqueue_indirect_dma source(%dma_start3A_500 : memref<10000x128xf32, #tpu.memory_space<hbm>>) target(%arg30 : memref<32x128xf32, #tpu.memory_space<vmem>>) offsets(%arg10 : memref<32xi32, #tpu.memory_space<vmem>>) semaphore(%arg35 : memref<!tpu.dma_semaphore, #tpu.memory_space<semaphore_mem>>)
      } else {
      }
      %add3A_433 = arith.constant 10 : i32
      %add3A_434 = arith.addi %add3A_416, %add3A_433 : i32
      %lt3A_435 = arith.cmpi slt, %add3A_434, %select_n3A : i32
      %convert_element_type3A_436 = arith.extui %lt3A_435 : i1 to i32
      %cond3A_437 = arith.constant 0 : i32
      %cond3A_438 = arith.cmpi ne, %convert_element_type3A_436, %cond3A_437 : i32
      scf.if %cond3A_438 {
        %dma_start3A_491 = arith.constant 0 : i32
        %dma_start3A_492 = tpu.memref_slice %arg3[%arg0, %arg1, %add3A_434, %dma_start3A_491] : memref<2x16x320x32xi32, #tpu.memory_space<hbm>> -> memref<1x1x1x32xi32, #tpu.memory_space<hbm>>
        %dma_start3A_493 = tpu.memref_squeeze %dma_start3A_492 : memref<1x1x1x32xi32, #tpu.memory_space<hbm>> -> memref<32xi32, #tpu.memory_space<hbm>>
        %dma_start3A_494 = arith.constant 0 : i32
        %dma_start3A_495 = tpu.memref_slice %arg3[%arg0, %arg1, %add3A_434, %dma_start3A_494] : memref<2x16x320x32xi32, #tpu.memory_space<hbm>> -> memref<1x1x1x32xi32, #tpu.memory_space<hbm>>
        %dma_start3A_496 = tpu.memref_squeeze %dma_start3A_495 : memref<1x1x1x32xi32, #tpu.memory_space<hbm>> -> memref<32xi32, #tpu.memory_space<hbm>>
        tpu.enqueue_dma source(%dma_start3A_496 : memref<32xi32, #tpu.memory_space<hbm>>) target(%arg15 : memref<32xi32, #tpu.memory_space<vmem>>) target_semaphore(%arg45 : memref<!tpu.dma_semaphore, #tpu.memory_space<semaphore_mem>>)
        %dma_start3A_497 = arith.constant 0 : i32
        %dma_start3A_498 = tpu.memref_slice %arg4[%arg0, %arg1, %add3A_434, %dma_start3A_497] : memref<2x16x320x32xi32, #tpu.memory_space<hbm>> -> memref<1x1x1x32xi32, #tpu.memory_space<hbm>>
        %dma_start3A_499 = tpu.memref_squeeze %dma_start3A_498 : memref<1x1x1x32xi32, #tpu.memory_space<hbm>> -> memref<32xi32, #tpu.memory_space<hbm>>
        %dma_start3A_500 = arith.constant 0 : i32
        %dma_start3A_501 = tpu.memref_slice %arg4[%arg0, %arg1, %add3A_434, %dma_start3A_500] : memref<2x16x320x32xi32, #tpu.memory_space<hbm>> -> memref<1x1x1x32xi32, #tpu.memory_space<hbm>>
        %dma_start3A_502 = tpu.memref_squeeze %dma_start3A_501 : memref<1x1x1x32xi32, #tpu.memory_space<hbm>> -> memref<32xi32, #tpu.memory_space<hbm>>
        tpu.enqueue_dma source(%dma_start3A_502 : memref<32xi32, #tpu.memory_space<hbm>>) target(%arg25 : memref<32xi32, #tpu.memory_space<vmem>>) target_semaphore(%arg55 : memref<!tpu.dma_semaphore, #tpu.memory_space<semaphore_mem>>)
      } else {
      }
      %mul3A_439 = arith.constant 10 : i32
      %mul3A_440 = arith.muli %add3A_233, %mul3A_439 : i32
      %add3A_441 = arith.constant 8 : i32
      %add3A_442 = arith.addi %mul3A_440, %add3A_441 : i32
      %dma_wait3A_443 = arith.constant 0 : i32
      %dma_wait3A_444 = arith.constant 0 : i32
      %dma_wait3A_445 = tpu.memref_slice %arg2[%dma_wait3A_443, %dma_wait3A_444] : memref<10000x128xf32, #tpu.memory_space<hbm>> -> memref<10000x128xf32, #tpu.memory_space<hbm>>
      tpu.wait_indirect_dma semaphore(%arg36 : memref<!tpu.dma_semaphore, #tpu.memory_space<semaphore_mem>>) src(%dma_wait3A_445 : memref<10000x128xf32, #tpu.memory_space<hbm>>) dst(%arg31 : memref<32x128xf32, #tpu.memory_space<vmem>>)
      %dma_wait3A_446 = arith.constant 0 : i32
      %dma_wait3A_447 = arith.constant 0 : i32
      %dma_wait3A_448 = tpu.memref_slice %arg4[%arg0, %arg1, %dma_wait3A_446, %dma_wait3A_447] : memref<2x16x320x32xi32, #tpu.memory_space<hbm>> -> memref<1x1x1x32xi32, #tpu.memory_space<hbm>>
      %dma_wait3A_449 = tpu.memref_squeeze %dma_wait3A_448 : memref<1x1x1x32xi32, #tpu.memory_space<hbm>> -> memref<32xi32, #tpu.memory_space<hbm>>
      %dma_wait3A_450 = arith.constant 0 : i32
      %dma_wait3A_451 = tpu.memref_slice %arg4[%arg0, %arg1, %dma_wait3A_446, %dma_wait3A_450] : memref<2x16x320x32xi32, #tpu.memory_space<hbm>> -> memref<1x1x1x32xi32, #tpu.memory_space<hbm>>
      %dma_wait3A_452 = tpu.memref_squeeze %dma_wait3A_451 : memref<1x1x1x32xi32, #tpu.memory_space<hbm>> -> memref<32xi32, #tpu.memory_space<hbm>>
      tpu.wait_dma2 semaphore(%arg56 : memref<!tpu.dma_semaphore, #tpu.memory_space<semaphore_mem>>) src(%dma_wait3A_452 : memref<32xi32, #tpu.memory_space<hbm>>) dst(%arg26 : memref<32xi32, #tpu.memory_space<vmem>>)
      "tpu.region"() ({
        %run_scoped3A = tpu.sem_alloc : memref<!tpu.dma_semaphore, #tpu.memory_space<semaphore_mem>>
        %dma_start3A_491 = arith.constant 0 : i32
        %dma_start3A_492 = arith.constant 0 : i32
        %dma_start3A_493 = tpu.memref_slice %arg7[%dma_start3A_491, %dma_start3A_492] : memref<10240x128xf32, #tpu.memory_space<vmem_shared>> -> memref<10240x128xf32, #tpu.memory_space<vmem_shared>>
        tpu.enqueue_indirect_dma source(%arg31 : memref<32x128xf32, #tpu.memory_space<vmem>>) target(%dma_start3A_493 : memref<10240x128xf32, #tpu.memory_space<vmem_shared>>) offsets(%arg26 : memref<32xi32, #tpu.memory_space<vmem>>) semaphore(%run_scoped3A : memref<!tpu.dma_semaphore, #tpu.memory_space<semaphore_mem>>) {add = true}
        %dma_wait3A_494 = arith.constant 0 : i32
        %dma_wait3A_495 = arith.constant 0 : i32
        %dma_wait3A_496 = tpu.memref_slice %arg7[%dma_wait3A_494, %dma_wait3A_495] : memref<10240x128xf32, #tpu.memory_space<vmem_shared>> -> memref<10240x128xf32, #tpu.memory_space<vmem_shared>>
        tpu.wait_indirect_dma semaphore(%run_scoped3A : memref<!tpu.dma_semaphore, #tpu.memory_space<semaphore_mem>>) src(%arg31 : memref<32x128xf32, #tpu.memory_space<vmem>>) dst(%dma_wait3A_496 : memref<10240x128xf32, #tpu.memory_space<vmem_shared>>)
        tpu.yield
      }) : () -> ()
      %add3A_453 = arith.constant 5 : i32
      %add3A_454 = arith.addi %add3A_442, %add3A_453 : i32
      %lt3A_455 = arith.cmpi slt, %add3A_454, %select_n3A : i32
      %convert_element_type3A_456 = arith.extui %lt3A_455 : i1 to i32
      %cond3A_457 = arith.constant 0 : i32
      %cond3A_458 = arith.cmpi ne, %convert_element_type3A_456, %cond3A_457 : i32
      scf.if %cond3A_458 {
        %dma_wait3A_491 = arith.constant 0 : i32
        %dma_wait3A_492 = arith.constant 0 : i32
        %dma_wait3A_493 = tpu.memref_slice %arg3[%arg0, %arg1, %dma_wait3A_491, %dma_wait3A_492] : memref<2x16x320x32xi32, #tpu.memory_space<hbm>> -> memref<1x1x1x32xi32, #tpu.memory_space<hbm>>
        %dma_wait3A_494 = tpu.memref_squeeze %dma_wait3A_493 : memref<1x1x1x32xi32, #tpu.memory_space<hbm>> -> memref<32xi32, #tpu.memory_space<hbm>>
        %dma_wait3A_495 = arith.constant 0 : i32
        %dma_wait3A_496 = tpu.memref_slice %arg3[%arg0, %arg1, %dma_wait3A_491, %dma_wait3A_495] : memref<2x16x320x32xi32, #tpu.memory_space<hbm>> -> memref<1x1x1x32xi32, #tpu.memory_space<hbm>>
        %dma_wait3A_497 = tpu.memref_squeeze %dma_wait3A_496 : memref<1x1x1x32xi32, #tpu.memory_space<hbm>> -> memref<32xi32, #tpu.memory_space<hbm>>
        tpu.wait_dma2 semaphore(%arg41 : memref<!tpu.dma_semaphore, #tpu.memory_space<semaphore_mem>>) src(%dma_wait3A_497 : memref<32xi32, #tpu.memory_space<hbm>>) dst(%arg11 : memref<32xi32, #tpu.memory_space<vmem>>)
        %dma_start3A_498 = arith.constant 0 : i32
        %dma_start3A_499 = arith.constant 0 : i32
        %dma_start3A_500 = tpu.memref_slice %arg2[%dma_start3A_498, %dma_start3A_499] : memref<10000x128xf32, #tpu.memory_space<hbm>> -> memref<10000x128xf32, #tpu.memory_space<hbm>>
        tpu.enqueue_indirect_dma source(%dma_start3A_500 : memref<10000x128xf32, #tpu.memory_space<hbm>>) target(%arg31 : memref<32x128xf32, #tpu.memory_space<vmem>>) offsets(%arg11 : memref<32xi32, #tpu.memory_space<vmem>>) semaphore(%arg36 : memref<!tpu.dma_semaphore, #tpu.memory_space<semaphore_mem>>)
      } else {
      }
      %add3A_459 = arith.constant 10 : i32
      %add3A_460 = arith.addi %add3A_442, %add3A_459 : i32
      %lt3A_461 = arith.cmpi slt, %add3A_460, %select_n3A : i32
      %convert_element_type3A_462 = arith.extui %lt3A_461 : i1 to i32
      %cond3A_463 = arith.constant 0 : i32
      %cond3A_464 = arith.cmpi ne, %convert_element_type3A_462, %cond3A_463 : i32
      scf.if %cond3A_464 {
        %dma_start3A_491 = arith.constant 0 : i32
        %dma_start3A_492 = tpu.memref_slice %arg3[%arg0, %arg1, %add3A_460, %dma_start3A_491] : memref<2x16x320x32xi32, #tpu.memory_space<hbm>> -> memref<1x1x1x32xi32, #tpu.memory_space<hbm>>
        %dma_start3A_493 = tpu.memref_squeeze %dma_start3A_492 : memref<1x1x1x32xi32, #tpu.memory_space<hbm>> -> memref<32xi32, #tpu.memory_space<hbm>>
        %dma_start3A_494 = arith.constant 0 : i32
        %dma_start3A_495 = tpu.memref_slice %arg3[%arg0, %arg1, %add3A_460, %dma_start3A_494] : memref<2x16x320x32xi32, #tpu.memory_space<hbm>> -> memref<1x1x1x32xi32, #tpu.memory_space<hbm>>
        %dma_start3A_496 = tpu.memref_squeeze %dma_start3A_495 : memref<1x1x1x32xi32, #tpu.memory_space<hbm>> -> memref<32xi32, #tpu.memory_space<hbm>>
        tpu.enqueue_dma source(%dma_start3A_496 : memref<32xi32, #tpu.memory_space<hbm>>) target(%arg16 : memref<32xi32, #tpu.memory_space<vmem>>) target_semaphore(%arg46 : memref<!tpu.dma_semaphore, #tpu.memory_space<semaphore_mem>>)
        %dma_start3A_497 = arith.constant 0 : i32
        %dma_start3A_498 = tpu.memref_slice %arg4[%arg0, %arg1, %add3A_460, %dma_start3A_497] : memref<2x16x320x32xi32, #tpu.memory_space<hbm>> -> memref<1x1x1x32xi32, #tpu.memory_space<hbm>>
        %dma_start3A_499 = tpu.memref_squeeze %dma_start3A_498 : memref<1x1x1x32xi32, #tpu.memory_space<hbm>> -> memref<32xi32, #tpu.memory_space<hbm>>
        %dma_start3A_500 = arith.constant 0 : i32
        %dma_start3A_501 = tpu.memref_slice %arg4[%arg0, %arg1, %add3A_460, %dma_start3A_500] : memref<2x16x320x32xi32, #tpu.memory_space<hbm>> -> memref<1x1x1x32xi32, #tpu.memory_space<hbm>>
        %dma_start3A_502 = tpu.memref_squeeze %dma_start3A_501 : memref<1x1x1x32xi32, #tpu.memory_space<hbm>> -> memref<32xi32, #tpu.memory_space<hbm>>
        tpu.enqueue_dma source(%dma_start3A_502 : memref<32xi32, #tpu.memory_space<hbm>>) target(%arg26 : memref<32xi32, #tpu.memory_space<vmem>>) target_semaphore(%arg56 : memref<!tpu.dma_semaphore, #tpu.memory_space<semaphore_mem>>)
      } else {
      }
      %mul3A_465 = arith.constant 10 : i32
      %mul3A_466 = arith.muli %add3A_233, %mul3A_465 : i32
      %add3A_467 = arith.constant 9 : i32
      %add3A_468 = arith.addi %mul3A_466, %add3A_467 : i32
      %dma_wait3A_469 = arith.constant 0 : i32
      %dma_wait3A_470 = arith.constant 0 : i32
      %dma_wait3A_471 = tpu.memref_slice %arg2[%dma_wait3A_469, %dma_wait3A_470] : memref<10000x128xf32, #tpu.memory_space<hbm>> -> memref<10000x128xf32, #tpu.memory_space<hbm>>
      tpu.wait_indirect_dma semaphore(%arg37 : memref<!tpu.dma_semaphore, #tpu.memory_space<semaphore_mem>>) src(%dma_wait3A_471 : memref<10000x128xf32, #tpu.memory_space<hbm>>) dst(%arg32 : memref<32x128xf32, #tpu.memory_space<vmem>>)
      %dma_wait3A_472 = arith.constant 0 : i32
      %dma_wait3A_473 = arith.constant 0 : i32
      %dma_wait3A_474 = tpu.memref_slice %arg4[%arg0, %arg1, %dma_wait3A_472, %dma_wait3A_473] : memref<2x16x320x32xi32, #tpu.memory_space<hbm>> -> memref<1x1x1x32xi32, #tpu.memory_space<hbm>>
      %dma_wait3A_475 = tpu.memref_squeeze %dma_wait3A_474 : memref<1x1x1x32xi32, #tpu.memory_space<hbm>> -> memref<32xi32, #tpu.memory_space<hbm>>
      %dma_wait3A_476 = arith.constant 0 : i32
      %dma_wait3A_477 = tpu.memref_slice %arg4[%arg0, %arg1, %dma_wait3A_472, %dma_wait3A_476] : memref<2x16x320x32xi32, #tpu.memory_space<hbm>> -> memref<1x1x1x32xi32, #tpu.memory_space<hbm>>
      %dma_wait3A_478 = tpu.memref_squeeze %dma_wait3A_477 : memref<1x1x1x32xi32, #tpu.memory_space<hbm>> -> memref<32xi32, #tpu.memory_space<hbm>>
      tpu.wait_dma2 semaphore(%arg57 : memref<!tpu.dma_semaphore, #tpu.memory_space<semaphore_mem>>) src(%dma_wait3A_478 : memref<32xi32, #tpu.memory_space<hbm>>) dst(%arg27 : memref<32xi32, #tpu.memory_space<vmem>>)
      "tpu.region"() ({
        %run_scoped3A = tpu.sem_alloc : memref<!tpu.dma_semaphore, #tpu.memory_space<semaphore_mem>>
        %dma_start3A_491 = arith.constant 0 : i32
        %dma_start3A_492 = arith.constant 0 : i32
        %dma_start3A_493 = tpu.memref_slice %arg7[%dma_start3A_491, %dma_start3A_492] : memref<10240x128xf32, #tpu.memory_space<vmem_shared>> -> memref<10240x128xf32, #tpu.memory_space<vmem_shared>>
        tpu.enqueue_indirect_dma source(%arg32 : memref<32x128xf32, #tpu.memory_space<vmem>>) target(%dma_start3A_493 : memref<10240x128xf32, #tpu.memory_space<vmem_shared>>) offsets(%arg27 : memref<32xi32, #tpu.memory_space<vmem>>) semaphore(%run_scoped3A : memref<!tpu.dma_semaphore, #tpu.memory_space<semaphore_mem>>) {add = true}
        %dma_wait3A_494 = arith.constant 0 : i32
        %dma_wait3A_495 = arith.constant 0 : i32
        %dma_wait3A_496 = tpu.memref_slice %arg7[%dma_wait3A_494, %dma_wait3A_495] : memref<10240x128xf32, #tpu.memory_space<vmem_shared>> -> memref<10240x128xf32, #tpu.memory_space<vmem_shared>>
        tpu.wait_indirect_dma semaphore(%run_scoped3A : memref<!tpu.dma_semaphore, #tpu.memory_space<semaphore_mem>>) src(%arg32 : memref<32x128xf32, #tpu.memory_space<vmem>>) dst(%dma_wait3A_496 : memref<10240x128xf32, #tpu.memory_space<vmem_shared>>)
        tpu.yield
      }) : () -> ()
      %add3A_479 = arith.constant 5 : i32
      %add3A_480 = arith.addi %add3A_468, %add3A_479 : i32
      %lt3A_481 = arith.cmpi slt, %add3A_480, %select_n3A : i32
      %convert_element_type3A_482 = arith.extui %lt3A_481 : i1 to i32
      %cond3A_483 = arith.constant 0 : i32
      %cond3A_484 = arith.cmpi ne, %convert_element_type3A_482, %cond3A_483 : i32
      scf.if %cond3A_484 {
        %dma_wait3A_491 = arith.constant 0 : i32
        %dma_wait3A_492 = arith.constant 0 : i32
        %dma_wait3A_493 = tpu.memref_slice %arg3[%arg0, %arg1, %dma_wait3A_491, %dma_wait3A_492] : memref<2x16x320x32xi32, #tpu.memory_space<hbm>> -> memref<1x1x1x32xi32, #tpu.memory_space<hbm>>
        %dma_wait3A_494 = tpu.memref_squeeze %dma_wait3A_493 : memref<1x1x1x32xi32, #tpu.memory_space<hbm>> -> memref<32xi32, #tpu.memory_space<hbm>>
        %dma_wait3A_495 = arith.constant 0 : i32
        %dma_wait3A_496 = tpu.memref_slice %arg3[%arg0, %arg1, %dma_wait3A_491, %dma_wait3A_495] : memref<2x16x320x32xi32, #tpu.memory_space<hbm>> -> memref<1x1x1x32xi32, #tpu.memory_space<hbm>>
        %dma_wait3A_497 = tpu.memref_squeeze %dma_wait3A_496 : memref<1x1x1x32xi32, #tpu.memory_space<hbm>> -> memref<32xi32, #tpu.memory_space<hbm>>
        tpu.wait_dma2 semaphore(%arg42 : memref<!tpu.dma_semaphore, #tpu.memory_space<semaphore_mem>>) src(%dma_wait3A_497 : memref<32xi32, #tpu.memory_space<hbm>>) dst(%arg12 : memref<32xi32, #tpu.memory_space<vmem>>)
        %dma_start3A_498 = arith.constant 0 : i32
        %dma_start3A_499 = arith.constant 0 : i32
        %dma_start3A_500 = tpu.memref_slice %arg2[%dma_start3A_498, %dma_start3A_499] : memref<10000x128xf32, #tpu.memory_space<hbm>> -> memref<10000x128xf32, #tpu.memory_space<hbm>>
        tpu.enqueue_indirect_dma source(%dma_start3A_500 : memref<10000x128xf32, #tpu.memory_space<hbm>>) target(%arg32 : memref<32x128xf32, #tpu.memory_space<vmem>>) offsets(%arg12 : memref<32xi32, #tpu.memory_space<vmem>>) semaphore(%arg37 : memref<!tpu.dma_semaphore, #tpu.memory_space<semaphore_mem>>)
      } else {
      }
      %add3A_485 = arith.constant 10 : i32
      %add3A_486 = arith.addi %add3A_468, %add3A_485 : i32
      %lt3A_487 = arith.cmpi slt, %add3A_486, %select_n3A : i32
      %convert_element_type3A_488 = arith.extui %lt3A_487 : i1 to i32
      %cond3A_489 = arith.constant 0 : i32
      %cond3A_490 = arith.cmpi ne, %convert_element_type3A_488, %cond3A_489 : i32
      scf.if %cond3A_490 {
        %dma_start3A_491 = arith.constant 0 : i32
        %dma_start3A_492 = tpu.memref_slice %arg3[%arg0, %arg1, %add3A_486, %dma_start3A_491] : memref<2x16x320x32xi32, #tpu.memory_space<hbm>> -> memref<1x1x1x32xi32, #tpu.memory_space<hbm>>
        %dma_start3A_493 = tpu.memref_squeeze %dma_start3A_492 : memref<1x1x1x32xi32, #tpu.memory_space<hbm>> -> memref<32xi32, #tpu.memory_space<hbm>>
        %dma_start3A_494 = arith.constant 0 : i32
        %dma_start3A_495 = tpu.memref_slice %arg3[%arg0, %arg1, %add3A_486, %dma_start3A_494] : memref<2x16x320x32xi32, #tpu.memory_space<hbm>> -> memref<1x1x1x32xi32, #tpu.memory_space<hbm>>
        %dma_start3A_496 = tpu.memref_squeeze %dma_start3A_495 : memref<1x1x1x32xi32, #tpu.memory_space<hbm>> -> memref<32xi32, #tpu.memory_space<hbm>>
        tpu.enqueue_dma source(%dma_start3A_496 : memref<32xi32, #tpu.memory_space<hbm>>) target(%arg17 : memref<32xi32, #tpu.memory_space<vmem>>) target_semaphore(%arg47 : memref<!tpu.dma_semaphore, #tpu.memory_space<semaphore_mem>>)
        %dma_start3A_497 = arith.constant 0 : i32
        %dma_start3A_498 = tpu.memref_slice %arg4[%arg0, %arg1, %add3A_486, %dma_start3A_497] : memref<2x16x320x32xi32, #tpu.memory_space<hbm>> -> memref<1x1x1x32xi32, #tpu.memory_space<hbm>>
        %dma_start3A_499 = tpu.memref_squeeze %dma_start3A_498 : memref<1x1x1x32xi32, #tpu.memory_space<hbm>> -> memref<32xi32, #tpu.memory_space<hbm>>
        %dma_start3A_500 = arith.constant 0 : i32
        %dma_start3A_501 = tpu.memref_slice %arg4[%arg0, %arg1, %add3A_486, %dma_start3A_500] : memref<2x16x320x32xi32, #tpu.memory_space<hbm>> -> memref<1x1x1x32xi32, #tpu.memory_space<hbm>>
        %dma_start3A_502 = tpu.memref_squeeze %dma_start3A_501 : memref<1x1x1x32xi32, #tpu.memory_space<hbm>> -> memref<32xi32, #tpu.memory_space<hbm>>
        tpu.enqueue_dma source(%dma_start3A_502 : memref<32xi32, #tpu.memory_space<hbm>>) target(%arg27 : memref<32xi32, #tpu.memory_space<vmem>>) target_semaphore(%arg57 : memref<!tpu.dma_semaphore, #tpu.memory_space<semaphore_mem>>)
      } else {
      }
    }
    %while3A_225 = arith.constant 1 : i32
    scf.for %while3A_231 = %while3A_223 to %while3A_219 step %while3A_225  : i32 {
      %mul3A_232 = arith.muli %while3A_231, %while3A : i32
      %add3A_233 = arith.addi %while3A_216, %mul3A_232 : i32
      %mul3A_234 = arith.constant 10 : i32
      %mul3A_235 = arith.muli %add3A_233, %mul3A_234 : i32
      %add3A_236 = arith.constant 0 : i32
      %add3A_237 = arith.addi %mul3A_235, %add3A_236 : i32
      %dma_wait3A_238 = arith.constant 0 : i32
      %dma_wait3A_239 = arith.constant 0 : i32
      %dma_wait3A_240 = tpu.memref_slice %arg2[%dma_wait3A_238, %dma_wait3A_239] : memref<10000x128xf32, #tpu.memory_space<hbm>> -> memref<10000x128xf32, #tpu.memory_space<hbm>>
      tpu.wait_indirect_dma semaphore(%arg33 : memref<!tpu.dma_semaphore, #tpu.memory_space<semaphore_mem>>) src(%dma_wait3A_240 : memref<10000x128xf32, #tpu.memory_space<hbm>>) dst(%arg28 : memref<32x128xf32, #tpu.memory_space<vmem>>)
      %dma_wait3A_241 = arith.constant 0 : i32
      %dma_wait3A_242 = arith.constant 0 : i32
      %dma_wait3A_243 = tpu.memref_slice %arg4[%arg0, %arg1, %dma_wait3A_241, %dma_wait3A_242] : memref<2x16x320x32xi32, #tpu.memory_space<hbm>> -> memref<1x1x1x32xi32, #tpu.memory_space<hbm>>
      %dma_wait3A_244 = tpu.memref_squeeze %dma_wait3A_243 : memref<1x1x1x32xi32, #tpu.memory_space<hbm>> -> memref<32xi32, #tpu.memory_space<hbm>>
      %dma_wait3A_245 = arith.constant 0 : i32
      %dma_wait3A_246 = tpu.memref_slice %arg4[%arg0, %arg1, %dma_wait3A_241, %dma_wait3A_245] : memref<2x16x320x32xi32, #tpu.memory_space<hbm>> -> memref<1x1x1x32xi32, #tpu.memory_space<hbm>>
      %dma_wait3A_247 = tpu.memref_squeeze %dma_wait3A_246 : memref<1x1x1x32xi32, #tpu.memory_space<hbm>> -> memref<32xi32, #tpu.memory_space<hbm>>
      tpu.wait_dma2 semaphore(%arg48 : memref<!tpu.dma_semaphore, #tpu.memory_space<semaphore_mem>>) src(%dma_wait3A_247 : memref<32xi32, #tpu.memory_space<hbm>>) dst(%arg18 : memref<32xi32, #tpu.memory_space<vmem>>)
      "tpu.region"() ({
        %run_scoped3A = tpu.sem_alloc : memref<!tpu.dma_semaphore, #tpu.memory_space<semaphore_mem>>
        %dma_start3A_491 = arith.constant 0 : i32
        %dma_start3A_492 = arith.constant 0 : i32
        %dma_start3A_493 = tpu.memref_slice %arg7[%dma_start3A_491, %dma_start3A_492] : memref<10240x128xf32, #tpu.memory_space<vmem_shared>> -> memref<10240x128xf32, #tpu.memory_space<vmem_shared>>
        tpu.enqueue_indirect_dma source(%arg28 : memref<32x128xf32, #tpu.memory_space<vmem>>) target(%dma_start3A_493 : memref<10240x128xf32, #tpu.memory_space<vmem_shared>>) offsets(%arg18 : memref<32xi32, #tpu.memory_space<vmem>>) semaphore(%run_scoped3A : memref<!tpu.dma_semaphore, #tpu.memory_space<semaphore_mem>>) {add = true}
        %dma_wait3A_494 = arith.constant 0 : i32
        %dma_wait3A_495 = arith.constant 0 : i32
        %dma_wait3A_496 = tpu.memref_slice %arg7[%dma_wait3A_494, %dma_wait3A_495] : memref<10240x128xf32, #tpu.memory_space<vmem_shared>> -> memref<10240x128xf32, #tpu.memory_space<vmem_shared>>
        tpu.wait_indirect_dma semaphore(%run_scoped3A : memref<!tpu.dma_semaphore, #tpu.memory_space<semaphore_mem>>) src(%arg28 : memref<32x128xf32, #tpu.memory_space<vmem>>) dst(%dma_wait3A_496 : memref<10240x128xf32, #tpu.memory_space<vmem_shared>>)
        tpu.yield
      }) : () -> ()
      %add3A_248 = arith.constant 5 : i32
      %add3A_249 = arith.addi %add3A_237, %add3A_248 : i32
      %lt3A = arith.cmpi slt, %add3A_249, %select_n3A : i32
      %convert_element_type3A = arith.extui %lt3A : i1 to i32
      %cond3A = arith.constant 0 : i32
      %cond3A_250 = arith.cmpi ne, %convert_element_type3A, %cond3A : i32
      scf.if %cond3A_250 {
        %dma_wait3A_491 = arith.constant 0 : i32
        %dma_wait3A_492 = arith.constant 0 : i32
        %dma_wait3A_493 = tpu.memref_slice %arg3[%arg0, %arg1, %dma_wait3A_491, %dma_wait3A_492] : memref<2x16x320x32xi32, #tpu.memory_space<hbm>> -> memref<1x1x1x32xi32, #tpu.memory_space<hbm>>
        %dma_wait3A_494 = tpu.memref_squeeze %dma_wait3A_493 : memref<1x1x1x32xi32, #tpu.memory_space<hbm>> -> memref<32xi32, #tpu.memory_space<hbm>>
        %dma_wait3A_495 = arith.constant 0 : i32
        %dma_wait3A_496 = tpu.memref_slice %arg3[%arg0, %arg1, %dma_wait3A_491, %dma_wait3A_495] : memref<2x16x320x32xi32, #tpu.memory_space<hbm>> -> memref<1x1x1x32xi32, #tpu.memory_space<hbm>>
        %dma_wait3A_497 = tpu.memref_squeeze %dma_wait3A_496 : memref<1x1x1x32xi32, #tpu.memory_space<hbm>> -> memref<32xi32, #tpu.memory_space<hbm>>
        tpu.wait_dma2 semaphore(%arg43 : memref<!tpu.dma_semaphore, #tpu.memory_space<semaphore_mem>>) src(%dma_wait3A_497 : memref<32xi32, #tpu.memory_space<hbm>>) dst(%arg13 : memref<32xi32, #tpu.memory_space<vmem>>)
        %dma_start3A_498 = arith.constant 0 : i32
        %dma_start3A_499 = arith.constant 0 : i32
        %dma_start3A_500 = tpu.memref_slice %arg2[%dma_start3A_498, %dma_start3A_499] : memref<10000x128xf32, #tpu.memory_space<hbm>> -> memref<10000x128xf32, #tpu.memory_space<hbm>>
        tpu.enqueue_indirect_dma source(%dma_start3A_500 : memref<10000x128xf32, #tpu.memory_space<hbm>>) target(%arg28 : memref<32x128xf32, #tpu.memory_space<vmem>>) offsets(%arg13 : memref<32xi32, #tpu.memory_space<vmem>>) semaphore(%arg33 : memref<!tpu.dma_semaphore, #tpu.memory_space<semaphore_mem>>)
      } else {
      }
      %add3A_251 = arith.constant 10 : i32
      %add3A_252 = arith.addi %add3A_237, %add3A_251 : i32
      %lt3A_253 = arith.cmpi slt, %add3A_252, %select_n3A : i32
      %convert_element_type3A_254 = arith.extui %lt3A_253 : i1 to i32
      %cond3A_255 = arith.constant 0 : i32
      %cond3A_256 = arith.cmpi ne, %convert_element_type3A_254, %cond3A_255 : i32
      scf.if %cond3A_256 {
        %dma_start3A_491 = arith.constant 0 : i32
        %dma_start3A_492 = tpu.memref_slice %arg3[%arg0, %arg1, %add3A_252, %dma_start3A_491] : memref<2x16x320x32xi32, #tpu.memory_space<hbm>> -> memref<1x1x1x32xi32, #tpu.memory_space<hbm>>
        %dma_start3A_493 = tpu.memref_squeeze %dma_start3A_492 : memref<1x1x1x32xi32, #tpu.memory_space<hbm>> -> memref<32xi32, #tpu.memory_space<hbm>>
        %dma_start3A_494 = arith.constant 0 : i32
        %dma_start3A_495 = tpu.memref_slice %arg3[%arg0, %arg1, %add3A_252, %dma_start3A_494] : memref<2x16x320x32xi32, #tpu.memory_space<hbm>> -> memref<1x1x1x32xi32, #tpu.memory_space<hbm>>
        %dma_start3A_496 = tpu.memref_squeeze %dma_start3A_495 : memref<1x1x1x32xi32, #tpu.memory_space<hbm>> -> memref<32xi32, #tpu.memory_space<hbm>>
        tpu.enqueue_dma source(%dma_start3A_496 : memref<32xi32, #tpu.memory_space<hbm>>) target(%arg8 : memref<32xi32, #tpu.memory_space<vmem>>) target_semaphore(%arg38 : memref<!tpu.dma_semaphore, #tpu.memory_space<semaphore_mem>>)
        %dma_start3A_497 = arith.constant 0 : i32
        %dma_start3A_498 = tpu.memref_slice %arg4[%arg0, %arg1, %add3A_252, %dma_start3A_497] : memref<2x16x320x32xi32, #tpu.memory_space<hbm>> -> memref<1x1x1x32xi32, #tpu.memory_space<hbm>>
        %dma_start3A_499 = tpu.memref_squeeze %dma_start3A_498 : memref<1x1x1x32xi32, #tpu.memory_space<hbm>> -> memref<32xi32, #tpu.memory_space<hbm>>
        %dma_start3A_500 = arith.constant 0 : i32
        %dma_start3A_501 = tpu.memref_slice %arg4[%arg0, %arg1, %add3A_252, %dma_start3A_500] : memref<2x16x320x32xi32, #tpu.memory_space<hbm>> -> memref<1x1x1x32xi32, #tpu.memory_space<hbm>>
        %dma_start3A_502 = tpu.memref_squeeze %dma_start3A_501 : memref<1x1x1x32xi32, #tpu.memory_space<hbm>> -> memref<32xi32, #tpu.memory_space<hbm>>
        tpu.enqueue_dma source(%dma_start3A_502 : memref<32xi32, #tpu.memory_space<hbm>>) target(%arg18 : memref<32xi32, #tpu.memory_space<vmem>>) target_semaphore(%arg48 : memref<!tpu.dma_semaphore, #tpu.memory_space<semaphore_mem>>)
      } else {
      }
      %mul3A_257 = arith.constant 10 : i32
      %mul3A_258 = arith.muli %add3A_233, %mul3A_257 : i32
      %add3A_259 = arith.constant 1 : i32
      %add3A_260 = arith.addi %mul3A_258, %add3A_259 : i32
      %dma_wait3A_261 = arith.constant 0 : i32
      %dma_wait3A_262 = arith.constant 0 : i32
      %dma_wait3A_263 = tpu.memref_slice %arg2[%dma_wait3A_261, %dma_wait3A_262] : memref<10000x128xf32, #tpu.memory_space<hbm>> -> memref<10000x128xf32, #tpu.memory_space<hbm>>
      tpu.wait_indirect_dma semaphore(%arg34 : memref<!tpu.dma_semaphore, #tpu.memory_space<semaphore_mem>>) src(%dma_wait3A_263 : memref<10000x128xf32, #tpu.memory_space<hbm>>) dst(%arg29 : memref<32x128xf32, #tpu.memory_space<vmem>>)
      %dma_wait3A_264 = arith.constant 0 : i32
      %dma_wait3A_265 = arith.constant 0 : i32
      %dma_wait3A_266 = tpu.memref_slice %arg4[%arg0, %arg1, %dma_wait3A_264, %dma_wait3A_265] : memref<2x16x320x32xi32, #tpu.memory_space<hbm>> -> memref<1x1x1x32xi32, #tpu.memory_space<hbm>>
      %dma_wait3A_267 = tpu.memref_squeeze %dma_wait3A_266 : memref<1x1x1x32xi32, #tpu.memory_space<hbm>> -> memref<32xi32, #tpu.memory_space<hbm>>
      %dma_wait3A_268 = arith.constant 0 : i32
      %dma_wait3A_269 = tpu.memref_slice %arg4[%arg0, %arg1, %dma_wait3A_264, %dma_wait3A_268] : memref<2x16x320x32xi32, #tpu.memory_space<hbm>> -> memref<1x1x1x32xi32, #tpu.memory_space<hbm>>
      %dma_wait3A_270 = tpu.memref_squeeze %dma_wait3A_269 : memref<1x1x1x32xi32, #tpu.memory_space<hbm>> -> memref<32xi32, #tpu.memory_space<hbm>>
      tpu.wait_dma2 semaphore(%arg49 : memref<!tpu.dma_semaphore, #tpu.memory_space<semaphore_mem>>) src(%dma_wait3A_270 : memref<32xi32, #tpu.memory_space<hbm>>) dst(%arg19 : memref<32xi32, #tpu.memory_space<vmem>>)
      "tpu.region"() ({
        %run_scoped3A = tpu.sem_alloc : memref<!tpu.dma_semaphore, #tpu.memory_space<semaphore_mem>>
        %dma_start3A_491 = arith.constant 0 : i32
        %dma_start3A_492 = arith.constant 0 : i32
        %dma_start3A_493 = tpu.memref_slice %arg7[%dma_start3A_491, %dma_start3A_492] : memref<10240x128xf32, #tpu.memory_space<vmem_shared>> -> memref<10240x128xf32, #tpu.memory_space<vmem_shared>>
        tpu.enqueue_indirect_dma source(%arg29 : memref<32x128xf32, #tpu.memory_space<vmem>>) target(%dma_start3A_493 : memref<10240x128xf32, #tpu.memory_space<vmem_shared>>) offsets(%arg19 : memref<32xi32, #tpu.memory_space<vmem>>) semaphore(%run_scoped3A : memref<!tpu.dma_semaphore, #tpu.memory_space<semaphore_mem>>) {add = true}
        %dma_wait3A_494 = arith.constant 0 : i32
        %dma_wait3A_495 = arith.constant 0 : i32
        %dma_wait3A_496 = tpu.memref_slice %arg7[%dma_wait3A_494, %dma_wait3A_495] : memref<10240x128xf32, #tpu.memory_space<vmem_shared>> -> memref<10240x128xf32, #tpu.memory_space<vmem_shared>>
        tpu.wait_indirect_dma semaphore(%run_scoped3A : memref<!tpu.dma_semaphore, #tpu.memory_space<semaphore_mem>>) src(%arg29 : memref<32x128xf32, #tpu.memory_space<vmem>>) dst(%dma_wait3A_496 : memref<10240x128xf32, #tpu.memory_space<vmem_shared>>)
        tpu.yield
      }) : () -> ()
      %add3A_271 = arith.constant 5 : i32
      %add3A_272 = arith.addi %add3A_260, %add3A_271 : i32
      %lt3A_273 = arith.cmpi slt, %add3A_272, %select_n3A : i32
      %convert_element_type3A_274 = arith.extui %lt3A_273 : i1 to i32
      %cond3A_275 = arith.constant 0 : i32
      %cond3A_276 = arith.cmpi ne, %convert_element_type3A_274, %cond3A_275 : i32
      scf.if %cond3A_276 {
        %dma_wait3A_491 = arith.constant 0 : i32
        %dma_wait3A_492 = arith.constant 0 : i32
        %dma_wait3A_493 = tpu.memref_slice %arg3[%arg0, %arg1, %dma_wait3A_491, %dma_wait3A_492] : memref<2x16x320x32xi32, #tpu.memory_space<hbm>> -> memref<1x1x1x32xi32, #tpu.memory_space<hbm>>
        %dma_wait3A_494 = tpu.memref_squeeze %dma_wait3A_493 : memref<1x1x1x32xi32, #tpu.memory_space<hbm>> -> memref<32xi32, #tpu.memory_space<hbm>>
        %dma_wait3A_495 = arith.constant 0 : i32
        %dma_wait3A_496 = tpu.memref_slice %arg3[%arg0, %arg1, %dma_wait3A_491, %dma_wait3A_495] : memref<2x16x320x32xi32, #tpu.memory_space<hbm>> -> memref<1x1x1x32xi32, #tpu.memory_space<hbm>>
        %dma_wait3A_497 = tpu.memref_squeeze %dma_wait3A_496 : memref<1x1x1x32xi32, #tpu.memory_space<hbm>> -> memref<32xi32, #tpu.memory_space<hbm>>
        tpu.wait_dma2 semaphore(%arg44 : memref<!tpu.dma_semaphore, #tpu.memory_space<semaphore_mem>>) src(%dma_wait3A_497 : memref<32xi32, #tpu.memory_space<hbm>>) dst(%arg14 : memref<32xi32, #tpu.memory_space<vmem>>)
        %dma_start3A_498 = arith.constant 0 : i32
        %dma_start3A_499 = arith.constant 0 : i32
        %dma_start3A_500 = tpu.memref_slice %arg2[%dma_start3A_498, %dma_start3A_499] : memref<10000x128xf32, #tpu.memory_space<hbm>> -> memref<10000x128xf32, #tpu.memory_space<hbm>>
        tpu.enqueue_indirect_dma source(%dma_start3A_500 : memref<10000x128xf32, #tpu.memory_space<hbm>>) target(%arg29 : memref<32x128xf32, #tpu.memory_space<vmem>>) offsets(%arg14 : memref<32xi32, #tpu.memory_space<vmem>>) semaphore(%arg34 : memref<!tpu.dma_semaphore, #tpu.memory_space<semaphore_mem>>)
      } else {
      }
      %add3A_277 = arith.constant 10 : i32
      %add3A_278 = arith.addi %add3A_260, %add3A_277 : i32
      %lt3A_279 = arith.cmpi slt, %add3A_278, %select_n3A : i32
      %convert_element_type3A_280 = arith.extui %lt3A_279 : i1 to i32
      %cond3A_281 = arith.constant 0 : i32
      %cond3A_282 = arith.cmpi ne, %convert_element_type3A_280, %cond3A_281 : i32
      scf.if %cond3A_282 {
        %dma_start3A_491 = arith.constant 0 : i32
        %dma_start3A_492 = tpu.memref_slice %arg3[%arg0, %arg1, %add3A_278, %dma_start3A_491] : memref<2x16x320x32xi32, #tpu.memory_space<hbm>> -> memref<1x1x1x32xi32, #tpu.memory_space<hbm>>
        %dma_start3A_493 = tpu.memref_squeeze %dma_start3A_492 : memref<1x1x1x32xi32, #tpu.memory_space<hbm>> -> memref<32xi32, #tpu.memory_space<hbm>>
        %dma_start3A_494 = arith.constant 0 : i32
        %dma_start3A_495 = tpu.memref_slice %arg3[%arg0, %arg1, %add3A_278, %dma_start3A_494] : memref<2x16x320x32xi32, #tpu.memory_space<hbm>> -> memref<1x1x1x32xi32, #tpu.memory_space<hbm>>
        %dma_start3A_496 = tpu.memref_squeeze %dma_start3A_495 : memref<1x1x1x32xi32, #tpu.memory_space<hbm>> -> memref<32xi32, #tpu.memory_space<hbm>>
        tpu.enqueue_dma source(%dma_start3A_496 : memref<32xi32, #tpu.memory_space<hbm>>) target(%arg9 : memref<32xi32, #tpu.memory_space<vmem>>) target_semaphore(%arg39 : memref<!tpu.dma_semaphore, #tpu.memory_space<semaphore_mem>>)
        %dma_start3A_497 = arith.constant 0 : i32
        %dma_start3A_498 = tpu.memref_slice %arg4[%arg0, %arg1, %add3A_278, %dma_start3A_497] : memref<2x16x320x32xi32, #tpu.memory_space<hbm>> -> memref<1x1x1x32xi32, #tpu.memory_space<hbm>>
        %dma_start3A_499 = tpu.memref_squeeze %dma_start3A_498 : memref<1x1x1x32xi32, #tpu.memory_space<hbm>> -> memref<32xi32, #tpu.memory_space<hbm>>
        %dma_start3A_500 = arith.constant 0 : i32
        %dma_start3A_501 = tpu.memref_slice %arg4[%arg0, %arg1, %add3A_278, %dma_start3A_500] : memref<2x16x320x32xi32, #tpu.memory_space<hbm>> -> memref<1x1x1x32xi32, #tpu.memory_space<hbm>>
        %dma_start3A_502 = tpu.memref_squeeze %dma_start3A_501 : memref<1x1x1x32xi32, #tpu.memory_space<hbm>> -> memref<32xi32, #tpu.memory_space<hbm>>
        tpu.enqueue_dma source(%dma_start3A_502 : memref<32xi32, #tpu.memory_space<hbm>>) target(%arg19 : memref<32xi32, #tpu.memory_space<vmem>>) target_semaphore(%arg49 : memref<!tpu.dma_semaphore, #tpu.memory_space<semaphore_mem>>)
      } else {
      }
      %mul3A_283 = arith.constant 10 : i32
      %mul3A_284 = arith.muli %add3A_233, %mul3A_283 : i32
      %add3A_285 = arith.constant 2 : i32
      %add3A_286 = arith.addi %mul3A_284, %add3A_285 : i32
      %dma_wait3A_287 = arith.constant 0 : i32
      %dma_wait3A_288 = arith.constant 0 : i32
      %dma_wait3A_289 = tpu.memref_slice %arg2[%dma_wait3A_287, %dma_wait3A_288] : memref<10000x128xf32, #tpu.memory_space<hbm>> -> memref<10000x128xf32, #tpu.memory_space<hbm>>
      tpu.wait_indirect_dma semaphore(%arg35 : memref<!tpu.dma_semaphore, #tpu.memory_space<semaphore_mem>>) src(%dma_wait3A_289 : memref<10000x128xf32, #tpu.memory_space<hbm>>) dst(%arg30 : memref<32x128xf32, #tpu.memory_space<vmem>>)
      %dma_wait3A_290 = arith.constant 0 : i32
      %dma_wait3A_291 = arith.constant 0 : i32
      %dma_wait3A_292 = tpu.memref_slice %arg4[%arg0, %arg1, %dma_wait3A_290, %dma_wait3A_291] : memref<2x16x320x32xi32, #tpu.memory_space<hbm>> -> memref<1x1x1x32xi32, #tpu.memory_space<hbm>>
      %dma_wait3A_293 = tpu.memref_squeeze %dma_wait3A_292 : memref<1x1x1x32xi32, #tpu.memory_space<hbm>> -> memref<32xi32, #tpu.memory_space<hbm>>
      %dma_wait3A_294 = arith.constant 0 : i32
      %dma_wait3A_295 = tpu.memref_slice %arg4[%arg0, %arg1, %dma_wait3A_290, %dma_wait3A_294] : memref<2x16x320x32xi32, #tpu.memory_space<hbm>> -> memref<1x1x1x32xi32, #tpu.memory_space<hbm>>
      %dma_wait3A_296 = tpu.memref_squeeze %dma_wait3A_295 : memref<1x1x1x32xi32, #tpu.memory_space<hbm>> -> memref<32xi32, #tpu.memory_space<hbm>>
      tpu.wait_dma2 semaphore(%arg50 : memref<!tpu.dma_semaphore, #tpu.memory_space<semaphore_mem>>) src(%dma_wait3A_296 : memref<32xi32, #tpu.memory_space<hbm>>) dst(%arg20 : memref<32xi32, #tpu.memory_space<vmem>>)
      "tpu.region"() ({
        %run_scoped3A = tpu.sem_alloc : memref<!tpu.dma_semaphore, #tpu.memory_space<semaphore_mem>>
        %dma_start3A_491 = arith.constant 0 : i32
        %dma_start3A_492 = arith.constant 0 : i32
        %dma_start3A_493 = tpu.memref_slice %arg7[%dma_start3A_491, %dma_start3A_492] : memref<10240x128xf32, #tpu.memory_space<vmem_shared>> -> memref<10240x128xf32, #tpu.memory_space<vmem_shared>>
        tpu.enqueue_indirect_dma source(%arg30 : memref<32x128xf32, #tpu.memory_space<vmem>>) target(%dma_start3A_493 : memref<10240x128xf32, #tpu.memory_space<vmem_shared>>) offsets(%arg20 : memref<32xi32, #tpu.memory_space<vmem>>) semaphore(%run_scoped3A : memref<!tpu.dma_semaphore, #tpu.memory_space<semaphore_mem>>) {add = true}
        %dma_wait3A_494 = arith.constant 0 : i32
        %dma_wait3A_495 = arith.constant 0 : i32
        %dma_wait3A_496 = tpu.memref_slice %arg7[%dma_wait3A_494, %dma_wait3A_495] : memref<10240x128xf32, #tpu.memory_space<vmem_shared>> -> memref<10240x128xf32, #tpu.memory_space<vmem_shared>>
        tpu.wait_indirect_dma semaphore(%run_scoped3A : memref<!tpu.dma_semaphore, #tpu.memory_space<semaphore_mem>>) src(%arg30 : memref<32x128xf32, #tpu.memory_space<vmem>>) dst(%dma_wait3A_496 : memref<10240x128xf32, #tpu.memory_space<vmem_shared>>)
        tpu.yield
      }) : () -> ()
      %add3A_297 = arith.constant 5 : i32
      %add3A_298 = arith.addi %add3A_286, %add3A_297 : i32
      %lt3A_299 = arith.cmpi slt, %add3A_298, %select_n3A : i32
      %convert_element_type3A_300 = arith.extui %lt3A_299 : i1 to i32
      %cond3A_301 = arith.constant 0 : i32
      %cond3A_302 = arith.cmpi ne, %convert_element_type3A_300, %cond3A_301 : i32
      scf.if %cond3A_302 {
        %dma_wait3A_491 = arith.constant 0 : i32
        %dma_wait3A_492 = arith.constant 0 : i32
        %dma_wait3A_493 = tpu.memref_slice %arg3[%arg0, %arg1, %dma_wait3A_491, %dma_wait3A_492] : memref<2x16x320x32xi32, #tpu.memory_space<hbm>> -> memref<1x1x1x32xi32, #tpu.memory_space<hbm>>
        %dma_wait3A_494 = tpu.memref_squeeze %dma_wait3A_493 : memref<1x1x1x32xi32, #tpu.memory_space<hbm>> -> memref<32xi32, #tpu.memory_space<hbm>>
        %dma_wait3A_495 = arith.constant 0 : i32
        %dma_wait3A_496 = tpu.memref_slice %arg3[%arg0, %arg1, %dma_wait3A_491, %dma_wait3A_495] : memref<2x16x320x32xi32, #tpu.memory_space<hbm>> -> memref<1x1x1x32xi32, #tpu.memory_space<hbm>>
        %dma_wait3A_497 = tpu.memref_squeeze %dma_wait3A_496 : memref<1x1x1x32xi32, #tpu.memory_space<hbm>> -> memref<32xi32, #tpu.memory_space<hbm>>
        tpu.wait_dma2 semaphore(%arg45 : memref<!tpu.dma_semaphore, #tpu.memory_space<semaphore_mem>>) src(%dma_wait3A_497 : memref<32xi32, #tpu.memory_space<hbm>>) dst(%arg15 : memref<32xi32, #tpu.memory_space<vmem>>)
        %dma_start3A_498 = arith.constant 0 : i32
        %dma_start3A_499 = arith.constant 0 : i32
        %dma_start3A_500 = tpu.memref_slice %arg2[%dma_start3A_498, %dma_start3A_499] : memref<10000x128xf32, #tpu.memory_space<hbm>> -> memref<10000x128xf32, #tpu.memory_space<hbm>>
        tpu.enqueue_indirect_dma source(%dma_start3A_500 : memref<10000x128xf32, #tpu.memory_space<hbm>>) target(%arg30 : memref<32x128xf32, #tpu.memory_space<vmem>>) offsets(%arg15 : memref<32xi32, #tpu.memory_space<vmem>>) semaphore(%arg35 : memref<!tpu.dma_semaphore, #tpu.memory_space<semaphore_mem>>)
      } else {
      }
      %add3A_303 = arith.constant 10 : i32
      %add3A_304 = arith.addi %add3A_286, %add3A_303 : i32
      %lt3A_305 = arith.cmpi slt, %add3A_304, %select_n3A : i32
      %convert_element_type3A_306 = arith.extui %lt3A_305 : i1 to i32
      %cond3A_307 = arith.constant 0 : i32
      %cond3A_308 = arith.cmpi ne, %convert_element_type3A_306, %cond3A_307 : i32
      scf.if %cond3A_308 {
        %dma_start3A_491 = arith.constant 0 : i32
        %dma_start3A_492 = tpu.memref_slice %arg3[%arg0, %arg1, %add3A_304, %dma_start3A_491] : memref<2x16x320x32xi32, #tpu.memory_space<hbm>> -> memref<1x1x1x32xi32, #tpu.memory_space<hbm>>
        %dma_start3A_493 = tpu.memref_squeeze %dma_start3A_492 : memref<1x1x1x32xi32, #tpu.memory_space<hbm>> -> memref<32xi32, #tpu.memory_space<hbm>>
        %dma_start3A_494 = arith.constant 0 : i32
        %dma_start3A_495 = tpu.memref_slice %arg3[%arg0, %arg1, %add3A_304, %dma_start3A_494] : memref<2x16x320x32xi32, #tpu.memory_space<hbm>> -> memref<1x1x1x32xi32, #tpu.memory_space<hbm>>
        %dma_start3A_496 = tpu.memref_squeeze %dma_start3A_495 : memref<1x1x1x32xi32, #tpu.memory_space<hbm>> -> memref<32xi32, #tpu.memory_space<hbm>>
        tpu.enqueue_dma source(%dma_start3A_496 : memref<32xi32, #tpu.memory_space<hbm>>) target(%arg10 : memref<32xi32, #tpu.memory_space<vmem>>) target_semaphore(%arg40 : memref<!tpu.dma_semaphore, #tpu.memory_space<semaphore_mem>>)
        %dma_start3A_497 = arith.constant 0 : i32
        %dma_start3A_498 = tpu.memref_slice %arg4[%arg0, %arg1, %add3A_304, %dma_start3A_497] : memref<2x16x320x32xi32, #tpu.memory_space<hbm>> -> memref<1x1x1x32xi32, #tpu.memory_space<hbm>>
        %dma_start3A_499 = tpu.memref_squeeze %dma_start3A_498 : memref<1x1x1x32xi32, #tpu.memory_space<hbm>> -> memref<32xi32, #tpu.memory_space<hbm>>
        %dma_start3A_500 = arith.constant 0 : i32
        %dma_start3A_501 = tpu.memref_slice %arg4[%arg0, %arg1, %add3A_304, %dma_start3A_500] : memref<2x16x320x32xi32, #tpu.memory_space<hbm>> -> memref<1x1x1x32xi32, #tpu.memory_space<hbm>>
        %dma_start3A_502 = tpu.memref_squeeze %dma_start3A_501 : memref<1x1x1x32xi32, #tpu.memory_space<hbm>> -> memref<32xi32, #tpu.memory_space<hbm>>
        tpu.enqueue_dma source(%dma_start3A_502 : memref<32xi32, #tpu.memory_space<hbm>>) target(%arg20 : memref<32xi32, #tpu.memory_space<vmem>>) target_semaphore(%arg50 : memref<!tpu.dma_semaphore, #tpu.memory_space<semaphore_mem>>)
      } else {
      }
      %mul3A_309 = arith.constant 10 : i32
      %mul3A_310 = arith.muli %add3A_233, %mul3A_309 : i32
      %add3A_311 = arith.constant 3 : i32
      %add3A_312 = arith.addi %mul3A_310, %add3A_311 : i32
      %dma_wait3A_313 = arith.constant 0 : i32
      %dma_wait3A_314 = arith.constant 0 : i32
      %dma_wait3A_315 = tpu.memref_slice %arg2[%dma_wait3A_313, %dma_wait3A_314] : memref<10000x128xf32, #tpu.memory_space<hbm>> -> memref<10000x128xf32, #tpu.memory_space<hbm>>
      tpu.wait_indirect_dma semaphore(%arg36 : memref<!tpu.dma_semaphore, #tpu.memory_space<semaphore_mem>>) src(%dma_wait3A_315 : memref<10000x128xf32, #tpu.memory_space<hbm>>) dst(%arg31 : memref<32x128xf32, #tpu.memory_space<vmem>>)
      %dma_wait3A_316 = arith.constant 0 : i32
      %dma_wait3A_317 = arith.constant 0 : i32
      %dma_wait3A_318 = tpu.memref_slice %arg4[%arg0, %arg1, %dma_wait3A_316, %dma_wait3A_317] : memref<2x16x320x32xi32, #tpu.memory_space<hbm>> -> memref<1x1x1x32xi32, #tpu.memory_space<hbm>>
      %dma_wait3A_319 = tpu.memref_squeeze %dma_wait3A_318 : memref<1x1x1x32xi32, #tpu.memory_space<hbm>> -> memref<32xi32, #tpu.memory_space<hbm>>
      %dma_wait3A_320 = arith.constant 0 : i32
      %dma_wait3A_321 = tpu.memref_slice %arg4[%arg0, %arg1, %dma_wait3A_316, %dma_wait3A_320] : memref<2x16x320x32xi32, #tpu.memory_space<hbm>> -> memref<1x1x1x32xi32, #tpu.memory_space<hbm>>
      %dma_wait3A_322 = tpu.memref_squeeze %dma_wait3A_321 : memref<1x1x1x32xi32, #tpu.memory_space<hbm>> -> memref<32xi32, #tpu.memory_space<hbm>>
      tpu.wait_dma2 semaphore(%arg51 : memref<!tpu.dma_semaphore, #tpu.memory_space<semaphore_mem>>) src(%dma_wait3A_322 : memref<32xi32, #tpu.memory_space<hbm>>) dst(%arg21 : memref<32xi32, #tpu.memory_space<vmem>>)
      "tpu.region"() ({
        %run_scoped3A = tpu.sem_alloc : memref<!tpu.dma_semaphore, #tpu.memory_space<semaphore_mem>>
        %dma_start3A_491 = arith.constant 0 : i32
        %dma_start3A_492 = arith.constant 0 : i32
        %dma_start3A_493 = tpu.memref_slice %arg7[%dma_start3A_491, %dma_start3A_492] : memref<10240x128xf32, #tpu.memory_space<vmem_shared>> -> memref<10240x128xf32, #tpu.memory_space<vmem_shared>>
        tpu.enqueue_indirect_dma source(%arg31 : memref<32x128xf32, #tpu.memory_space<vmem>>) target(%dma_start3A_493 : memref<10240x128xf32, #tpu.memory_space<vmem_shared>>) offsets(%arg21 : memref<32xi32, #tpu.memory_space<vmem>>) semaphore(%run_scoped3A : memref<!tpu.dma_semaphore, #tpu.memory_space<semaphore_mem>>) {add = true}
        %dma_wait3A_494 = arith.constant 0 : i32
        %dma_wait3A_495 = arith.constant 0 : i32
        %dma_wait3A_496 = tpu.memref_slice %arg7[%dma_wait3A_494, %dma_wait3A_495] : memref<10240x128xf32, #tpu.memory_space<vmem_shared>> -> memref<10240x128xf32, #tpu.memory_space<vmem_shared>>
        tpu.wait_indirect_dma semaphore(%run_scoped3A : memref<!tpu.dma_semaphore, #tpu.memory_space<semaphore_mem>>) src(%arg31 : memref<32x128xf32, #tpu.memory_space<vmem>>) dst(%dma_wait3A_496 : memref<10240x128xf32, #tpu.memory_space<vmem_shared>>)
        tpu.yield
      }) : () -> ()
      %add3A_323 = arith.constant 5 : i32
      %add3A_324 = arith.addi %add3A_312, %add3A_323 : i32
      %lt3A_325 = arith.cmpi slt, %add3A_324, %select_n3A : i32
      %convert_element_type3A_326 = arith.extui %lt3A_325 : i1 to i32
      %cond3A_327 = arith.constant 0 : i32
      %cond3A_328 = arith.cmpi ne, %convert_element_type3A_326, %cond3A_327 : i32
      scf.if %cond3A_328 {
        %dma_wait3A_491 = arith.constant 0 : i32
        %dma_wait3A_492 = arith.constant 0 : i32
        %dma_wait3A_493 = tpu.memref_slice %arg3[%arg0, %arg1, %dma_wait3A_491, %dma_wait3A_492] : memref<2x16x320x32xi32, #tpu.memory_space<hbm>> -> memref<1x1x1x32xi32, #tpu.memory_space<hbm>>
        %dma_wait3A_494 = tpu.memref_squeeze %dma_wait3A_493 : memref<1x1x1x32xi32, #tpu.memory_space<hbm>> -> memref<32xi32, #tpu.memory_space<hbm>>
        %dma_wait3A_495 = arith.constant 0 : i32
        %dma_wait3A_496 = tpu.memref_slice %arg3[%arg0, %arg1, %dma_wait3A_491, %dma_wait3A_495] : memref<2x16x320x32xi32, #tpu.memory_space<hbm>> -> memref<1x1x1x32xi32, #tpu.memory_space<hbm>>
        %dma_wait3A_497 = tpu.memref_squeeze %dma_wait3A_496 : memref<1x1x1x32xi32, #tpu.memory_space<hbm>> -> memref<32xi32, #tpu.memory_space<hbm>>
        tpu.wait_dma2 semaphore(%arg46 : memref<!tpu.dma_semaphore, #tpu.memory_space<semaphore_mem>>) src(%dma_wait3A_497 : memref<32xi32, #tpu.memory_space<hbm>>) dst(%arg16 : memref<32xi32, #tpu.memory_space<vmem>>)
        %dma_start3A_498 = arith.constant 0 : i32
        %dma_start3A_499 = arith.constant 0 : i32
        %dma_start3A_500 = tpu.memref_slice %arg2[%dma_start3A_498, %dma_start3A_499] : memref<10000x128xf32, #tpu.memory_space<hbm>> -> memref<10000x128xf32, #tpu.memory_space<hbm>>
        tpu.enqueue_indirect_dma source(%dma_start3A_500 : memref<10000x128xf32, #tpu.memory_space<hbm>>) target(%arg31 : memref<32x128xf32, #tpu.memory_space<vmem>>) offsets(%arg16 : memref<32xi32, #tpu.memory_space<vmem>>) semaphore(%arg36 : memref<!tpu.dma_semaphore, #tpu.memory_space<semaphore_mem>>)
      } else {
      }
      %add3A_329 = arith.constant 10 : i32
      %add3A_330 = arith.addi %add3A_312, %add3A_329 : i32
      %lt3A_331 = arith.cmpi slt, %add3A_330, %select_n3A : i32
      %convert_element_type3A_332 = arith.extui %lt3A_331 : i1 to i32
      %cond3A_333 = arith.constant 0 : i32
      %cond3A_334 = arith.cmpi ne, %convert_element_type3A_332, %cond3A_333 : i32
      scf.if %cond3A_334 {
        %dma_start3A_491 = arith.constant 0 : i32
        %dma_start3A_492 = tpu.memref_slice %arg3[%arg0, %arg1, %add3A_330, %dma_start3A_491] : memref<2x16x320x32xi32, #tpu.memory_space<hbm>> -> memref<1x1x1x32xi32, #tpu.memory_space<hbm>>
        %dma_start3A_493 = tpu.memref_squeeze %dma_start3A_492 : memref<1x1x1x32xi32, #tpu.memory_space<hbm>> -> memref<32xi32, #tpu.memory_space<hbm>>
        %dma_start3A_494 = arith.constant 0 : i32
        %dma_start3A_495 = tpu.memref_slice %arg3[%arg0, %arg1, %add3A_330, %dma_start3A_494] : memref<2x16x320x32xi32, #tpu.memory_space<hbm>> -> memref<1x1x1x32xi32, #tpu.memory_space<hbm>>
        %dma_start3A_496 = tpu.memref_squeeze %dma_start3A_495 : memref<1x1x1x32xi32, #tpu.memory_space<hbm>> -> memref<32xi32, #tpu.memory_space<hbm>>
        tpu.enqueue_dma source(%dma_start3A_496 : memref<32xi32, #tpu.memory_space<hbm>>) target(%arg11 : memref<32xi32, #tpu.memory_space<vmem>>) target_semaphore(%arg41 : memref<!tpu.dma_semaphore, #tpu.memory_space<semaphore_mem>>)
        %dma_start3A_497 = arith.constant 0 : i32
        %dma_start3A_498 = tpu.memref_slice %arg4[%arg0, %arg1, %add3A_330, %dma_start3A_497] : memref<2x16x320x32xi32, #tpu.memory_space<hbm>> -> memref<1x1x1x32xi32, #tpu.memory_space<hbm>>
        %dma_start3A_499 = tpu.memref_squeeze %dma_start3A_498 : memref<1x1x1x32xi32, #tpu.memory_space<hbm>> -> memref<32xi32, #tpu.memory_space<hbm>>
        %dma_start3A_500 = arith.constant 0 : i32
        %dma_start3A_501 = tpu.memref_slice %arg4[%arg0, %arg1, %add3A_330, %dma_start3A_500] : memref<2x16x320x32xi32, #tpu.memory_space<hbm>> -> memref<1x1x1x32xi32, #tpu.memory_space<hbm>>
        %dma_start3A_502 = tpu.memref_squeeze %dma_start3A_501 : memref<1x1x1x32xi32, #tpu.memory_space<hbm>> -> memref<32xi32, #tpu.memory_space<hbm>>
        tpu.enqueue_dma source(%dma_start3A_502 : memref<32xi32, #tpu.memory_space<hbm>>) target(%arg21 : memref<32xi32, #tpu.memory_space<vmem>>) target_semaphore(%arg51 : memref<!tpu.dma_semaphore, #tpu.memory_space<semaphore_mem>>)
      } else {
      }
      %mul3A_335 = arith.constant 10 : i32
      %mul3A_336 = arith.muli %add3A_233, %mul3A_335 : i32
      %add3A_337 = arith.constant 4 : i32
      %add3A_338 = arith.addi %mul3A_336, %add3A_337 : i32
      %dma_wait3A_339 = arith.constant 0 : i32
      %dma_wait3A_340 = arith.constant 0 : i32
      %dma_wait3A_341 = tpu.memref_slice %arg2[%dma_wait3A_339, %dma_wait3A_340] : memref<10000x128xf32, #tpu.memory_space<hbm>> -> memref<10000x128xf32, #tpu.memory_space<hbm>>
      tpu.wait_indirect_dma semaphore(%arg37 : memref<!tpu.dma_semaphore, #tpu.memory_space<semaphore_mem>>) src(%dma_wait3A_341 : memref<10000x128xf32, #tpu.memory_space<hbm>>) dst(%arg32 : memref<32x128xf32, #tpu.memory_space<vmem>>)
      %dma_wait3A_342 = arith.constant 0 : i32
      %dma_wait3A_343 = arith.constant 0 : i32
      %dma_wait3A_344 = tpu.memref_slice %arg4[%arg0, %arg1, %dma_wait3A_342, %dma_wait3A_343] : memref<2x16x320x32xi32, #tpu.memory_space<hbm>> -> memref<1x1x1x32xi32, #tpu.memory_space<hbm>>
      %dma_wait3A_345 = tpu.memref_squeeze %dma_wait3A_344 : memref<1x1x1x32xi32, #tpu.memory_space<hbm>> -> memref<32xi32, #tpu.memory_space<hbm>>
      %dma_wait3A_346 = arith.constant 0 : i32
      %dma_wait3A_347 = tpu.memref_slice %arg4[%arg0, %arg1, %dma_wait3A_342, %dma_wait3A_346] : memref<2x16x320x32xi32, #tpu.memory_space<hbm>> -> memref<1x1x1x32xi32, #tpu.memory_space<hbm>>
      %dma_wait3A_348 = tpu.memref_squeeze %dma_wait3A_347 : memref<1x1x1x32xi32, #tpu.memory_space<hbm>> -> memref<32xi32, #tpu.memory_space<hbm>>
      tpu.wait_dma2 semaphore(%arg52 : memref<!tpu.dma_semaphore, #tpu.memory_space<semaphore_mem>>) src(%dma_wait3A_348 : memref<32xi32, #tpu.memory_space<hbm>>) dst(%arg22 : memref<32xi32, #tpu.memory_space<vmem>>)
      "tpu.region"() ({
        %run_scoped3A = tpu.sem_alloc : memref<!tpu.dma_semaphore, #tpu.memory_space<semaphore_mem>>
        %dma_start3A_491 = arith.constant 0 : i32
        %dma_start3A_492 = arith.constant 0 : i32
        %dma_start3A_493 = tpu.memref_slice %arg7[%dma_start3A_491, %dma_start3A_492] : memref<10240x128xf32, #tpu.memory_space<vmem_shared>> -> memref<10240x128xf32, #tpu.memory_space<vmem_shared>>
        tpu.enqueue_indirect_dma source(%arg32 : memref<32x128xf32, #tpu.memory_space<vmem>>) target(%dma_start3A_493 : memref<10240x128xf32, #tpu.memory_space<vmem_shared>>) offsets(%arg22 : memref<32xi32, #tpu.memory_space<vmem>>) semaphore(%run_scoped3A : memref<!tpu.dma_semaphore, #tpu.memory_space<semaphore_mem>>) {add = true}
        %dma_wait3A_494 = arith.constant 0 : i32
        %dma_wait3A_495 = arith.constant 0 : i32
        %dma_wait3A_496 = tpu.memref_slice %arg7[%dma_wait3A_494, %dma_wait3A_495] : memref<10240x128xf32, #tpu.memory_space<vmem_shared>> -> memref<10240x128xf32, #tpu.memory_space<vmem_shared>>
        tpu.wait_indirect_dma semaphore(%run_scoped3A : memref<!tpu.dma_semaphore, #tpu.memory_space<semaphore_mem>>) src(%arg32 : memref<32x128xf32, #tpu.memory_space<vmem>>) dst(%dma_wait3A_496 : memref<10240x128xf32, #tpu.memory_space<vmem_shared>>)
        tpu.yield
      }) : () -> ()
      %add3A_349 = arith.constant 5 : i32
      %add3A_350 = arith.addi %add3A_338, %add3A_349 : i32
      %lt3A_351 = arith.cmpi slt, %add3A_350, %select_n3A : i32
      %convert_element_type3A_352 = arith.extui %lt3A_351 : i1 to i32
      %cond3A_353 = arith.constant 0 : i32
      %cond3A_354 = arith.cmpi ne, %convert_element_type3A_352, %cond3A_353 : i32
      scf.if %cond3A_354 {
        %dma_wait3A_491 = arith.constant 0 : i32
        %dma_wait3A_492 = arith.constant 0 : i32
        %dma_wait3A_493 = tpu.memref_slice %arg3[%arg0, %arg1, %dma_wait3A_491, %dma_wait3A_492] : memref<2x16x320x32xi32, #tpu.memory_space<hbm>> -> memref<1x1x1x32xi32, #tpu.memory_space<hbm>>
        %dma_wait3A_494 = tpu.memref_squeeze %dma_wait3A_493 : memref<1x1x1x32xi32, #tpu.memory_space<hbm>> -> memref<32xi32, #tpu.memory_space<hbm>>
        %dma_wait3A_495 = arith.constant 0 : i32
        %dma_wait3A_496 = tpu.memref_slice %arg3[%arg0, %arg1, %dma_wait3A_491, %dma_wait3A_495] : memref<2x16x320x32xi32, #tpu.memory_space<hbm>> -> memref<1x1x1x32xi32, #tpu.memory_space<hbm>>
        %dma_wait3A_497 = tpu.memref_squeeze %dma_wait3A_496 : memref<1x1x1x32xi32, #tpu.memory_space<hbm>> -> memref<32xi32, #tpu.memory_space<hbm>>
        tpu.wait_dma2 semaphore(%arg47 : memref<!tpu.dma_semaphore, #tpu.memory_space<semaphore_mem>>) src(%dma_wait3A_497 : memref<32xi32, #tpu.memory_space<hbm>>) dst(%arg17 : memref<32xi32, #tpu.memory_space<vmem>>)
        %dma_start3A_498 = arith.constant 0 : i32
        %dma_start3A_499 = arith.constant 0 : i32
        %dma_start3A_500 = tpu.memref_slice %arg2[%dma_start3A_498, %dma_start3A_499] : memref<10000x128xf32, #tpu.memory_space<hbm>> -> memref<10000x128xf32, #tpu.memory_space<hbm>>
        tpu.enqueue_indirect_dma source(%dma_start3A_500 : memref<10000x128xf32, #tpu.memory_space<hbm>>) target(%arg32 : memref<32x128xf32, #tpu.memory_space<vmem>>) offsets(%arg17 : memref<32xi32, #tpu.memory_space<vmem>>) semaphore(%arg37 : memref<!tpu.dma_semaphore, #tpu.memory_space<semaphore_mem>>)
      } else {
      }
      %add3A_355 = arith.constant 10 : i32
      %add3A_356 = arith.addi %add3A_338, %add3A_355 : i32
      %lt3A_357 = arith.cmpi slt, %add3A_356, %select_n3A : i32
      %convert_element_type3A_358 = arith.extui %lt3A_357 : i1 to i32
      %cond3A_359 = arith.constant 0 : i32
      %cond3A_360 = arith.cmpi ne, %convert_element_type3A_358, %cond3A_359 : i32
      scf.if %cond3A_360 {
        %dma_start3A_491 = arith.constant 0 : i32
        %dma_start3A_492 = tpu.memref_slice %arg3[%arg0, %arg1, %add3A_356, %dma_start3A_491] : memref<2x16x320x32xi32, #tpu.memory_space<hbm>> -> memref<1x1x1x32xi32, #tpu.memory_space<hbm>>
        %dma_start3A_493 = tpu.memref_squeeze %dma_start3A_492 : memref<1x1x1x32xi32, #tpu.memory_space<hbm>> -> memref<32xi32, #tpu.memory_space<hbm>>
        %dma_start3A_494 = arith.constant 0 : i32
        %dma_start3A_495 = tpu.memref_slice %arg3[%arg0, %arg1, %add3A_356, %dma_start3A_494] : memref<2x16x320x32xi32, #tpu.memory_space<hbm>> -> memref<1x1x1x32xi32, #tpu.memory_space<hbm>>
        %dma_start3A_496 = tpu.memref_squeeze %dma_start3A_495 : memref<1x1x1x32xi32, #tpu.memory_space<hbm>> -> memref<32xi32, #tpu.memory_space<hbm>>
        tpu.enqueue_dma source(%dma_start3A_496 : memref<32xi32, #tpu.memory_space<hbm>>) target(%arg12 : memref<32xi32, #tpu.memory_space<vmem>>) target_semaphore(%arg42 : memref<!tpu.dma_semaphore, #tpu.memory_space<semaphore_mem>>)
        %dma_start3A_497 = arith.constant 0 : i32
        %dma_start3A_498 = tpu.memref_slice %arg4[%arg0, %arg1, %add3A_356, %dma_start3A_497] : memref<2x16x320x32xi32, #tpu.memory_space<hbm>> -> memref<1x1x1x32xi32, #tpu.memory_space<hbm>>
        %dma_start3A_499 = tpu.memref_squeeze %dma_start3A_498 : memref<1x1x1x32xi32, #tpu.memory_space<hbm>> -> memref<32xi32, #tpu.memory_space<hbm>>
        %dma_start3A_500 = arith.constant 0 : i32
        %dma_start3A_501 = tpu.memref_slice %arg4[%arg0, %arg1, %add3A_356, %dma_start3A_500] : memref<2x16x320x32xi32, #tpu.memory_space<hbm>> -> memref<1x1x1x32xi32, #tpu.memory_space<hbm>>
        %dma_start3A_502 = tpu.memref_squeeze %dma_start3A_501 : memref<1x1x1x32xi32, #tpu.memory_space<hbm>> -> memref<32xi32, #tpu.memory_space<hbm>>
        tpu.enqueue_dma source(%dma_start3A_502 : memref<32xi32, #tpu.memory_space<hbm>>) target(%arg22 : memref<32xi32, #tpu.memory_space<vmem>>) target_semaphore(%arg52 : memref<!tpu.dma_semaphore, #tpu.memory_space<semaphore_mem>>)
      } else {
      }
      %mul3A_361 = arith.constant 10 : i32
      %mul3A_362 = arith.muli %add3A_233, %mul3A_361 : i32
      %add3A_363 = arith.constant 5 : i32
      %add3A_364 = arith.addi %mul3A_362, %add3A_363 : i32
      %dma_wait3A_365 = arith.constant 0 : i32
      %dma_wait3A_366 = arith.constant 0 : i32
      %dma_wait3A_367 = tpu.memref_slice %arg2[%dma_wait3A_365, %dma_wait3A_366] : memref<10000x128xf32, #tpu.memory_space<hbm>> -> memref<10000x128xf32, #tpu.memory_space<hbm>>
      tpu.wait_indirect_dma semaphore(%arg33 : memref<!tpu.dma_semaphore, #tpu.memory_space<semaphore_mem>>) src(%dma_wait3A_367 : memref<10000x128xf32, #tpu.memory_space<hbm>>) dst(%arg28 : memref<32x128xf32, #tpu.memory_space<vmem>>)
      %dma_wait3A_368 = arith.constant 0 : i32
      %dma_wait3A_369 = arith.constant 0 : i32
      %dma_wait3A_370 = tpu.memref_slice %arg4[%arg0, %arg1, %dma_wait3A_368, %dma_wait3A_369] : memref<2x16x320x32xi32, #tpu.memory_space<hbm>> -> memref<1x1x1x32xi32, #tpu.memory_space<hbm>>
      %dma_wait3A_371 = tpu.memref_squeeze %dma_wait3A_370 : memref<1x1x1x32xi32, #tpu.memory_space<hbm>> -> memref<32xi32, #tpu.memory_space<hbm>>
      %dma_wait3A_372 = arith.constant 0 : i32
      %dma_wait3A_373 = tpu.memref_slice %arg4[%arg0, %arg1, %dma_wait3A_368, %dma_wait3A_372] : memref<2x16x320x32xi32, #tpu.memory_space<hbm>> -> memref<1x1x1x32xi32, #tpu.memory_space<hbm>>
      %dma_wait3A_374 = tpu.memref_squeeze %dma_wait3A_373 : memref<1x1x1x32xi32, #tpu.memory_space<hbm>> -> memref<32xi32, #tpu.memory_space<hbm>>
      tpu.wait_dma2 semaphore(%arg53 : memref<!tpu.dma_semaphore, #tpu.memory_space<semaphore_mem>>) src(%dma_wait3A_374 : memref<32xi32, #tpu.memory_space<hbm>>) dst(%arg23 : memref<32xi32, #tpu.memory_space<vmem>>)
      "tpu.region"() ({
        %run_scoped3A = tpu.sem_alloc : memref<!tpu.dma_semaphore, #tpu.memory_space<semaphore_mem>>
        %dma_start3A_491 = arith.constant 0 : i32
        %dma_start3A_492 = arith.constant 0 : i32
        %dma_start3A_493 = tpu.memref_slice %arg7[%dma_start3A_491, %dma_start3A_492] : memref<10240x128xf32, #tpu.memory_space<vmem_shared>> -> memref<10240x128xf32, #tpu.memory_space<vmem_shared>>
        tpu.enqueue_indirect_dma source(%arg28 : memref<32x128xf32, #tpu.memory_space<vmem>>) target(%dma_start3A_493 : memref<10240x128xf32, #tpu.memory_space<vmem_shared>>) offsets(%arg23 : memref<32xi32, #tpu.memory_space<vmem>>) semaphore(%run_scoped3A : memref<!tpu.dma_semaphore, #tpu.memory_space<semaphore_mem>>) {add = true}
        %dma_wait3A_494 = arith.constant 0 : i32
        %dma_wait3A_495 = arith.constant 0 : i32
        %dma_wait3A_496 = tpu.memref_slice %arg7[%dma_wait3A_494, %dma_wait3A_495] : memref<10240x128xf32, #tpu.memory_space<vmem_shared>> -> memref<10240x128xf32, #tpu.memory_space<vmem_shared>>
        tpu.wait_indirect_dma semaphore(%run_scoped3A : memref<!tpu.dma_semaphore, #tpu.memory_space<semaphore_mem>>) src(%arg28 : memref<32x128xf32, #tpu.memory_space<vmem>>) dst(%dma_wait3A_496 : memref<10240x128xf32, #tpu.memory_space<vmem_shared>>)
        tpu.yield
      }) : () -> ()
      %add3A_375 = arith.constant 5 : i32
      %add3A_376 = arith.addi %add3A_364, %add3A_375 : i32
      %lt3A_377 = arith.cmpi slt, %add3A_376, %select_n3A : i32
      %convert_element_type3A_378 = arith.extui %lt3A_377 : i1 to i32
      %cond3A_379 = arith.constant 0 : i32
      %cond3A_380 = arith.cmpi ne, %convert_element_type3A_378, %cond3A_379 : i32
      scf.if %cond3A_380 {
        %dma_wait3A_491 = arith.constant 0 : i32
        %dma_wait3A_492 = arith.constant 0 : i32
        %dma_wait3A_493 = tpu.memref_slice %arg3[%arg0, %arg1, %dma_wait3A_491, %dma_wait3A_492] : memref<2x16x320x32xi32, #tpu.memory_space<hbm>> -> memref<1x1x1x32xi32, #tpu.memory_space<hbm>>
        %dma_wait3A_494 = tpu.memref_squeeze %dma_wait3A_493 : memref<1x1x1x32xi32, #tpu.memory_space<hbm>> -> memref<32xi32, #tpu.memory_space<hbm>>
        %dma_wait3A_495 = arith.constant 0 : i32
        %dma_wait3A_496 = tpu.memref_slice %arg3[%arg0, %arg1, %dma_wait3A_491, %dma_wait3A_495] : memref<2x16x320x32xi32, #tpu.memory_space<hbm>> -> memref<1x1x1x32xi32, #tpu.memory_space<hbm>>
        %dma_wait3A_497 = tpu.memref_squeeze %dma_wait3A_496 : memref<1x1x1x32xi32, #tpu.memory_space<hbm>> -> memref<32xi32, #tpu.memory_space<hbm>>
        tpu.wait_dma2 semaphore(%arg38 : memref<!tpu.dma_semaphore, #tpu.memory_space<semaphore_mem>>) src(%dma_wait3A_497 : memref<32xi32, #tpu.memory_space<hbm>>) dst(%arg8 : memref<32xi32, #tpu.memory_space<vmem>>)
        %dma_start3A_498 = arith.constant 0 : i32
        %dma_start3A_499 = arith.constant 0 : i32
        %dma_start3A_500 = tpu.memref_slice %arg2[%dma_start3A_498, %dma_start3A_499] : memref<10000x128xf32, #tpu.memory_space<hbm>> -> memref<10000x128xf32, #tpu.memory_space<hbm>>
        tpu.enqueue_indirect_dma source(%dma_start3A_500 : memref<10000x128xf32, #tpu.memory_space<hbm>>) target(%arg28 : memref<32x128xf32, #tpu.memory_space<vmem>>) offsets(%arg8 : memref<32xi32, #tpu.memory_space<vmem>>) semaphore(%arg33 : memref<!tpu.dma_semaphore, #tpu.memory_space<semaphore_mem>>)
      } else {
      }
      %add3A_381 = arith.constant 10 : i32
      %add3A_382 = arith.addi %add3A_364, %add3A_381 : i32
      %lt3A_383 = arith.cmpi slt, %add3A_382, %select_n3A : i32
      %convert_element_type3A_384 = arith.extui %lt3A_383 : i1 to i32
      %cond3A_385 = arith.constant 0 : i32
      %cond3A_386 = arith.cmpi ne, %convert_element_type3A_384, %cond3A_385 : i32
      scf.if %cond3A_386 {
        %dma_start3A_491 = arith.constant 0 : i32
        %dma_start3A_492 = tpu.memref_slice %arg3[%arg0, %arg1, %add3A_382, %dma_start3A_491] : memref<2x16x320x32xi32, #tpu.memory_space<hbm>> -> memref<1x1x1x32xi32, #tpu.memory_space<hbm>>
        %dma_start3A_493 = tpu.memref_squeeze %dma_start3A_492 : memref<1x1x1x32xi32, #tpu.memory_space<hbm>> -> memref<32xi32, #tpu.memory_space<hbm>>
        %dma_start3A_494 = arith.constant 0 : i32
        %dma_start3A_495 = tpu.memref_slice %arg3[%arg0, %arg1, %add3A_382, %dma_start3A_494] : memref<2x16x320x32xi32, #tpu.memory_space<hbm>> -> memref<1x1x1x32xi32, #tpu.memory_space<hbm>>
        %dma_start3A_496 = tpu.memref_squeeze %dma_start3A_495 : memref<1x1x1x32xi32, #tpu.memory_space<hbm>> -> memref<32xi32, #tpu.memory_space<hbm>>
        tpu.enqueue_dma source(%dma_start3A_496 : memref<32xi32, #tpu.memory_space<hbm>>) target(%arg13 : memref<32xi32, #tpu.memory_space<vmem>>) target_semaphore(%arg43 : memref<!tpu.dma_semaphore, #tpu.memory_space<semaphore_mem>>)
        %dma_start3A_497 = arith.constant 0 : i32
        %dma_start3A_498 = tpu.memref_slice %arg4[%arg0, %arg1, %add3A_382, %dma_start3A_497] : memref<2x16x320x32xi32, #tpu.memory_space<hbm>> -> memref<1x1x1x32xi32, #tpu.memory_space<hbm>>
        %dma_start3A_499 = tpu.memref_squeeze %dma_start3A_498 : memref<1x1x1x32xi32, #tpu.memory_space<hbm>> -> memref<32xi32, #tpu.memory_space<hbm>>
        %dma_start3A_500 = arith.constant 0 : i32
        %dma_start3A_501 = tpu.memref_slice %arg4[%arg0, %arg1, %add3A_382, %dma_start3A_500] : memref<2x16x320x32xi32, #tpu.memory_space<hbm>> -> memref<1x1x1x32xi32, #tpu.memory_space<hbm>>
        %dma_start3A_502 = tpu.memref_squeeze %dma_start3A_501 : memref<1x1x1x32xi32, #tpu.memory_space<hbm>> -> memref<32xi32, #tpu.memory_space<hbm>>
        tpu.enqueue_dma source(%dma_start3A_502 : memref<32xi32, #tpu.memory_space<hbm>>) target(%arg23 : memref<32xi32, #tpu.memory_space<vmem>>) target_semaphore(%arg53 : memref<!tpu.dma_semaphore, #tpu.memory_space<semaphore_mem>>)
      } else {
      }
      %mul3A_387 = arith.constant 10 : i32
      %mul3A_388 = arith.muli %add3A_233, %mul3A_387 : i32
      %add3A_389 = arith.constant 6 : i32
      %add3A_390 = arith.addi %mul3A_388, %add3A_389 : i32
      %dma_wait3A_391 = arith.constant 0 : i32
      %dma_wait3A_392 = arith.constant 0 : i32
      %dma_wait3A_393 = tpu.memref_slice %arg2[%dma_wait3A_391, %dma_wait3A_392] : memref<10000x128xf32, #tpu.memory_space<hbm>> -> memref<10000x128xf32, #tpu.memory_space<hbm>>
      tpu.wait_indirect_dma semaphore(%arg34 : memref<!tpu.dma_semaphore, #tpu.memory_space<semaphore_mem>>) src(%dma_wait3A_393 : memref<10000x128xf32, #tpu.memory_space<hbm>>) dst(%arg29 : memref<32x128xf32, #tpu.memory_space<vmem>>)
      %dma_wait3A_394 = arith.constant 0 : i32
      %dma_wait3A_395 = arith.constant 0 : i32
      %dma_wait3A_396 = tpu.memref_slice %arg4[%arg0, %arg1, %dma_wait3A_394, %dma_wait3A_395] : memref<2x16x320x32xi32, #tpu.memory_space<hbm>> -> memref<1x1x1x32xi32, #tpu.memory_space<hbm>>
      %dma_wait3A_397 = tpu.memref_squeeze %dma_wait3A_396 : memref<1x1x1x32xi32, #tpu.memory_space<hbm>> -> memref<32xi32, #tpu.memory_space<hbm>>
      %dma_wait3A_398 = arith.constant 0 : i32
      %dma_wait3A_399 = tpu.memref_slice %arg4[%arg0, %arg1, %dma_wait3A_394, %dma_wait3A_398] : memref<2x16x320x32xi32, #tpu.memory_space<hbm>> -> memref<1x1x1x32xi32, #tpu.memory_space<hbm>>
      %dma_wait3A_400 = tpu.memref_squeeze %dma_wait3A_399 : memref<1x1x1x32xi32, #tpu.memory_space<hbm>> -> memref<32xi32, #tpu.memory_space<hbm>>
      tpu.wait_dma2 semaphore(%arg54 : memref<!tpu.dma_semaphore, #tpu.memory_space<semaphore_mem>>) src(%dma_wait3A_400 : memref<32xi32, #tpu.memory_space<hbm>>) dst(%arg24 : memref<32xi32, #tpu.memory_space<vmem>>)
      "tpu.region"() ({
        %run_scoped3A = tpu.sem_alloc : memref<!tpu.dma_semaphore, #tpu.memory_space<semaphore_mem>>
        %dma_start3A_491 = arith.constant 0 : i32
        %dma_start3A_492 = arith.constant 0 : i32
        %dma_start3A_493 = tpu.memref_slice %arg7[%dma_start3A_491, %dma_start3A_492] : memref<10240x128xf32, #tpu.memory_space<vmem_shared>> -> memref<10240x128xf32, #tpu.memory_space<vmem_shared>>
        tpu.enqueue_indirect_dma source(%arg29 : memref<32x128xf32, #tpu.memory_space<vmem>>) target(%dma_start3A_493 : memref<10240x128xf32, #tpu.memory_space<vmem_shared>>) offsets(%arg24 : memref<32xi32, #tpu.memory_space<vmem>>) semaphore(%run_scoped3A : memref<!tpu.dma_semaphore, #tpu.memory_space<semaphore_mem>>) {add = true}
        %dma_wait3A_494 = arith.constant 0 : i32
        %dma_wait3A_495 = arith.constant 0 : i32
        %dma_wait3A_496 = tpu.memref_slice %arg7[%dma_wait3A_494, %dma_wait3A_495] : memref<10240x128xf32, #tpu.memory_space<vmem_shared>> -> memref<10240x128xf32, #tpu.memory_space<vmem_shared>>
        tpu.wait_indirect_dma semaphore(%run_scoped3A : memref<!tpu.dma_semaphore, #tpu.memory_space<semaphore_mem>>) src(%arg29 : memref<32x128xf32, #tpu.memory_space<vmem>>) dst(%dma_wait3A_496 : memref<10240x128xf32, #tpu.memory_space<vmem_shared>>)
        tpu.yield
      }) : () -> ()
      %add3A_401 = arith.constant 5 : i32
      %add3A_402 = arith.addi %add3A_390, %add3A_401 : i32
      %lt3A_403 = arith.cmpi slt, %add3A_402, %select_n3A : i32
      %convert_element_type3A_404 = arith.extui %lt3A_403 : i1 to i32
      %cond3A_405 = arith.constant 0 : i32
      %cond3A_406 = arith.cmpi ne, %convert_element_type3A_404, %cond3A_405 : i32
      scf.if %cond3A_406 {
        %dma_wait3A_491 = arith.constant 0 : i32
        %dma_wait3A_492 = arith.constant 0 : i32
        %dma_wait3A_493 = tpu.memref_slice %arg3[%arg0, %arg1, %dma_wait3A_491, %dma_wait3A_492] : memref<2x16x320x32xi32, #tpu.memory_space<hbm>> -> memref<1x1x1x32xi32, #tpu.memory_space<hbm>>
        %dma_wait3A_494 = tpu.memref_squeeze %dma_wait3A_493 : memref<1x1x1x32xi32, #tpu.memory_space<hbm>> -> memref<32xi32, #tpu.memory_space<hbm>>
        %dma_wait3A_495 = arith.constant 0 : i32
        %dma_wait3A_496 = tpu.memref_slice %arg3[%arg0, %arg1, %dma_wait3A_491, %dma_wait3A_495] : memref<2x16x320x32xi32, #tpu.memory_space<hbm>> -> memref<1x1x1x32xi32, #tpu.memory_space<hbm>>
        %dma_wait3A_497 = tpu.memref_squeeze %dma_wait3A_496 : memref<1x1x1x32xi32, #tpu.memory_space<hbm>> -> memref<32xi32, #tpu.memory_space<hbm>>
        tpu.wait_dma2 semaphore(%arg39 : memref<!tpu.dma_semaphore, #tpu.memory_space<semaphore_mem>>) src(%dma_wait3A_497 : memref<32xi32, #tpu.memory_space<hbm>>) dst(%arg9 : memref<32xi32, #tpu.memory_space<vmem>>)
        %dma_start3A_498 = arith.constant 0 : i32
        %dma_start3A_499 = arith.constant 0 : i32
        %dma_start3A_500 = tpu.memref_slice %arg2[%dma_start3A_498, %dma_start3A_499] : memref<10000x128xf32, #tpu.memory_space<hbm>> -> memref<10000x128xf32, #tpu.memory_space<hbm>>
        tpu.enqueue_indirect_dma source(%dma_start3A_500 : memref<10000x128xf32, #tpu.memory_space<hbm>>) target(%arg29 : memref<32x128xf32, #tpu.memory_space<vmem>>) offsets(%arg9 : memref<32xi32, #tpu.memory_space<vmem>>) semaphore(%arg34 : memref<!tpu.dma_semaphore, #tpu.memory_space<semaphore_mem>>)
      } else {
      }
      %add3A_407 = arith.constant 10 : i32
      %add3A_408 = arith.addi %add3A_390, %add3A_407 : i32
      %lt3A_409 = arith.cmpi slt, %add3A_408, %select_n3A : i32
      %convert_element_type3A_410 = arith.extui %lt3A_409 : i1 to i32
      %cond3A_411 = arith.constant 0 : i32
      %cond3A_412 = arith.cmpi ne, %convert_element_type3A_410, %cond3A_411 : i32
      scf.if %cond3A_412 {
        %dma_start3A_491 = arith.constant 0 : i32
        %dma_start3A_492 = tpu.memref_slice %arg3[%arg0, %arg1, %add3A_408, %dma_start3A_491] : memref<2x16x320x32xi32, #tpu.memory_space<hbm>> -> memref<1x1x1x32xi32, #tpu.memory_space<hbm>>
        %dma_start3A_493 = tpu.memref_squeeze %dma_start3A_492 : memref<1x1x1x32xi32, #tpu.memory_space<hbm>> -> memref<32xi32, #tpu.memory_space<hbm>>
        %dma_start3A_494 = arith.constant 0 : i32
        %dma_start3A_495 = tpu.memref_slice %arg3[%arg0, %arg1, %add3A_408, %dma_start3A_494] : memref<2x16x320x32xi32, #tpu.memory_space<hbm>> -> memref<1x1x1x32xi32, #tpu.memory_space<hbm>>
        %dma_start3A_496 = tpu.memref_squeeze %dma_start3A_495 : memref<1x1x1x32xi32, #tpu.memory_space<hbm>> -> memref<32xi32, #tpu.memory_space<hbm>>
        tpu.enqueue_dma source(%dma_start3A_496 : memref<32xi32, #tpu.memory_space<hbm>>) target(%arg14 : memref<32xi32, #tpu.memory_space<vmem>>) target_semaphore(%arg44 : memref<!tpu.dma_semaphore, #tpu.memory_space<semaphore_mem>>)
        %dma_start3A_497 = arith.constant 0 : i32
        %dma_start3A_498 = tpu.memref_slice %arg4[%arg0, %arg1, %add3A_408, %dma_start3A_497] : memref<2x16x320x32xi32, #tpu.memory_space<hbm>> -> memref<1x1x1x32xi32, #tpu.memory_space<hbm>>
        %dma_start3A_499 = tpu.memref_squeeze %dma_start3A_498 : memref<1x1x1x32xi32, #tpu.memory_space<hbm>> -> memref<32xi32, #tpu.memory_space<hbm>>
        %dma_start3A_500 = arith.constant 0 : i32
        %dma_start3A_501 = tpu.memref_slice %arg4[%arg0, %arg1, %add3A_408, %dma_start3A_500] : memref<2x16x320x32xi32, #tpu.memory_space<hbm>> -> memref<1x1x1x32xi32, #tpu.memory_space<hbm>>
        %dma_start3A_502 = tpu.memref_squeeze %dma_start3A_501 : memref<1x1x1x32xi32, #tpu.memory_space<hbm>> -> memref<32xi32, #tpu.memory_space<hbm>>
        tpu.enqueue_dma source(%dma_start3A_502 : memref<32xi32, #tpu.memory_space<hbm>>) target(%arg24 : memref<32xi32, #tpu.memory_space<vmem>>) target_semaphore(%arg54 : memref<!tpu.dma_semaphore, #tpu.memory_space<semaphore_mem>>)
      } else {
      }
      %mul3A_413 = arith.constant 10 : i32
      %mul3A_414 = arith.muli %add3A_233, %mul3A_413 : i32
      %add3A_415 = arith.constant 7 : i32
      %add3A_416 = arith.addi %mul3A_414, %add3A_415 : i32
      %dma_wait3A_417 = arith.constant 0 : i32
      %dma_wait3A_418 = arith.constant 0 : i32
      %dma_wait3A_419 = tpu.memref_slice %arg2[%dma_wait3A_417, %dma_wait3A_418] : memref<10000x128xf32, #tpu.memory_space<hbm>> -> memref<10000x128xf32, #tpu.memory_space<hbm>>
      tpu.wait_indirect_dma semaphore(%arg35 : memref<!tpu.dma_semaphore, #tpu.memory_space<semaphore_mem>>) src(%dma_wait3A_419 : memref<10000x128xf32, #tpu.memory_space<hbm>>) dst(%arg30 : memref<32x128xf32, #tpu.memory_space<vmem>>)
      %dma_wait3A_420 = arith.constant 0 : i32
      %dma_wait3A_421 = arith.constant 0 : i32
      %dma_wait3A_422 = tpu.memref_slice %arg4[%arg0, %arg1, %dma_wait3A_420, %dma_wait3A_421] : memref<2x16x320x32xi32, #tpu.memory_space<hbm>> -> memref<1x1x1x32xi32, #tpu.memory_space<hbm>>
      %dma_wait3A_423 = tpu.memref_squeeze %dma_wait3A_422 : memref<1x1x1x32xi32, #tpu.memory_space<hbm>> -> memref<32xi32, #tpu.memory_space<hbm>>
      %dma_wait3A_424 = arith.constant 0 : i32
      %dma_wait3A_425 = tpu.memref_slice %arg4[%arg0, %arg1, %dma_wait3A_420, %dma_wait3A_424] : memref<2x16x320x32xi32, #tpu.memory_space<hbm>> -> memref<1x1x1x32xi32, #tpu.memory_space<hbm>>
      %dma_wait3A_426 = tpu.memref_squeeze %dma_wait3A_425 : memref<1x1x1x32xi32, #tpu.memory_space<hbm>> -> memref<32xi32, #tpu.memory_space<hbm>>
      tpu.wait_dma2 semaphore(%arg55 : memref<!tpu.dma_semaphore, #tpu.memory_space<semaphore_mem>>) src(%dma_wait3A_426 : memref<32xi32, #tpu.memory_space<hbm>>) dst(%arg25 : memref<32xi32, #tpu.memory_space<vmem>>)
      "tpu.region"() ({
        %run_scoped3A = tpu.sem_alloc : memref<!tpu.dma_semaphore, #tpu.memory_space<semaphore_mem>>
        %dma_start3A_491 = arith.constant 0 : i32
        %dma_start3A_492 = arith.constant 0 : i32
        %dma_start3A_493 = tpu.memref_slice %arg7[%dma_start3A_491, %dma_start3A_492] : memref<10240x128xf32, #tpu.memory_space<vmem_shared>> -> memref<10240x128xf32, #tpu.memory_space<vmem_shared>>
        tpu.enqueue_indirect_dma source(%arg30 : memref<32x128xf32, #tpu.memory_space<vmem>>) target(%dma_start3A_493 : memref<10240x128xf32, #tpu.memory_space<vmem_shared>>) offsets(%arg25 : memref<32xi32, #tpu.memory_space<vmem>>) semaphore(%run_scoped3A : memref<!tpu.dma_semaphore, #tpu.memory_space<semaphore_mem>>) {add = true}
        %dma_wait3A_494 = arith.constant 0 : i32
        %dma_wait3A_495 = arith.constant 0 : i32
        %dma_wait3A_496 = tpu.memref_slice %arg7[%dma_wait3A_494, %dma_wait3A_495] : memref<10240x128xf32, #tpu.memory_space<vmem_shared>> -> memref<10240x128xf32, #tpu.memory_space<vmem_shared>>
        tpu.wait_indirect_dma semaphore(%run_scoped3A : memref<!tpu.dma_semaphore, #tpu.memory_space<semaphore_mem>>) src(%arg30 : memref<32x128xf32, #tpu.memory_space<vmem>>) dst(%dma_wait3A_496 : memref<10240x128xf32, #tpu.memory_space<vmem_shared>>)
        tpu.yield
      }) : () -> ()
      %add3A_427 = arith.constant 5 : i32
      %add3A_428 = arith.addi %add3A_416, %add3A_427 : i32
      %lt3A_429 = arith.cmpi slt, %add3A_428, %select_n3A : i32
      %convert_element_type3A_430 = arith.extui %lt3A_429 : i1 to i32
      %cond3A_431 = arith.constant 0 : i32
      %cond3A_432 = arith.cmpi ne, %convert_element_type3A_430, %cond3A_431 : i32
      scf.if %cond3A_432 {
        %dma_wait3A_491 = arith.constant 0 : i32
        %dma_wait3A_492 = arith.constant 0 : i32
        %dma_wait3A_493 = tpu.memref_slice %arg3[%arg0, %arg1, %dma_wait3A_491, %dma_wait3A_492] : memref<2x16x320x32xi32, #tpu.memory_space<hbm>> -> memref<1x1x1x32xi32, #tpu.memory_space<hbm>>
        %dma_wait3A_494 = tpu.memref_squeeze %dma_wait3A_493 : memref<1x1x1x32xi32, #tpu.memory_space<hbm>> -> memref<32xi32, #tpu.memory_space<hbm>>
        %dma_wait3A_495 = arith.constant 0 : i32
        %dma_wait3A_496 = tpu.memref_slice %arg3[%arg0, %arg1, %dma_wait3A_491, %dma_wait3A_495] : memref<2x16x320x32xi32, #tpu.memory_space<hbm>> -> memref<1x1x1x32xi32, #tpu.memory_space<hbm>>
        %dma_wait3A_497 = tpu.memref_squeeze %dma_wait3A_496 : memref<1x1x1x32xi32, #tpu.memory_space<hbm>> -> memref<32xi32, #tpu.memory_space<hbm>>
        tpu.wait_dma2 semaphore(%arg40 : memref<!tpu.dma_semaphore, #tpu.memory_space<semaphore_mem>>) src(%dma_wait3A_497 : memref<32xi32, #tpu.memory_space<hbm>>) dst(%arg10 : memref<32xi32, #tpu.memory_space<vmem>>)
        %dma_start3A_498 = arith.constant 0 : i32
        %dma_start3A_499 = arith.constant 0 : i32
        %dma_start3A_500 = tpu.memref_slice %arg2[%dma_start3A_498, %dma_start3A_499] : memref<10000x128xf32, #tpu.memory_space<hbm>> -> memref<10000x128xf32, #tpu.memory_space<hbm>>
        tpu.enqueue_indirect_dma source(%dma_start3A_500 : memref<10000x128xf32, #tpu.memory_space<hbm>>) target(%arg30 : memref<32x128xf32, #tpu.memory_space<vmem>>) offsets(%arg10 : memref<32xi32, #tpu.memory_space<vmem>>) semaphore(%arg35 : memref<!tpu.dma_semaphore, #tpu.memory_space<semaphore_mem>>)
      } else {
      }
      %add3A_433 = arith.constant 10 : i32
      %add3A_434 = arith.addi %add3A_416, %add3A_433 : i32
      %lt3A_435 = arith.cmpi slt, %add3A_434, %select_n3A : i32
      %convert_element_type3A_436 = arith.extui %lt3A_435 : i1 to i32
      %cond3A_437 = arith.constant 0 : i32
      %cond3A_438 = arith.cmpi ne, %convert_element_type3A_436, %cond3A_437 : i32
      scf.if %cond3A_438 {
        %dma_start3A_491 = arith.constant 0 : i32
        %dma_start3A_492 = tpu.memref_slice %arg3[%arg0, %arg1, %add3A_434, %dma_start3A_491] : memref<2x16x320x32xi32, #tpu.memory_space<hbm>> -> memref<1x1x1x32xi32, #tpu.memory_space<hbm>>
        %dma_start3A_493 = tpu.memref_squeeze %dma_start3A_492 : memref<1x1x1x32xi32, #tpu.memory_space<hbm>> -> memref<32xi32, #tpu.memory_space<hbm>>
        %dma_start3A_494 = arith.constant 0 : i32
        %dma_start3A_495 = tpu.memref_slice %arg3[%arg0, %arg1, %add3A_434, %dma_start3A_494] : memref<2x16x320x32xi32, #tpu.memory_space<hbm>> -> memref<1x1x1x32xi32, #tpu.memory_space<hbm>>
        %dma_start3A_496 = tpu.memref_squeeze %dma_start3A_495 : memref<1x1x1x32xi32, #tpu.memory_space<hbm>> -> memref<32xi32, #tpu.memory_space<hbm>>
        tpu.enqueue_dma source(%dma_start3A_496 : memref<32xi32, #tpu.memory_space<hbm>>) target(%arg15 : memref<32xi32, #tpu.memory_space<vmem>>) target_semaphore(%arg45 : memref<!tpu.dma_semaphore, #tpu.memory_space<semaphore_mem>>)
        %dma_start3A_497 = arith.constant 0 : i32
        %dma_start3A_498 = tpu.memref_slice %arg4[%arg0, %arg1, %add3A_434, %dma_start3A_497] : memref<2x16x320x32xi32, #tpu.memory_space<hbm>> -> memref<1x1x1x32xi32, #tpu.memory_space<hbm>>
        %dma_start3A_499 = tpu.memref_squeeze %dma_start3A_498 : memref<1x1x1x32xi32, #tpu.memory_space<hbm>> -> memref<32xi32, #tpu.memory_space<hbm>>
        %dma_start3A_500 = arith.constant 0 : i32
        %dma_start3A_501 = tpu.memref_slice %arg4[%arg0, %arg1, %add3A_434, %dma_start3A_500] : memref<2x16x320x32xi32, #tpu.memory_space<hbm>> -> memref<1x1x1x32xi32, #tpu.memory_space<hbm>>
        %dma_start3A_502 = tpu.memref_squeeze %dma_start3A_501 : memref<1x1x1x32xi32, #tpu.memory_space<hbm>> -> memref<32xi32, #tpu.memory_space<hbm>>
        tpu.enqueue_dma source(%dma_start3A_502 : memref<32xi32, #tpu.memory_space<hbm>>) target(%arg25 : memref<32xi32, #tpu.memory_space<vmem>>) target_semaphore(%arg55 : memref<!tpu.dma_semaphore, #tpu.memory_space<semaphore_mem>>)
      } else {
      }
      %mul3A_439 = arith.constant 10 : i32
      %mul3A_440 = arith.muli %add3A_233, %mul3A_439 : i32
      %add3A_441 = arith.constant 8 : i32
      %add3A_442 = arith.addi %mul3A_440, %add3A_441 : i32
      %dma_wait3A_443 = arith.constant 0 : i32
      %dma_wait3A_444 = arith.constant 0 : i32
      %dma_wait3A_445 = tpu.memref_slice %arg2[%dma_wait3A_443, %dma_wait3A_444] : memref<10000x128xf32, #tpu.memory_space<hbm>> -> memref<10000x128xf32, #tpu.memory_space<hbm>>
      tpu.wait_indirect_dma semaphore(%arg36 : memref<!tpu.dma_semaphore, #tpu.memory_space<semaphore_mem>>) src(%dma_wait3A_445 : memref<10000x128xf32, #tpu.memory_space<hbm>>) dst(%arg31 : memref<32x128xf32, #tpu.memory_space<vmem>>)
      %dma_wait3A_446 = arith.constant 0 : i32
      %dma_wait3A_447 = arith.constant 0 : i32
      %dma_wait3A_448 = tpu.memref_slice %arg4[%arg0, %arg1, %dma_wait3A_446, %dma_wait3A_447] : memref<2x16x320x32xi32, #tpu.memory_space<hbm>> -> memref<1x1x1x32xi32, #tpu.memory_space<hbm>>
      %dma_wait3A_449 = tpu.memref_squeeze %dma_wait3A_448 : memref<1x1x1x32xi32, #tpu.memory_space<hbm>> -> memref<32xi32, #tpu.memory_space<hbm>>
      %dma_wait3A_450 = arith.constant 0 : i32
      %dma_wait3A_451 = tpu.memref_slice %arg4[%arg0, %arg1, %dma_wait3A_446, %dma_wait3A_450] : memref<2x16x320x32xi32, #tpu.memory_space<hbm>> -> memref<1x1x1x32xi32, #tpu.memory_space<hbm>>
      %dma_wait3A_452 = tpu.memref_squeeze %dma_wait3A_451 : memref<1x1x1x32xi32, #tpu.memory_space<hbm>> -> memref<32xi32, #tpu.memory_space<hbm>>
      tpu.wait_dma2 semaphore(%arg56 : memref<!tpu.dma_semaphore, #tpu.memory_space<semaphore_mem>>) src(%dma_wait3A_452 : memref<32xi32, #tpu.memory_space<hbm>>) dst(%arg26 : memref<32xi32, #tpu.memory_space<vmem>>)
      "tpu.region"() ({
        %run_scoped3A = tpu.sem_alloc : memref<!tpu.dma_semaphore, #tpu.memory_space<semaphore_mem>>
        %dma_start3A_491 = arith.constant 0 : i32
        %dma_start3A_492 = arith.constant 0 : i32
        %dma_start3A_493 = tpu.memref_slice %arg7[%dma_start3A_491, %dma_start3A_492] : memref<10240x128xf32, #tpu.memory_space<vmem_shared>> -> memref<10240x128xf32, #tpu.memory_space<vmem_shared>>
        tpu.enqueue_indirect_dma source(%arg31 : memref<32x128xf32, #tpu.memory_space<vmem>>) target(%dma_start3A_493 : memref<10240x128xf32, #tpu.memory_space<vmem_shared>>) offsets(%arg26 : memref<32xi32, #tpu.memory_space<vmem>>) semaphore(%run_scoped3A : memref<!tpu.dma_semaphore, #tpu.memory_space<semaphore_mem>>) {add = true}
        %dma_wait3A_494 = arith.constant 0 : i32
        %dma_wait3A_495 = arith.constant 0 : i32
        %dma_wait3A_496 = tpu.memref_slice %arg7[%dma_wait3A_494, %dma_wait3A_495] : memref<10240x128xf32, #tpu.memory_space<vmem_shared>> -> memref<10240x128xf32, #tpu.memory_space<vmem_shared>>
        tpu.wait_indirect_dma semaphore(%run_scoped3A : memref<!tpu.dma_semaphore, #tpu.memory_space<semaphore_mem>>) src(%arg31 : memref<32x128xf32, #tpu.memory_space<vmem>>) dst(%dma_wait3A_496 : memref<10240x128xf32, #tpu.memory_space<vmem_shared>>)
        tpu.yield
      }) : () -> ()
      %add3A_453 = arith.constant 5 : i32
      %add3A_454 = arith.addi %add3A_442, %add3A_453 : i32
      %lt3A_455 = arith.cmpi slt, %add3A_454, %select_n3A : i32
      %convert_element_type3A_456 = arith.extui %lt3A_455 : i1 to i32
      %cond3A_457 = arith.constant 0 : i32
      %cond3A_458 = arith.cmpi ne, %convert_element_type3A_456, %cond3A_457 : i32
      scf.if %cond3A_458 {
        %dma_wait3A_491 = arith.constant 0 : i32
        %dma_wait3A_492 = arith.constant 0 : i32
        %dma_wait3A_493 = tpu.memref_slice %arg3[%arg0, %arg1, %dma_wait3A_491, %dma_wait3A_492] : memref<2x16x320x32xi32, #tpu.memory_space<hbm>> -> memref<1x1x1x32xi32, #tpu.memory_space<hbm>>
        %dma_wait3A_494 = tpu.memref_squeeze %dma_wait3A_493 : memref<1x1x1x32xi32, #tpu.memory_space<hbm>> -> memref<32xi32, #tpu.memory_space<hbm>>
        %dma_wait3A_495 = arith.constant 0 : i32
        %dma_wait3A_496 = tpu.memref_slice %arg3[%arg0, %arg1, %dma_wait3A_491, %dma_wait3A_495] : memref<2x16x320x32xi32, #tpu.memory_space<hbm>> -> memref<1x1x1x32xi32, #tpu.memory_space<hbm>>
        %dma_wait3A_497 = tpu.memref_squeeze %dma_wait3A_496 : memref<1x1x1x32xi32, #tpu.memory_space<hbm>> -> memref<32xi32, #tpu.memory_space<hbm>>
        tpu.wait_dma2 semaphore(%arg41 : memref<!tpu.dma_semaphore, #tpu.memory_space<semaphore_mem>>) src(%dma_wait3A_497 : memref<32xi32, #tpu.memory_space<hbm>>) dst(%arg11 : memref<32xi32, #tpu.memory_space<vmem>>)
        %dma_start3A_498 = arith.constant 0 : i32
        %dma_start3A_499 = arith.constant 0 : i32
        %dma_start3A_500 = tpu.memref_slice %arg2[%dma_start3A_498, %dma_start3A_499] : memref<10000x128xf32, #tpu.memory_space<hbm>> -> memref<10000x128xf32, #tpu.memory_space<hbm>>
        tpu.enqueue_indirect_dma source(%dma_start3A_500 : memref<10000x128xf32, #tpu.memory_space<hbm>>) target(%arg31 : memref<32x128xf32, #tpu.memory_space<vmem>>) offsets(%arg11 : memref<32xi32, #tpu.memory_space<vmem>>) semaphore(%arg36 : memref<!tpu.dma_semaphore, #tpu.memory_space<semaphore_mem>>)
      } else {
      }
      %add3A_459 = arith.constant 10 : i32
      %add3A_460 = arith.addi %add3A_442, %add3A_459 : i32
      %lt3A_461 = arith.cmpi slt, %add3A_460, %select_n3A : i32
      %convert_element_type3A_462 = arith.extui %lt3A_461 : i1 to i32
      %cond3A_463 = arith.constant 0 : i32
      %cond3A_464 = arith.cmpi ne, %convert_element_type3A_462, %cond3A_463 : i32
      scf.if %cond3A_464 {
        %dma_start3A_491 = arith.constant 0 : i32
        %dma_start3A_492 = tpu.memref_slice %arg3[%arg0, %arg1, %add3A_460, %dma_start3A_491] : memref<2x16x320x32xi32, #tpu.memory_space<hbm>> -> memref<1x1x1x32xi32, #tpu.memory_space<hbm>>
        %dma_start3A_493 = tpu.memref_squeeze %dma_start3A_492 : memref<1x1x1x32xi32, #tpu.memory_space<hbm>> -> memref<32xi32, #tpu.memory_space<hbm>>
        %dma_start3A_494 = arith.constant 0 : i32
        %dma_start3A_495 = tpu.memref_slice %arg3[%arg0, %arg1, %add3A_460, %dma_start3A_494] : memref<2x16x320x32xi32, #tpu.memory_space<hbm>> -> memref<1x1x1x32xi32, #tpu.memory_space<hbm>>
        %dma_start3A_496 = tpu.memref_squeeze %dma_start3A_495 : memref<1x1x1x32xi32, #tpu.memory_space<hbm>> -> memref<32xi32, #tpu.memory_space<hbm>>
        tpu.enqueue_dma source(%dma_start3A_496 : memref<32xi32, #tpu.memory_space<hbm>>) target(%arg16 : memref<32xi32, #tpu.memory_space<vmem>>) target_semaphore(%arg46 : memref<!tpu.dma_semaphore, #tpu.memory_space<semaphore_mem>>)
        %dma_start3A_497 = arith.constant 0 : i32
        %dma_start3A_498 = tpu.memref_slice %arg4[%arg0, %arg1, %add3A_460, %dma_start3A_497] : memref<2x16x320x32xi32, #tpu.memory_space<hbm>> -> memref<1x1x1x32xi32, #tpu.memory_space<hbm>>
        %dma_start3A_499 = tpu.memref_squeeze %dma_start3A_498 : memref<1x1x1x32xi32, #tpu.memory_space<hbm>> -> memref<32xi32, #tpu.memory_space<hbm>>
        %dma_start3A_500 = arith.constant 0 : i32
        %dma_start3A_501 = tpu.memref_slice %arg4[%arg0, %arg1, %add3A_460, %dma_start3A_500] : memref<2x16x320x32xi32, #tpu.memory_space<hbm>> -> memref<1x1x1x32xi32, #tpu.memory_space<hbm>>
        %dma_start3A_502 = tpu.memref_squeeze %dma_start3A_501 : memref<1x1x1x32xi32, #tpu.memory_space<hbm>> -> memref<32xi32, #tpu.memory_space<hbm>>
        tpu.enqueue_dma source(%dma_start3A_502 : memref<32xi32, #tpu.memory_space<hbm>>) target(%arg26 : memref<32xi32, #tpu.memory_space<vmem>>) target_semaphore(%arg56 : memref<!tpu.dma_semaphore, #tpu.memory_space<semaphore_mem>>)
      } else {
      }
      %mul3A_465 = arith.constant 10 : i32
      %mul3A_466 = arith.muli %add3A_233, %mul3A_465 : i32
      %add3A_467 = arith.constant 9 : i32
      %add3A_468 = arith.addi %mul3A_466, %add3A_467 : i32
      %dma_wait3A_469 = arith.constant 0 : i32
      %dma_wait3A_470 = arith.constant 0 : i32
      %dma_wait3A_471 = tpu.memref_slice %arg2[%dma_wait3A_469, %dma_wait3A_470] : memref<10000x128xf32, #tpu.memory_space<hbm>> -> memref<10000x128xf32, #tpu.memory_space<hbm>>
      tpu.wait_indirect_dma semaphore(%arg37 : memref<!tpu.dma_semaphore, #tpu.memory_space<semaphore_mem>>) src(%dma_wait3A_471 : memref<10000x128xf32, #tpu.memory_space<hbm>>) dst(%arg32 : memref<32x128xf32, #tpu.memory_space<vmem>>)
      %dma_wait3A_472 = arith.constant 0 : i32
      %dma_wait3A_473 = arith.constant 0 : i32
      %dma_wait3A_474 = tpu.memref_slice %arg4[%arg0, %arg1, %dma_wait3A_472, %dma_wait3A_473] : memref<2x16x320x32xi32, #tpu.memory_space<hbm>> -> memref<1x1x1x32xi32, #tpu.memory_space<hbm>>
      %dma_wait3A_475 = tpu.memref_squeeze %dma_wait3A_474 : memref<1x1x1x32xi32, #tpu.memory_space<hbm>> -> memref<32xi32, #tpu.memory_space<hbm>>
      %dma_wait3A_476 = arith.constant 0 : i32
      %dma_wait3A_477 = tpu.memref_slice %arg4[%arg0, %arg1, %dma_wait3A_472, %dma_wait3A_476] : memref<2x16x320x32xi32, #tpu.memory_space<hbm>> -> memref<1x1x1x32xi32, #tpu.memory_space<hbm>>
      %dma_wait3A_478 = tpu.memref_squeeze %dma_wait3A_477 : memref<1x1x1x32xi32, #tpu.memory_space<hbm>> -> memref<32xi32, #tpu.memory_space<hbm>>
      tpu.wait_dma2 semaphore(%arg57 : memref<!tpu.dma_semaphore, #tpu.memory_space<semaphore_mem>>) src(%dma_wait3A_478 : memref<32xi32, #tpu.memory_space<hbm>>) dst(%arg27 : memref<32xi32, #tpu.memory_space<vmem>>)
      "tpu.region"() ({
        %run_scoped3A = tpu.sem_alloc : memref<!tpu.dma_semaphore, #tpu.memory_space<semaphore_mem>>
        %dma_start3A_491 = arith.constant 0 : i32
        %dma_start3A_492 = arith.constant 0 : i32
        %dma_start3A_493 = tpu.memref_slice %arg7[%dma_start3A_491, %dma_start3A_492] : memref<10240x128xf32, #tpu.memory_space<vmem_shared>> -> memref<10240x128xf32, #tpu.memory_space<vmem_shared>>
        tpu.enqueue_indirect_dma source(%arg32 : memref<32x128xf32, #tpu.memory_space<vmem>>) target(%dma_start3A_493 : memref<10240x128xf32, #tpu.memory_space<vmem_shared>>) offsets(%arg27 : memref<32xi32, #tpu.memory_space<vmem>>) semaphore(%run_scoped3A : memref<!tpu.dma_semaphore, #tpu.memory_space<semaphore_mem>>) {add = true}
        %dma_wait3A_494 = arith.constant 0 : i32
        %dma_wait3A_495 = arith.constant 0 : i32
        %dma_wait3A_496 = tpu.memref_slice %arg7[%dma_wait3A_494, %dma_wait3A_495] : memref<10240x128xf32, #tpu.memory_space<vmem_shared>> -> memref<10240x128xf32, #tpu.memory_space<vmem_shared>>
        tpu.wait_indirect_dma semaphore(%run_scoped3A : memref<!tpu.dma_semaphore, #tpu.memory_space<semaphore_mem>>) src(%arg32 : memref<32x128xf32, #tpu.memory_space<vmem>>) dst(%dma_wait3A_496 : memref<10240x128xf32, #tpu.memory_space<vmem_shared>>)
        tpu.yield
      }) : () -> ()
      %add3A_479 = arith.constant 5 : i32
      %add3A_480 = arith.addi %add3A_468, %add3A_479 : i32
      %lt3A_481 = arith.cmpi slt, %add3A_480, %select_n3A : i32
      %convert_element_type3A_482 = arith.extui %lt3A_481 : i1 to i32
      %cond3A_483 = arith.constant 0 : i32
      %cond3A_484 = arith.cmpi ne, %convert_element_type3A_482, %cond3A_483 : i32
      scf.if %cond3A_484 {
        %dma_wait3A_491 = arith.constant 0 : i32
        %dma_wait3A_492 = arith.constant 0 : i32
        %dma_wait3A_493 = tpu.memref_slice %arg3[%arg0, %arg1, %dma_wait3A_491, %dma_wait3A_492] : memref<2x16x320x32xi32, #tpu.memory_space<hbm>> -> memref<1x1x1x32xi32, #tpu.memory_space<hbm>>
        %dma_wait3A_494 = tpu.memref_squeeze %dma_wait3A_493 : memref<1x1x1x32xi32, #tpu.memory_space<hbm>> -> memref<32xi32, #tpu.memory_space<hbm>>
        %dma_wait3A_495 = arith.constant 0 : i32
        %dma_wait3A_496 = tpu.memref_slice %arg3[%arg0, %arg1, %dma_wait3A_491, %dma_wait3A_495] : memref<2x16x320x32xi32, #tpu.memory_space<hbm>> -> memref<1x1x1x32xi32, #tpu.memory_space<hbm>>
        %dma_wait3A_497 = tpu.memref_squeeze %dma_wait3A_496 : memref<1x1x1x32xi32, #tpu.memory_space<hbm>> -> memref<32xi32, #tpu.memory_space<hbm>>
        tpu.wait_dma2 semaphore(%arg42 : memref<!tpu.dma_semaphore, #tpu.memory_space<semaphore_mem>>) src(%dma_wait3A_497 : memref<32xi32, #tpu.memory_space<hbm>>) dst(%arg12 : memref<32xi32, #tpu.memory_space<vmem>>)
        %dma_start3A_498 = arith.constant 0 : i32
        %dma_start3A_499 = arith.constant 0 : i32
        %dma_start3A_500 = tpu.memref_slice %arg2[%dma_start3A_498, %dma_start3A_499] : memref<10000x128xf32, #tpu.memory_space<hbm>> -> memref<10000x128xf32, #tpu.memory_space<hbm>>
        tpu.enqueue_indirect_dma source(%dma_start3A_500 : memref<10000x128xf32, #tpu.memory_space<hbm>>) target(%arg32 : memref<32x128xf32, #tpu.memory_space<vmem>>) offsets(%arg12 : memref<32xi32, #tpu.memory_space<vmem>>) semaphore(%arg37 : memref<!tpu.dma_semaphore, #tpu.memory_space<semaphore_mem>>)
      } else {
      }
      %add3A_485 = arith.constant 10 : i32
      %add3A_486 = arith.addi %add3A_468, %add3A_485 : i32
      %lt3A_487 = arith.cmpi slt, %add3A_486, %select_n3A : i32
      %convert_element_type3A_488 = arith.extui %lt3A_487 : i1 to i32
      %cond3A_489 = arith.constant 0 : i32
      %cond3A_490 = arith.cmpi ne, %convert_element_type3A_488, %cond3A_489 : i32
      scf.if %cond3A_490 {
        %dma_start3A_491 = arith.constant 0 : i32
        %dma_start3A_492 = tpu.memref_slice %arg3[%arg0, %arg1, %add3A_486, %dma_start3A_491] : memref<2x16x320x32xi32, #tpu.memory_space<hbm>> -> memref<1x1x1x32xi32, #tpu.memory_space<hbm>>
        %dma_start3A_493 = tpu.memref_squeeze %dma_start3A_492 : memref<1x1x1x32xi32, #tpu.memory_space<hbm>> -> memref<32xi32, #tpu.memory_space<hbm>>
        %dma_start3A_494 = arith.constant 0 : i32
        %dma_start3A_495 = tpu.memref_slice %arg3[%arg0, %arg1, %add3A_486, %dma_start3A_494] : memref<2x16x320x32xi32, #tpu.memory_space<hbm>> -> memref<1x1x1x32xi32, #tpu.memory_space<hbm>>
        %dma_start3A_496 = tpu.memref_squeeze %dma_start3A_495 : memref<1x1x1x32xi32, #tpu.memory_space<hbm>> -> memref<32xi32, #tpu.memory_space<hbm>>
        tpu.enqueue_dma source(%dma_start3A_496 : memref<32xi32, #tpu.memory_space<hbm>>) target(%arg17 : memref<32xi32, #tpu.memory_space<vmem>>) target_semaphore(%arg47 : memref<!tpu.dma_semaphore, #tpu.memory_space<semaphore_mem>>)
        %dma_start3A_497 = arith.constant 0 : i32
        %dma_start3A_498 = tpu.memref_slice %arg4[%arg0, %arg1, %add3A_486, %dma_start3A_497] : memref<2x16x320x32xi32, #tpu.memory_space<hbm>> -> memref<1x1x1x32xi32, #tpu.memory_space<hbm>>
        %dma_start3A_499 = tpu.memref_squeeze %dma_start3A_498 : memref<1x1x1x32xi32, #tpu.memory_space<hbm>> -> memref<32xi32, #tpu.memory_space<hbm>>
        %dma_start3A_500 = arith.constant 0 : i32
        %dma_start3A_501 = tpu.memref_slice %arg4[%arg0, %arg1, %add3A_486, %dma_start3A_500] : memref<2x16x320x32xi32, #tpu.memory_space<hbm>> -> memref<1x1x1x32xi32, #tpu.memory_space<hbm>>
        %dma_start3A_502 = tpu.memref_squeeze %dma_start3A_501 : memref<1x1x1x32xi32, #tpu.memory_space<hbm>> -> memref<32xi32, #tpu.memory_space<hbm>>
        tpu.enqueue_dma source(%dma_start3A_502 : memref<32xi32, #tpu.memory_space<hbm>>) target(%arg27 : memref<32xi32, #tpu.memory_space<vmem>>) target_semaphore(%arg57 : memref<!tpu.dma_semaphore, #tpu.memory_space<semaphore_mem>>)
      } else {
      }
    }
    %barrier3A_226 = arith.constant 0 : index
    tpu.barrier barrier_id(%barrier3A_226)
    %mul3A_227 = arith.constant 640 : i32
    %mul3A_228 = arith.muli %arg1, %mul3A_227 : i32
    %mul3A_229 = arith.constant 640 : i32
    %mul3A_230 = arith.muli %arg1, %mul3A_229 : i32
    "tpu.region"() ({
      %run_scoped3A = tpu.sem_alloc : memref<!tpu.dma_semaphore, #tpu.memory_space<semaphore_mem>>
      %dma_start3A_231 = arith.constant 0 : i32
      %dma_start3A_232 = tpu.memref_slice %arg6[%arg0, %mul3A_230, %dma_start3A_231] : memref<2x10240x128xf32, #tpu.memory_space<hbm>> -> memref<1x640x128xf32, #tpu.memory_space<hbm>>
      %dma_start3A_233 = tpu.memref_squeeze %dma_start3A_232 : memref<1x640x128xf32, #tpu.memory_space<hbm>> -> memref<640x128xf32, #tpu.memory_space<hbm>>
      %dma_start3A_234 = arith.constant 0 : i32
      %dma_start3A_235 = tpu.memref_slice %arg7[%mul3A_228, %dma_start3A_234] : memref<10240x128xf32, #tpu.memory_space<vmem_shared>> -> memref<640x128xf32, #tpu.memory_space<vmem_shared>>
      tpu.enqueue_dma source(%dma_start3A_235 : memref<640x128xf32, #tpu.memory_space<vmem_shared>>) target(%dma_start3A_233 : memref<640x128xf32, #tpu.memory_space<hbm>>) target_semaphore(%run_scoped3A : memref<!tpu.dma_semaphore, #tpu.memory_space<semaphore_mem>>)
      %dma_wait3A_236 = arith.constant 0 : i32
      %dma_wait3A_237 = tpu.memref_slice %arg6[%arg0, %mul3A_230, %dma_wait3A_236] : memref<2x10240x128xf32, #tpu.memory_space<hbm>> -> memref<1x640x128xf32, #tpu.memory_space<hbm>>
      %dma_wait3A_238 = tpu.memref_squeeze %dma_wait3A_237 : memref<1x640x128xf32, #tpu.memory_space<hbm>> -> memref<640x128xf32, #tpu.memory_space<hbm>>
      %dma_wait3A_239 = arith.constant 0 : i32
      %dma_wait3A_240 = tpu.memref_slice %arg7[%mul3A_228, %dma_wait3A_239] : memref<10240x128xf32, #tpu.memory_space<vmem_shared>> -> memref<640x128xf32, #tpu.memory_space<vmem_shared>>
      tpu.wait_dma2 semaphore(%run_scoped3A : memref<!tpu.dma_semaphore, #tpu.memory_space<semaphore_mem>>) src(%dma_wait3A_240 : memref<640x128xf32, #tpu.memory_space<vmem_shared>>) dst(%dma_wait3A_238 : memref<640x128xf32, #tpu.memory_space<hbm>>)
      tpu.yield
    }) : () -> ()
    return
  }
}

module attributes {stable_mosaic.version = 14 : i64} {
  func.func @_tc_scale_in_body(%arg0: memref<2x10240x128xf32, #tpu.memory_space<vmem>>, %arg1: memref<10000x128xf32, #tpu.memory_space<vmem>>, %arg2: memref<10000x128xf32, #tpu.memory_space<vmem>>) attributes {dimension_semantics = [], scalar_prefetch = 0 : i64, scratch_operands = 0 : i64, tpu.core_type = #tpu.core_type<tc>} {
    %get3A = arith.constant 0 : index
    %get3A_0 = arith.constant 0 : index
    %get3A_1 = arith.constant 0 : index
    %get3A_2 = vector.load %arg0[%get3A, %get3A_0, %get3A_1] : memref<2x10240x128xf32, #tpu.memory_space<vmem>>, vector<1x10000x1xf32>
    %get3A_3 = vector.shape_cast %get3A_2 : vector<1x10000x1xf32> to vector<10000x1xf32>
    %get3A_4 = arith.constant 1 : index
    %get3A_5 = arith.constant 0 : index
    %get3A_6 = arith.constant 0 : index
    %get3A_7 = vector.load %arg0[%get3A_4, %get3A_5, %get3A_6] : memref<2x10240x128xf32, #tpu.memory_space<vmem>>, vector<1x10000x1xf32>
    %get3A_8 = vector.shape_cast %get3A_7 : vector<1x10000x1xf32> to vector<10000x1xf32>
    %add3A = arith.addf %get3A_3, %get3A_8 : vector<10000x1xf32>
    %add3A_9 = arith.constant 1.000000e+00 : f32
    %add3A_10 = vector.broadcast %add3A_9 : f32 to vector<10000x1xf32>
    %add3A_11 = arith.addf %add3A, %add3A_10 : vector<10000x1xf32>
    %get3A_12 = arith.constant 0 : index
    %get3A_13 = arith.constant 0 : index
    %get3A_14 = vector.load %arg1[%get3A_12, %get3A_13] : memref<10000x128xf32, #tpu.memory_space<vmem>>, vector<10000x128xf32>
    %rsqrt3A = math.rsqrt %add3A_11 : vector<10000x1xf32>
    %mul3A = vector.broadcast %rsqrt3A : vector<10000x1xf32> to vector<10000x128xf32>
    %mul3A_15 = arith.mulf %get3A_14, %mul3A : vector<10000x128xf32>
    %swap3A = arith.constant 0 : index
    %swap3A_16 = arith.constant 0 : index
    %swap3A_17 = vector.load %arg2[%swap3A, %swap3A_16] : memref<10000x128xf32, #tpu.memory_space<vmem>>, vector<10000x128xf32>
    tpu.vector_store %arg2[%swap3A, %swap3A_16], %mul3A_15 {strides = array<i32>} : memref<10000x128xf32, #tpu.memory_space<vmem>>, vector<10000x128xf32>,
    return
  }
}

module attributes {stable_mosaic.version = 14 : i64} {
  func.func @_tc_mid_body(%arg0: i32, %arg1: memref<2x2000x128xf32, #tpu.memory_space<vmem>>, %arg2: memref<2x2000x128xf32, #tpu.memory_space<vmem>>, %arg3: memref<2000x128xf32, #tpu.memory_space<vmem>>, %arg4: memref<128x256xf32, #tpu.memory_space<vmem>>, %arg5: memref<1x256xf32, #tpu.memory_space<vmem>>, %arg6: memref<256x128xf32, #tpu.memory_space<vmem>>, %arg7: memref<2000x128xf32, #tpu.memory_space<vmem>>) attributes {dimension_semantics = [#tpu.dimension_semantics<arbitrary>], iteration_bounds = array<i64: 5>, scalar_prefetch = 0 : i64, scratch_operands = 0 : i64, tpu.core_type = #tpu.core_type<tc>, window_params = [{transform_indices = @transform_0, window_bounds = array<i64: 2, 2000, 128>}, {transform_indices = @transform_1, window_bounds = array<i64: 2, 2000, 128>}, {transform_indices = @transform_2, window_bounds = array<i64: 2000, 128>}, {pipeline_mode = #tpu.pipeline_mode<synchronous>, transform_indices = @transform_3, window_bounds = array<i64: 128, 256>}, {pipeline_mode = #tpu.pipeline_mode<synchronous>, transform_indices = @transform_4, window_bounds = array<i64: 1, 256>}, {pipeline_mode = #tpu.pipeline_mode<synchronous>, transform_indices = @transform_5, window_bounds = array<i64: 256, 128>}, {transform_indices = @transform_6, window_bounds = array<i64: 2000, 128>}]} {
    %get3A = arith.constant 0 : index
    %get3A_0 = arith.constant 0 : index
    %get3A_1 = arith.constant 0 : index
    %get3A_2 = vector.load %arg1[%get3A, %get3A_0, %get3A_1] : memref<2x2000x128xf32, #tpu.memory_space<vmem>>, vector<1x2000x1xf32>
    %get3A_3 = vector.shape_cast %get3A_2 : vector<1x2000x1xf32> to vector<2000x1xf32>
    %get3A_4 = arith.constant 1 : index
    %get3A_5 = arith.constant 0 : index
    %get3A_6 = arith.constant 0 : index
    %get3A_7 = vector.load %arg1[%get3A_4, %get3A_5, %get3A_6] : memref<2x2000x128xf32, #tpu.memory_space<vmem>>, vector<1x2000x1xf32>
    %get3A_8 = vector.shape_cast %get3A_7 : vector<1x2000x1xf32> to vector<2000x1xf32>
    %add3A = arith.addf %get3A_3, %get3A_8 : vector<2000x1xf32>
    %add3A_9 = arith.constant 1.000000e+00 : f32
    %add3A_10 = vector.broadcast %add3A_9 : f32 to vector<2000x1xf32>
    %add3A_11 = arith.addf %add3A, %add3A_10 : vector<2000x1xf32>
    %rsqrt3A = math.rsqrt %add3A_11 : vector<2000x1xf32>
    %get3A_12 = arith.constant 0 : index
    %get3A_13 = arith.constant 0 : index
    %get3A_14 = arith.constant 0 : index
    %get3A_15 = vector.load %arg2[%get3A_12, %get3A_13, %get3A_14] : memref<2x2000x128xf32, #tpu.memory_space<vmem>>, vector<1x2000x128xf32>
    %get3A_16 = vector.shape_cast %get3A_15 : vector<1x2000x128xf32> to vector<2000x128xf32>
    %get3A_17 = arith.constant 1 : index
    %get3A_18 = arith.constant 0 : index
    %get3A_19 = arith.constant 0 : index
    %get3A_20 = vector.load %arg2[%get3A_17, %get3A_18, %get3A_19] : memref<2x2000x128xf32, #tpu.memory_space<vmem>>, vector<1x2000x128xf32>
    %get3A_21 = vector.shape_cast %get3A_20 : vector<1x2000x128xf32> to vector<2000x128xf32>
    %add3A_22 = arith.addf %get3A_16, %get3A_21 : vector<2000x128xf32>
    %get3A_23 = arith.constant 0 : index
    %get3A_24 = arith.constant 0 : index
    %get3A_25 = vector.load %arg3[%get3A_23, %get3A_24] : memref<2000x128xf32, #tpu.memory_space<vmem>>, vector<2000x128xf32>
    %add3A_26 = arith.addf %add3A_22, %get3A_25 : vector<2000x128xf32>
    %mul3A = vector.broadcast %rsqrt3A : vector<2000x1xf32> to vector<2000x128xf32>
    %mul3A_27 = arith.mulf %add3A_26, %mul3A : vector<2000x128xf32>
    %get3A_28 = arith.constant 0 : index
    %get3A_29 = arith.constant 0 : index
    %get3A_30 = vector.load %arg4[%get3A_28, %get3A_29] : memref<128x256xf32, #tpu.memory_space<vmem>>, vector<128x256xf32>
    %dot_general3A = arith.constant dense<0.000000e+00> : vector<2000x256xf32>
    %dot_general3A_31 = tpu.matmul %mul3A_27, %get3A_30, %dot_general3A {dimension_numbers = #tpu.dot_dimension_numbers<[1], [0], [0], [1], [0, 0, 1, 1], [], []>, transpose_lhs_hint = false} : vector<2000x128xf32>, vector<128x256xf32>, vector<2000x256xf32> -> vector<2000x256xf32>
    %get3A_32 = arith.constant 0 : index
    %get3A_33 = arith.constant 0 : index
    %get3A_34 = vector.load %arg5[%get3A_32, %get3A_33] : memref<1x256xf32, #tpu.memory_space<vmem>>, vector<1x256xf32>
    %add3A_35 = vector.broadcast %get3A_34 : vector<1x256xf32> to vector<2000x256xf32>
    %add3A_36 = arith.addf %dot_general3A_31, %add3A_35 : vector<2000x256xf32>
    %max3A = arith.constant 0.000000e+00 : f32
    %max3A_37 = vector.broadcast %max3A : f32 to vector<2000x256xf32>
    %max3A_38 = arith.maximumf %add3A_36, %max3A_37 : vector<2000x256xf32>
    %get3A_39 = arith.constant 0 : index
    %get3A_40 = arith.constant 0 : index
    %get3A_41 = vector.load %arg6[%get3A_39, %get3A_40] : memref<256x128xf32, #tpu.memory_space<vmem>>, vector<256x128xf32>
    %dot_general3A_42 = arith.constant dense<0.000000e+00> : vector<2000x128xf32>
    %dot_general3A_43 = tpu.matmul %max3A_38, %get3A_41, %dot_general3A_42 {dimension_numbers = #tpu.dot_dimension_numbers<[1], [0], [0], [1], [0, 0, 1, 1], [], []>, transpose_lhs_hint = false} : vector<2000x256xf32>, vector<256x128xf32>, vector<2000x128xf32> -> vector<2000x128xf32>
    %mul3A_44 = vector.broadcast %rsqrt3A : vector<2000x1xf32> to vector<2000x128xf32>
    %mul3A_45 = arith.mulf %dot_general3A_43, %mul3A_44 : vector<2000x128xf32>
    %swap3A = arith.constant 0 : index
    %swap3A_46 = arith.constant 0 : index
    %swap3A_47 = vector.load %arg7[%swap3A, %swap3A_46] : memref<2000x128xf32, #tpu.memory_space<vmem>>, vector<2000x128xf32>
    tpu.vector_store %arg7[%swap3A, %swap3A_46], %mul3A_45 {strides = array<i32>} : memref<2000x128xf32, #tpu.memory_space<vmem>>, vector<2000x128xf32>,
    return
  }
  func.func @transform_0(%arg0: i32) -> (i32, i32, i32) {
    %c0_i32 = arith.constant 0 : i32
    %c0_i32_0 = arith.constant 0 : i32
    %c0_i32_1 = arith.constant 0 : i32
    return %c0_i32, %arg0, %c0_i32_0 : i32, i32, i32
  }
  func.func @transform_1(%arg0: i32) -> (i32, i32, i32) {
    %c0_i32 = arith.constant 0 : i32
    %c0_i32_0 = arith.constant 0 : i32
    %c0_i32_1 = arith.constant 0 : i32
    return %c0_i32, %arg0, %c0_i32_0 : i32, i32, i32
  }
  func.func @transform_2(%arg0: i32) -> (i32, i32) {
    %c0_i32 = arith.constant 0 : i32
    %c0_i32_0 = arith.constant 0 : i32
    return %arg0, %c0_i32 : i32, i32
  }
  func.func @transform_3(%arg0: i32) -> (i32, i32) {
    %c0_i32 = arith.constant 0 : i32
    %c0_i32_0 = arith.constant 0 : i32
    %c0_i32_1 = arith.constant 0 : i32
    return %c0_i32, %c0_i32_0 : i32, i32
  }
  func.func @transform_4(%arg0: i32) -> (i32, i32) {
    %c0_i32 = arith.constant 0 : i32
    %c0_i32_0 = arith.constant 0 : i32
    %c0_i32_1 = arith.constant 0 : i32
    return %c0_i32, %c0_i32_0 : i32, i32
  }
  func.func @transform_5(%arg0: i32) -> (i32, i32) {
    %c0_i32 = arith.constant 0 : i32
    %c0_i32_0 = arith.constant 0 : i32
    %c0_i32_1 = arith.constant 0 : i32
    return %c0_i32, %c0_i32_0 : i32, i32
  }
  func.func @transform_6(%arg0: i32) -> (i32, i32) {
    %c0_i32 = arith.constant 0 : i32
    %c0_i32_0 = arith.constant 0 : i32
    return %arg0, %c0_i32 : i32, i32
  }
}

module attributes {stable_mosaic.version = 14 : i64} {
  func.func @_tc_out_body(%arg0: i32, %arg1: memref<2x2000x128xf32, #tpu.memory_space<vmem>>, %arg2: memref<2x2000x128xf32, #tpu.memory_space<vmem>>, %arg3: memref<2000x128xf32, #tpu.memory_space<vmem>>, %arg4: memref<1x128xf32, #tpu.memory_space<vmem>>, %arg5: memref<2000x128xf32, #tpu.memory_space<vmem>>) attributes {dimension_semantics = [#tpu.dimension_semantics<arbitrary>], iteration_bounds = array<i64: 5>, scalar_prefetch = 0 : i64, scratch_operands = 0 : i64, tpu.core_type = #tpu.core_type<tc>, window_params = [{transform_indices = @transform_0, window_bounds = array<i64: 2, 2000, 128>}, {transform_indices = @transform_1, window_bounds = array<i64: 2, 2000, 128>}, {transform_indices = @transform_2, window_bounds = array<i64: 2000, 128>}, {pipeline_mode = #tpu.pipeline_mode<synchronous>, transform_indices = @transform_3, window_bounds = array<i64: 1, 128>}, {transform_indices = @transform_4, window_bounds = array<i64: 2000, 128>}]} {
    %get3A = arith.constant 0 : index
    %get3A_0 = arith.constant 0 : index
    %get3A_1 = arith.constant 0 : index
    %get3A_2 = vector.load %arg1[%get3A, %get3A_0, %get3A_1] : memref<2x2000x128xf32, #tpu.memory_space<vmem>>, vector<1x2000x1xf32>
    %get3A_3 = vector.shape_cast %get3A_2 : vector<1x2000x1xf32> to vector<2000x1xf32>
    %get3A_4 = arith.constant 1 : index
    %get3A_5 = arith.constant 0 : index
    %get3A_6 = arith.constant 0 : index
    %get3A_7 = vector.load %arg1[%get3A_4, %get3A_5, %get3A_6] : memref<2x2000x128xf32, #tpu.memory_space<vmem>>, vector<1x2000x1xf32>
    %get3A_8 = vector.shape_cast %get3A_7 : vector<1x2000x1xf32> to vector<2000x1xf32>
    %add3A = arith.addf %get3A_3, %get3A_8 : vector<2000x1xf32>
    %add3A_9 = arith.constant 1.000000e+00 : f32
    %add3A_10 = vector.broadcast %add3A_9 : f32 to vector<2000x1xf32>
    %add3A_11 = arith.addf %add3A, %add3A_10 : vector<2000x1xf32>
    %rsqrt3A = math.rsqrt %add3A_11 : vector<2000x1xf32>
    %get3A_12 = arith.constant 0 : index
    %get3A_13 = arith.constant 0 : index
    %get3A_14 = arith.constant 0 : index
    %get3A_15 = vector.load %arg2[%get3A_12, %get3A_13, %get3A_14] : memref<2x2000x128xf32, #tpu.memory_space<vmem>>, vector<1x2000x128xf32>
    %get3A_16 = vector.shape_cast %get3A_15 : vector<1x2000x128xf32> to vector<2000x128xf32>
    %get3A_17 = arith.constant 1 : index
    %get3A_18 = arith.constant 0 : index
    %get3A_19 = arith.constant 0 : index
    %get3A_20 = vector.load %arg2[%get3A_17, %get3A_18, %get3A_19] : memref<2x2000x128xf32, #tpu.memory_space<vmem>>, vector<1x2000x128xf32>
    %get3A_21 = vector.shape_cast %get3A_20 : vector<1x2000x128xf32> to vector<2000x128xf32>
    %add3A_22 = arith.addf %get3A_16, %get3A_21 : vector<2000x128xf32>
    %get3A_23 = arith.constant 0 : index
    %get3A_24 = arith.constant 0 : index
    %get3A_25 = vector.load %arg3[%get3A_23, %get3A_24] : memref<2000x128xf32, #tpu.memory_space<vmem>>, vector<2000x128xf32>
    %add3A_26 = arith.addf %add3A_22, %get3A_25 : vector<2000x128xf32>
    %mul3A = vector.broadcast %rsqrt3A : vector<2000x1xf32> to vector<2000x128xf32>
    %mul3A_27 = arith.mulf %add3A_26, %mul3A : vector<2000x128xf32>
    %get3A_28 = arith.constant 0 : index
    %get3A_29 = arith.constant 0 : index
    %get3A_30 = vector.load %arg4[%get3A_28, %get3A_29] : memref<1x128xf32, #tpu.memory_space<vmem>>, vector<1x128xf32>
    %add3A_31 = vector.broadcast %get3A_30 : vector<1x128xf32> to vector<2000x128xf32>
    %add3A_32 = arith.addf %mul3A_27, %add3A_31 : vector<2000x128xf32>
    %max3A = arith.constant 0.000000e+00 : f32
    %max3A_33 = vector.broadcast %max3A : f32 to vector<2000x128xf32>
    %max3A_34 = arith.maximumf %add3A_32, %max3A_33 : vector<2000x128xf32>
    %swap3A = arith.constant 0 : index
    %swap3A_35 = arith.constant 0 : index
    %swap3A_36 = vector.load %arg5[%swap3A, %swap3A_35] : memref<2000x128xf32, #tpu.memory_space<vmem>>, vector<2000x128xf32>
    tpu.vector_store %arg5[%swap3A, %swap3A_35], %max3A_34 {strides = array<i32>} : memref<2000x128xf32, #tpu.memory_space<vmem>>, vector<2000x128xf32>,
    return
  }
  func.func @transform_0(%arg0: i32) -> (i32, i32, i32) {
    %c0_i32 = arith.constant 0 : i32
    %c0_i32_0 = arith.constant 0 : i32
    %c0_i32_1 = arith.constant 0 : i32
    return %c0_i32, %arg0, %c0_i32_0 : i32, i32, i32
  }
  func.func @transform_1(%arg0: i32) -> (i32, i32, i32) {
    %c0_i32 = arith.constant 0 : i32
    %c0_i32_0 = arith.constant 0 : i32
    %c0_i32_1 = arith.constant 0 : i32
    return %c0_i32, %arg0, %c0_i32_0 : i32, i32, i32
  }
  func.func @transform_2(%arg0: i32) -> (i32, i32) {
    %c0_i32 = arith.constant 0 : i32
    %c0_i32_0 = arith.constant 0 : i32
    return %arg0, %c0_i32 : i32, i32
  }
  func.func @transform_3(%arg0: i32) -> (i32, i32) {
    %c0_i32 = arith.constant 0 : i32
    %c0_i32_0 = arith.constant 0 : i32
    %c0_i32_1 = arith.constant 0 : i32
    return %c0_i32, %c0_i32_0 : i32, i32
  }
  func.func @transform_4(%arg0: i32) -> (i32, i32) {
    %c0_i32 = arith.constant 0 : i32
    %c0_i32_0 = arith.constant 0 : i32
    return %arg0, %c0_i32 : i32, i32
  }
}

</mosaic_0001>

<sc_bundles>
// kernel: kernel.11.cloned.1.call-start
scs
__scs_entry_jumppad:
0x0: {  	(pc) =	sbr.rel $0x88, $3  }
0x1: {  	(tag) =	ssettag $0x0;
	lr =	simm.s32 $0x1  }
0x2: {  	[smem:$0x3F9B] =	sst lr;
	_ =	strace $0xD0000000  }
0x3: {  	_ = 	snop  }
0x4: {  	_ = 	snop  }
0x5: {  	_ = 	snop  }
0x6: {  	_ = 	snop  }
0x7: {  	_ = 	snop  }
__scs_overlays_trampoline_lowered:
0x8: {  	[smem:$0x3FAA] =	sst s0  }
0x9: {  	[smem:$0x3FAB] =	sst s1  }
0xa: {  	[smem:$0x3FAC] =	sst s2  }
0xb: {  	[smem:$0x3FAD] =	sst s3  }
0xc: {  	[smem:$0x3FAE] =	sst s4  }
0xd: {  	[smem:$0x3FAF] =	sst s5  }
0xe: {  	[smem:$0x3FB0] =	sst s6  }
0xf: {  	[smem:$0x3FB1] =	sst s7  }
0x10: {  	[smem:$0x3FB2] =	sst s8  }
0x11: {  	[smem:$0x3FB3] =	sst s9;
	s0 =	simm.s32 @!p0 $0x0  }
0x12: {  	s1 =	sld [smem:$0x3F99];
	s0 =	simm.s32 @p0 $0x1  }
0x13: {  	[smem:$0x3FB4] =	sst s0;
	s0 =	simm.s32 @!p1 $0x0  }
0x14: {  	s2 =	sld [smem:$0x3F98];
	s0 =	simm.s32 @p1 $0x1  }
0x15: {  	[smem:$0x3FB5] =	sst s0;
	s0 =	simm.s32 @!p2 $0x0  }
0x16: {  	s3 =	sld [smem:$0x3FDB];
	s0 =	simm.s32 @p2 $0x1  }
0x17: {  	s4 =	simm.s32 $0x1BF5;
	[smem:$0x3FB7] =	sst s0  }
0x18: {  	s0 =	sld [smem:$0x3F9A];
	_ =	swait.ge [sflag:s4], $0x0  }
0x19: {  	s7 =	sld [smem:$0x3F9B]  }
0x1a: {  	s8 =	sadd.s32 $0xFFFFE003, lr  }
0x1b: {  	s9 =	sadd.s32 $0xFFFFFEF7, lr;
	s5 =	simm.s32 $0xFFFFFFFF;
	p2 =	slt.u32 s8, $0xFFFFF086  }
0x1c: {  	p1 =	slt.u32 s9, $0xF7A;
	s5 =	simm.s32 @!p2 $0x0  }
0x1d: {  	s5 =	simm.s32 @p1 $0x1;
	p0 =	seq.s32 s7, s2  }
0x1e: {  	s7 =	smul.u32 @!p0 $0xF7A, s2;
	p2 =	seq.s32 @!p0 s5, $0x0  }
0x1f: {  	s9 =	smul.u32 $0xF7A, s1;
	s8 =	simm.s32 @!p0 $0x1BF5;
	p2 =	por !p2, p0  }
0x20: {  	[sflag:s8] =	ssyncset.s32 @!p0 $0xFFFFF086;
	s6 =	sadd.s32 @!p0 s3, s7;
	s7 =	simm.s32 @!p0 $0x108  }
0x21: {  	s3 =	sadd.s32 s3, s9;
	s6 =	sadd.s32 @!p0 $0x88, s6;
	s7 =	simm.s32 @p2 $0x1082  }
0x22: {  	[simem:s7], [sflag:s8] =	dma.local @!p0 [hbm:s6], $0xF7A  }
0x23: {  	s9 =	sor.u32 $0xD0000000, s2;
	s6 =	simm.s32 $0x108;
	_ =	swait.ge @!p0 [sflag:s8], $0x0  }
0x24: {  	s3 =	sadd.s32 $0x88, s3;
	s6 =	simm.s32 @!p1 $0x1082;
	[sflag:s4] =	ssyncset.s32 $0xFFFFF086  }
0x25: {  	[simem:s6], [sflag:s4] =	dma.local [hbm:s3], $0xF7A  }
0x26: {  	[smem:$0x3F9B] =	sst s1;
	(tag) =	ssettag s2;
	_ =	strace s9  }
0x27: {  	s1 =	sld [smem:$0x3FAB]  }
0x28: {  	s2 =	sld [smem:$0x3FAC]  }
0x29: {  	s4 =	sld [smem:$0x3FAE]  }
0x2a: {  	p0 =	seq.s32 s5, $0x0;
	s5 =	sld [smem:$0x3FAF]  }
0x2b: {  	s6 =	sld [smem:$0x3FB0]  }
0x2c: {  	s7 =	sld [smem:$0x3FB1]  }
0x2d: {  	s3 =	simm.s32 $0x108;
	s8 =	sld [smem:$0x3FB2]  }
0x2e: {  	s3 =	simm.s32 @!p0 $0x1082;
	s9 =	sld [smem:$0x3FB3]  }
0x2f: {  	lr =	sadd.s32 s0, s3;
	s0 =	sld [smem:$0x3FAA]  }
0x30: {  	s3 =	sld [smem:$0x3FAD]  }
0x31: {  	[smem:$0x3FB6] =	sst s10  }
0x32: {  	s10 =	sld [smem:$0x3FB4];
	_ =	sdelay $0x3  }
0x33: {  	p0 =	seq.s32 s10, $0x1;
	s10 =	sld [smem:$0x3FB6];
	_ =	sdelay $0x3  }
0x34: {  	[smem:$0x3FB6] =	sst s10  }
0x35: {  	s10 =	sld [smem:$0x3FB5];
	_ =	sdelay $0x3  }
0x36: {  	p1 =	seq.s32 s10, $0x1;
	s10 =	sld [smem:$0x3FB6];
	_ =	sdelay $0x3  }
0x37: {  	[smem:$0x3FB6] =	sst s10  }
0x38: {  	s10 =	sld [smem:$0x3FB7]  }
0x39: {  	_ = 	snop;
	(pc) =	sbr.ind lr, $3  }
0x3a: {  	_ = 	snop  }
0x3b: {  	_ = 	snop  }
0x3c: {  	p2 =	seq.s32 s10, $0x1;
	s10 =	sld [smem:$0x3FB6]  }
0x3d: {  	_ =	shalt  }
0x3e: {  	_ =	shalt  }
0x3f: {  	_ =	shalt  }
0x40: {  	_ =	shalt  }
0x41: {  	_ =	shalt  }
0x42: {  	_ =	shalt  }
0x43: {  	_ =	shalt  }
0x44: {  	_ =	shalt  }
0x45: {  	_ =	shalt  }
0x46: {  	_ =	shalt  }
0x47: {  	_ =	shalt  }
0x48: {  	_ =	shalt  }
0x49: {  	_ =	shalt  }
0x4a: {  	_ =	shalt  }
0x4b: {  	_ =	shalt  }
0x4c: {  	_ =	shalt  }
0x4d: {  	_ =	shalt  }
0x4e: {  	_ =	shalt  }
0x4f: {  	_ =	shalt  }
0x50: {  	_ =	shalt  }
0x51: {  	_ =	shalt  }
0x52: {  	_ =	shalt  }
0x53: {  	_ =	shalt  }
0x54: {  	_ =	shalt  }
0x55: {  	_ =	shalt  }
0x56: {  	_ =	shalt  }
0x57: {  	_ =	shalt  }
0x58: {  	_ =	shalt  }
0x59: {  	_ =	shalt  }
0x5a: {  	_ =	shalt  }
0x5b: {  	_ =	shalt  }
0x5c: {  	_ =	shalt  }
0x5d: {  	_ =	shalt  }
0x5e: {  	_ =	shalt  }
0x5f: {  	_ =	shalt  }
0x60: {  	_ =	shalt  }
0x61: {  	_ =	shalt  }
0x62: {  	_ =	shalt  }
0x63: {  	_ =	shalt  }
0x64: {  	_ =	shalt  }
0x65: {  	_ =	shalt  }
0x66: {  	_ =	shalt  }
0x67: {  	_ =	shalt  }
0x68: {  	_ =	shalt  }
0x69: {  	_ =	shalt  }
0x6a: {  	_ =	shalt  }
0x6b: {  	_ =	shalt  }
0x6c: {  	_ =	shalt  }
0x6d: {  	_ =	shalt  }
0x6e: {  	_ =	shalt  }
0x6f: {  	_ =	shalt  }
0x70: {  	_ =	shalt  }
0x71: {  	_ =	shalt  }
0x72: {  	_ =	shalt  }
0x73: {  	_ =	shalt  }
0x74: {  	_ =	shalt  }
0x75: {  	_ =	shalt  }
0x76: {  	_ =	shalt  }
0x77: {  	_ =	shalt  }
0x78: {  	_ =	shalt  }
0x79: {  	_ =	shalt  }
0x7a: {  	_ =	shalt  }
0x7b: {  	_ =	shalt  }
0x7c: {  	_ =	shalt  }
0x7d: {  	_ =	shalt  }
0x7e: {  	_ =	shalt  }
0x7f: {  	_ =	shalt  }
0x80: {  	_ =	shalt  }
0x81: {  	_ =	shalt  }
0x82: {  	_ =	shalt  }
0x83: {  	_ =	shalt  }
0x84: {  	_ =	shalt  }
0x85: {  	_ =	shalt  }
0x86: {  	_ =	shalt  }
0x87: {  	_ =	shalt  }
.Lfunc_end0:
.L_simem_size_0:
called_computation.1_lowered:
.L_overlay_start_0:
0x88: {  	s2 =	sld [smem:$0x3FD9]  }
0x89: {  	s3 =	sld [smem:$0x3FFE];
	_ =	sdelay $0x1  }
0x8a: {  	s1 =	srdreg.scid  }
0x8b: {  	s0 =	sand.u32 $0x1, s1  }
0x8c: {  	s17 =	sshll.u32 s0, $0xA;
	s2 =	sadd.s32 s3, s2  }
0x8d: {  	s2 =	sadd.s32 s2, s17  }
0x8e: {  	[smem:$0x3FC2] =	sst s2  }
0x8f: {  	_ = 	snop  }
0x90: {  	s2 =	sld [smem:$0x3FD0];
	(tm) =	ssettm $0x1  }
0x91: {  	s18 =	sld [smem:$0x3FFB];
	_ =	sdelay $0x3  }
0x92: {  	_ =	strace s18  }
0x93: {  	s3 =	sld [smem:$0x3FFC];
	_ =	sdelay $0x3  }
0x94: {  	_ =	strace s3  }
0x95: {  	s3 =	sld [smem:$0x3FFD];
	_ =	sdelay $0x3  }
0x96: {  	_ =	strace s3  }
0x97: {  	_ =	strace $0x8FFFFFFF  }
0x98: {  	s19 =	sld [smem:$0x3FDB];
	_ =	sdelay $0x1  }
0x99: {  	s4 =	simm.s32 $_scs_section_size  }
0x9a: {  	s5 =	simm.s32 $_size__tile_overlayer_lowered;
	s6 =	simm.s32 $_tile_overlayer_lowered  }
0x9b: {  	s22 =	simm.s32 $0x1BFF;
	s21 =	sshll.u32 s6, $0x1;
	s3 =	sadd.s32 s4, s19  }
0x9c: {  	s7 =	simm.s32 $0x0;
	s20 =	sshll.u32 s5, $0x1;
	s5 =	sadd.s32 s21, s3  }
0x9d: {  	[timem:s7], [sflag:s22] =	dma.local [hbm:s5], s20  }
0x9e: {  	_ =	swait.ge [sflag:s22], s20  }
0x9f: {  	s4 =	ssub.s32 $0x0, s20;
	[sflag:s22] =	ssyncset.done $0x0  }
0xa0: {  	[sflag:s22] =	ssyncadd.s32 s4;
	_ =	sdelay $0x1  }
0xa1: {  	s23 =	simm.s32 $0x1B8B  }
0xa2: {  	_ =	swait.ge [sflag:s23], $0x1  }
0xa3: {  	[sflag:s23] =	ssyncset.done $0x0  }
0xa4: {  	s25 =	simm.s32 $0x1B8E;
	s24 =	sld [smem:$0x3FFE];
	[sflag:s23] =	ssyncadd.s32 $0xFFFFFFFF  }
0xa5: {  	s26 =	simm.s32 $execute0_lowered;
	[smem:$0x3FD2] =	sst s25  }
0xa6: {  	s5 =	sshll.u32 s26, $0x1;
	_ =	strace $0x80000049;
	[dreg:$0x1] =	wrdreg $0xFFFFFFFF  }
0xa7: {  	s28 =	simm.s32 $_size_execute0_lowered;
	s3 =	sadd.s32 s3, s5;
	[dreg:$0x0] =	wrdreg $0x0  }
0xa8: {  	s5 =	sshll.u32 s28, $0x1;
	[dreg:$0x2] =	wrdreg s3  }
0xa9: {  	[dreg:$0x3] =	wrdreg s5  }
0xaa: {  	[dreg:$0x4] =	wrdreg $0xC0  }
0xab: {  	_ =	task [dreg:s7], $0x5FFFF  }
0xac: {  	[dreg:$0x1] =	wrdreg $0xFFFFFFFF  }
0xad: {  	[dreg:$0x0] =	wrdreg $0x60  }
0xae: {  	[dreg:$0x2] =	wrdreg s2  }
0xaf: {  	[dreg:$0x3] =	wrdreg s24  }
0xb0: {  	[dreg:$0x4] =	wrdreg $0x0  }
0xb1: {  	[dreg:$0x5] =	wrdreg $0x9  }
0xb2: {  	_ =	task.clear_ibuf [dreg:s7], $0x6FFFF;
	_ =	strace $0x90000049  }
0xb3: {  	s29 =	simm.s32 $0x9;
	_ =	strace $0x8000004B  }
0xb4: {  	_ =	swait.ge [sflag:s29], $0x1  }
0xb5: {  	[sflag:s29] =	ssyncadd.s32 $0xFFFFFFFF  }
0xb6: {  	_ =	strace $0x9000004B  }
0xb7: {  	_ =	sfence  }
0xb8: {  	s30 =	sld [smem:$0x0];
	_ =	sdelay $0x2  }
0xb9: {  	s31 =	sshll.u32 s1, $0xD;
	s1 =	sshrl.u32 s1, $0x2  }
0xba: {  	s3 =	sand.u32 $0x4000, s31;
	s1 =	sadd.s32 s1, s30  }
0xbb: {  	s0 =	sor.u32 s3, s0;
	s1 =	sshll.u32 s1, $0x11  }
0xbc: {  	s0 =	sor.u32 s1, s0  }
0xbd: {  	s0 =	sadd.s32 $0x8F2B, s0  }
0xbe: {  	[sflag:s0] =	ssyncadd.remote.s32 $0x1  }
0xbf: {  	_ =	sfence.sel $0xFFFF  }
0xc0: {  	[dreg:$0x0] =	wrdreg $0xFFFFFFFF;
	(pc) =	sbr.abs _section_cstart, $3  }
0xc1: {  	[dreg:$0x1] =	wrdreg $0xFFFFFFFF  }
0xc2: {  	_ =	task.clear_ibuf [dreg:s7], $0x2FFFF;
	_ =	strace $0x9FFFFFFF  }
0xc3: {  	(tm) =	ssettm $0x7FFFFFFF  }
tec
execute0_lowered:
.L_overlay_start_1:
0x0: {  	(tag) =	ssettag $0x1  }
0x1: {  	s1 =	rddreg [dreg:$0x0]  }
0x2: {  	s0 =	rddreg [dreg:$0x1]  }
0x3: {  	s2 =	rddreg [dreg:$0x2];
	s4 =	simm.s32 $0x0  }
0x4: {  	s3 =	srdreg.scid;
	s12 =	stileid.u32;
	s29 =	simm.s32 $0x20  }
0x5: {  	s30 =	simm.s32 $0x14A00;
	s28 =	simm.s32 $0x14480;
	s8 =	smul.u32 $0x14000, s12  }
0x6: {  	[smem:$0x7FF] =	sst s4;
	s3 =	sand.u32 $0x1, s3;
	s20 =	smul.u32 $0xA000, s12  }
0x7: {  	s5 =	sadd.s32 $0x7C600, s0;
	s6 =	sadd.s32 $0xA4600, s0;
	s11 =	smul.u32 $0x50000, s12  }
0x8: {  	s9 =	sadd.s32 $0x29E00, s0;
	s22 =	sshll.u32 s12, $0x6;
	s7 =	smul.u32 $0x140000, s3  }
0x9: {  	_ =	strace $0x8000004A;
	s19 =	smul.u32 $0xA0000, s3;
	s3 =	ssub.s32 $0x2, s3  }
0xa: {  	[dreg:$0x4] =	wrdreg s9;
	s10 =	sshrl.u32 s3, $0x1;
	s21 =	sshrl.u32 s11, $0x2  }
0xb: {  	s11 =	sor.u32 $0x1C1A, s22;
	s7 =	sadd.s32 s8, s7;
	s3 =	ssub.s32 s3, s10  }
0xc: {  	s8 =	sadd.s32 s20, s19;
	[dreg:$0x6] =	wrdreg s11;
	s7 =	sshrl.u32 s7, $0x3  }
0xd: {  	s10 =	sshrl.u32 s8, $0x3;
	s0 =	sadd.s32 s7, s0;
	s7 =	sadd.s32 s21, s2  }
0xe: {  	s9 =	simm.s32 $0x17A00;
	s20 =	sadd.s32 s5, s10;
	[dreg:$0x5] =	wrdreg s7  }
0xf: {  	s23 =	sor.u32 $0x10, s10;
	s21 =	sadd.s32 s6, s10;
	[dreg:$0x15] =	wrdreg s20  }
0x10: {  	s25 =	sor.u32 $0x20, s10;
	s24 =	sadd.s32 s5, s23;
	[dreg:$0x16] =	wrdreg s21  }
0x11: {  	s31 =	sor.u32 $0x30, s10;
	s7 =	sadd.s32 s6, s23;
	[dreg:$0x7] =	wrdreg s24  }
0x12: {  	s12 =	sor.u32 $0x40, s10;
	s26 =	sadd.s32 s5, s25;
	[dreg:$0x8] =	wrdreg s7  }
0x13: {  	s14 =	sor.u32 $0x50, s10;
	s4 =	sadd.s32 s5, s31;
	[dreg:$0x9] =	wrdreg s26  }
0x14: {  	s16 =	sor.u32 $0x60, s10;
	s13 =	sadd.s32 s5, s12;
	[dreg:$0xb] =	wrdreg s4  }
0x15: {  	s18 =	sor.u32 $0x70, s10;
	s15 =	sadd.s32 s5, s14;
	[dreg:$0xd] =	wrdreg s13  }
0x16: {  	s22 =	sor.u32 $0x80, s10;
	s17 =	sadd.s32 s5, s16;
	[dreg:$0xf] =	wrdreg s15  }
0x17: {  	s19 =	sadd.s32 s5, s18;
	s23 =	sor.u32 $0x90, s10;
	[dreg:$0x11] =	wrdreg s17  }
0x18: {  	s0 =	sadd.s32 $0x2C600, s0;
	s20 =	simm.s32 $0x14480;
	[dreg:$0x13] =	wrdreg s19  }
0x19: {  	s21 =	simm.s32 $0x4;
	s7 =	sadd.s32 s6, s25;
	[dreg:$0x1b] =	wrdreg s0  }
0x1a: {  	s10 =	simm.s32 $0x0;
	s24 =	sadd.s32 s5, s22;
	[dreg:$0xa] =	wrdreg s7  }
0x1b: {  	s25 =	sadd.s32 s5, s23;
	s26 =	sadd.s32 s6, s23;
	[dreg:$0x17] =	wrdreg s24  }
0x1c: {  	s19 =	simm.s32 $0x14900;
	s23 =	simm.s32 $0x15A00;
	[dreg:$0x19] =	wrdreg s25  }
0x1d: {  	s4 =	simm.s32 $0x16A00;
	s7 =	sadd.s32 s6, s31;
	[dreg:$0x1a] =	wrdreg s26  }
0x1e: {  	s0 =	simm.s32 $0x18A00;
	s31 =	smax.u32 s3, $0x1;
	[dreg:$0xc] =	wrdreg s7  }
0x1f: {  	s15 =	simm.s32 $0x2;
	s7 =	sadd.s32 s6, s12;
	[dreg:$0x1c] =	wrdreg s31  }
.Ltmp0:
0x20: {  	[dreg:$0xe] =	wrdreg s7;
	s7 =	sadd.s32 s6, s14;
	(pc) =	sbr.rel .LBB2_1-.Ltmp0, $4  }
0x21: {  	s24 =	simm.s32 $0x5;
	[dreg:$0x10] =	wrdreg s7;
	s7 =	sadd.s32 s6, s16  }
0x22: {  	s25 =	simm.s32 $0x14400;
	[dreg:$0x12] =	wrdreg s7;
	s7 =	sadd.s32 s6, s18  }
0x23: {  	s18 =	simm.s32 $0x14400;
	[dreg:$0x14] =	wrdreg s7;
	s7 =	sadd.s32 s6, s22  }
0x24: {  	s22 =	simm.s32 $0x14980;
	[dreg:$0x18] =	wrdreg s7;
	s7 =	simm.s32 $0x1A  }
.LBB2_4:
0x25: {  	_ =	swait.ge [sflag:s24], $0x1000  }
0x26: {  	[sflag:s24] =	ssyncset.done $0x0  }
0x27: {  	s3 =	simm.s32 $0x19;
	[sflag:s24] =	ssyncadd.s32 $0xFFFFF000  }
0x28: {  	_ =	swait.ge [sflag:s3], $0x80  }
0x29: {  	[sflag:s3] =	ssyncset.done $0x0  }
0x2a: {  	s22 =	simm.s32 $0x14980;
	[sflag:s3] =	ssyncadd.s32 $0xFFFFFF80  }
0x2b: {  	[spmem:s2] =	stream.indirect.scatter.add.f32 [tilespmem:s0], [sflag:$0x1A], $0x80, s22, s29, $0xb8;
	[tilespmem:$0x19A00] =	vst v63  }
0x2c: {  	_ =	swait.ge [sflag:s7], $0x1000  }
0x2d: {  	[sflag:s7] =	ssyncset.done $0x0  }
0x2e: {  	[sflag:s7] =	ssyncadd.s32 $0xFFFFF000  }
0x2f: {  	[bflag:$0x0] =	sbarrier.arrive $0xFFFF  }
0x30: {  	s11 =	rddreg [dreg:$0x6]  }
0x31: {  	s20 =	rddreg [dreg:$0x1b]  }
0x32: {  	s10 =	rddreg [dreg:$0x1e]  }
0x33: {  	[hbm:s20], [sflag:s11] =	dma.local [spmem:s10], $0x2800  }
0x34: {  	_ =	swait.ge [sflag:s7], $0x2800  }
0x35: {  	s26 =	rddreg [dreg:$0x1d]  }
0x36: {  	s31 =	rddreg [dreg:$0x1c];
	s10 =	sadd.s32 $0x1, s26  }
0x37: {  	p0 =	sne.s32 s10, s31  }
.Ltmp1:
0x38: {  	_ = 	snop;
	(pc) =	sbr.rel @!p0 .LBB2_5-.Ltmp1, $3  }
0x39: {  	_ =	sdelay $0x1  }
0x3a: {  	[sflag:s7] =	ssyncset.done $0x0  }
0x3b: {  	s18 =	simm.s32 $0x14400;
	s20 =	simm.s32 $0x14480;
	[sflag:s7] =	ssyncadd.s32 $0xFFFFD800  }
.LBB2_1:
0x3c: {  	[dreg:$0x1d] =	wrdreg s10  }
0x3d: {  	s3 =	rddreg [dreg:$0x5]  }
0x3e: {  	s26 =	rddreg [dreg:$0x4];
	s17 =	sshrl.u32 s3, $0x3  }
0x3f: {  	[dreg:$0x1e] =	wrdreg s17  }
0x40: {  	[spmem:s17], [sflag:s11] =	dma.local [hbm:s26], $0x2800  }
0x41: {  	_ =	swait.ge [sflag:s7], $0x2800  }
0x42: {  	[sflag:s7] =	ssyncset.done $0x0  }
0x43: {  	[sflag:s7] =	ssyncadd.s32 $0xFFFFD800  }
0x44: {  	[bflag:$0x0] =	sbarrier.arrive $0xFFFF  }
0x45: {  	s10 =	simm.s32 $0x14000;
	s14 =	simm.s32 $0x0;
	s12 =	rddreg [dreg:$0x15]  }
0x46: {  	[tilespmem:s10], [sflag:$0x6] =	stream.linear.gather [hbm4b:s12+s14], $0x80, $0x38;
	[tilespmem:$0x19A00] =	vst v63  }
0x47: {  	s16 =	simm.s32 $0x14500;
	s13 =	rddreg [dreg:$0x16]  }
0x48: {  	[tilespmem:s16], [sflag:$0x10] =	stream.linear.gather [hbm4b:s13+s14], $0x80, $0x38;
	[tilespmem:$0x19A00] =	vst v63  }
0x49: {  	s11 =	simm.s32 $0x14080;
	s17 =	rddreg [dreg:$0x7]  }
0x4a: {  	[tilespmem:s11], [sflag:$0x7] =	stream.linear.gather [hbm4b:s17+s14], $0x80, $0x38;
	[tilespmem:$0x19A00] =	vst v63  }
0x4b: {  	s26 =	rddreg [dreg:$0x8];
	s12 =	simm.s32 $0x14580  }
0x4c: {  	[tilespmem:s12], [sflag:$0x11] =	stream.linear.gather [hbm4b:s26+s14], $0x80, $0x38;
	[tilespmem:$0x19A00] =	vst v63  }
0x4d: {  	s13 =	rddreg [dreg:$0x9];
	s12 =	simm.s32 $0x14100  }
0x4e: {  	[tilespmem:s12], [sflag:$0x8] =	stream.linear.gather [hbm4b:s13+s14], $0x80, $0x38;
	[tilespmem:$0x19A00] =	vst v63  }
0x4f: {  	s16 =	rddreg [dreg:$0xa];
	s13 =	simm.s32 $0x14600  }
0x50: {  	[tilespmem:s13], [sflag:$0x12] =	stream.linear.gather [hbm4b:s16+s14], $0x80, $0x38;
	[tilespmem:$0x19A00] =	vst v63  }
0x51: {  	s17 =	rddreg [dreg:$0xb];
	s13 =	simm.s32 $0x14180  }
0x52: {  	[tilespmem:s13], [sflag:$0x9] =	stream.linear.gather [hbm4b:s17+s14], $0x80, $0x38;
	[tilespmem:$0x19A00] =	vst v63  }
0x53: {  	s26 =	rddreg [dreg:$0xc];
	s16 =	simm.s32 $0x14680  }
0x54: {  	[tilespmem:s16], [sflag:$0x13] =	stream.linear.gather [hbm4b:s26+s14], $0x80, $0x38;
	[tilespmem:$0x19A00] =	vst v63  }
0x55: {  	s17 =	rddreg [dreg:$0xd];
	s16 =	simm.s32 $0x14200  }
0x56: {  	[tilespmem:s16], [sflag:$0xA] =	stream.linear.gather [hbm4b:s17+s14], $0x80, $0x38;
	[tilespmem:$0x19A00] =	vst v63  }
0x57: {  	s26 =	rddreg [dreg:$0xe];
	s17 =	simm.s32 $0x14700  }
0x58: {  	[tilespmem:s17], [sflag:$0x14] =	stream.linear.gather [hbm4b:s26+s14], $0x80, $0x38;
	[tilespmem:$0x19A00] =	vst v63  }
0x59: {  	s17 =	rddreg [dreg:$0xf];
	s26 =	simm.s32 $0x14280  }
0x5a: {  	[tilespmem:s26], [sflag:$0xB] =	stream.linear.gather [hbm4b:s17+s14], $0x80, $0x38;
	[tilespmem:$0x19A00] =	vst v63  }
0x5b: {  	s17 =	rddreg [dreg:$0x10];
	s26 =	simm.s32 $0x14780  }
0x5c: {  	[tilespmem:s26], [sflag:$0x15] =	stream.linear.gather [hbm4b:s17+s14], $0x80, $0x38;
	[tilespmem:$0x19A00] =	vst v63  }
0x5d: {  	s17 =	rddreg [dreg:$0x11];
	s26 =	simm.s32 $0x14300  }
0x5e: {  	[tilespmem:s26], [sflag:$0xC] =	stream.linear.gather [hbm4b:s17+s14], $0x80, $0x38;
	[tilespmem:$0x19A00] =	vst v63  }
0x5f: {  	s17 =	rddreg [dreg:$0x12];
	s26 =	simm.s32 $0x14800  }
0x60: {  	[tilespmem:s26], [sflag:$0x16] =	stream.linear.gather [hbm4b:s17+s14], $0x80, $0x38;
	[tilespmem:$0x19A00] =	vst v63  }
0x61: {  	s17 =	rddreg [dreg:$0x13];
	s26 =	simm.s32 $0x14380  }
0x62: {  	[tilespmem:s26], [sflag:$0xD] =	stream.linear.gather [hbm4b:s17+s14], $0x80, $0x38;
	[tilespmem:$0x19A00] =	vst v63  }
0x63: {  	s17 =	rddreg [dreg:$0x14];
	s26 =	simm.s32 $0x14880  }
0x64: {  	[tilespmem:s26], [sflag:$0x17] =	stream.linear.gather [hbm4b:s17+s14], $0x80, $0x38;
	[tilespmem:$0x19A00] =	vst v63  }
0x65: {  	s26 =	rddreg [dreg:$0x17]  }
0x66: {  	[tilespmem:s18], [sflag:$0xE] =	stream.linear.gather [hbm4b:s26+s14], $0x80, $0x38;
	[tilespmem:$0x19A00] =	vst v63  }
0x67: {  	s17 =	rddreg [dreg:$0x18]  }
0x68: {  	[tilespmem:s19], [sflag:$0x18] =	stream.linear.gather [hbm4b:s17+s14], $0x80, $0x38;
	[tilespmem:$0x19A00] =	vst v63  }
0x69: {  	s26 =	rddreg [dreg:$0x19]  }
0x6a: {  	[tilespmem:s20], [sflag:$0xF] =	stream.linear.gather [hbm4b:s26+s14], $0x80, $0x38;
	[tilespmem:$0x19A00] =	vst v63  }
0x6b: {  	s17 =	rddreg [dreg:$0x1a];
	s19 =	simm.s32 $0x6  }
0x6c: {  	[tilespmem:s22], [sflag:$0x19] =	stream.linear.gather [hbm4b:s17+s14], $0x80, $0x38;
	[tilespmem:$0x19A00] =	vst v63  }
0x6d: {  	_ =	swait.ge [sflag:s19], $0x80  }
0x6e: {  	[sflag:s19] =	ssyncset.done $0x0  }
0x6f: {  	s22 =	simm.s32 $0x7;
	[sflag:s19] =	ssyncadd.s32 $0xFFFFFF80  }
0x70: {  	[tilespmem:s30], [sflag:$0x1] =	stream.indirect.gather [hbm4b:s1+s29], $0x80, s10, s29, $0xb8;
	[tilespmem:$0x19A00] =	vst v63  }
0x71: {  	_ =	swait.ge [sflag:s22], $0x80  }
0x72: {  	[sflag:s22] =	ssyncset.done $0x0  }
0x73: {  	[sflag:s22] =	ssyncadd.s32 $0xFFFFFF80  }
0x74: {  	[tilespmem:s23], [sflag:$0x2] =	stream.indirect.gather [hbm4b:s1+s29], $0x80, s11, s29, $0xb8;
	[tilespmem:$0x19A00] =	vst v63  }
0x75: {  	s23 =	simm.s32 $0x8  }
0x76: {  	_ =	swait.ge [sflag:s23], $0x80  }
0x77: {  	[sflag:s23] =	ssyncset.done $0x0  }
0x78: {  	s26 =	simm.s32 $0x9;
	[sflag:s23] =	ssyncadd.s32 $0xFFFFFF80  }
0x79: {  	[tilespmem:s4], [sflag:$0x3] =	stream.indirect.gather [hbm4b:s1+s29], $0x80, s12, s29, $0xb8;
	[tilespmem:$0x19A00] =	vst v63  }
0x7a: {  	_ =	swait.ge [sflag:s26], $0x80  }
0x7b: {  	[sflag:s26] =	ssyncset.done $0x0  }
0x7c: {  	s30 =	simm.s32 $0xA;
	[sflag:s26] =	ssyncadd.s32 $0xFFFFFF80  }
0x7d: {  	[tilespmem:s9], [sflag:$0x4] =	stream.indirect.gather [hbm4b:s1+s29], $0x80, s13, s29, $0xb8;
	[tilespmem:$0x19A00] =	vst v63  }
0x7e: {  	_ =	swait.ge [sflag:s30], $0x80  }
0x7f: {  	s31 =	simm.s32 $0x0;
	[sflag:s30] =	ssyncset.done $0x0  }
0x80: {  	s3 =	simm.s32 $0x980;
	s26 =	simm.s32 $0x14900;
	[sflag:s30] =	ssyncadd.s32 $0xFFFFFF80  }
0x81: {  	[tilespmem:s0], [sflag:$0x5] =	stream.indirect.gather [hbm4b:s1+s29], $0x80, s16, s29, $0xb8;
	[tilespmem:$0x19A00] =	vst v63  }
.LBB2_2:
0x82: {  	s4 =	simm.s32 $0x1  }
0x83: {  	_ =	swait.ge [sflag:s4], $0x1000  }
0x84: {  	[sflag:s4] =	ssyncset.done $0x0  }
0x85: {  	s17 =	simm.s32 $0x10;
	[sflag:s4] =	ssyncadd.s32 $0xFFFFF000  }
0x86: {  	_ =	swait.ge [sflag:s17], $0x80  }
0x87: {  	[sflag:s17] =	ssyncset.done $0x0  }
0x88: {  	s10 =	simm.s32 $0x14500;
	s11 =	simm.s32 $0x14A00;
	[sflag:s17] =	ssyncadd.s32 $0xFFFFFF80  }
0x89: {  	[spmem:s2] =	stream.indirect.scatter.add.f32 [tilespmem:s11], [sflag:$0x1A], $0x80, s10, s29, $0xb8;
	[tilespmem:$0x19A00] =	vst v63  }
0x8a: {  	_ =	swait.ge [sflag:s7], $0x1000  }
0x8b: {  	[sflag:s7] =	ssyncset.done $0x0  }
0x8c: {  	s19 =	simm.s32 $0xB;
	[sflag:s7] =	ssyncadd.s32 $0xFFFFF000  }
0x8d: {  	_ =	swait.ge [sflag:s19], $0x80  }
0x8e: {  	p0 =	seq.s32 s3, $0xA480;
	[sflag:s19] =	ssyncset.done $0x0  }
0x8f: {  	s22 =	simm.s32 $0x14280;
	s10 =	sadd.s32 @!p0 $0xFFFFFB80, s3;
	[sflag:s19] =	ssyncadd.s32 $0xFFFFFF80  }
0x90: {  	[tilespmem:s11], [sflag:$0x1] =	stream.indirect.gather [hbm4b:s1+s29], $0x80, s22, s29, $0xb8;
	[tilespmem:$0x19A00] =	vst v63  }
0x91: {  	s11 =	sand.u32 @!p0 $0x1FC00, s10  }
0x92: {  	s10 =	sand.u32 @!p0 $0x300, s10;
	s11 =	sadd.s32 @!p0 s8, s11  }
0x93: {  	s10 =	sor.u32 @!p0 s10, s11  }
0x94: {  	s10 =	sshrl.u32 @!p0 s10, $0x3  }
0x95: {  	s12 =	simm.s32 @!p0 $0x0;
	s13 =	simm.s32 @!p0 $0x14000;
	s11 =	sadd.s32 @!p0 s5, s10  }
0x96: {  	[tilespmem:s13], [sflag:$0x6] =	stream.linear.gather @!p0 [hbm4b:s11+s12], $0x80, $0x38;
	[tilespmem:$0x19A00] =	vst v63  }
0x97: {  	s10 =	sadd.s32 @!p0 s6, s10;
	s11 =	simm.s32 @!p0 $0x14500  }
0x98: {  	[tilespmem:s11], [sflag:$0x10] =	stream.linear.gather @!p0 [hbm4b:s10+s12], $0x80, $0x38;
	[tilespmem:$0x19A00] =	vst v63  }
0x99: {  	_ =	swait.ge [sflag:s15], $0x1000  }
0x9a: {  	[sflag:s15] =	ssyncset.done $0x0  }
0x9b: {  	s23 =	simm.s32 $0x11;
	[sflag:s15] =	ssyncadd.s32 $0xFFFFF000  }
0x9c: {  	_ =	swait.ge [sflag:s23], $0x80  }
0x9d: {  	[sflag:s23] =	ssyncset.done $0x0  }
0x9e: {  	s14 =	simm.s32 $0x15A00;
	s4 =	simm.s32 $0x14580;
	[sflag:s23] =	ssyncadd.s32 $0xFFFFFF80  }
0x9f: {  	[spmem:s2] =	stream.indirect.scatter.add.f32 [tilespmem:s14], [sflag:$0x1A], $0x80, s4, s29, $0xb8;
	[tilespmem:$0x19A00] =	vst v63  }
0xa0: {  	_ =	swait.ge [sflag:s7], $0x1000  }
0xa1: {  	[sflag:s7] =	ssyncset.done $0x0  }
0xa2: {  	s11 =	simm.s32 $0xC;
	[sflag:s7] =	ssyncadd.s32 $0xFFFFF000  }
0xa3: {  	_ =	swait.ge [sflag:s11], $0x80  }
0xa4: {  	s10 =	sadd.s32 @!p0 $0xFFFFFC00, s3;
	[sflag:s11] =	ssyncset.done $0x0  }
0xa5: {  	s16 =	simm.s32 $0x14300;
	[sflag:s11] =	ssyncadd.s32 $0xFFFFFF80;
	s11 =	sand.u32 @!p0 $0x1FC00, s10  }
0xa6: {  	[tilespmem:s14], [sflag:$0x2] =	stream.indirect.gather [hbm4b:s1+s29], $0x80, s16, s29, $0xb8;
	[tilespmem:$0x19A00] =	vst v63  }
0xa7: {  	s10 =	sand.u32 @!p0 $0x380, s10;
	s11 =	sadd.s32 @!p0 s8, s11  }
0xa8: {  	s10 =	sor.u32 @!p0 s10, s11  }
0xa9: {  	s10 =	sshrl.u32 @!p0 s10, $0x3  }
0xaa: {  	s11 =	simm.s32 @!p0 $0x14080;
	s16 =	sadd.s32 @!p0 s5, s10  }
0xab: {  	[tilespmem:s11], [sflag:$0x7] =	stream.linear.gather @!p0 [hbm4b:s16+s12], $0x80, $0x38;
	[tilespmem:$0x19A00] =	vst v63  }
0xac: {  	s17 =	simm.s32 $0x3;
	s10 =	sadd.s32 @!p0 s6, s10;
	s16 =	simm.s32 @!p0 $0x14580  }
0xad: {  	[tilespmem:s16], [sflag:$0x11] =	stream.linear.gather @!p0 [hbm4b:s10+s12], $0x80, $0x38;
	[tilespmem:$0x19A00] =	vst v63  }
0xae: {  	_ =	swait.ge [sflag:s17], $0x1000  }
0xaf: {  	[sflag:s17] =	ssyncset.done $0x0  }
0xb0: {  	s19 =	simm.s32 $0x12;
	[sflag:s17] =	ssyncadd.s32 $0xFFFFF000  }
0xb1: {  	_ =	swait.ge [sflag:s19], $0x80  }
0xb2: {  	[sflag:s19] =	ssyncset.done $0x0  }
0xb3: {  	s22 =	simm.s32 $0x14600;
	s23 =	simm.s32 $0x16A00;
	[sflag:s19] =	ssyncadd.s32 $0xFFFFFF80  }
0xb4: {  	[spmem:s2] =	stream.indirect.scatter.add.f32 [tilespmem:s23], [sflag:$0x1A], $0x80, s22, s29, $0xb8;
	[tilespmem:$0x19A00] =	vst v63  }
0xb5: {  	_ =	swait.ge [sflag:s7], $0x1000  }
0xb6: {  	s10 =	sadd.s32 @!p0 $0xFFFFFC80, s3;
	[sflag:s7] =	ssyncset.done $0x0  }
0xb7: {  	s16 =	sand.u32 @!p0 $0x1FC00, s10;
	s17 =	simm.s32 $0xD;
	[sflag:s7] =	ssyncadd.s32 $0xFFFFF000  }
0xb8: {  	s10 =	sand.u32 @!p0 $0x300, s10;
	s16 =	sadd.s32 @!p0 s8, s16;
	_ =	swait.ge [sflag:s17], $0x80  }
0xb9: {  	s10 =	sor.u32 @!p0 s10, s16;
	[sflag:s17] =	ssyncset.done $0x0  }
0xba: {  	s16 =	sshrl.u32 @!p0 s10, $0x3;
	s19 =	simm.s32 $0x14380;
	[sflag:s17] =	ssyncadd.s32 $0xFFFFFF80  }
0xbb: {  	[tilespmem:s23], [sflag:$0x3] =	stream.indirect.gather [hbm4b:s1+s29], $0x80, s19, s29, $0xb8;
	[tilespmem:$0x19A00] =	vst v63  }
0xbc: {  	s10 =	simm.s32 @!p0 $0x14100;
	s17 =	sadd.s32 @!p0 s5, s16  }
0xbd: {  	[tilespmem:s10], [sflag:$0x8] =	stream.linear.gather @!p0 [hbm4b:s17+s12], $0x80, $0x38;
	[tilespmem:$0x19A00] =	vst v63  }
0xbe: {  	s16 =	sadd.s32 @!p0 s6, s16;
	s17 =	simm.s32 @!p0 $0x14600  }
0xbf: {  	[tilespmem:s17], [sflag:$0x12] =	stream.linear.gather @!p0 [hbm4b:s16+s12], $0x80, $0x38;
	[tilespmem:$0x19A00] =	vst v63  }
0xc0: {  	_ =	swait.ge [sflag:s21], $0x1000  }
0xc1: {  	[sflag:s21] =	ssyncset.done $0x0  }
0xc2: {  	s22 =	simm.s32 $0x13;
	[sflag:s21] =	ssyncadd.s32 $0xFFFFF000  }
0xc3: {  	_ =	swait.ge [sflag:s22], $0x80  }
0xc4: {  	[sflag:s22] =	ssyncset.done $0x0  }
0xc5: {  	s23 =	simm.s32 $0x14680;
	[sflag:s22] =	ssyncadd.s32 $0xFFFFFF80  }
0xc6: {  	[spmem:s2] =	stream.indirect.scatter.add.f32 [tilespmem:s9], [sflag:$0x1A], $0x80, s23, s29, $0xb8;
	[tilespmem:$0x19A00] =	vst v63  }
0xc7: {  	_ =	swait.ge [sflag:s7], $0x1000  }
0xc8: {  	[sflag:s7] =	ssyncset.done $0x0  }
0xc9: {  	s17 =	simm.s32 $0xE;
	[sflag:s7] =	ssyncadd.s32 $0xFFFFF000  }
0xca: {  	_ =	swait.ge [sflag:s17], $0x80  }
0xcb: {  	s16 =	sadd.s32 @!p0 $0xFFFFFD00, s3;
	[sflag:s17] =	ssyncset.done $0x0  }
0xcc: {  	[sflag:s17] =	ssyncadd.s32 $0xFFFFFF80;
	s17 =	sand.u32 @!p0 $0x1FC00, s16  }
0xcd: {  	[tilespmem:s9], [sflag:$0x4] =	stream.indirect.gather [hbm4b:s1+s29], $0x80, s18, s29, $0xb8;
	[tilespmem:$0x19A00] =	vst v63  }
0xce: {  	s16 =	sand.u32 @!p0 $0x380, s16;
	s17 =	sadd.s32 @!p0 s8, s17  }
0xcf: {  	s16 =	sor.u32 @!p0 s16, s17  }
0xd0: {  	s16 =	sshrl.u32 @!p0 s16, $0x3  }
0xd1: {  	s18 =	simm.s32 @!p0 $0x14180;
	s17 =	sadd.s32 @!p0 s5, s16  }
0xd2: {  	[tilespmem:s18], [sflag:$0x9] =	stream.linear.gather @!p0 [hbm4b:s17+s12], $0x80, $0x38;
	[tilespmem:$0x19A00] =	vst v63  }
0xd3: {  	s16 =	sadd.s32 @!p0 s6, s16;
	s17 =	simm.s32 @!p0 $0x14680  }
0xd4: {  	[tilespmem:s17], [sflag:$0x13] =	stream.linear.gather @!p0 [hbm4b:s16+s12], $0x80, $0x38;
	[tilespmem:$0x19A00] =	vst v63  }
0xd5: {  	_ =	swait.ge [sflag:s24], $0x1000  }
0xd6: {  	[sflag:s24] =	ssyncset.done $0x0  }
0xd7: {  	s18 =	simm.s32 $0x14;
	[sflag:s24] =	ssyncadd.s32 $0xFFFFF000  }
0xd8: {  	_ =	swait.ge [sflag:s18], $0x80  }
0xd9: {  	[sflag:s18] =	ssyncset.done $0x0  }
0xda: {  	s19 =	simm.s32 $0x14700;
	[sflag:s18] =	ssyncadd.s32 $0xFFFFFF80  }
0xdb: {  	[spmem:s2] =	stream.indirect.scatter.add.f32 [tilespmem:s0], [sflag:$0x1A], $0x80, s19, s29, $0xb8;
	[tilespmem:$0x19A00] =	vst v63  }
0xdc: {  	_ =	swait.ge [sflag:s7], $0x1000  }
0xdd: {  	[sflag:s7] =	ssyncset.done $0x0  }
0xde: {  	s22 =	simm.s32 $0xF;
	[sflag:s7] =	ssyncadd.s32 $0xFFFFF000  }
0xdf: {  	_ =	swait.ge [sflag:s22], $0x80  }
0xe0: {  	[sflag:s22] =	ssyncset.done $0x0  }
0xe1: {  	s16 =	simm.s32 @p0 $0x1;
	[sflag:s22] =	ssyncadd.s32 $0xFFFFFF80  }
0xe2: {  	[tilespmem:s0], [sflag:$0x5] =	stream.indirect.gather [hbm4b:s1+s29], $0x80, s20, s29, $0xb8;
	[tilespmem:$0x19A00] =	vst v63  }
0xe3: {  	_ =	swait.ge @p0 [sflag:s16], $0x1000  }
0xe4: {  	[sflag:s16] =	ssyncset.done @p0 $0x0  }
0xe5: {  	[sflag:s16] =	ssyncadd.s32 @p0 $0xFFFFF000;
	s16 =	simm.s32 @p0 $0x15  }
0xe6: {  	_ =	swait.ge @p0 [sflag:s16], $0x80  }
0xe7: {  	s17 =	simm.s32 @p0 $0x14A00;
	[sflag:s16] =	ssyncset.done @p0 $0x0  }
0xe8: {  	s18 =	simm.s32 @p0 $0x20;
	[sflag:s16] =	ssyncadd.s32 @p0 $0xFFFFFF80;
	s16 =	simm.s32 @p0 $0x14780  }
0xe9: {  	[spmem:s2] =	stream.indirect.scatter.add.f32 @p0 [tilespmem:s17], [sflag:$0x1A], $0x80, s16, s18, $0xb8;
	[tilespmem:$0x19A00] =	vst v63  }
0xea: {  	s16 =	sadd.s32 @!p0 $0xFFFFFD80, s3  }
0xeb: {  	s17 =	sand.u32 @!p0 $0x1FC00, s16  }
0xec: {  	s19 =	simm.s32 @p0 $0x1A;
	s16 =	sand.u32 @!p0 $0x300, s16;
	s17 =	sadd.s32 @!p0 s8, s17  }
0xed: {  	_ =	swait.ge @p0 [sflag:s19], $0x1000;
	s16 =	sor.u32 @!p0 s16, s17  }
0xee: {  	[sflag:s19] =	ssyncset.done @p0 $0x0;
	s16 =	sshrl.u32 @!p0 s16, $0x3  }
0xef: {  	s20 =	simm.s32 @!p0 $0x14200;
	[sflag:s19] =	ssyncadd.s32 @p0 $0xFFFFF000;
	s17 =	sadd.s32 @!p0 s5, s16  }
0xf0: {  	[tilespmem:s20], [sflag:$0xA] =	stream.linear.gather @!p0 [hbm4b:s17+s12], $0x80, $0x38;
	[tilespmem:$0x19A00] =	vst v63  }
0xf1: {  	s16 =	sadd.s32 @!p0 s6, s16;
	s17 =	simm.s32 @!p0 $0x14700  }
0xf2: {  	[tilespmem:s17], [sflag:$0x14] =	stream.linear.gather @!p0 [hbm4b:s16+s12], $0x80, $0x38;
	[tilespmem:$0x19A00] =	vst v63  }
0xf3: {  	s16 =	simm.s32 @!p0 $0x1  }
0xf4: {  	_ =	swait.ge @!p0 [sflag:s16], $0x1000  }
0xf5: {  	[sflag:s16] =	ssyncset.done @!p0 $0x0  }
0xf6: {  	[sflag:s16] =	ssyncadd.s32 @!p0 $0xFFFFF000;
	s16 =	simm.s32 @!p0 $0x15  }
0xf7: {  	_ =	swait.ge @!p0 [sflag:s16], $0x80  }
0xf8: {  	s22 =	simm.s32 @!p0 $0x14A00;
	s20 =	simm.s32 @!p0 $0x14780;
	[sflag:s16] =	ssyncset.done @!p0 $0x0  }
0xf9: {  	s17 =	simm.s32 @!p0 $0x1A;
	[sflag:s16] =	ssyncadd.s32 @!p0 $0xFFFFFF80;
	s16 =	simm.s32 @!p0 $0x20  }
0xfa: {  	[spmem:s2] =	stream.indirect.scatter.add.f32 @!p0 [tilespmem:s22], [sflag:$0x1A], $0x80, s20, s16, $0xb8;
	[tilespmem:$0x19A00] =	vst v63  }
0xfb: {  	_ =	swait.ge @!p0 [sflag:s17], $0x1000  }
0xfc: {  	[sflag:s17] =	ssyncset.done @!p0 $0x0  }
0xfd: {  	s23 =	simm.s32 @!p0 $0x6;
	[sflag:s17] =	ssyncadd.s32 @!p0 $0xFFFFF000  }
0xfe: {  	_ =	swait.ge @!p0 [sflag:s23], $0x80  }
0xff: {  	[sflag:s23] =	ssyncset.done @!p0 $0x0  }
0x100: {  	[sflag:s23] =	ssyncadd.s32 @!p0 $0xFFFFFF80  }
0x101: {  	[tilespmem:s22], [sflag:$0x1] =	stream.indirect.gather @!p0 [hbm4b:s1+s16], $0x80, s13, s16, $0xb8;
	[tilespmem:$0x19A00] =	vst v63  }
0x102: {  	s13 =	sadd.s32 @!p0 $0xFFFFFE00, s3  }
0x103: {  	s22 =	sand.u32 @!p0 $0x1FC00, s13  }
0x104: {  	s13 =	sand.u32 @!p0 $0x380, s13;
	s22 =	sadd.s32 @!p0 s8, s22  }
0x105: {  	s13 =	sor.u32 @!p0 s13, s22  }
0x106: {  	s13 =	sshrl.u32 @!p0 s13, $0x3  }
0x107: {  	s23 =	simm.s32 @!p0 $0x14280;
	s22 =	sadd.s32 @!p0 s5, s13  }
0x108: {  	[tilespmem:s23], [sflag:$0xB] =	stream.linear.gather @!p0 [hbm4b:s22+s12], $0x80, $0x38;
	[tilespmem:$0x19A00] =	vst v63  }
0x109: {  	s13 =	sadd.s32 @!p0 s6, s13  }
0x10a: {  	[tilespmem:s20], [sflag:$0x15] =	stream.linear.gather @!p0 [hbm4b:s13+s12], $0x80, $0x38;
	[tilespmem:$0x19A00] =	vst v63  }
0x10b: {  	_ =	swait.ge [sflag:s15], $0x1000  }
0x10c: {  	[sflag:s15] =	ssyncset.done $0x0  }
0x10d: {  	s23 =	simm.s32 $0x16;
	[sflag:s15] =	ssyncadd.s32 $0xFFFFF000  }
0x10e: {  	_ =	swait.ge [sflag:s23], $0x80  }
0x10f: {  	[sflag:s23] =	ssyncset.done $0x0  }
0x110: {  	s20 =	simm.s32 $0x14800;
	[sflag:s23] =	ssyncadd.s32 $0xFFFFFF80  }
0x111: {  	[spmem:s2] =	stream.indirect.scatter.add.f32 [tilespmem:s14], [sflag:$0x1A], $0x80, s20, s29, $0xb8;
	[tilespmem:$0x19A00] =	vst v63  }
0x112: {  	_ =	swait.ge [sflag:s7], $0x1000  }
0x113: {  	[sflag:s7] =	ssyncset.done $0x0  }
0x114: {  	s13 =	simm.s32 @p0 $0x3;
	[sflag:s7] =	ssyncadd.s32 $0xFFFFF000  }
0x115: {  	_ =	swait.ge @p0 [sflag:s13], $0x1000  }
0x116: {  	[sflag:s13] =	ssyncset.done @p0 $0x0  }
0x117: {  	[sflag:s13] =	ssyncadd.s32 @p0 $0xFFFFF000;
	s13 =	simm.s32 @p0 $0x17  }
0x118: {  	_ =	swait.ge @p0 [sflag:s13], $0x80  }
0x119: {  	[sflag:s13] =	ssyncset.done @p0 $0x0  }
0x11a: {  	s20 =	simm.s32 @p0 $0x16A00;
	[sflag:s13] =	ssyncadd.s32 @p0 $0xFFFFFF80;
	s13 =	simm.s32 @p0 $0x14880  }
0x11b: {  	[spmem:s2] =	stream.indirect.scatter.add.f32 @p0 [tilespmem:s20], [sflag:$0x1A], $0x80, s13, s18, $0xb8;
	[tilespmem:$0x19A00] =	vst v63  }
0x11c: {  	_ =	swait.ge @p0 [sflag:s19], $0x1000  }
0x11d: {  	[sflag:s19] =	ssyncset.done @p0 $0x0  }
0x11e: {  	s13 =	simm.s32 @!p0 $0x7;
	[sflag:s19] =	ssyncadd.s32 @p0 $0xFFFFF000  }
0x11f: {  	_ =	swait.ge @!p0 [sflag:s13], $0x80  }
0x120: {  	[sflag:s13] =	ssyncset.done @!p0 $0x0  }
0x121: {  	[sflag:s13] =	ssyncadd.s32 @!p0 $0xFFFFFF80;
	s13 =	simm.s32 @!p0 $0x15A00  }
0x122: {  	[tilespmem:s13], [sflag:$0x2] =	stream.indirect.gather @!p0 [hbm4b:s1+s16], $0x80, s11, s16, $0xb8;
	[tilespmem:$0x19A00] =	vst v63  }
0x123: {  	s11 =	sadd.s32 @!p0 $0xFFFFFE80, s3  }
0x124: {  	s11 =	sand.u32 @!p0 $0x1FC00, s11  }
0x125: {  	s13 =	sand.u32 @!p0 $0x300, s31;
	s11 =	sadd.s32 @!p0 s8, s11  }
0x126: {  	s11 =	sor.u32 @!p0 s13, s11  }
0x127: {  	s11 =	sshrl.u32 @!p0 s11, $0x3  }
0x128: {  	s18 =	simm.s32 @!p0 $0x14300;
	s13 =	sadd.s32 @!p0 s5, s11  }
0x129: {  	[tilespmem:s18], [sflag:$0xC] =	stream.linear.gather @!p0 [hbm4b:s13+s12], $0x80, $0x38;
	[tilespmem:$0x19A00] =	vst v63  }
0x12a: {  	s11 =	sadd.s32 @!p0 s6, s11;
	s13 =	simm.s32 @!p0 $0x14800  }
0x12b: {  	[tilespmem:s13], [sflag:$0x16] =	stream.linear.gather @!p0 [hbm4b:s11+s12], $0x80, $0x38;
	[tilespmem:$0x19A00] =	vst v63  }
0x12c: {  	s11 =	simm.s32 @!p0 $0x3  }
0x12d: {  	_ =	swait.ge @!p0 [sflag:s11], $0x1000  }
0x12e: {  	[sflag:s11] =	ssyncset.done @!p0 $0x0  }
0x12f: {  	[sflag:s11] =	ssyncadd.s32 @!p0 $0xFFFFF000;
	s11 =	simm.s32 @!p0 $0x17  }
0x130: {  	_ =	swait.ge @!p0 [sflag:s11], $0x80  }
0x131: {  	[sflag:s11] =	ssyncset.done @!p0 $0x0  }
0x132: {  	s13 =	simm.s32 @!p0 $0x16A00;
	[sflag:s11] =	ssyncadd.s32 @!p0 $0xFFFFFF80;
	s11 =	simm.s32 @!p0 $0x14880  }
0x133: {  	[spmem:s2] =	stream.indirect.scatter.add.f32 @!p0 [tilespmem:s13], [sflag:$0x1A], $0x80, s11, s16, $0xb8;
	[tilespmem:$0x19A00] =	vst v63  }
0x134: {  	_ =	swait.ge @!p0 [sflag:s17], $0x1000  }
0x135: {  	[sflag:s17] =	ssyncset.done @!p0 $0x0  }
0x136: {  	[sflag:s17] =	ssyncadd.s32 @!p0 $0xFFFFF000;
	s17 =	simm.s32 @!p0 $0x8  }
0x137: {  	_ =	swait.ge @!p0 [sflag:s17], $0x80  }
0x138: {  	[sflag:s17] =	ssyncset.done @!p0 $0x0  }
0x139: {  	[sflag:s17] =	ssyncadd.s32 @!p0 $0xFFFFFF80  }
0x13a: {  	[tilespmem:s13], [sflag:$0x3] =	stream.indirect.gather @!p0 [hbm4b:s1+s16], $0x80, s10, s16, $0xb8;
	[tilespmem:$0x19A00] =	vst v63  }
0x13b: {  	s10 =	sadd.s32 @!p0 $0xFFFFFF00, s3  }
0x13c: {  	s13 =	sand.u32 @!p0 $0x1FC00, s10  }
0x13d: {  	s10 =	sand.u32 @!p0 $0x380, s10;
	s13 =	sadd.s32 @!p0 s8, s13  }
0x13e: {  	s10 =	sor.u32 @!p0 s10, s13  }
0x13f: {  	s10 =	sshrl.u32 @!p0 s10, $0x3  }
0x140: {  	s16 =	simm.s32 @!p0 $0x14380;
	s13 =	sadd.s32 @!p0 s5, s10  }
0x141: {  	[tilespmem:s16], [sflag:$0xD] =	stream.linear.gather @!p0 [hbm4b:s13+s12], $0x80, $0x38;
	[tilespmem:$0x19A00] =	vst v63  }
0x142: {  	s10 =	sadd.s32 @!p0 s6, s10  }
0x143: {  	[tilespmem:s11], [sflag:$0x17] =	stream.linear.gather @!p0 [hbm4b:s10+s12], $0x80, $0x38;
	[tilespmem:$0x19A00] =	vst v63  }
0x144: {  	_ =	swait.ge [sflag:s21], $0x1000  }
0x145: {  	[sflag:s21] =	ssyncset.done $0x0  }
0x146: {  	s22 =	simm.s32 $0x18;
	[sflag:s21] =	ssyncadd.s32 $0xFFFFF000  }
0x147: {  	_ =	swait.ge [sflag:s22], $0x80  }
0x148: {  	[sflag:s22] =	ssyncset.done $0x0  }
.Ltmp2:
0x149: {  	[sflag:s22] =	ssyncadd.s32 $0xFFFFFF80;
	(pc) =	sbr.rel @p0 .LBB2_4-.Ltmp2, $4  }
0x14a: {  	[spmem:s2] =	stream.indirect.scatter.add.f32 [tilespmem:s9], [sflag:$0x1A], $0x80, s26, s29, $0xb8;
	[tilespmem:$0x19A00] =	vst v63  }
0x14b: {  	_ =	swait.ge [sflag:s7], $0x1000  }
0x14c: {  	s30 =	simm.s32 $0x14A00;
	s4 =	simm.s32 $0x16A00;
	[sflag:s7] =	ssyncset.done $0x0  }
0x14d: {  	s23 =	simm.s32 $0x15A00;
	s19 =	simm.s32 $0x14900;
	[sflag:s7] =	ssyncadd.s32 $0xFFFFF000  }
0x14e: {  	s4 =	simm.s32 $0x9  }
0x14f: {  	_ =	swait.ge [sflag:s4], $0x80  }
0x150: {  	s16 =	sadd.s32 $0xFFFFFF80, s3;
	[sflag:s4] =	ssyncset.done $0x0  }
0x151: {  	s10 =	simm.s32 $0x14180;
	s11 =	sand.u32 $0x1FC00, s16;
	[sflag:s4] =	ssyncadd.s32 $0xFFFFFF80  }
0x152: {  	[tilespmem:s9], [sflag:$0x4] =	stream.indirect.gather [hbm4b:s1+s29], $0x80, s10, s29, $0xb8;
	[tilespmem:$0x19A00] =	vst v63  }
0x153: {  	s11 =	sadd.s32 s8, s11;
	s10 =	sand.u32 $0x300, s16  }
0x154: {  	s10 =	sor.u32 s10, s11  }
0x155: {  	s10 =	sshrl.u32 s10, $0x3  }
0x156: {  	s18 =	simm.s32 $0x0;
	s17 =	sadd.s32 s5, s10  }
0x157: {  	[tilespmem:s25], [sflag:$0xE] =	stream.linear.gather [hbm4b:s17+s18], $0x80, $0x38;
	[tilespmem:$0x19A00] =	vst v63  }
0x158: {  	s10 =	sadd.s32 s6, s10  }
0x159: {  	[tilespmem:s19], [sflag:$0x18] =	stream.linear.gather [hbm4b:s10+s18], $0x80, $0x38;
	[tilespmem:$0x19A00] =	vst v63  }
0x15a: {  	_ =	swait.ge [sflag:s24], $0x1000  }
0x15b: {  	[sflag:s24] =	ssyncset.done $0x0  }
0x15c: {  	s19 =	simm.s32 $0x19;
	[sflag:s24] =	ssyncadd.s32 $0xFFFFF000  }
0x15d: {  	_ =	swait.ge [sflag:s19], $0x80  }
0x15e: {  	[sflag:s19] =	ssyncset.done $0x0  }
0x15f: {  	s12 =	simm.s32 $0x14980;
	[sflag:s19] =	ssyncadd.s32 $0xFFFFFF80  }
0x160: {  	[spmem:s2] =	stream.indirect.scatter.add.f32 [tilespmem:s0], [sflag:$0x1A], $0x80, s12, s29, $0xb8;
	[tilespmem:$0x19A00] =	vst v63  }
0x161: {  	_ =	swait.ge [sflag:s7], $0x1000  }
0x162: {  	[sflag:s7] =	ssyncset.done $0x0  }
0x163: {  	s20 =	simm.s32 $0xA;
	s23 =	sand.u32 $0x1FC00, s3;
	[sflag:s7] =	ssyncadd.s32 $0xFFFFF000  }
0x164: {  	s26 =	sand.u32 $0x380, s3;
	s10 =	sadd.s32 s8, s23;
	_ =	swait.ge [sflag:s20], $0x80  }
0x165: {  	s10 =	sor.u32 s26, s10;
	[sflag:s20] =	ssyncset.done $0x0  }
0x166: {  	s22 =	simm.s32 $0x14200;
	s10 =	sshrl.u32 s10, $0x3;
	[sflag:s20] =	ssyncadd.s32 $0xFFFFFF80  }
0x167: {  	[tilespmem:s0], [sflag:$0x5] =	stream.indirect.gather [hbm4b:s1+s29], $0x80, s22, s29, $0xb8;
	[tilespmem:$0x19A00] =	vst v63  }
.Ltmp3:
0x168: {  	s30 =	sadd.s32 s5, s10;
	(pc) =	sbr.rel .LBB2_2-.Ltmp3, $4  }
0x169: {  	[tilespmem:s28], [sflag:$0xF] =	stream.linear.gather [hbm4b:s30+s18], $0x80, $0x38;
	[tilespmem:$0x19A00] =	vst v63  }
0x16a: {  	s3 =	sadd.s32 $0x500, s3;
	s31 =	sadd.s32 $0x100, s31;
	s10 =	sadd.s32 s6, s10  }
0x16b: {  	[tilespmem:s12], [sflag:$0x19] =	stream.linear.gather [hbm4b:s10+s18], $0x80, $0x38;
	[tilespmem:$0x19A00] =	vst v63  }
0x16c: {  	s26 =	simm.s32 $0x14900;
	s20 =	simm.s32 $0x14480;
	s18 =	simm.s32 $0x14400  }
.LBB2_5:
0x16d: {  	_ =	sfence.sel $0x180000  }
0x16e: {  	[bflag:$0x0] =	sbarrier.arrive $0xFFFF  }
0x16f: {  	_ =	strace $0x9000004A  }
0x170: {  	s0 =	stileid.u32;
	[bflag:$0x2] =	sbarrier.arrive $0xFFFF  }
0x171: {  	p0 =	sne.s32 s0, $0x0;
	s0 =	rddreg [dreg:$0x3]  }
0x172: {  	s0 =	sadd.s32 @!p0 $0x100000, s0  }
0x173: {  	[sflag:s0] =	ssyncadd.tile.s32 @!p0 $0x1;
	_ =	shalt  }
.Lfunc_end2:
_tile_overlayer_lowered:
.L_overlay_start_2:
0x174: {  	(tag) =	ssettag $0x2  }
0x175: {  	s0 =	rddreg [dreg:$0x0];
	s2 =	stileid.u32  }
0x176: {  	s1 =	rddreg [dreg:$0x1];
	p0 =	sne.s32 s2, $0x0  }
0x177: {  	s3 =	rddreg [dreg:$0x2];
	[bflag:$0x3] =	sbarrier.arrive $0xFFFF;
	s2 =	simm.s32 @!p0 $0x1C1A  }
0x178: {  	[timem:s3], [sflag:s2] =	dma.local @!p0 [hbm:s0], s1  }
0x179: {  	s0 =	simm.s32 @!p0 $0x1A  }
0x17a: {  	_ =	swait.ge @!p0 [sflag:s0], s1  }
0x17b: {  	s1 =	ssub.s32 @!p0 $0x0, s1;
	[sflag:s0] =	ssyncset.done @!p0 $0x0  }
0x17c: {  	[sflag:s0] =	ssyncadd.s32 @!p0 s1  }
0x17d: {  	[bflag:$0x3] =	sbarrier.arrive $0xFFFF  }
0x17e: {  	_ =	shalt  }

// kernel: kernel.14.cloned.1.call-start
scs
__scs_entry_jumppad:
0x0: {  	(pc) =	sbr.rel $0x88, $3  }
0x1: {  	(tag) =	ssettag $0x0;
	lr =	simm.s32 $0x1  }
0x2: {  	[smem:$0x3F9B] =	sst lr;
	_ =	strace $0xD0000000  }
0x3: {  	_ = 	snop  }
0x4: {  	_ = 	snop  }
0x5: {  	_ = 	snop  }
0x6: {  	_ = 	snop  }
0x7: {  	_ = 	snop  }
__scs_overlays_trampoline_lowered:
0x8: {  	[smem:$0x3FAA] =	sst s0  }
0x9: {  	[smem:$0x3FAB] =	sst s1  }
0xa: {  	[smem:$0x3FAC] =	sst s2  }
0xb: {  	[smem:$0x3FAD] =	sst s3  }
0xc: {  	[smem:$0x3FAE] =	sst s4  }
0xd: {  	[smem:$0x3FAF] =	sst s5  }
0xe: {  	[smem:$0x3FB0] =	sst s6  }
0xf: {  	[smem:$0x3FB1] =	sst s7  }
0x10: {  	[smem:$0x3FB2] =	sst s8  }
0x11: {  	[smem:$0x3FB3] =	sst s9;
	s0 =	simm.s32 @!p0 $0x0  }
0x12: {  	s1 =	sld [smem:$0x3F99];
	s0 =	simm.s32 @p0 $0x1  }
0x13: {  	[smem:$0x3FB4] =	sst s0;
	s0 =	simm.s32 @!p1 $0x0  }
0x14: {  	s2 =	sld [smem:$0x3F98];
	s0 =	simm.s32 @p1 $0x1  }
0x15: {  	[smem:$0x3FB5] =	sst s0;
	s0 =	simm.s32 @!p2 $0x0  }
0x16: {  	s3 =	sld [smem:$0x3FDB];
	s0 =	simm.s32 @p2 $0x1  }
0x17: {  	s4 =	simm.s32 $0x1BF5;
	[smem:$0x3FB7] =	sst s0  }
0x18: {  	s0 =	sld [smem:$0x3F9A];
	_ =	swait.ge [sflag:s4], $0x0  }
0x19: {  	s7 =	sld [smem:$0x3F9B]  }
0x1a: {  	s8 =	sadd.s32 $0xFFFFE003, lr  }
0x1b: {  	s9 =	sadd.s32 $0xFFFFFEF7, lr;
	s5 =	simm.s32 $0xFFFFFFFF;
	p2 =	slt.u32 s8, $0xFFFFF086  }
0x1c: {  	p1 =	slt.u32 s9, $0xF7A;
	s5 =	simm.s32 @!p2 $0x0  }
0x1d: {  	s5 =	simm.s32 @p1 $0x1;
	p0 =	seq.s32 s7, s2  }
0x1e: {  	s7 =	smul.u32 @!p0 $0xF7A, s2;
	p2 =	seq.s32 @!p0 s5, $0x0  }
0x1f: {  	s9 =	smul.u32 $0xF7A, s1;
	s8 =	simm.s32 @!p0 $0x1BF5;
	p2 =	por !p2, p0  }
0x20: {  	[sflag:s8] =	ssyncset.s32 @!p0 $0xFFFFF086;
	s6 =	sadd.s32 @!p0 s3, s7;
	s7 =	simm.s32 @!p0 $0x108  }
0x21: {  	s3 =	sadd.s32 s3, s9;
	s6 =	sadd.s32 @!p0 $0x88, s6;
	s7 =	simm.s32 @p2 $0x1082  }
0x22: {  	[simem:s7], [sflag:s8] =	dma.local @!p0 [hbm:s6], $0xF7A  }
0x23: {  	s9 =	sor.u32 $0xD0000000, s2;
	s6 =	simm.s32 $0x108;
	_ =	swait.ge @!p0 [sflag:s8], $0x0  }
0x24: {  	s3 =	sadd.s32 $0x88, s3;
	s6 =	simm.s32 @!p1 $0x1082;
	[sflag:s4] =	ssyncset.s32 $0xFFFFF086  }
0x25: {  	[simem:s6], [sflag:s4] =	dma.local [hbm:s3], $0xF7A  }
0x26: {  	[smem:$0x3F9B] =	sst s1;
	(tag) =	ssettag s2;
	_ =	strace s9  }
0x27: {  	s1 =	sld [smem:$0x3FAB]  }
0x28: {  	s2 =	sld [smem:$0x3FAC]  }
0x29: {  	s4 =	sld [smem:$0x3FAE]  }
0x2a: {  	p0 =	seq.s32 s5, $0x0;
	s5 =	sld [smem:$0x3FAF]  }
0x2b: {  	s6 =	sld [smem:$0x3FB0]  }
0x2c: {  	s7 =	sld [smem:$0x3FB1]  }
0x2d: {  	s3 =	simm.s32 $0x108;
	s8 =	sld [smem:$0x3FB2]  }
0x2e: {  	s3 =	simm.s32 @!p0 $0x1082;
	s9 =	sld [smem:$0x3FB3]  }
0x2f: {  	lr =	sadd.s32 s0, s3;
	s0 =	sld [smem:$0x3FAA]  }
0x30: {  	s3 =	sld [smem:$0x3FAD]  }
0x31: {  	[smem:$0x3FB6] =	sst s10  }
0x32: {  	s10 =	sld [smem:$0x3FB4];
	_ =	sdelay $0x3  }
0x33: {  	p0 =	seq.s32 s10, $0x1;
	s10 =	sld [smem:$0x3FB6];
	_ =	sdelay $0x3  }
0x34: {  	[smem:$0x3FB6] =	sst s10  }
0x35: {  	s10 =	sld [smem:$0x3FB5];
	_ =	sdelay $0x3  }
0x36: {  	p1 =	seq.s32 s10, $0x1;
	s10 =	sld [smem:$0x3FB6];
	_ =	sdelay $0x3  }
0x37: {  	[smem:$0x3FB6] =	sst s10  }
0x38: {  	s10 =	sld [smem:$0x3FB7]  }
0x39: {  	_ = 	snop;
	(pc) =	sbr.ind lr, $3  }
0x3a: {  	_ = 	snop  }
0x3b: {  	_ = 	snop  }
0x3c: {  	p2 =	seq.s32 s10, $0x1;
	s10 =	sld [smem:$0x3FB6]  }
0x3d: {  	_ =	shalt  }
0x3e: {  	_ =	shalt  }
0x3f: {  	_ =	shalt  }
0x40: {  	_ =	shalt  }
0x41: {  	_ =	shalt  }
0x42: {  	_ =	shalt  }
0x43: {  	_ =	shalt  }
0x44: {  	_ =	shalt  }
0x45: {  	_ =	shalt  }
0x46: {  	_ =	shalt  }
0x47: {  	_ =	shalt  }
0x48: {  	_ =	shalt  }
0x49: {  	_ =	shalt  }
0x4a: {  	_ =	shalt  }
0x4b: {  	_ =	shalt  }
0x4c: {  	_ =	shalt  }
0x4d: {  	_ =	shalt  }
0x4e: {  	_ =	shalt  }
0x4f: {  	_ =	shalt  }
0x50: {  	_ =	shalt  }
0x51: {  	_ =	shalt  }
0x52: {  	_ =	shalt  }
0x53: {  	_ =	shalt  }
0x54: {  	_ =	shalt  }
0x55: {  	_ =	shalt  }
0x56: {  	_ =	shalt  }
0x57: {  	_ =	shalt  }
0x58: {  	_ =	shalt  }
0x59: {  	_ =	shalt  }
0x5a: {  	_ =	shalt  }
0x5b: {  	_ =	shalt  }
0x5c: {  	_ =	shalt  }
0x5d: {  	_ =	shalt  }
0x5e: {  	_ =	shalt  }
0x5f: {  	_ =	shalt  }
0x60: {  	_ =	shalt  }
0x61: {  	_ =	shalt  }
0x62: {  	_ =	shalt  }
0x63: {  	_ =	shalt  }
0x64: {  	_ =	shalt  }
0x65: {  	_ =	shalt  }
0x66: {  	_ =	shalt  }
0x67: {  	_ =	shalt  }
0x68: {  	_ =	shalt  }
0x69: {  	_ =	shalt  }
0x6a: {  	_ =	shalt  }
0x6b: {  	_ =	shalt  }
0x6c: {  	_ =	shalt  }
0x6d: {  	_ =	shalt  }
0x6e: {  	_ =	shalt  }
0x6f: {  	_ =	shalt  }
0x70: {  	_ =	shalt  }
0x71: {  	_ =	shalt  }
0x72: {  	_ =	shalt  }
0x73: {  	_ =	shalt  }
0x74: {  	_ =	shalt  }
0x75: {  	_ =	shalt  }
0x76: {  	_ =	shalt  }
0x77: {  	_ =	shalt  }
0x78: {  	_ =	shalt  }
0x79: {  	_ =	shalt  }
0x7a: {  	_ =	shalt  }
0x7b: {  	_ =	shalt  }
0x7c: {  	_ =	shalt  }
0x7d: {  	_ =	shalt  }
0x7e: {  	_ =	shalt  }
0x7f: {  	_ =	shalt  }
0x80: {  	_ =	shalt  }
0x81: {  	_ =	shalt  }
0x82: {  	_ =	shalt  }
0x83: {  	_ =	shalt  }
0x84: {  	_ =	shalt  }
0x85: {  	_ =	shalt  }
0x86: {  	_ =	shalt  }
0x87: {  	_ =	shalt  }
.Lfunc_end0:
.L_simem_size_0:
called_computation.2_lowered:
.L_overlay_start_0:
0x88: {  	s2 =	sld [smem:$0x3FD9]  }
0x89: {  	s3 =	sld [smem:$0x3FFE];
	_ =	sdelay $0x1  }
0x8a: {  	s1 =	srdreg.scid  }
0x8b: {  	s0 =	sand.u32 $0x1, s1  }
0x8c: {  	s17 =	sshll.u32 s0, $0xA;
	s2 =	sadd.s32 s3, s2  }
0x8d: {  	s2 =	sadd.s32 s2, s17  }
0x8e: {  	[smem:$0x3FC2] =	sst s2  }
0x8f: {  	_ = 	snop  }
0x90: {  	s2 =	sld [smem:$0x3FD0];
	(tm) =	ssettm $0x1  }
0x91: {  	s18 =	sld [smem:$0x3FFB];
	_ =	sdelay $0x3  }
0x92: {  	_ =	strace s18  }
0x93: {  	s3 =	sld [smem:$0x3FFC];
	_ =	sdelay $0x3  }
0x94: {  	_ =	strace s3  }
0x95: {  	s3 =	sld [smem:$0x3FFD];
	_ =	sdelay $0x3  }
0x96: {  	_ =	strace s3  }
0x97: {  	_ =	strace $0x8FFFFFFF  }
0x98: {  	s19 =	sld [smem:$0x3FDB];
	_ =	sdelay $0x1  }
0x99: {  	s4 =	simm.s32 $_scs_section_size  }
0x9a: {  	s5 =	simm.s32 $_size__tile_overlayer_lowered;
	s6 =	simm.s32 $_tile_overlayer_lowered  }
0x9b: {  	s22 =	simm.s32 $0x1BFF;
	s21 =	sshll.u32 s6, $0x1;
	s3 =	sadd.s32 s4, s19  }
0x9c: {  	s7 =	simm.s32 $0x0;
	s20 =	sshll.u32 s5, $0x1;
	s5 =	sadd.s32 s21, s3  }
0x9d: {  	[timem:s7], [sflag:s22] =	dma.local [hbm:s5], s20  }
0x9e: {  	_ =	swait.ge [sflag:s22], s20  }
0x9f: {  	s4 =	ssub.s32 $0x0, s20;
	[sflag:s22] =	ssyncset.done $0x0  }
0xa0: {  	[sflag:s22] =	ssyncadd.s32 s4;
	_ =	sdelay $0x1  }
0xa1: {  	s23 =	simm.s32 $0x1B8B  }
0xa2: {  	_ =	swait.ge [sflag:s23], $0x1  }
0xa3: {  	[sflag:s23] =	ssyncset.done $0x0  }
0xa4: {  	s25 =	simm.s32 $0x1B8E;
	s24 =	sld [smem:$0x3FFE];
	[sflag:s23] =	ssyncadd.s32 $0xFFFFFFFF  }
0xa5: {  	s26 =	simm.s32 $execute0_lowered;
	[smem:$0x3FD2] =	sst s25  }
0xa6: {  	s5 =	sshll.u32 s26, $0x1;
	_ =	strace $0x8000004C;
	[dreg:$0x1] =	wrdreg $0xFFFFFFFF  }
0xa7: {  	s28 =	simm.s32 $_size_execute0_lowered;
	s3 =	sadd.s32 s3, s5;
	[dreg:$0x0] =	wrdreg $0x0  }
0xa8: {  	s5 =	sshll.u32 s28, $0x1;
	[dreg:$0x2] =	wrdreg s3  }
0xa9: {  	[dreg:$0x3] =	wrdreg s5  }
0xaa: {  	[dreg:$0x4] =	wrdreg $0xC0  }
0xab: {  	_ =	task [dreg:s7], $0x5FFFF  }
0xac: {  	[dreg:$0x1] =	wrdreg $0xFFFFFFFF  }
0xad: {  	[dreg:$0x0] =	wrdreg $0x60  }
0xae: {  	[dreg:$0x2] =	wrdreg s2  }
0xaf: {  	[dreg:$0x3] =	wrdreg s24  }
0xb0: {  	[dreg:$0x4] =	wrdreg $0x0  }
0xb1: {  	[dreg:$0x5] =	wrdreg $0x9  }
0xb2: {  	_ =	task.clear_ibuf [dreg:s7], $0x6FFFF;
	_ =	strace $0x9000004C  }
0xb3: {  	s29 =	simm.s32 $0x9;
	_ =	strace $0x8000004E  }
0xb4: {  	_ =	swait.ge [sflag:s29], $0x1  }
0xb5: {  	[sflag:s29] =	ssyncadd.s32 $0xFFFFFFFF  }
0xb6: {  	_ =	strace $0x9000004E  }
0xb7: {  	_ =	sfence  }
0xb8: {  	s30 =	sld [smem:$0x0];
	_ =	sdelay $0x2  }
0xb9: {  	s31 =	sshll.u32 s1, $0xD;
	s1 =	sshrl.u32 s1, $0x2  }
0xba: {  	s3 =	sand.u32 $0x4000, s31;
	s1 =	sadd.s32 s1, s30  }
0xbb: {  	s0 =	sor.u32 s3, s0;
	s1 =	sshll.u32 s1, $0x11  }
0xbc: {  	s0 =	sor.u32 s1, s0  }
0xbd: {  	s0 =	sadd.s32 $0x8F2B, s0  }
0xbe: {  	[sflag:s0] =	ssyncadd.remote.s32 $0x1  }
0xbf: {  	_ =	sfence.sel $0xFFFF  }
0xc0: {  	[dreg:$0x0] =	wrdreg $0xFFFFFFFF;
	(pc) =	sbr.abs _section_cstart, $3  }
0xc1: {  	[dreg:$0x1] =	wrdreg $0xFFFFFFFF  }
0xc2: {  	_ =	task.clear_ibuf [dreg:s7], $0x2FFFF;
	_ =	strace $0x9FFFFFFF  }
0xc3: {  	(tm) =	ssettm $0x7FFFFFFF  }
tec
execute0_lowered:
.L_overlay_start_1:
0x0: {  	(tag) =	ssettag $0x1  }
0x1: {  	s1 =	rddreg [dreg:$0x0]  }
0x2: {  	s0 =	rddreg [dreg:$0x1]  }
0x3: {  	s2 =	rddreg [dreg:$0x2];
	s4 =	simm.s32 $0x0  }
0x4: {  	s3 =	srdreg.scid;
	s12 =	stileid.u32;
	s29 =	simm.s32 $0x20  }
0x5: {  	s30 =	simm.s32 $0x14A00;
	s28 =	simm.s32 $0x14480;
	s8 =	smul.u32 $0x14000, s12  }
0x6: {  	[smem:$0x7FF] =	sst s4;
	s3 =	sand.u32 $0x1, s3;
	s20 =	smul.u32 $0xA000, s12  }
0x7: {  	s5 =	sadd.s32 $0x7C600, s0;
	s6 =	sadd.s32 $0xA4600, s0;
	s11 =	smul.u32 $0x50000, s12  }
0x8: {  	s9 =	sadd.s32 $0x29E00, s0;
	s22 =	sshll.u32 s12, $0x6;
	s7 =	smul.u32 $0x140000, s3  }
0x9: {  	_ =	strace $0x8000004D;
	s19 =	smul.u32 $0xA0000, s3;
	s3 =	ssub.s32 $0x2, s3  }
0xa: {  	[dreg:$0x4] =	wrdreg s9;
	s10 =	sshrl.u32 s3, $0x1;
	s21 =	sshrl.u32 s11, $0x2  }
0xb: {  	s11 =	sor.u32 $0x1C1A, s22;
	s7 =	sadd.s32 s8, s7;
	s3 =	ssub.s32 s3, s10  }
0xc: {  	s8 =	sadd.s32 s20, s19;
	[dreg:$0x6] =	wrdreg s11;
	s7 =	sshrl.u32 s7, $0x3  }
0xd: {  	s10 =	sshrl.u32 s8, $0x3;
	s0 =	sadd.s32 s7, s0;
	s7 =	sadd.s32 s21, s2  }
0xe: {  	s9 =	simm.s32 $0x17A00;
	s20 =	sadd.s32 s5, s10;
	[dreg:$0x5] =	wrdreg s7  }
0xf: {  	s23 =	sor.u32 $0x10, s10;
	s21 =	sadd.s32 s6, s10;
	[dreg:$0x15] =	wrdreg s20  }
0x10: {  	s25 =	sor.u32 $0x20, s10;
	s24 =	sadd.s32 s5, s23;
	[dreg:$0x16] =	wrdreg s21  }
0x11: {  	s31 =	sor.u32 $0x30, s10;
	s7 =	sadd.s32 s6, s23;
	[dreg:$0x7] =	wrdreg s24  }
0x12: {  	s12 =	sor.u32 $0x40, s10;
	s26 =	sadd.s32 s5, s25;
	[dreg:$0x8] =	wrdreg s7  }
0x13: {  	s14 =	sor.u32 $0x50, s10;
	s4 =	sadd.s32 s5, s31;
	[dreg:$0x9] =	wrdreg s26  }
0x14: {  	s16 =	sor.u32 $0x60, s10;
	s13 =	sadd.s32 s5, s12;
	[dreg:$0xb] =	wrdreg s4  }
0x15: {  	s18 =	sor.u32 $0x70, s10;
	s15 =	sadd.s32 s5, s14;
	[dreg:$0xd] =	wrdreg s13  }
0x16: {  	s22 =	sor.u32 $0x80, s10;
	s17 =	sadd.s32 s5, s16;
	[dreg:$0xf] =	wrdreg s15  }
0x17: {  	s19 =	sadd.s32 s5, s18;
	s23 =	sor.u32 $0x90, s10;
	[dreg:$0x11] =	wrdreg s17  }
0x18: {  	s0 =	sadd.s32 $0x2C600, s0;
	s20 =	simm.s32 $0x14480;
	[dreg:$0x13] =	wrdreg s19  }
0x19: {  	s21 =	simm.s32 $0x4;
	s7 =	sadd.s32 s6, s25;
	[dreg:$0x1b] =	wrdreg s0  }
0x1a: {  	s10 =	simm.s32 $0x0;
	s24 =	sadd.s32 s5, s22;
	[dreg:$0xa] =	wrdreg s7  }
0x1b: {  	s25 =	sadd.s32 s5, s23;
	s26 =	sadd.s32 s6, s23;
	[dreg:$0x17] =	wrdreg s24  }
0x1c: {  	s19 =	simm.s32 $0x14900;
	s23 =	simm.s32 $0x15A00;
	[dreg:$0x19] =	wrdreg s25  }
0x1d: {  	s4 =	simm.s32 $0x16A00;
	s7 =	sadd.s32 s6, s31;
	[dreg:$0x1a] =	wrdreg s26  }
0x1e: {  	s0 =	simm.s32 $0x18A00;
	s31 =	smax.u32 s3, $0x1;
	[dreg:$0xc] =	wrdreg s7  }
0x1f: {  	s15 =	simm.s32 $0x2;
	s7 =	sadd.s32 s6, s12;
	[dreg:$0x1c] =	wrdreg s31  }
.Ltmp0:
0x20: {  	[dreg:$0xe] =	wrdreg s7;
	s7 =	sadd.s32 s6, s14;
	(pc) =	sbr.rel .LBB2_1-.Ltmp0, $4  }
0x21: {  	s24 =	simm.s32 $0x5;
	[dreg:$0x10] =	wrdreg s7;
	s7 =	sadd.s32 s6, s16  }
0x22: {  	s25 =	simm.s32 $0x14400;
	[dreg:$0x12] =	wrdreg s7;
	s7 =	sadd.s32 s6, s18  }
0x23: {  	s18 =	simm.s32 $0x14400;
	[dreg:$0x14] =	wrdreg s7;
	s7 =	sadd.s32 s6, s22  }
0x24: {  	s22 =	simm.s32 $0x14980;
	[dreg:$0x18] =	wrdreg s7;
	s7 =	simm.s32 $0x1A  }
.LBB2_4:
0x25: {  	_ =	swait.ge [sflag:s24], $0x1000  }
0x26: {  	[sflag:s24] =	ssyncset.done $0x0  }
0x27: {  	s3 =	simm.s32 $0x19;
	[sflag:s24] =	ssyncadd.s32 $0xFFFFF000  }
0x28: {  	_ =	swait.ge [sflag:s3], $0x80  }
0x29: {  	[sflag:s3] =	ssyncset.done $0x0  }
0x2a: {  	s22 =	simm.s32 $0x14980;
	[sflag:s3] =	ssyncadd.s32 $0xFFFFFF80  }
0x2b: {  	[spmem:s2] =	stream.indirect.scatter.add.f32 [tilespmem:s0], [sflag:$0x1A], $0x80, s22, s29, $0xb8;
	[tilespmem:$0x19A00] =	vst v63  }
0x2c: {  	_ =	swait.ge [sflag:s7], $0x1000  }
0x2d: {  	[sflag:s7] =	ssyncset.done $0x0  }
0x2e: {  	[sflag:s7] =	ssyncadd.s32 $0xFFFFF000  }
0x2f: {  	[bflag:$0x0] =	sbarrier.arrive $0xFFFF  }
0x30: {  	s11 =	rddreg [dreg:$0x6]  }
0x31: {  	s20 =	rddreg [dreg:$0x1b]  }
0x32: {  	s10 =	rddreg [dreg:$0x1e]  }
0x33: {  	[hbm:s20], [sflag:s11] =	dma.local [spmem:s10], $0x2800  }
0x34: {  	_ =	swait.ge [sflag:s7], $0x2800  }
0x35: {  	s26 =	rddreg [dreg:$0x1d]  }
0x36: {  	s31 =	rddreg [dreg:$0x1c];
	s10 =	sadd.s32 $0x1, s26  }
0x37: {  	p0 =	sne.s32 s10, s31  }
.Ltmp1:
0x38: {  	_ = 	snop;
	(pc) =	sbr.rel @!p0 .LBB2_5-.Ltmp1, $3  }
0x39: {  	_ =	sdelay $0x1  }
0x3a: {  	[sflag:s7] =	ssyncset.done $0x0  }
0x3b: {  	s18 =	simm.s32 $0x14400;
	s20 =	simm.s32 $0x14480;
	[sflag:s7] =	ssyncadd.s32 $0xFFFFD800  }
.LBB2_1:
0x3c: {  	[dreg:$0x1d] =	wrdreg s10  }
0x3d: {  	s3 =	rddreg [dreg:$0x5]  }
0x3e: {  	s26 =	rddreg [dreg:$0x4];
	s17 =	sshrl.u32 s3, $0x3  }
0x3f: {  	[dreg:$0x1e] =	wrdreg s17  }
0x40: {  	[spmem:s17], [sflag:s11] =	dma.local [hbm:s26], $0x2800  }
0x41: {  	_ =	swait.ge [sflag:s7], $0x2800  }
0x42: {  	[sflag:s7] =	ssyncset.done $0x0  }
0x43: {  	[sflag:s7] =	ssyncadd.s32 $0xFFFFD800  }
0x44: {  	[bflag:$0x0] =	sbarrier.arrive $0xFFFF  }
0x45: {  	s10 =	simm.s32 $0x14000;
	s14 =	simm.s32 $0x0;
	s12 =	rddreg [dreg:$0x15]  }
0x46: {  	[tilespmem:s10], [sflag:$0x6] =	stream.linear.gather [hbm4b:s12+s14], $0x80, $0x38;
	[tilespmem:$0x19A00] =	vst v63  }
0x47: {  	s16 =	simm.s32 $0x14500;
	s13 =	rddreg [dreg:$0x16]  }
0x48: {  	[tilespmem:s16], [sflag:$0x10] =	stream.linear.gather [hbm4b:s13+s14], $0x80, $0x38;
	[tilespmem:$0x19A00] =	vst v63  }
0x49: {  	s11 =	simm.s32 $0x14080;
	s17 =	rddreg [dreg:$0x7]  }
0x4a: {  	[tilespmem:s11], [sflag:$0x7] =	stream.linear.gather [hbm4b:s17+s14], $0x80, $0x38;
	[tilespmem:$0x19A00] =	vst v63  }
0x4b: {  	s26 =	rddreg [dreg:$0x8];
	s12 =	simm.s32 $0x14580  }
0x4c: {  	[tilespmem:s12], [sflag:$0x11] =	stream.linear.gather [hbm4b:s26+s14], $0x80, $0x38;
	[tilespmem:$0x19A00] =	vst v63  }
0x4d: {  	s13 =	rddreg [dreg:$0x9];
	s12 =	simm.s32 $0x14100  }
0x4e: {  	[tilespmem:s12], [sflag:$0x8] =	stream.linear.gather [hbm4b:s13+s14], $0x80, $0x38;
	[tilespmem:$0x19A00] =	vst v63  }
0x4f: {  	s16 =	rddreg [dreg:$0xa];
	s13 =	simm.s32 $0x14600  }
0x50: {  	[tilespmem:s13], [sflag:$0x12] =	stream.linear.gather [hbm4b:s16+s14], $0x80, $0x38;
	[tilespmem:$0x19A00] =	vst v63  }
0x51: {  	s17 =	rddreg [dreg:$0xb];
	s13 =	simm.s32 $0x14180  }
0x52: {  	[tilespmem:s13], [sflag:$0x9] =	stream.linear.gather [hbm4b:s17+s14], $0x80, $0x38;
	[tilespmem:$0x19A00] =	vst v63  }
0x53: {  	s26 =	rddreg [dreg:$0xc];
	s16 =	simm.s32 $0x14680  }
0x54: {  	[tilespmem:s16], [sflag:$0x13] =	stream.linear.gather [hbm4b:s26+s14], $0x80, $0x38;
	[tilespmem:$0x19A00] =	vst v63  }
0x55: {  	s17 =	rddreg [dreg:$0xd];
	s16 =	simm.s32 $0x14200  }
0x56: {  	[tilespmem:s16], [sflag:$0xA] =	stream.linear.gather [hbm4b:s17+s14], $0x80, $0x38;
	[tilespmem:$0x19A00] =	vst v63  }
0x57: {  	s26 =	rddreg [dreg:$0xe];
	s17 =	simm.s32 $0x14700  }
0x58: {  	[tilespmem:s17], [sflag:$0x14] =	stream.linear.gather [hbm4b:s26+s14], $0x80, $0x38;
	[tilespmem:$0x19A00] =	vst v63  }
0x59: {  	s17 =	rddreg [dreg:$0xf];
	s26 =	simm.s32 $0x14280  }
0x5a: {  	[tilespmem:s26], [sflag:$0xB] =	stream.linear.gather [hbm4b:s17+s14], $0x80, $0x38;
	[tilespmem:$0x19A00] =	vst v63  }
0x5b: {  	s17 =	rddreg [dreg:$0x10];
	s26 =	simm.s32 $0x14780  }
0x5c: {  	[tilespmem:s26], [sflag:$0x15] =	stream.linear.gather [hbm4b:s17+s14], $0x80, $0x38;
	[tilespmem:$0x19A00] =	vst v63  }
0x5d: {  	s17 =	rddreg [dreg:$0x11];
	s26 =	simm.s32 $0x14300  }
0x5e: {  	[tilespmem:s26], [sflag:$0xC] =	stream.linear.gather [hbm4b:s17+s14], $0x80, $0x38;
	[tilespmem:$0x19A00] =	vst v63  }
0x5f: {  	s17 =	rddreg [dreg:$0x12];
	s26 =	simm.s32 $0x14800  }
0x60: {  	[tilespmem:s26], [sflag:$0x16] =	stream.linear.gather [hbm4b:s17+s14], $0x80, $0x38;
	[tilespmem:$0x19A00] =	vst v63  }
0x61: {  	s17 =	rddreg [dreg:$0x13];
	s26 =	simm.s32 $0x14380  }
0x62: {  	[tilespmem:s26], [sflag:$0xD] =	stream.linear.gather [hbm4b:s17+s14], $0x80, $0x38;
	[tilespmem:$0x19A00] =	vst v63  }
0x63: {  	s17 =	rddreg [dreg:$0x14];
	s26 =	simm.s32 $0x14880  }
0x64: {  	[tilespmem:s26], [sflag:$0x17] =	stream.linear.gather [hbm4b:s17+s14], $0x80, $0x38;
	[tilespmem:$0x19A00] =	vst v63  }
0x65: {  	s26 =	rddreg [dreg:$0x17]  }
0x66: {  	[tilespmem:s18], [sflag:$0xE] =	stream.linear.gather [hbm4b:s26+s14], $0x80, $0x38;
	[tilespmem:$0x19A00] =	vst v63  }
0x67: {  	s17 =	rddreg [dreg:$0x18]  }
0x68: {  	[tilespmem:s19], [sflag:$0x18] =	stream.linear.gather [hbm4b:s17+s14], $0x80, $0x38;
	[tilespmem:$0x19A00] =	vst v63  }
0x69: {  	s26 =	rddreg [dreg:$0x19]  }
0x6a: {  	[tilespmem:s20], [sflag:$0xF] =	stream.linear.gather [hbm4b:s26+s14], $0x80, $0x38;
	[tilespmem:$0x19A00] =	vst v63  }
0x6b: {  	s17 =	rddreg [dreg:$0x1a];
	s19 =	simm.s32 $0x6  }
0x6c: {  	[tilespmem:s22], [sflag:$0x19] =	stream.linear.gather [hbm4b:s17+s14], $0x80, $0x38;
	[tilespmem:$0x19A00] =	vst v63  }
0x6d: {  	_ =	swait.ge [sflag:s19], $0x80  }
0x6e: {  	[sflag:s19] =	ssyncset.done $0x0  }
0x6f: {  	s22 =	simm.s32 $0x7;
	[sflag:s19] =	ssyncadd.s32 $0xFFFFFF80  }
0x70: {  	[tilespmem:s30], [sflag:$0x1] =	stream.indirect.gather [hbm4b:s1+s29], $0x80, s10, s29, $0xb8;
	[tilespmem:$0x19A00] =	vst v63  }
0x71: {  	_ =	swait.ge [sflag:s22], $0x80  }
0x72: {  	[sflag:s22] =	ssyncset.done $0x0  }
0x73: {  	[sflag:s22] =	ssyncadd.s32 $0xFFFFFF80  }
0x74: {  	[tilespmem:s23], [sflag:$0x2] =	stream.indirect.gather [hbm4b:s1+s29], $0x80, s11, s29, $0xb8;
	[tilespmem:$0x19A00] =	vst v63  }
0x75: {  	s23 =	simm.s32 $0x8  }
0x76: {  	_ =	swait.ge [sflag:s23], $0x80  }
0x77: {  	[sflag:s23] =	ssyncset.done $0x0  }
0x78: {  	s26 =	simm.s32 $0x9;
	[sflag:s23] =	ssyncadd.s32 $0xFFFFFF80  }
0x79: {  	[tilespmem:s4], [sflag:$0x3] =	stream.indirect.gather [hbm4b:s1+s29], $0x80, s12, s29, $0xb8;
	[tilespmem:$0x19A00] =	vst v63  }
0x7a: {  	_ =	swait.ge [sflag:s26], $0x80  }
0x7b: {  	[sflag:s26] =	ssyncset.done $0x0  }
0x7c: {  	s30 =	simm.s32 $0xA;
	[sflag:s26] =	ssyncadd.s32 $0xFFFFFF80  }
0x7d: {  	[tilespmem:s9], [sflag:$0x4] =	stream.indirect.gather [hbm4b:s1+s29], $0x80, s13, s29, $0xb8;
	[tilespmem:$0x19A00] =	vst v63  }
0x7e: {  	_ =	swait.ge [sflag:s30], $0x80  }
0x7f: {  	s31 =	simm.s32 $0x0;
	[sflag:s30] =	ssyncset.done $0x0  }
0x80: {  	s3 =	simm.s32 $0x980;
	s26 =	simm.s32 $0x14900;
	[sflag:s30] =	ssyncadd.s32 $0xFFFFFF80  }
0x81: {  	[tilespmem:s0], [sflag:$0x5] =	stream.indirect.gather [hbm4b:s1+s29], $0x80, s16, s29, $0xb8;
	[tilespmem:$0x19A00] =	vst v63  }
.LBB2_2:
0x82: {  	s4 =	simm.s32 $0x1  }
0x83: {  	_ =	swait.ge [sflag:s4], $0x1000  }
0x84: {  	[sflag:s4] =	ssyncset.done $0x0  }
0x85: {  	s17 =	simm.s32 $0x10;
	[sflag:s4] =	ssyncadd.s32 $0xFFFFF000  }
0x86: {  	_ =	swait.ge [sflag:s17], $0x80  }
0x87: {  	[sflag:s17] =	ssyncset.done $0x0  }
0x88: {  	s10 =	simm.s32 $0x14500;
	s11 =	simm.s32 $0x14A00;
	[sflag:s17] =	ssyncadd.s32 $0xFFFFFF80  }
0x89: {  	[spmem:s2] =	stream.indirect.scatter.add.f32 [tilespmem:s11], [sflag:$0x1A], $0x80, s10, s29, $0xb8;
	[tilespmem:$0x19A00] =	vst v63  }
0x8a: {  	_ =	swait.ge [sflag:s7], $0x1000  }
0x8b: {  	[sflag:s7] =	ssyncset.done $0x0  }
0x8c: {  	s19 =	simm.s32 $0xB;
	[sflag:s7] =	ssyncadd.s32 $0xFFFFF000  }
0x8d: {  	_ =	swait.ge [sflag:s19], $0x80  }
0x8e: {  	p0 =	seq.s32 s3, $0xA480;
	[sflag:s19] =	ssyncset.done $0x0  }
0x8f: {  	s22 =	simm.s32 $0x14280;
	s10 =	sadd.s32 @!p0 $0xFFFFFB80, s3;
	[sflag:s19] =	ssyncadd.s32 $0xFFFFFF80  }
0x90: {  	[tilespmem:s11], [sflag:$0x1] =	stream.indirect.gather [hbm4b:s1+s29], $0x80, s22, s29, $0xb8;
	[tilespmem:$0x19A00] =	vst v63  }
0x91: {  	s11 =	sand.u32 @!p0 $0x1FC00, s10  }
0x92: {  	s10 =	sand.u32 @!p0 $0x300, s10;
	s11 =	sadd.s32 @!p0 s8, s11  }
0x93: {  	s10 =	sor.u32 @!p0 s10, s11  }
0x94: {  	s10 =	sshrl.u32 @!p0 s10, $0x3  }
0x95: {  	s12 =	simm.s32 @!p0 $0x0;
	s13 =	simm.s32 @!p0 $0x14000;
	s11 =	sadd.s32 @!p0 s5, s10  }
0x96: {  	[tilespmem:s13], [sflag:$0x6] =	stream.linear.gather @!p0 [hbm4b:s11+s12], $0x80, $0x38;
	[tilespmem:$0x19A00] =	vst v63  }
0x97: {  	s10 =	sadd.s32 @!p0 s6, s10;
	s11 =	simm.s32 @!p0 $0x14500  }
0x98: {  	[tilespmem:s11], [sflag:$0x10] =	stream.linear.gather @!p0 [hbm4b:s10+s12], $0x80, $0x38;
	[tilespmem:$0x19A00] =	vst v63  }
0x99: {  	_ =	swait.ge [sflag:s15], $0x1000  }
0x9a: {  	[sflag:s15] =	ssyncset.done $0x0  }
0x9b: {  	s23 =	simm.s32 $0x11;
	[sflag:s15] =	ssyncadd.s32 $0xFFFFF000  }
0x9c: {  	_ =	swait.ge [sflag:s23], $0x80  }
0x9d: {  	[sflag:s23] =	ssyncset.done $0x0  }
0x9e: {  	s14 =	simm.s32 $0x15A00;
	s4 =	simm.s32 $0x14580;
	[sflag:s23] =	ssyncadd.s32 $0xFFFFFF80  }
0x9f: {  	[spmem:s2] =	stream.indirect.scatter.add.f32 [tilespmem:s14], [sflag:$0x1A], $0x80, s4, s29, $0xb8;
	[tilespmem:$0x19A00] =	vst v63  }
0xa0: {  	_ =	swait.ge [sflag:s7], $0x1000  }
0xa1: {  	[sflag:s7] =	ssyncset.done $0x0  }
0xa2: {  	s11 =	simm.s32 $0xC;
	[sflag:s7] =	ssyncadd.s32 $0xFFFFF000  }
0xa3: {  	_ =	swait.ge [sflag:s11], $0x80  }
0xa4: {  	s10 =	sadd.s32 @!p0 $0xFFFFFC00, s3;
	[sflag:s11] =	ssyncset.done $0x0  }
0xa5: {  	s16 =	simm.s32 $0x14300;
	[sflag:s11] =	ssyncadd.s32 $0xFFFFFF80;
	s11 =	sand.u32 @!p0 $0x1FC00, s10  }
0xa6: {  	[tilespmem:s14], [sflag:$0x2] =	stream.indirect.gather [hbm4b:s1+s29], $0x80, s16, s29, $0xb8;
	[tilespmem:$0x19A00] =	vst v63  }
0xa7: {  	s10 =	sand.u32 @!p0 $0x380, s10;
	s11 =	sadd.s32 @!p0 s8, s11  }
0xa8: {  	s10 =	sor.u32 @!p0 s10, s11  }
0xa9: {  	s10 =	sshrl.u32 @!p0 s10, $0x3  }
0xaa: {  	s11 =	simm.s32 @!p0 $0x14080;
	s16 =	sadd.s32 @!p0 s5, s10  }
0xab: {  	[tilespmem:s11], [sflag:$0x7] =	stream.linear.gather @!p0 [hbm4b:s16+s12], $0x80, $0x38;
	[tilespmem:$0x19A00] =	vst v63  }
0xac: {  	s17 =	simm.s32 $0x3;
	s10 =	sadd.s32 @!p0 s6, s10;
	s16 =	simm.s32 @!p0 $0x14580  }
0xad: {  	[tilespmem:s16], [sflag:$0x11] =	stream.linear.gather @!p0 [hbm4b:s10+s12], $0x80, $0x38;
	[tilespmem:$0x19A00] =	vst v63  }
0xae: {  	_ =	swait.ge [sflag:s17], $0x1000  }
0xaf: {  	[sflag:s17] =	ssyncset.done $0x0  }
0xb0: {  	s19 =	simm.s32 $0x12;
	[sflag:s17] =	ssyncadd.s32 $0xFFFFF000  }
0xb1: {  	_ =	swait.ge [sflag:s19], $0x80  }
0xb2: {  	[sflag:s19] =	ssyncset.done $0x0  }
0xb3: {  	s22 =	simm.s32 $0x14600;
	s23 =	simm.s32 $0x16A00;
	[sflag:s19] =	ssyncadd.s32 $0xFFFFFF80  }
0xb4: {  	[spmem:s2] =	stream.indirect.scatter.add.f32 [tilespmem:s23], [sflag:$0x1A], $0x80, s22, s29, $0xb8;
	[tilespmem:$0x19A00] =	vst v63  }
0xb5: {  	_ =	swait.ge [sflag:s7], $0x1000  }
0xb6: {  	s10 =	sadd.s32 @!p0 $0xFFFFFC80, s3;
	[sflag:s7] =	ssyncset.done $0x0  }
0xb7: {  	s16 =	sand.u32 @!p0 $0x1FC00, s10;
	s17 =	simm.s32 $0xD;
	[sflag:s7] =	ssyncadd.s32 $0xFFFFF000  }
0xb8: {  	s10 =	sand.u32 @!p0 $0x300, s10;
	s16 =	sadd.s32 @!p0 s8, s16;
	_ =	swait.ge [sflag:s17], $0x80  }
0xb9: {  	s10 =	sor.u32 @!p0 s10, s16;
	[sflag:s17] =	ssyncset.done $0x0  }
0xba: {  	s16 =	sshrl.u32 @!p0 s10, $0x3;
	s19 =	simm.s32 $0x14380;
	[sflag:s17] =	ssyncadd.s32 $0xFFFFFF80  }
0xbb: {  	[tilespmem:s23], [sflag:$0x3] =	stream.indirect.gather [hbm4b:s1+s29], $0x80, s19, s29, $0xb8;
	[tilespmem:$0x19A00] =	vst v63  }
0xbc: {  	s10 =	simm.s32 @!p0 $0x14100;
	s17 =	sadd.s32 @!p0 s5, s16  }
0xbd: {  	[tilespmem:s10], [sflag:$0x8] =	stream.linear.gather @!p0 [hbm4b:s17+s12], $0x80, $0x38;
	[tilespmem:$0x19A00] =	vst v63  }
0xbe: {  	s16 =	sadd.s32 @!p0 s6, s16;
	s17 =	simm.s32 @!p0 $0x14600  }
0xbf: {  	[tilespmem:s17], [sflag:$0x12] =	stream.linear.gather @!p0 [hbm4b:s16+s12], $0x80, $0x38;
	[tilespmem:$0x19A00] =	vst v63  }
0xc0: {  	_ =	swait.ge [sflag:s21], $0x1000  }
0xc1: {  	[sflag:s21] =	ssyncset.done $0x0  }
0xc2: {  	s22 =	simm.s32 $0x13;
	[sflag:s21] =	ssyncadd.s32 $0xFFFFF000  }
0xc3: {  	_ =	swait.ge [sflag:s22], $0x80  }
0xc4: {  	[sflag:s22] =	ssyncset.done $0x0  }
0xc5: {  	s23 =	simm.s32 $0x14680;
	[sflag:s22] =	ssyncadd.s32 $0xFFFFFF80  }
0xc6: {  	[spmem:s2] =	stream.indirect.scatter.add.f32 [tilespmem:s9], [sflag:$0x1A], $0x80, s23, s29, $0xb8;
	[tilespmem:$0x19A00] =	vst v63  }
0xc7: {  	_ =	swait.ge [sflag:s7], $0x1000  }
0xc8: {  	[sflag:s7] =	ssyncset.done $0x0  }
0xc9: {  	s17 =	simm.s32 $0xE;
	[sflag:s7] =	ssyncadd.s32 $0xFFFFF000  }
0xca: {  	_ =	swait.ge [sflag:s17], $0x80  }
0xcb: {  	s16 =	sadd.s32 @!p0 $0xFFFFFD00, s3;
	[sflag:s17] =	ssyncset.done $0x0  }
0xcc: {  	[sflag:s17] =	ssyncadd.s32 $0xFFFFFF80;
	s17 =	sand.u32 @!p0 $0x1FC00, s16  }
0xcd: {  	[tilespmem:s9], [sflag:$0x4] =	stream.indirect.gather [hbm4b:s1+s29], $0x80, s18, s29, $0xb8;
	[tilespmem:$0x19A00] =	vst v63  }
0xce: {  	s16 =	sand.u32 @!p0 $0x380, s16;
	s17 =	sadd.s32 @!p0 s8, s17  }
0xcf: {  	s16 =	sor.u32 @!p0 s16, s17  }
0xd0: {  	s16 =	sshrl.u32 @!p0 s16, $0x3  }
0xd1: {  	s18 =	simm.s32 @!p0 $0x14180;
	s17 =	sadd.s32 @!p0 s5, s16  }
0xd2: {  	[tilespmem:s18], [sflag:$0x9] =	stream.linear.gather @!p0 [hbm4b:s17+s12], $0x80, $0x38;
	[tilespmem:$0x19A00] =	vst v63  }
0xd3: {  	s16 =	sadd.s32 @!p0 s6, s16;
	s17 =	simm.s32 @!p0 $0x14680  }
0xd4: {  	[tilespmem:s17], [sflag:$0x13] =	stream.linear.gather @!p0 [hbm4b:s16+s12], $0x80, $0x38;
	[tilespmem:$0x19A00] =	vst v63  }
0xd5: {  	_ =	swait.ge [sflag:s24], $0x1000  }
0xd6: {  	[sflag:s24] =	ssyncset.done $0x0  }
0xd7: {  	s18 =	simm.s32 $0x14;
	[sflag:s24] =	ssyncadd.s32 $0xFFFFF000  }
0xd8: {  	_ =	swait.ge [sflag:s18], $0x80  }
0xd9: {  	[sflag:s18] =	ssyncset.done $0x0  }
0xda: {  	s19 =	simm.s32 $0x14700;
	[sflag:s18] =	ssyncadd.s32 $0xFFFFFF80  }
0xdb: {  	[spmem:s2] =	stream.indirect.scatter.add.f32 [tilespmem:s0], [sflag:$0x1A], $0x80, s19, s29, $0xb8;
	[tilespmem:$0x19A00] =	vst v63  }
0xdc: {  	_ =	swait.ge [sflag:s7], $0x1000  }
0xdd: {  	[sflag:s7] =	ssyncset.done $0x0  }
0xde: {  	s22 =	simm.s32 $0xF;
	[sflag:s7] =	ssyncadd.s32 $0xFFFFF000  }
0xdf: {  	_ =	swait.ge [sflag:s22], $0x80  }
0xe0: {  	[sflag:s22] =	ssyncset.done $0x0  }
0xe1: {  	s16 =	simm.s32 @p0 $0x1;
	[sflag:s22] =	ssyncadd.s32 $0xFFFFFF80  }
0xe2: {  	[tilespmem:s0], [sflag:$0x5] =	stream.indirect.gather [hbm4b:s1+s29], $0x80, s20, s29, $0xb8;
	[tilespmem:$0x19A00] =	vst v63  }
0xe3: {  	_ =	swait.ge @p0 [sflag:s16], $0x1000  }
0xe4: {  	[sflag:s16] =	ssyncset.done @p0 $0x0  }
0xe5: {  	[sflag:s16] =	ssyncadd.s32 @p0 $0xFFFFF000;
	s16 =	simm.s32 @p0 $0x15  }
0xe6: {  	_ =	swait.ge @p0 [sflag:s16], $0x80  }
0xe7: {  	s17 =	simm.s32 @p0 $0x14A00;
	[sflag:s16] =	ssyncset.done @p0 $0x0  }
0xe8: {  	s18 =	simm.s32 @p0 $0x20;
	[sflag:s16] =	ssyncadd.s32 @p0 $0xFFFFFF80;
	s16 =	simm.s32 @p0 $0x14780  }
0xe9: {  	[spmem:s2] =	stream.indirect.scatter.add.f32 @p0 [tilespmem:s17], [sflag:$0x1A], $0x80, s16, s18, $0xb8;
	[tilespmem:$0x19A00] =	vst v63  }
0xea: {  	s16 =	sadd.s32 @!p0 $0xFFFFFD80, s3  }
0xeb: {  	s17 =	sand.u32 @!p0 $0x1FC00, s16  }
0xec: {  	s19 =	simm.s32 @p0 $0x1A;
	s16 =	sand.u32 @!p0 $0x300, s16;
	s17 =	sadd.s32 @!p0 s8, s17  }
0xed: {  	_ =	swait.ge @p0 [sflag:s19], $0x1000;
	s16 =	sor.u32 @!p0 s16, s17  }
0xee: {  	[sflag:s19] =	ssyncset.done @p0 $0x0;
	s16 =	sshrl.u32 @!p0 s16, $0x3  }
0xef: {  	s20 =	simm.s32 @!p0 $0x14200;
	[sflag:s19] =	ssyncadd.s32 @p0 $0xFFFFF000;
	s17 =	sadd.s32 @!p0 s5, s16  }
0xf0: {  	[tilespmem:s20], [sflag:$0xA] =	stream.linear.gather @!p0 [hbm4b:s17+s12], $0x80, $0x38;
	[tilespmem:$0x19A00] =	vst v63  }
0xf1: {  	s16 =	sadd.s32 @!p0 s6, s16;
	s17 =	simm.s32 @!p0 $0x14700  }
0xf2: {  	[tilespmem:s17], [sflag:$0x14] =	stream.linear.gather @!p0 [hbm4b:s16+s12], $0x80, $0x38;
	[tilespmem:$0x19A00] =	vst v63  }
0xf3: {  	s16 =	simm.s32 @!p0 $0x1  }
0xf4: {  	_ =	swait.ge @!p0 [sflag:s16], $0x1000  }
0xf5: {  	[sflag:s16] =	ssyncset.done @!p0 $0x0  }
0xf6: {  	[sflag:s16] =	ssyncadd.s32 @!p0 $0xFFFFF000;
	s16 =	simm.s32 @!p0 $0x15  }
0xf7: {  	_ =	swait.ge @!p0 [sflag:s16], $0x80  }
0xf8: {  	s22 =	simm.s32 @!p0 $0x14A00;
	s20 =	simm.s32 @!p0 $0x14780;
	[sflag:s16] =	ssyncset.done @!p0 $0x0  }
0xf9: {  	s17 =	simm.s32 @!p0 $0x1A;
	[sflag:s16] =	ssyncadd.s32 @!p0 $0xFFFFFF80;
	s16 =	simm.s32 @!p0 $0x20  }
0xfa: {  	[spmem:s2] =	stream.indirect.scatter.add.f32 @!p0 [tilespmem:s22], [sflag:$0x1A], $0x80, s20, s16, $0xb8;
	[tilespmem:$0x19A00] =	vst v63  }
0xfb: {  	_ =	swait.ge @!p0 [sflag:s17], $0x1000  }
0xfc: {  	[sflag:s17] =	ssyncset.done @!p0 $0x0  }
0xfd: {  	s23 =	simm.s32 @!p0 $0x6;
	[sflag:s17] =	ssyncadd.s32 @!p0 $0xFFFFF000  }
0xfe: {  	_ =	swait.ge @!p0 [sflag:s23], $0x80  }
0xff: {  	[sflag:s23] =	ssyncset.done @!p0 $0x0  }
0x100: {  	[sflag:s23] =	ssyncadd.s32 @!p0 $0xFFFFFF80  }
0x101: {  	[tilespmem:s22], [sflag:$0x1] =	stream.indirect.gather @!p0 [hbm4b:s1+s16], $0x80, s13, s16, $0xb8;
	[tilespmem:$0x19A00] =	vst v63  }
0x102: {  	s13 =	sadd.s32 @!p0 $0xFFFFFE00, s3  }
0x103: {  	s22 =	sand.u32 @!p0 $0x1FC00, s13  }
0x104: {  	s13 =	sand.u32 @!p0 $0x380, s13;
	s22 =	sadd.s32 @!p0 s8, s22  }
0x105: {  	s13 =	sor.u32 @!p0 s13, s22  }
0x106: {  	s13 =	sshrl.u32 @!p0 s13, $0x3  }
0x107: {  	s23 =	simm.s32 @!p0 $0x14280;
	s22 =	sadd.s32 @!p0 s5, s13  }
0x108: {  	[tilespmem:s23], [sflag:$0xB] =	stream.linear.gather @!p0 [hbm4b:s22+s12], $0x80, $0x38;
	[tilespmem:$0x19A00] =	vst v63  }
0x109: {  	s13 =	sadd.s32 @!p0 s6, s13  }
0x10a: {  	[tilespmem:s20], [sflag:$0x15] =	stream.linear.gather @!p0 [hbm4b:s13+s12], $0x80, $0x38;
	[tilespmem:$0x19A00] =	vst v63  }
0x10b: {  	_ =	swait.ge [sflag:s15], $0x1000  }
0x10c: {  	[sflag:s15] =	ssyncset.done $0x0  }
0x10d: {  	s23 =	simm.s32 $0x16;
	[sflag:s15] =	ssyncadd.s32 $0xFFFFF000  }
0x10e: {  	_ =	swait.ge [sflag:s23], $0x80  }
0x10f: {  	[sflag:s23] =	ssyncset.done $0x0  }
0x110: {  	s20 =	simm.s32 $0x14800;
	[sflag:s23] =	ssyncadd.s32 $0xFFFFFF80  }
0x111: {  	[spmem:s2] =	stream.indirect.scatter.add.f32 [tilespmem:s14], [sflag:$0x1A], $0x80, s20, s29, $0xb8;
	[tilespmem:$0x19A00] =	vst v63  }
0x112: {  	_ =	swait.ge [sflag:s7], $0x1000  }
0x113: {  	[sflag:s7] =	ssyncset.done $0x0  }
0x114: {  	s13 =	simm.s32 @p0 $0x3;
	[sflag:s7] =	ssyncadd.s32 $0xFFFFF000  }
0x115: {  	_ =	swait.ge @p0 [sflag:s13], $0x1000  }
0x116: {  	[sflag:s13] =	ssyncset.done @p0 $0x0  }
0x117: {  	[sflag:s13] =	ssyncadd.s32 @p0 $0xFFFFF000;
	s13 =	simm.s32 @p0 $0x17  }
0x118: {  	_ =	swait.ge @p0 [sflag:s13], $0x80  }
0x119: {  	[sflag:s13] =	ssyncset.done @p0 $0x0  }
0x11a: {  	s20 =	simm.s32 @p0 $0x16A00;
	[sflag:s13] =	ssyncadd.s32 @p0 $0xFFFFFF80;
	s13 =	simm.s32 @p0 $0x14880  }
0x11b: {  	[spmem:s2] =	stream.indirect.scatter.add.f32 @p0 [tilespmem:s20], [sflag:$0x1A], $0x80, s13, s18, $0xb8;
	[tilespmem:$0x19A00] =	vst v63  }
0x11c: {  	_ =	swait.ge @p0 [sflag:s19], $0x1000  }
0x11d: {  	[sflag:s19] =	ssyncset.done @p0 $0x0  }
0x11e: {  	s13 =	simm.s32 @!p0 $0x7;
	[sflag:s19] =	ssyncadd.s32 @p0 $0xFFFFF000  }
0x11f: {  	_ =	swait.ge @!p0 [sflag:s13], $0x80  }
0x120: {  	[sflag:s13] =	ssyncset.done @!p0 $0x0  }
0x121: {  	[sflag:s13] =	ssyncadd.s32 @!p0 $0xFFFFFF80;
	s13 =	simm.s32 @!p0 $0x15A00  }
0x122: {  	[tilespmem:s13], [sflag:$0x2] =	stream.indirect.gather @!p0 [hbm4b:s1+s16], $0x80, s11, s16, $0xb8;
	[tilespmem:$0x19A00] =	vst v63  }
0x123: {  	s11 =	sadd.s32 @!p0 $0xFFFFFE80, s3  }
0x124: {  	s11 =	sand.u32 @!p0 $0x1FC00, s11  }
0x125: {  	s13 =	sand.u32 @!p0 $0x300, s31;
	s11 =	sadd.s32 @!p0 s8, s11  }
0x126: {  	s11 =	sor.u32 @!p0 s13, s11  }
0x127: {  	s11 =	sshrl.u32 @!p0 s11, $0x3  }
0x128: {  	s18 =	simm.s32 @!p0 $0x14300;
	s13 =	sadd.s32 @!p0 s5, s11  }
0x129: {  	[tilespmem:s18], [sflag:$0xC] =	stream.linear.gather @!p0 [hbm4b:s13+s12], $0x80, $0x38;
	[tilespmem:$0x19A00] =	vst v63  }
0x12a: {  	s11 =	sadd.s32 @!p0 s6, s11;
	s13 =	simm.s32 @!p0 $0x14800  }
0x12b: {  	[tilespmem:s13], [sflag:$0x16] =	stream.linear.gather @!p0 [hbm4b:s11+s12], $0x80, $0x38;
	[tilespmem:$0x19A00] =	vst v63  }
0x12c: {  	s11 =	simm.s32 @!p0 $0x3  }
0x12d: {  	_ =	swait.ge @!p0 [sflag:s11], $0x1000  }
0x12e: {  	[sflag:s11] =	ssyncset.done @!p0 $0x0  }
0x12f: {  	[sflag:s11] =	ssyncadd.s32 @!p0 $0xFFFFF000;
	s11 =	simm.s32 @!p0 $0x17  }
0x130: {  	_ =	swait.ge @!p0 [sflag:s11], $0x80  }
0x131: {  	[sflag:s11] =	ssyncset.done @!p0 $0x0  }
0x132: {  	s13 =	simm.s32 @!p0 $0x16A00;
	[sflag:s11] =	ssyncadd.s32 @!p0 $0xFFFFFF80;
	s11 =	simm.s32 @!p0 $0x14880  }
0x133: {  	[spmem:s2] =	stream.indirect.scatter.add.f32 @!p0 [tilespmem:s13], [sflag:$0x1A], $0x80, s11, s16, $0xb8;
	[tilespmem:$0x19A00] =	vst v63  }
0x134: {  	_ =	swait.ge @!p0 [sflag:s17], $0x1000  }
0x135: {  	[sflag:s17] =	ssyncset.done @!p0 $0x0  }
0x136: {  	[sflag:s17] =	ssyncadd.s32 @!p0 $0xFFFFF000;
	s17 =	simm.s32 @!p0 $0x8  }
0x137: {  	_ =	swait.ge @!p0 [sflag:s17], $0x80  }
0x138: {  	[sflag:s17] =	ssyncset.done @!p0 $0x0  }
0x139: {  	[sflag:s17] =	ssyncadd.s32 @!p0 $0xFFFFFF80  }
0x13a: {  	[tilespmem:s13], [sflag:$0x3] =	stream.indirect.gather @!p0 [hbm4b:s1+s16], $0x80, s10, s16, $0xb8;
	[tilespmem:$0x19A00] =	vst v63  }
0x13b: {  	s10 =	sadd.s32 @!p0 $0xFFFFFF00, s3  }
0x13c: {  	s13 =	sand.u32 @!p0 $0x1FC00, s10  }
0x13d: {  	s10 =	sand.u32 @!p0 $0x380, s10;
	s13 =	sadd.s32 @!p0 s8, s13  }
0x13e: {  	s10 =	sor.u32 @!p0 s10, s13  }
0x13f: {  	s10 =	sshrl.u32 @!p0 s10, $0x3  }
0x140: {  	s16 =	simm.s32 @!p0 $0x14380;
	s13 =	sadd.s32 @!p0 s5, s10  }
0x141: {  	[tilespmem:s16], [sflag:$0xD] =	stream.linear.gather @!p0 [hbm4b:s13+s12], $0x80, $0x38;
	[tilespmem:$0x19A00] =	vst v63  }
0x142: {  	s10 =	sadd.s32 @!p0 s6, s10  }
0x143: {  	[tilespmem:s11], [sflag:$0x17] =	stream.linear.gather @!p0 [hbm4b:s10+s12], $0x80, $0x38;
	[tilespmem:$0x19A00] =	vst v63  }
0x144: {  	_ =	swait.ge [sflag:s21], $0x1000  }
0x145: {  	[sflag:s21] =	ssyncset.done $0x0  }
0x146: {  	s22 =	simm.s32 $0x18;
	[sflag:s21] =	ssyncadd.s32 $0xFFFFF000  }
0x147: {  	_ =	swait.ge [sflag:s22], $0x80  }
0x148: {  	[sflag:s22] =	ssyncset.done $0x0  }
.Ltmp2:
0x149: {  	[sflag:s22] =	ssyncadd.s32 $0xFFFFFF80;
	(pc) =	sbr.rel @p0 .LBB2_4-.Ltmp2, $4  }
0x14a: {  	[spmem:s2] =	stream.indirect.scatter.add.f32 [tilespmem:s9], [sflag:$0x1A], $0x80, s26, s29, $0xb8;
	[tilespmem:$0x19A00] =	vst v63  }
0x14b: {  	_ =	swait.ge [sflag:s7], $0x1000  }
0x14c: {  	s30 =	simm.s32 $0x14A00;
	s4 =	simm.s32 $0x16A00;
	[sflag:s7] =	ssyncset.done $0x0  }
0x14d: {  	s23 =	simm.s32 $0x15A00;
	s19 =	simm.s32 $0x14900;
	[sflag:s7] =	ssyncadd.s32 $0xFFFFF000  }
0x14e: {  	s4 =	simm.s32 $0x9  }
0x14f: {  	_ =	swait.ge [sflag:s4], $0x80  }
0x150: {  	s16 =	sadd.s32 $0xFFFFFF80, s3;
	[sflag:s4] =	ssyncset.done $0x0  }
0x151: {  	s10 =	simm.s32 $0x14180;
	s11 =	sand.u32 $0x1FC00, s16;
	[sflag:s4] =	ssyncadd.s32 $0xFFFFFF80  }
0x152: {  	[tilespmem:s9], [sflag:$0x4] =	stream.indirect.gather [hbm4b:s1+s29], $0x80, s10, s29, $0xb8;
	[tilespmem:$0x19A00] =	vst v63  }
0x153: {  	s11 =	sadd.s32 s8, s11;
	s10 =	sand.u32 $0x300, s16  }
0x154: {  	s10 =	sor.u32 s10, s11  }
0x155: {  	s10 =	sshrl.u32 s10, $0x3  }
0x156: {  	s18 =	simm.s32 $0x0;
	s17 =	sadd.s32 s5, s10  }
0x157: {  	[tilespmem:s25], [sflag:$0xE] =	stream.linear.gather [hbm4b:s17+s18], $0x80, $0x38;
	[tilespmem:$0x19A00] =	vst v63  }
0x158: {  	s10 =	sadd.s32 s6, s10  }
0x159: {  	[tilespmem:s19], [sflag:$0x18] =	stream.linear.gather [hbm4b:s10+s18], $0x80, $0x38;
	[tilespmem:$0x19A00] =	vst v63  }
0x15a: {  	_ =	swait.ge [sflag:s24], $0x1000  }
0x15b: {  	[sflag:s24] =	ssyncset.done $0x0  }
0x15c: {  	s19 =	simm.s32 $0x19;
	[sflag:s24] =	ssyncadd.s32 $0xFFFFF000  }
0x15d: {  	_ =	swait.ge [sflag:s19], $0x80  }
0x15e: {  	[sflag:s19] =	ssyncset.done $0x0  }
0x15f: {  	s12 =	simm.s32 $0x14980;
	[sflag:s19] =	ssyncadd.s32 $0xFFFFFF80  }
0x160: {  	[spmem:s2] =	stream.indirect.scatter.add.f32 [tilespmem:s0], [sflag:$0x1A], $0x80, s12, s29, $0xb8;
	[tilespmem:$0x19A00] =	vst v63  }
0x161: {  	_ =	swait.ge [sflag:s7], $0x1000  }
0x162: {  	[sflag:s7] =	ssyncset.done $0x0  }
0x163: {  	s20 =	simm.s32 $0xA;
	s23 =	sand.u32 $0x1FC00, s3;
	[sflag:s7] =	ssyncadd.s32 $0xFFFFF000  }
0x164: {  	s26 =	sand.u32 $0x380, s3;
	s10 =	sadd.s32 s8, s23;
	_ =	swait.ge [sflag:s20], $0x80  }
0x165: {  	s10 =	sor.u32 s26, s10;
	[sflag:s20] =	ssyncset.done $0x0  }
0x166: {  	s22 =	simm.s32 $0x14200;
	s10 =	sshrl.u32 s10, $0x3;
	[sflag:s20] =	ssyncadd.s32 $0xFFFFFF80  }
0x167: {  	[tilespmem:s0], [sflag:$0x5] =	stream.indirect.gather [hbm4b:s1+s29], $0x80, s22, s29, $0xb8;
	[tilespmem:$0x19A00] =	vst v63  }
.Ltmp3:
0x168: {  	s30 =	sadd.s32 s5, s10;
	(pc) =	sbr.rel .LBB2_2-.Ltmp3, $4  }
0x169: {  	[tilespmem:s28], [sflag:$0xF] =	stream.linear.gather [hbm4b:s30+s18], $0x80, $0x38;
	[tilespmem:$0x19A00] =	vst v63  }
0x16a: {  	s3 =	sadd.s32 $0x500, s3;
	s31 =	sadd.s32 $0x100, s31;
	s10 =	sadd.s32 s6, s10  }
0x16b: {  	[tilespmem:s12], [sflag:$0x19] =	stream.linear.gather [hbm4b:s10+s18], $0x80, $0x38;
	[tilespmem:$0x19A00] =	vst v63  }
0x16c: {  	s26 =	simm.s32 $0x14900;
	s20 =	simm.s32 $0x14480;
	s18 =	simm.s32 $0x14400  }
.LBB2_5:
0x16d: {  	_ =	sfence.sel $0x180000  }
0x16e: {  	[bflag:$0x0] =	sbarrier.arrive $0xFFFF  }
0x16f: {  	_ =	strace $0x9000004D  }
0x170: {  	s0 =	stileid.u32;
	[bflag:$0x2] =	sbarrier.arrive $0xFFFF  }
0x171: {  	p0 =	sne.s32 s0, $0x0;
	s0 =	rddreg [dreg:$0x3]  }
0x172: {  	s0 =	sadd.s32 @!p0 $0x100000, s0  }
0x173: {  	[sflag:s0] =	ssyncadd.tile.s32 @!p0 $0x1;
	_ =	shalt  }
.Lfunc_end2:
_tile_overlayer_lowered:
.L_overlay_start_2:
0x174: {  	(tag) =	ssettag $0x2  }
0x175: {  	s0 =	rddreg [dreg:$0x0];
	s2 =	stileid.u32  }
0x176: {  	s1 =	rddreg [dreg:$0x1];
	p0 =	sne.s32 s2, $0x0  }
0x177: {  	s3 =	rddreg [dreg:$0x2];
	[bflag:$0x3] =	sbarrier.arrive $0xFFFF;
	s2 =	simm.s32 @!p0 $0x1C1A  }
0x178: {  	[timem:s3], [sflag:s2] =	dma.local @!p0 [hbm:s0], s1  }
0x179: {  	s0 =	simm.s32 @!p0 $0x1A  }
0x17a: {  	_ =	swait.ge @!p0 [sflag:s0], s1  }
0x17b: {  	s1 =	ssub.s32 @!p0 $0x0, s1;
	[sflag:s0] =	ssyncset.done @!p0 $0x0  }
0x17c: {  	[sflag:s0] =	ssyncadd.s32 @!p0 s1  }
0x17d: {  	[bflag:$0x3] =	sbarrier.arrive $0xFFFF  }
0x17e: {  	_ =	shalt  }

// kernel: kernel.8.cloned.1.call-start
scs
__scs_entry_jumppad:
0x0: {  	(pc) =	sbr.rel $0x88, $3  }
0x1: {  	(tag) =	ssettag $0x0;
	lr =	simm.s32 $0x1  }
0x2: {  	[smem:$0x3F9B] =	sst lr;
	_ =	strace $0xD0000000  }
0x3: {  	_ = 	snop  }
0x4: {  	_ = 	snop  }
0x5: {  	_ = 	snop  }
0x6: {  	_ = 	snop  }
0x7: {  	_ = 	snop  }
__scs_overlays_trampoline_lowered:
0x8: {  	[smem:$0x3FAA] =	sst s0  }
0x9: {  	[smem:$0x3FAB] =	sst s1  }
0xa: {  	[smem:$0x3FAC] =	sst s2  }
0xb: {  	[smem:$0x3FAD] =	sst s3  }
0xc: {  	[smem:$0x3FAE] =	sst s4  }
0xd: {  	[smem:$0x3FAF] =	sst s5  }
0xe: {  	[smem:$0x3FB0] =	sst s6  }
0xf: {  	[smem:$0x3FB1] =	sst s7  }
0x10: {  	[smem:$0x3FB2] =	sst s8  }
0x11: {  	[smem:$0x3FB3] =	sst s9;
	s0 =	simm.s32 @!p0 $0x0  }
0x12: {  	s1 =	sld [smem:$0x3F99];
	s0 =	simm.s32 @p0 $0x1  }
0x13: {  	[smem:$0x3FB4] =	sst s0;
	s0 =	simm.s32 @!p1 $0x0  }
0x14: {  	s2 =	sld [smem:$0x3F98];
	s0 =	simm.s32 @p1 $0x1  }
0x15: {  	[smem:$0x3FB5] =	sst s0;
	s0 =	simm.s32 @!p2 $0x0  }
0x16: {  	s3 =	sld [smem:$0x3FDB];
	s0 =	simm.s32 @p2 $0x1  }
0x17: {  	s4 =	simm.s32 $0x1BF5;
	[smem:$0x3FB7] =	sst s0  }
0x18: {  	s0 =	sld [smem:$0x3F9A];
	_ =	swait.ge [sflag:s4], $0x0  }
0x19: {  	s7 =	sld [smem:$0x3F9B]  }
0x1a: {  	s8 =	sadd.s32 $0xFFFFE003, lr  }
0x1b: {  	s9 =	sadd.s32 $0xFFFFFEF7, lr;
	s5 =	simm.s32 $0xFFFFFFFF;
	p2 =	slt.u32 s8, $0xFFFFF086  }
0x1c: {  	p1 =	slt.u32 s9, $0xF7A;
	s5 =	simm.s32 @!p2 $0x0  }
0x1d: {  	s5 =	simm.s32 @p1 $0x1;
	p0 =	seq.s32 s7, s2  }
0x1e: {  	s7 =	smul.u32 @!p0 $0xF7A, s2;
	p2 =	seq.s32 @!p0 s5, $0x0  }
0x1f: {  	s9 =	smul.u32 $0xF7A, s1;
	s8 =	simm.s32 @!p0 $0x1BF5;
	p2 =	por !p2, p0  }
0x20: {  	[sflag:s8] =	ssyncset.s32 @!p0 $0xFFFFF086;
	s6 =	sadd.s32 @!p0 s3, s7;
	s7 =	simm.s32 @!p0 $0x108  }
0x21: {  	s3 =	sadd.s32 s3, s9;
	s6 =	sadd.s32 @!p0 $0x88, s6;
	s7 =	simm.s32 @p2 $0x1082  }
0x22: {  	[simem:s7], [sflag:s8] =	dma.local @!p0 [hbm:s6], $0xF7A  }
0x23: {  	s9 =	sor.u32 $0xD0000000, s2;
	s6 =	simm.s32 $0x108;
	_ =	swait.ge @!p0 [sflag:s8], $0x0  }
0x24: {  	s3 =	sadd.s32 $0x88, s3;
	s6 =	simm.s32 @!p1 $0x1082;
	[sflag:s4] =	ssyncset.s32 $0xFFFFF086  }
0x25: {  	[simem:s6], [sflag:s4] =	dma.local [hbm:s3], $0xF7A  }
0x26: {  	[smem:$0x3F9B] =	sst s1;
	(tag) =	ssettag s2;
	_ =	strace s9  }
0x27: {  	s1 =	sld [smem:$0x3FAB]  }
0x28: {  	s2 =	sld [smem:$0x3FAC]  }
0x29: {  	s4 =	sld [smem:$0x3FAE]  }
0x2a: {  	p0 =	seq.s32 s5, $0x0;
	s5 =	sld [smem:$0x3FAF]  }
0x2b: {  	s6 =	sld [smem:$0x3FB0]  }
0x2c: {  	s7 =	sld [smem:$0x3FB1]  }
0x2d: {  	s3 =	simm.s32 $0x108;
	s8 =	sld [smem:$0x3FB2]  }
0x2e: {  	s3 =	simm.s32 @!p0 $0x1082;
	s9 =	sld [smem:$0x3FB3]  }
0x2f: {  	lr =	sadd.s32 s0, s3;
	s0 =	sld [smem:$0x3FAA]  }
0x30: {  	s3 =	sld [smem:$0x3FAD]  }
0x31: {  	[smem:$0x3FB6] =	sst s10  }
0x32: {  	s10 =	sld [smem:$0x3FB4];
	_ =	sdelay $0x3  }
0x33: {  	p0 =	seq.s32 s10, $0x1;
	s10 =	sld [smem:$0x3FB6];
	_ =	sdelay $0x3  }
0x34: {  	[smem:$0x3FB6] =	sst s10  }
0x35: {  	s10 =	sld [smem:$0x3FB5];
	_ =	sdelay $0x3  }
0x36: {  	p1 =	seq.s32 s10, $0x1;
	s10 =	sld [smem:$0x3FB6];
	_ =	sdelay $0x3  }
0x37: {  	[smem:$0x3FB6] =	sst s10  }
0x38: {  	s10 =	sld [smem:$0x3FB7]  }
0x39: {  	_ = 	snop;
	(pc) =	sbr.ind lr, $3  }
0x3a: {  	_ = 	snop  }
0x3b: {  	_ = 	snop  }
0x3c: {  	p2 =	seq.s32 s10, $0x1;
	s10 =	sld [smem:$0x3FB6]  }
0x3d: {  	_ =	shalt  }
0x3e: {  	_ =	shalt  }
0x3f: {  	_ =	shalt  }
0x40: {  	_ =	shalt  }
0x41: {  	_ =	shalt  }
0x42: {  	_ =	shalt  }
0x43: {  	_ =	shalt  }
0x44: {  	_ =	shalt  }
0x45: {  	_ =	shalt  }
0x46: {  	_ =	shalt  }
0x47: {  	_ =	shalt  }
0x48: {  	_ =	shalt  }
0x49: {  	_ =	shalt  }
0x4a: {  	_ =	shalt  }
0x4b: {  	_ =	shalt  }
0x4c: {  	_ =	shalt  }
0x4d: {  	_ =	shalt  }
0x4e: {  	_ =	shalt  }
0x4f: {  	_ =	shalt  }
0x50: {  	_ =	shalt  }
0x51: {  	_ =	shalt  }
0x52: {  	_ =	shalt  }
0x53: {  	_ =	shalt  }
0x54: {  	_ =	shalt  }
0x55: {  	_ =	shalt  }
0x56: {  	_ =	shalt  }
0x57: {  	_ =	shalt  }
0x58: {  	_ =	shalt  }
0x59: {  	_ =	shalt  }
0x5a: {  	_ =	shalt  }
0x5b: {  	_ =	shalt  }
0x5c: {  	_ =	shalt  }
0x5d: {  	_ =	shalt  }
0x5e: {  	_ =	shalt  }
0x5f: {  	_ =	shalt  }
0x60: {  	_ =	shalt  }
0x61: {  	_ =	shalt  }
0x62: {  	_ =	shalt  }
0x63: {  	_ =	shalt  }
0x64: {  	_ =	shalt  }
0x65: {  	_ =	shalt  }
0x66: {  	_ =	shalt  }
0x67: {  	_ =	shalt  }
0x68: {  	_ =	shalt  }
0x69: {  	_ =	shalt  }
0x6a: {  	_ =	shalt  }
0x6b: {  	_ =	shalt  }
0x6c: {  	_ =	shalt  }
0x6d: {  	_ =	shalt  }
0x6e: {  	_ =	shalt  }
0x6f: {  	_ =	shalt  }
0x70: {  	_ =	shalt  }
0x71: {  	_ =	shalt  }
0x72: {  	_ =	shalt  }
0x73: {  	_ =	shalt  }
0x74: {  	_ =	shalt  }
0x75: {  	_ =	shalt  }
0x76: {  	_ =	shalt  }
0x77: {  	_ =	shalt  }
0x78: {  	_ =	shalt  }
0x79: {  	_ =	shalt  }
0x7a: {  	_ =	shalt  }
0x7b: {  	_ =	shalt  }
0x7c: {  	_ =	shalt  }
0x7d: {  	_ =	shalt  }
0x7e: {  	_ =	shalt  }
0x7f: {  	_ =	shalt  }
0x80: {  	_ =	shalt  }
0x81: {  	_ =	shalt  }
0x82: {  	_ =	shalt  }
0x83: {  	_ =	shalt  }
0x84: {  	_ =	shalt  }
0x85: {  	_ =	shalt  }
0x86: {  	_ =	shalt  }
0x87: {  	_ =	shalt  }
.Lfunc_end0:
.L_simem_size_0:
called_computation_lowered:
.L_overlay_start_0:
0x88: {  	s2 =	sld [smem:$0x3FD9]  }
0x89: {  	s3 =	sld [smem:$0x3FFE];
	_ =	sdelay $0x1  }
0x8a: {  	s1 =	srdreg.scid  }
0x8b: {  	s0 =	sand.u32 $0x1, s1  }
0x8c: {  	s17 =	sshll.u32 s0, $0xA;
	s2 =	sadd.s32 s3, s2  }
0x8d: {  	s2 =	sadd.s32 s2, s17  }
0x8e: {  	[smem:$0x3FC2] =	sst s2  }
0x8f: {  	_ = 	snop  }
0x90: {  	s2 =	sld [smem:$0x3FD0];
	(tm) =	ssettm $0x1  }
0x91: {  	s18 =	sld [smem:$0x3FFB];
	_ =	sdelay $0x3  }
0x92: {  	_ =	strace s18  }
0x93: {  	s3 =	sld [smem:$0x3FFC];
	_ =	sdelay $0x3  }
0x94: {  	_ =	strace s3  }
0x95: {  	s3 =	sld [smem:$0x3FFD];
	_ =	sdelay $0x3  }
0x96: {  	_ =	strace s3  }
0x97: {  	_ =	strace $0x8FFFFFFF  }
0x98: {  	s19 =	sld [smem:$0x3FDB];
	_ =	sdelay $0x1  }
0x99: {  	s4 =	simm.s32 $_scs_section_size  }
0x9a: {  	s5 =	simm.s32 $_size__tile_overlayer_lowered;
	s6 =	simm.s32 $_tile_overlayer_lowered  }
0x9b: {  	s22 =	simm.s32 $0x1BFF;
	s21 =	sshll.u32 s6, $0x1;
	s3 =	sadd.s32 s4, s19  }
0x9c: {  	s7 =	simm.s32 $0x0;
	s20 =	sshll.u32 s5, $0x1;
	s5 =	sadd.s32 s21, s3  }
0x9d: {  	[timem:s7], [sflag:s22] =	dma.local [hbm:s5], s20  }
0x9e: {  	_ =	swait.ge [sflag:s22], s20  }
0x9f: {  	s4 =	ssub.s32 $0x0, s20;
	[sflag:s22] =	ssyncset.done $0x0  }
0xa0: {  	[sflag:s22] =	ssyncadd.s32 s4;
	_ =	sdelay $0x1  }
0xa1: {  	s23 =	simm.s32 $0x1B8B  }
0xa2: {  	_ =	swait.ge [sflag:s23], $0x1  }
0xa3: {  	[sflag:s23] =	ssyncset.done $0x0  }
0xa4: {  	s25 =	simm.s32 $0x1B8E;
	s24 =	sld [smem:$0x3FFE];
	[sflag:s23] =	ssyncadd.s32 $0xFFFFFFFF  }
0xa5: {  	s26 =	simm.s32 $execute0_lowered;
	[smem:$0x3FD2] =	sst s25  }
0xa6: {  	s5 =	sshll.u32 s26, $0x1;
	_ =	strace $0x80000046;
	[dreg:$0x1] =	wrdreg $0xFFFFFFFF  }
0xa7: {  	s28 =	simm.s32 $_size_execute0_lowered;
	s3 =	sadd.s32 s3, s5;
	[dreg:$0x0] =	wrdreg $0x0  }
0xa8: {  	s5 =	sshll.u32 s28, $0x1;
	[dreg:$0x2] =	wrdreg s3  }
0xa9: {  	[dreg:$0x3] =	wrdreg s5  }
0xaa: {  	[dreg:$0x4] =	wrdreg $0xC0  }
0xab: {  	_ =	task [dreg:s7], $0x5FFFF  }
0xac: {  	[dreg:$0x1] =	wrdreg $0xFFFFFFFF  }
0xad: {  	[dreg:$0x0] =	wrdreg $0x60  }
0xae: {  	[dreg:$0x2] =	wrdreg s24  }
0xaf: {  	[dreg:$0x3] =	wrdreg s2  }
0xb0: {  	[dreg:$0x4] =	wrdreg $0xB0000  }
0xb1: {  	[dreg:$0x5] =	wrdreg $0x9  }
0xb2: {  	_ =	task.clear_ibuf [dreg:s7], $0x6FFFF;
	_ =	strace $0x90000046  }
0xb3: {  	s29 =	simm.s32 $0x9;
	_ =	strace $0x80000048  }
0xb4: {  	_ =	swait.ge [sflag:s29], $0x1  }
0xb5: {  	[sflag:s29] =	ssyncadd.s32 $0xFFFFFFFF  }
0xb6: {  	_ =	strace $0x90000048  }
0xb7: {  	_ =	sfence  }
0xb8: {  	s30 =	sld [smem:$0x0];
	_ =	sdelay $0x2  }
0xb9: {  	s31 =	sshll.u32 s1, $0xD;
	s1 =	sshrl.u32 s1, $0x2  }
0xba: {  	s3 =	sand.u32 $0x4000, s31;
	s1 =	sadd.s32 s1, s30  }
0xbb: {  	s0 =	sor.u32 s3, s0;
	s1 =	sshll.u32 s1, $0x11  }
0xbc: {  	s0 =	sor.u32 s1, s0  }
0xbd: {  	s0 =	sadd.s32 $0x8F2B, s0  }
0xbe: {  	[sflag:s0] =	ssyncadd.remote.s32 $0x1  }
0xbf: {  	_ =	sfence.sel $0xFFFF  }
0xc0: {  	[dreg:$0x0] =	wrdreg $0xFFFFFFFF;
	(pc) =	sbr.abs _section_cstart, $3  }
0xc1: {  	[dreg:$0x1] =	wrdreg $0xFFFFFFFF  }
0xc2: {  	_ =	task.clear_ibuf [dreg:s7], $0x2FFFF;
	_ =	strace $0x9FFFFFFF  }
0xc3: {  	(tm) =	ssettm $0x7FFFFFFF  }
tec
execute0_lowered:
.L_overlay_start_1:
0x0: {  	(tag) =	ssettag $0x1  }
0x1: {  	s6 =	rddreg [dreg:$0x0]  }
0x2: {  	s1 =	srdreg.scid;
	s2 =	rddreg [dreg:$0x1]  }
0x3: {  	s0 =	stileid.u32;
	s3 =	rddreg [dreg:$0x2];
	s4 =	simm.s32 $0x0  }
0x4: {  	s13 =	simm.s32 $0x20;
	s14 =	simm.s32 $0x0;
	s9 =	smul.u32 $0x14000, s0  }
0x5: {  	s7 =	sand.u32 $0x1, s1;
	s28 =	sshll.u32 s0, $0x1;
	s29 =	smul.u32 $0x50000, s0  }
0x6: {  	[smem:$0x7FF] =	sst s4;
	s1 =	sor.u32 s7, s28;
	s8 =	smul.u32 $0x140000, s7  }
0x7: {  	s31 =	sshll.u32 s0, $0x6;
	s7 =	ssub.s32 $0x2, s7;
	s5 =	smul.u32 $0x1400, s1  }
0x8: {  	s1 =	rddreg [dreg:$0x3];
	_ =	strace $0x80000047;
	s30 =	sshrl.u32 s7, $0x1  }
0x9: {  	s8 =	sadd.s32 s9, s8;
	s9 =	sshrl.u32 s29, $0x2;
	s11 =	ssub.s32 s7, s30  }
0xa: {  	s10 =	sadd.s32 s5, s6;
	s5 =	sadd.s32 $0x29E00, s6;
	s8 =	sshrl.u32 s8, $0x3  }
0xb: {  	s12 =	sadd.s32 s9, s3;
	s9 =	simm.s32 $0xA000;
	s8 =	sadd.s32 s8, s6  }
0xc: {  	s6 =	sadd.s32 $0x1E00, s10;
	s10 =	simm.s32 $0x1;
	s12 =	sshrl.u32 s12, $0x3  }
0xd: {  	s7 =	sadd.s32 $0x2C600, s8;
	s8 =	smax.u32 s11, $0x1;
	s11 =	sor.u32 $0x1C01, s31  }
.LBB2_1:
0xe: {  	[tilespmem:s9], [sflag:$0x1] =	stream.linear.gather [hbm4b:s2+s4], $0x1000, $0x38;
	[tilespmem:$0x1F000] =	vst v63  }
0xf: {  	_ =	swait.ge [sflag:s10], $0x1000  }
0x10: {  	[sflag:s10] =	ssyncset.done $0x0  }
0x11: {  	[sflag:s10] =	ssyncadd.s32 $0xFFFFF000  }
0x12: {  	[tilespmem:s4], [sflag:$0x1] =	stream.linear.gather [hbm4b:s6+s4], $0xA000, $0x38;
	[tilespmem:$0x1F000] =	vst v63  }
0x13: {  	_ =	swait.ge [sflag:s10], $0xA000  }
0x14: {  	[sflag:s10] =	ssyncset.done $0x0  }
0x15: {  	[sflag:s10] =	ssyncadd.s32 $0xFFFF6000  }
0x16: {  	[spmem:s12], [sflag:s11] =	dma.local [hbm:s5], $0x2800  }
0x17: {  	_ =	swait.ge [sflag:s10], $0x2800  }
0x18: {  	[sflag:s10] =	ssyncset.done $0x0  }
0x19: {  	[sflag:s10] =	ssyncadd.s32 $0xFFFFD800  }
0x1a: {  	s15 =	simm.s32 $0x0;
	[bflag:$0x0] =	sbarrier.arrive $0xFFFF  }
0x1b: {  	[spmem:s3] =	stream.indirect.scatter.add.f32 [tilespmem:s9], [sflag:$0x1], $0x80, s15, s13, $0xb8;
	[tilespmem:$0x1F000] =	vst v63  }
0x1c: {  	_ =	swait.ge [sflag:s10], $0x1000  }
0x1d: {  	s15 =	simm.s32 $0x200;
	[sflag:s10] =	ssyncset.done $0x0  }
.LBB2_2:
0x1e: {  	s16 =	sshra.s32 s15, $0x2;
	[sflag:s10] =	ssyncadd.s32 $0xFFFFF000;
	p0 =	sne.s32 s15, $0x27E00  }
0x1f: {  	[spmem:s3] =	stream.indirect.scatter.add.f32 [tilespmem:s9], [sflag:$0x1], $0x80, s16, s13, $0xb8;
	[tilespmem:$0x1F000] =	vst v63  }
.Ltmp0:
0x20: {  	_ = 	snop;
	(pc) =	sbr.rel @p0 .LBB2_2-.Ltmp0, $4  }
0x21: {  	_ = 	snop  }
0x22: {  	s15 =	sadd.s32 $0x200, s15  }
0x23: {  	_ =	swait.ge [sflag:s10], $0x1000  }
0x24: {  	[sflag:s10] =	ssyncset.done $0x0  }
0x25: {  	s14 =	sadd.s32 $0x1, s14  }
0x26: {  	[sflag:s10] =	ssyncadd.s32 $0xFFFFF000;
	p0 =	sne.s32 s14, s8  }
.Ltmp1:
0x27: {  	[bflag:$0x0] =	sbarrier.arrive $0xFFFF;
	(pc) =	sbr.rel @p0 .LBB2_1-.Ltmp1, $4  }
0x28: {  	[hbm:s7], [sflag:s11] =	dma.local [spmem:s12], $0x2800  }
0x29: {  	_ =	swait.ge [sflag:s10], $0x2800  }
0x2a: {  	[sflag:s10] =	ssyncset.done $0x0  }
0x2b: {  	[sflag:s10] =	ssyncadd.s32 $0xFFFFD800  }
0x2c: {  	_ =	sfence.sel $0x180000  }
0x2d: {  	[bflag:$0x0] =	sbarrier.arrive $0xFFFF  }
0x2e: {  	p0 =	sne.s32 s0, $0x0;
	_ =	strace $0x90000047  }
0x2f: {  	s0 =	sadd.s32 @!p0 $0x100000, s1;
	[bflag:$0x2] =	sbarrier.arrive $0xFFFF  }
0x30: {  	[sflag:s0] =	ssyncadd.tile.s32 @!p0 $0x1;
	_ =	shalt  }
.Lfunc_end2:
_tile_overlayer_lowered:
.L_overlay_start_2:
0x31: {  	(tag) =	ssettag $0x2  }
0x32: {  	s0 =	rddreg [dreg:$0x0];
	s2 =	stileid.u32  }
0x33: {  	s1 =	rddreg [dreg:$0x1];
	p0 =	sne.s32 s2, $0x0  }
0x34: {  	s3 =	rddreg [dreg:$0x2];
	[bflag:$0x3] =	sbarrier.arrive $0xFFFF;
	s2 =	simm.s32 @!p0 $0x1C01  }
0x35: {  	[timem:s3], [sflag:s2] =	dma.local @!p0 [hbm:s0], s1  }
0x36: {  	s0 =	simm.s32 @!p0 $0x1  }
0x37: {  	_ =	swait.ge @!p0 [sflag:s0], s1  }
0x38: {  	s1 =	ssub.s32 @!p0 $0x0, s1;
	[sflag:s0] =	ssyncset.done @!p0 $0x0  }
0x39: {  	[sflag:s0] =	ssyncadd.s32 @!p0 s1  }
0x3a: {  	[bflag:$0x3] =	sbarrier.arrive $0xFFFF  }
0x3b: {  	_ =	shalt  }

</sc_bundles>
